<compile_context>
chip_gen: v7x
topology: tpu7x:2x2x1
jax: 0.10.2.dev20260603
libtpu: 0.0.44.dev20260713+nightly
codegen_flags: <defaults>
</compile_context>

<pallas_src>
import functools

import jax
import jax.numpy as jnp
from jax import lax
from jax.experimental import pallas as pl
from jax.experimental.pallas import tpu as pltpu
from jax.experimental.pallas import tpu_sc as plsc

_C = 16
_T = 200
_HP = _C * (_T + 1)
_LS = 2 * _HP


def _pick_block(n: int) -> int:
    for b in (4000, 2500, 2000, 1600, 1000, 800, 500, 400, 200, 100, 50, 25, 8):
        if n % b == 0:
            return b
    return n



def _stage1_body(nb, lab_ref, x_ref,
                 bins_out, tpidx_out, cm_out, loss_out,
                 cm_acc, loss_acc):
    i = pl.program_id(0)

    @pl.when(i == 0)
    def _init():
        cm_acc[...] = jnp.zeros_like(cm_acc)
        loss_acc[0, 0] = 0.0

    x = x_ref[0]
    lab = lab_ref[0]
    b = x.shape[1]

    m = jnp.max(x, axis=0, keepdims=True)
    e = jnp.exp(x - m)
    z = jnp.sum(e, axis=0, keepdims=True)
    inv = jnp.float32(_T - 1) / z
    s = e * inv
    bins = jnp.clip(s.astype(jnp.int32), 0, _T - 1)
    iota_cb = jax.lax.broadcasted_iota(jnp.int32, (_C, b), 0)
    bins_out[...] = (bins * 16 + iota_cb * ((_T + 1) * 16))[None]

    em = jnp.max(e, axis=0, keepdims=True)
    iota_c = jax.lax.broadcasted_iota(jnp.int32, (_C, b), 0)
    pick = jnp.min(jnp.where(e == em, iota_c, _C), axis=0, keepdims=True)
    ohp = (iota_c == pick).astype(jnp.float32)
    ohl = lab == iota_c
    dn = (((1,), (1,)), ((), ()))
    cm_acc[...] += jax.lax.dot_general(ohl.astype(jnp.float32), ohp, dn,
                                       preferred_element_type=jnp.float32)

    bins_true = jnp.sum(jnp.where(ohl, bins, 0), axis=0, keepdims=True)
    tpidx_out[...] = ((lab * (_T + 1) + bins_true) * 16 + _HP * 16)[None]

    xt = jnp.sum(jnp.where(ohl, x, 0.0), axis=0, keepdims=True)
    loss_acc[0, 0] += jnp.sum((m + jnp.log(z)) - xt)

    @pl.when(i == nb - 1)
    def _fin():
        cm_out[...] = cm_acc[...].astype(jnp.int32)
        loss_out[...] = jnp.reshape(loss_acc[0, 0], (1, 1))


def _stage1(x3, lab3):
    nb, _, b = x3.shape
    f32 = jnp.float32
    grid_spec = pltpu.PrefetchScalarGridSpec(
        num_scalar_prefetch=0,
        grid=(nb,),
        in_specs=[
            pl.BlockSpec((1, 1, b), lambda i: (i, 0, 0)),
            pl.BlockSpec((1, _C, b), lambda i: (i, 0, 0)),
        ],
        out_specs=[
            pl.BlockSpec((1, _C, b), lambda i: (i, 0, 0)),
            pl.BlockSpec((1, 1, b), lambda i: (i, 0, 0)),
            pl.BlockSpec((_C, _C), lambda i: (0, 0)),
            pl.BlockSpec((1, 1), lambda i: (0, 0)),
        ],
        scratch_shapes=[
            pltpu.VMEM((_C, _C), f32),
            pltpu.SMEM((1, 1), f32),
        ],
    )
    return pl.pallas_call(
        functools.partial(_stage1_body, nb),
        grid_spec=grid_spec,
        out_shape=(
            jax.ShapeDtypeStruct((nb, _C, b), jnp.int32),
            jax.ShapeDtypeStruct((nb, 1, b), jnp.int32),
            jax.ShapeDtypeStruct((_C, _C), jnp.int32),
            jax.ShapeDtypeStruct((1, 1), f32),
        ),
    )(lab3, x3)



def _sc_hist(bins_flat, tpidx, n, blk):
    info = plsc.get_sparse_core_info()
    nc, ns = info.num_cores, info.num_subcores
    nw = nc * ns
    w = 800
    assert n % w == 0 and w % 16 == 0 and blk % w == 0
    rpb = blk // w
    nchunks_total = n // w
    base_count = nchunks_total // nw
    extra = nchunks_total - base_count * nw
    mesh = plsc.VectorSubcoreMesh(core_axis_name="c", subcore_axis_name="s")

    @functools.partial(
        pl.kernel, mesh=mesh,
        compiler_params=pltpu.CompilerParams(needs_layout_passes=False),
        out_type=jax.ShapeDtypeStruct((nw * _LS,), jnp.int32),
        scratch_types=[
            pltpu.VMEM((_C * w,), jnp.int32),
            pltpu.VMEM((_C * w,), jnp.int32),
            pltpu.VMEM((w,), jnp.int32),
            pltpu.VMEM((w,), jnp.int32),
            pltpu.VMEM((16 * _LS,), jnp.int32),
            pltpu.SemaphoreType.DMA,
            pltpu.SemaphoreType.DMA,
        ],
    )
    def sc_hist(bins_hbm, tpidx_hbm, out_hbm,
                bufpp0, bufpp1, buftp0, buftp1, hist, sem0, sem1):
        wid = lax.axis_index("s") * nc + lax.axis_index("c")
        cnt = jnp.where(wid < extra, base_count + 1, base_count)

        zeros16 = jnp.zeros((16,), jnp.int32)

        def zb(t, carry):
            hist[pl.ds(t * 16, 16)] = zeros16
            return carry

        lax.fori_loop(0, 16 * _LS // 16, zb, 0, unroll=16)

        lane_offs = lax.iota(jnp.int32, 16)
        ones = jnp.ones((16,), jnp.int32)
        bufs = ((bufpp0, buftp0, sem0), (bufpp1, buftp1, sem1))

        def copies(j, bufpp, buftp, sem):
            k = wid + j * nw
            blk_i = k // rpb
            src0 = (blk_i * _C) * blk + (k % rpb) * w
            out = []
            for c in range(_C):
                out.append(pltpu.make_async_copy(
                    bins_hbm.at[pl.ds(src0 + c * blk, w)],
                    bufpp.at[pl.ds(c * w, w)], sem))
            out.append(pltpu.make_async_copy(
                tpidx_hbm.at[pl.ds(k * w, w)], buftp, sem))
            return out

        def fire(j, bufpp, buftp, sem):
            for cp in copies(j, bufpp, buftp, sem):
                cp.start()

        def drain(j, bufpp, buftp, sem):
            for cp in copies(j, bufpp, buftp, sem):
                cp.wait()

        def process(bufpp, buftp):
            def body_pp(v, c2):
                idx = bufpp[pl.ds(v * 16, 16)] + lane_offs
                plsc.addupdate_scatter(hist, [idx], ones)
                return c2

            lax.fori_loop(0, _C * w // 16, body_pp, 0, unroll=16)

            def body_tp(v, c2):
                idx = buftp[pl.ds(v * 16, 16)] + lane_offs
                plsc.addupdate_scatter(hist, [idx], ones)
                return c2

            lax.fori_loop(0, w // 16, body_tp, 0, unroll=10)

        @pl.when(cnt > 0)
        def _prime():
            fire(0, *bufs[0])

        def pair_body(j2, carry):
            j0 = j2 * 2

            @pl.when(j0 + 1 < cnt)
            def _f1():
                fire(j0 + 1, *bufs[1])

            drain(j0, *bufs[0])
            process(bufs[0][0], bufs[0][1])

            @pl.when(j0 + 2 < cnt)
            def _f0():
                fire(j0 + 2, *bufs[0])

            @pl.when(j0 + 1 < cnt)
            def _p1():
                drain(j0 + 1, *bufs[1])
                process(bufs[1][0], bufs[1][1])

            return carry

        lax.fori_loop(0, (cnt + 1) // 2, pair_body, 0)

        idx16 = lane_offs * 16

        def fold_body(v, carry):
            acc = plsc.load_gather(hist, [idx16 + v * 256])
            for l in range(1, 16):
                acc = acc + plsc.load_gather(hist, [idx16 + (v * 256 + l)])
            bufpp0[pl.ds(v * 16, 16)] = acc
            return carry

        lax.fori_loop(0, _LS // 16, fold_body, 0, unroll=2)
        pltpu.sync_copy(bufpp0.at[pl.ds(0, _LS)], out_hbm.at[pl.ds(wid * _LS, _LS)])

    return sc_hist(bins_flat, tpidx)



def _excl_rev_cumsum_ge(x, total):
    incl = x
    k = 1
    while k < _T + 1:
        pad = jnp.zeros((_C, k), jnp.float32)
        incl = incl + jnp.concatenate([pad, incl[:, :-k]], axis=1)
        k *= 2
    return total - incl + x


def _stage3_body(n, parts_ref, cm_ref, losssum_ref,
                 map_out, prec_out, rec_out, recall_out,
                 precision_out, acc_out, loss_out):
    cm = cm_ref[...].astype(jnp.float32)
    eye = (jax.lax.broadcasted_iota(jnp.int32, (_C, _C), 0)
           == jax.lax.broadcasted_iota(jnp.int32, (_C, _C), 1))
    cmdiag = jnp.where(eye, cm, 0.0)
    tpd_col = jnp.sum(cmdiag, axis=1, keepdims=True)
    tpd_row = jnp.sum(cmdiag, axis=0, keepdims=True)
    support = jnp.sum(cm, axis=1, keepdims=True)
    predcnt = jnp.sum(cm, axis=0, keepdims=True)
    recall_per = tpd_col / jnp.maximum(support, 1.0)
    prec_per = tpd_row / jnp.maximum(predcnt, 1.0)
    recall = jnp.sum(recall_per) / _C
    precision = jnp.sum(prec_per) / _C
    recall_out[...] = jnp.reshape(recall, (1, 1))
    precision_out[...] = jnp.reshape(precision, (1, 1))
    acc_out[...] = jnp.reshape(recall, (1, 1))

    xl = parts_ref[...].astype(jnp.float32)
    x4 = jnp.reshape(xl, (-1, 2, _C, _T + 1))
    totals = jnp.sum(x4[:, 0], axis=0)
    tp_totals = jnp.sum(x4[:, 1], axis=0)
    pos_total = jnp.sum(tp_totals, axis=1, keepdims=True)
    pp_curve = _excl_rev_cumsum_ge(totals, jnp.float32(n))[:, :_T]
    tp_curve = _excl_rev_cumsum_ge(tp_totals, pos_total)[:, :_T]

    prec_curve = tp_curve / jnp.maximum(pp_curve, 1.0)
    rec_curve = tp_curve / jnp.maximum(pos_total, 1.0)
    ones_col = jnp.ones((_C, 1), jnp.float32)
    zeros_col = jnp.zeros((_C, 1), jnp.float32)
    prec_out[...] = jnp.concatenate([prec_curve, ones_col], axis=1)
    rec_out[...] = jnp.concatenate([rec_curve, zeros_col], axis=1)
    rec_next = jnp.concatenate([rec_curve[:, 1:], zeros_col], axis=1)
    ap = jnp.sum((rec_curve - rec_next) * prec_curve, axis=1, keepdims=True)
    map_out[...] = jnp.reshape(jnp.sum(ap) / _C, (1, 1))
    loss_out[...] = losssum_ref[...] / jnp.float32(n)


def _stage3(parts3, cm, loss_sum, n):
    f32 = jnp.float32
    npart = parts3.shape[0]
    one = lambda: pl.BlockSpec((1, 1), lambda: (0, 0))
    return pl.pallas_call(
        functools.partial(_stage3_body, n),
        grid=(),
        in_specs=[
            pl.BlockSpec((npart, _T + 1), lambda: (0, 0)),
            pl.BlockSpec((_C, _C), lambda: (0, 0)),
            one(),
        ],
        out_specs=[
            one(), pl.BlockSpec((_C, _T + 1), lambda: (0, 0)),
            pl.BlockSpec((_C, _T + 1), lambda: (0, 0)),
            one(), one(), one(), one(),
        ],
        out_shape=(
            jax.ShapeDtypeStruct((1, 1), f32),
            jax.ShapeDtypeStruct((_C, _T + 1), f32),
            jax.ShapeDtypeStruct((_C, _T + 1), f32),
            jax.ShapeDtypeStruct((1, 1), f32),
            jax.ShapeDtypeStruct((1, 1), f32),
            jax.ShapeDtypeStruct((1, 1), f32),
            jax.ShapeDtypeStruct((1, 1), f32),
        ),
    )(parts3, cm, loss_sum)



def kernel(logits, labels):
    n, c = logits.shape
    assert c == _C
    b = _pick_block(n)
    nb = n // b
    x3 = logits.reshape(nb, b, _C).transpose(0, 2, 1)
    lab3 = labels.astype(jnp.int32).reshape(nb, 1, b)

    bins3, tpidx3, cm, loss_sum = _stage1(x3, lab3)
    parts = _sc_hist(bins3.reshape(-1), tpidx3.reshape(-1), n, b)
    parts3 = parts.reshape(-1, _T + 1)
    (map_, prec_full, rec_full, recall, precision, accuracy,
     loss) = _stage3(parts3, cm, loss_sum, n)

    thresholds = jnp.linspace(0.0, 1.0, _T)
    return (cm, map_.reshape(()), prec_full, rec_full, thresholds,
            recall.reshape(()), precision.reshape(()), accuracy.reshape(()),
            loss.reshape(()))

# --- scband reference (transcript-rebuilt; emitter-appended) ---
"""Pipeline reference for scband-metrics-24094766530676 (READ-ONLY COPY).

The authoritative reference and input builder live on the scoring server;
editing this copy changes nothing except your own understanding.
"""

import jax, jax.numpy as jnp
import numpy as np

NUM_CLASSES = 16
N = 1_000_000
T = 200  # binned thresholds for the precision-recall curve (torchmetrics thresholds=int mode)


def setup_inputs(seed: int = 0) -> dict:
    key = jax.random.key(seed)
    k1, k2 = jax.random.split(key)
    logits = jax.random.normal(k1, (N, NUM_CLASSES), dtype=jnp.float32)
    labels = jax.random.randint(k2, (N,), 0, NUM_CLASSES)
    return {"logits": logits, "labels": labels}


def reference(logits, labels):
    C = logits.shape[-1]
    n = logits.shape[0]
    probas = jax.nn.softmax(logits, axis=-1)
    preds = jnp.argmax(probas, axis=-1)

    # confusion matrix [true, pred] via scatter-add
    confmat = jnp.zeros((C, C), dtype=jnp.int32).at[labels, preds].add(1)

    tp = jnp.diagonal(confmat).astype(jnp.float32)
    support = jnp.sum(confmat, axis=1).astype(jnp.float32)
    predcnt = jnp.sum(confmat, axis=0).astype(jnp.float32)
    recall_per = tp / jnp.clip(support, 1.0)
    precision_per = tp / jnp.clip(predcnt, 1.0)
    recall = jnp.mean(recall_per)
    precision = jnp.mean(precision_per)
    accuracy = jnp.mean(recall_per)  # macro multiclass accuracy == macro recall

    # binned precision-recall curve: histogram of class probabilities into T bins
    thresholds = jnp.linspace(0.0, 1.0, T)
    bins = jnp.clip((probas * (T - 1)).astype(jnp.int32), 0, T - 1)  # [N, C]
    onehot = (labels[:, None] == jnp.arange(C)[None, :]).astype(jnp.float32)  # [N, C]
    flat = (jnp.arange(C)[None, :] * T + bins).reshape(-1)
    totals = jnp.zeros((C * T,), dtype=jnp.float32).at[flat].add(1.0).reshape(C, T)
    poss = jnp.zeros((C * T,), dtype=jnp.float32).at[flat].add(onehot.reshape(-1)).reshape(C, T)

    # cumulative counts for scores >= each threshold bin
    tp_curve = jnp.cumsum(poss[:, ::-1], axis=1)[:, ::-1]  # [C, T]
    pp_curve = jnp.cumsum(totals[:, ::-1], axis=1)[:, ::-1]  # [C, T]
    pos_total = jnp.sum(poss, axis=1, keepdims=True)
    prec_curve = tp_curve / jnp.clip(pp_curve, 1.0)
    rec_curve = tp_curve / jnp.clip(pos_total, 1.0)

    prec_full = jnp.concatenate([prec_curve, jnp.ones((C, 1), dtype=jnp.float32)], axis=1)
    rec_full = jnp.concatenate([rec_curve, jnp.zeros((C, 1), dtype=jnp.float32)], axis=1)

    # average precision per class, then mean (mAP)
    ap = jnp.sum((rec_full[:, :-1] - rec_full[:, 1:]) * prec_full[:, :-1], axis=1)
    map_ = jnp.mean(ap)

    # cross entropy loss
    logp = jax.nn.log_softmax(logits, axis=-1)
    loss = -jnp.mean(jnp.take_along_axis(logp, labels[:, None], axis=1))

    return (confmat, map_, prec_full, rec_full, thresholds, recall, precision, accuracy, loss)

if __name__ == "__main__":
    import jax
    _d = setup_inputs()
    print(jax.jit(kernel)(*tuple(_d.values())))

</pallas_src>

<mosaic_0001>
#map = affine_map<(d0, d1) -> (0)>
module attributes {stable_mosaic.version = 14 : i64} {
  func.func @sc_hist(%arg0: i32, %arg1: i32, %arg2: memref<16000000xi32, #tpu.memory_space<hbm>>, %arg3: memref<1000000xi32, #tpu.memory_space<hbm>>, %arg4: memref<205824xi32, #tpu.memory_space<hbm>>, %arg5: memref<12800xi32, #tpu.memory_space<vmem>>, %arg6: memref<12800xi32, #tpu.memory_space<vmem>>, %arg7: memref<800xi32, #tpu.memory_space<vmem>>, %arg8: memref<800xi32, #tpu.memory_space<vmem>>, %arg9: memref<102912xi32, #tpu.memory_space<vmem>>, %arg10: memref<!tpu.dma_semaphore, #tpu.memory_space<semaphore_mem>>, %arg11: memref<!tpu.dma_semaphore, #tpu.memory_space<semaphore_mem>>) attributes {dimension_semantics = [#tpu.dimension_semantics<core_parallel>, #tpu.dimension_semantics<subcore_parallel>], iteration_bounds = array<i64: 2, 16>, scalar_prefetch = 0 : i64, scratch_operands = 7 : i64, tpu.core_type = #tpu.core_type<sc_vector_subcore>, window_params = [{transform_indices = #map}, {transform_indices = #map}, {transform_indices = #map}]} {
    %mul3A = arith.constant 2 : i32
    %mul3A_0 = arith.muli %arg1, %mul3A : i32
    %add3A = arith.addi %mul3A_0, %arg0 : i32
    %lt3A = arith.constant 2 : i32
    %lt3A_1 = arith.cmpi slt, %add3A, %lt3A : i32
    %jit3A = arith.constant 40 : i32
    %jit3A_2 = arith.constant 39 : i32
    %select_n3A = arith.select %lt3A_1, %jit3A, %jit3A_2 : i32
    %broadcast_in_dim3A = arith.constant 0 : i32
    %broadcast_in_dim3A_3 = vector.broadcast %broadcast_in_dim3A : i32 to vector<16xi32>
    %scan3A = arith.constant 0 : i32
    %scan3A_4 = arith.constant 0 : i32
    %scan3A_5 = arith.constant 6432 : i32
    %scan3A_6 = arith.addi %scan3A_4, %scan3A_5 : i32
    %scan3A_7 = arith.constant 16 : i32
    scf.for %scan3A_53 = %scan3A_4 to %scan3A_6 step %scan3A_7  : i32 {
      %mul3A_54 = arith.constant 16 : i32
      %mul3A_55 = arith.muli %scan3A_53, %mul3A_54 : i32
      %swap3A = arith.index_cast %mul3A_55 : i32 to index
      %swap3A_56 = tpu.vector_load %arg9[%swap3A] {strides = array<i32>} : memref<102912xi32, #tpu.memory_space<vmem>>, vector<16xi32>,
      tpu.vector_store %arg9[%swap3A], %broadcast_in_dim3A_3 {strides = array<i32>} : memref<102912xi32, #tpu.memory_space<vmem>>, vector<16xi32>,
      %scan3A_57 = arith.constant 1 : i32
      %scan3A_58 = arith.addi %scan3A_53, %scan3A_57 : i32
      %mul3A_59 = arith.constant 16 : i32
      %mul3A_60 = arith.muli %scan3A_58, %mul3A_59 : i32
      %swap3A_61 = arith.index_cast %mul3A_60 : i32 to index
      %swap3A_62 = tpu.vector_load %arg9[%swap3A_61] {strides = array<i32>} : memref<102912xi32, #tpu.memory_space<vmem>>, vector<16xi32>,
      tpu.vector_store %arg9[%swap3A_61], %broadcast_in_dim3A_3 {strides = array<i32>} : memref<102912xi32, #tpu.memory_space<vmem>>, vector<16xi32>,
      %scan3A_63 = arith.constant 2 : i32
      %scan3A_64 = arith.addi %scan3A_53, %scan3A_63 : i32
      %mul3A_65 = arith.constant 16 : i32
      %mul3A_66 = arith.muli %scan3A_64, %mul3A_65 : i32
      %swap3A_67 = arith.index_cast %mul3A_66 : i32 to index
      %swap3A_68 = tpu.vector_load %arg9[%swap3A_67] {strides = array<i32>} : memref<102912xi32, #tpu.memory_space<vmem>>, vector<16xi32>,
      tpu.vector_store %arg9[%swap3A_67], %broadcast_in_dim3A_3 {strides = array<i32>} : memref<102912xi32, #tpu.memory_space<vmem>>, vector<16xi32>,
      %scan3A_69 = arith.constant 3 : i32
      %scan3A_70 = arith.addi %scan3A_53, %scan3A_69 : i32
      %mul3A_71 = arith.constant 16 : i32
      %mul3A_72 = arith.muli %scan3A_70, %mul3A_71 : i32
      %swap3A_73 = arith.index_cast %mul3A_72 : i32 to index
      %swap3A_74 = tpu.vector_load %arg9[%swap3A_73] {strides = array<i32>} : memref<102912xi32, #tpu.memory_space<vmem>>, vector<16xi32>,
      tpu.vector_store %arg9[%swap3A_73], %broadcast_in_dim3A_3 {strides = array<i32>} : memref<102912xi32, #tpu.memory_space<vmem>>, vector<16xi32>,
      %scan3A_75 = arith.constant 4 : i32
      %scan3A_76 = arith.addi %scan3A_53, %scan3A_75 : i32
      %mul3A_77 = arith.constant 16 : i32
      %mul3A_78 = arith.muli %scan3A_76, %mul3A_77 : i32
      %swap3A_79 = arith.index_cast %mul3A_78 : i32 to index
      %swap3A_80 = tpu.vector_load %arg9[%swap3A_79] {strides = array<i32>} : memref<102912xi32, #tpu.memory_space<vmem>>, vector<16xi32>,
      tpu.vector_store %arg9[%swap3A_79], %broadcast_in_dim3A_3 {strides = array<i32>} : memref<102912xi32, #tpu.memory_space<vmem>>, vector<16xi32>,
      %scan3A_81 = arith.constant 5 : i32
      %scan3A_82 = arith.addi %scan3A_53, %scan3A_81 : i32
      %mul3A_83 = arith.constant 16 : i32
      %mul3A_84 = arith.muli %scan3A_82, %mul3A_83 : i32
      %swap3A_85 = arith.index_cast %mul3A_84 : i32 to index
      %swap3A_86 = tpu.vector_load %arg9[%swap3A_85] {strides = array<i32>} : memref<102912xi32, #tpu.memory_space<vmem>>, vector<16xi32>,
      tpu.vector_store %arg9[%swap3A_85], %broadcast_in_dim3A_3 {strides = array<i32>} : memref<102912xi32, #tpu.memory_space<vmem>>, vector<16xi32>,
      %scan3A_87 = arith.constant 6 : i32
      %scan3A_88 = arith.addi %scan3A_53, %scan3A_87 : i32
      %mul3A_89 = arith.constant 16 : i32
      %mul3A_90 = arith.muli %scan3A_88, %mul3A_89 : i32
      %swap3A_91 = arith.index_cast %mul3A_90 : i32 to index
      %swap3A_92 = tpu.vector_load %arg9[%swap3A_91] {strides = array<i32>} : memref<102912xi32, #tpu.memory_space<vmem>>, vector<16xi32>,
      tpu.vector_store %arg9[%swap3A_91], %broadcast_in_dim3A_3 {strides = array<i32>} : memref<102912xi32, #tpu.memory_space<vmem>>, vector<16xi32>,
      %scan3A_93 = arith.constant 7 : i32
      %scan3A_94 = arith.addi %scan3A_53, %scan3A_93 : i32
      %mul3A_95 = arith.constant 16 : i32
      %mul3A_96 = arith.muli %scan3A_94, %mul3A_95 : i32
      %swap3A_97 = arith.index_cast %mul3A_96 : i32 to index
      %swap3A_98 = tpu.vector_load %arg9[%swap3A_97] {strides = array<i32>} : memref<102912xi32, #tpu.memory_space<vmem>>, vector<16xi32>,
      tpu.vector_store %arg9[%swap3A_97], %broadcast_in_dim3A_3 {strides = array<i32>} : memref<102912xi32, #tpu.memory_space<vmem>>, vector<16xi32>,
      %scan3A_99 = arith.constant 8 : i32
      %scan3A_100 = arith.addi %scan3A_53, %scan3A_99 : i32
      %mul3A_101 = arith.constant 16 : i32
      %mul3A_102 = arith.muli %scan3A_100, %mul3A_101 : i32
      %swap3A_103 = arith.index_cast %mul3A_102 : i32 to index
      %swap3A_104 = tpu.vector_load %arg9[%swap3A_103] {strides = array<i32>} : memref<102912xi32, #tpu.memory_space<vmem>>, vector<16xi32>,
      tpu.vector_store %arg9[%swap3A_103], %broadcast_in_dim3A_3 {strides = array<i32>} : memref<102912xi32, #tpu.memory_space<vmem>>, vector<16xi32>,
      %scan3A_105 = arith.constant 9 : i32
      %scan3A_106 = arith.addi %scan3A_53, %scan3A_105 : i32
      %mul3A_107 = arith.constant 16 : i32
      %mul3A_108 = arith.muli %scan3A_106, %mul3A_107 : i32
      %swap3A_109 = arith.index_cast %mul3A_108 : i32 to index
      %swap3A_110 = tpu.vector_load %arg9[%swap3A_109] {strides = array<i32>} : memref<102912xi32, #tpu.memory_space<vmem>>, vector<16xi32>,
      tpu.vector_store %arg9[%swap3A_109], %broadcast_in_dim3A_3 {strides = array<i32>} : memref<102912xi32, #tpu.memory_space<vmem>>, vector<16xi32>,
      %scan3A_111 = arith.constant 10 : i32
      %scan3A_112 = arith.addi %scan3A_53, %scan3A_111 : i32
      %mul3A_113 = arith.constant 16 : i32
      %mul3A_114 = arith.muli %scan3A_112, %mul3A_113 : i32
      %swap3A_115 = arith.index_cast %mul3A_114 : i32 to index
      %swap3A_116 = tpu.vector_load %arg9[%swap3A_115] {strides = array<i32>} : memref<102912xi32, #tpu.memory_space<vmem>>, vector<16xi32>,
      tpu.vector_store %arg9[%swap3A_115], %broadcast_in_dim3A_3 {strides = array<i32>} : memref<102912xi32, #tpu.memory_space<vmem>>, vector<16xi32>,
      %scan3A_117 = arith.constant 11 : i32
      %scan3A_118 = arith.addi %scan3A_53, %scan3A_117 : i32
      %mul3A_119 = arith.constant 16 : i32
      %mul3A_120 = arith.muli %scan3A_118, %mul3A_119 : i32
      %swap3A_121 = arith.index_cast %mul3A_120 : i32 to index
      %swap3A_122 = tpu.vector_load %arg9[%swap3A_121] {strides = array<i32>} : memref<102912xi32, #tpu.memory_space<vmem>>, vector<16xi32>,
      tpu.vector_store %arg9[%swap3A_121], %broadcast_in_dim3A_3 {strides = array<i32>} : memref<102912xi32, #tpu.memory_space<vmem>>, vector<16xi32>,
      %scan3A_123 = arith.constant 12 : i32
      %scan3A_124 = arith.addi %scan3A_53, %scan3A_123 : i32
      %mul3A_125 = arith.constant 16 : i32
      %mul3A_126 = arith.muli %scan3A_124, %mul3A_125 : i32
      %swap3A_127 = arith.index_cast %mul3A_126 : i32 to index
      %swap3A_128 = tpu.vector_load %arg9[%swap3A_127] {strides = array<i32>} : memref<102912xi32, #tpu.memory_space<vmem>>, vector<16xi32>,
      tpu.vector_store %arg9[%swap3A_127], %broadcast_in_dim3A_3 {strides = array<i32>} : memref<102912xi32, #tpu.memory_space<vmem>>, vector<16xi32>,
      %scan3A_129 = arith.constant 13 : i32
      %scan3A_130 = arith.addi %scan3A_53, %scan3A_129 : i32
      %mul3A_131 = arith.constant 16 : i32
      %mul3A_132 = arith.muli %scan3A_130, %mul3A_131 : i32
      %swap3A_133 = arith.index_cast %mul3A_132 : i32 to index
      %swap3A_134 = tpu.vector_load %arg9[%swap3A_133] {strides = array<i32>} : memref<102912xi32, #tpu.memory_space<vmem>>, vector<16xi32>,
      tpu.vector_store %arg9[%swap3A_133], %broadcast_in_dim3A_3 {strides = array<i32>} : memref<102912xi32, #tpu.memory_space<vmem>>, vector<16xi32>,
      %scan3A_135 = arith.constant 14 : i32
      %scan3A_136 = arith.addi %scan3A_53, %scan3A_135 : i32
      %mul3A_137 = arith.constant 16 : i32
      %mul3A_138 = arith.muli %scan3A_136, %mul3A_137 : i32
      %swap3A_139 = arith.index_cast %mul3A_138 : i32 to index
      %swap3A_140 = tpu.vector_load %arg9[%swap3A_139] {strides = array<i32>} : memref<102912xi32, #tpu.memory_space<vmem>>, vector<16xi32>,
      tpu.vector_store %arg9[%swap3A_139], %broadcast_in_dim3A_3 {strides = array<i32>} : memref<102912xi32, #tpu.memory_space<vmem>>, vector<16xi32>,
      %scan3A_141 = arith.constant 15 : i32
      %scan3A_142 = arith.addi %scan3A_53, %scan3A_141 : i32
      %mul3A_143 = arith.constant 16 : i32
      %mul3A_144 = arith.muli %scan3A_142, %mul3A_143 : i32
      %swap3A_145 = arith.index_cast %mul3A_144 : i32 to index
      %swap3A_146 = tpu.vector_load %arg9[%swap3A_145] {strides = array<i32>} : memref<102912xi32, #tpu.memory_space<vmem>>, vector<16xi32>,
      tpu.vector_store %arg9[%swap3A_145], %broadcast_in_dim3A_3 {strides = array<i32>} : memref<102912xi32, #tpu.memory_space<vmem>>, vector<16xi32>,
    }
    %scan3A_8 = arith.constant 6432 : i32
    %iota3A = tpu.iota {dimensions = array<i32: 0>} : vector<16xi32>
    %broadcast_in_dim3A_9 = arith.constant 1 : i32
    %broadcast_in_dim3A_10 = vector.broadcast %broadcast_in_dim3A_9 : i32 to vector<16xi32>
    %gt3A = arith.constant 0 : i32
    %gt3A_11 = arith.cmpi sgt, %select_n3A, %gt3A : i32
    %convert_element_type3A = arith.extui %gt3A_11 : i1 to i32
    %cond3A = arith.constant 0 : i32
    %cond3A_12 = arith.cmpi ne, %convert_element_type3A, %cond3A : i32
    scf.if %cond3A_12 {
      %add3A_53 = arith.constant 0 : i32
      %add3A_54 = arith.addi %add3A, %add3A_53 : i32
      %jit3A_55 = arith.constant 5 : i32
      %div3A_56 = arith.divsi %add3A_54, %jit3A_55 : i32
      %sign3A_57 = arith.constant 0 : i32
      %sign3A_58 = arith.cmpi sgt, %add3A_54, %sign3A_57 : i32
      %sign3A_59 = arith.extui %sign3A_58 : i1 to i32
      %sign3A_60 = arith.constant 0 : i32
      %sign3A_61 = arith.cmpi slt, %add3A_54, %sign3A_60 : i32
      %sign3A_62 = arith.extui %sign3A_61 : i1 to i32
      %sign3A_63 = arith.subi %sign3A_59, %sign3A_62 : i32
      %sign3A_64 = arith.constant 0 : i32
      %sign3A_65 = arith.cmpi sgt, %jit3A_55, %sign3A_64 : i32
      %sign3A_66 = arith.extui %sign3A_65 : i1 to i32
      %sign3A_67 = arith.constant 0 : i32
      %sign3A_68 = arith.cmpi slt, %jit3A_55, %sign3A_67 : i32
      %sign3A_69 = arith.extui %sign3A_68 : i1 to i32
      %sign3A_70 = arith.subi %sign3A_66, %sign3A_69 : i32
      %ne3A_71 = arith.cmpi ne, %sign3A_63, %sign3A_70 : i32
      %rem3A_72 = arith.remsi %add3A_54, %jit3A_55 : i32
      %ne3A_73 = arith.constant 0 : i32
      %ne3A_74 = arith.cmpi ne, %rem3A_72, %ne3A_73 : i32
      %and3A_75 = arith.andi %ne3A_71, %ne3A_74 : i1
      %sub3A_76 = arith.constant 1 : i32
      %sub3A_77 = arith.subi %div3A_56, %sub3A_76 : i32
      %select_n3A_78 = arith.select %and3A_75, %sub3A_77, %div3A_56 : i32
      %mul3A_79 = arith.constant 16 : i32
      %mul3A_80 = arith.muli %select_n3A_78, %mul3A_79 : i32
      %mul3A_81 = arith.constant 4000 : i32
      %mul3A_82 = arith.muli %mul3A_80, %mul3A_81 : i32
      %jit3A_83 = arith.constant 5 : i32
      %eq3A = arith.constant 0 : i32
      %eq3A_84 = arith.cmpi eq, %jit3A_83, %eq3A : i32
      %jit3A_85 = arith.constant 1 : i32
      %select_n3A_86 = arith.select %eq3A_84, %jit3A_85, %jit3A_83 : i32
      %rem3A_87 = arith.remsi %add3A_54, %select_n3A_86 : i32
      %ne3A_88 = arith.constant 0 : i32
      %ne3A_89 = arith.cmpi ne, %rem3A_87, %ne3A_88 : i32
      %lt3A_90 = arith.constant 0 : i32
      %lt3A_91 = arith.cmpi slt, %rem3A_87, %lt3A_90 : i32
      %lt3A_92 = arith.constant 0 : i32
      %lt3A_93 = arith.cmpi slt, %select_n3A_86, %lt3A_92 : i32
      %ne3A_94 = arith.xori %lt3A_91, %lt3A_93 : i1
      %and3A_95 = arith.andi %ne3A_94, %ne3A_89 : i1
      %add3A_96 = arith.addi %rem3A_87, %select_n3A_86 : i32
      %select_n3A_97 = arith.select %and3A_95, %add3A_96, %rem3A_87 : i32
      %mul3A_98 = arith.constant 800 : i32
      %mul3A_99 = arith.muli %select_n3A_97, %mul3A_98 : i32
      %add3A_100 = arith.addi %mul3A_82, %mul3A_99 : i32
      %add3A_101 = arith.constant 0 : i32
      %add3A_102 = arith.addi %add3A_100, %add3A_101 : i32
      %add3A_103 = arith.constant 4000 : i32
      %add3A_104 = arith.addi %add3A_100, %add3A_103 : i32
      %add3A_105 = arith.constant 8000 : i32
      %add3A_106 = arith.addi %add3A_100, %add3A_105 : i32
      %add3A_107 = arith.constant 12000 : i32
      %add3A_108 = arith.addi %add3A_100, %add3A_107 : i32
      %add3A_109 = arith.constant 16000 : i32
      %add3A_110 = arith.addi %add3A_100, %add3A_109 : i32
      %add3A_111 = arith.constant 20000 : i32
      %add3A_112 = arith.addi %add3A_100, %add3A_111 : i32
      %add3A_113 = arith.constant 24000 : i32
      %add3A_114 = arith.addi %add3A_100, %add3A_113 : i32
      %add3A_115 = arith.constant 28000 : i32
      %add3A_116 = arith.addi %add3A_100, %add3A_115 : i32
      %add3A_117 = arith.constant 32000 : i32
      %add3A_118 = arith.addi %add3A_100, %add3A_117 : i32
      %add3A_119 = arith.constant 36000 : i32
      %add3A_120 = arith.addi %add3A_100, %add3A_119 : i32
      %add3A_121 = arith.constant 40000 : i32
      %add3A_122 = arith.addi %add3A_100, %add3A_121 : i32
      %add3A_123 = arith.constant 44000 : i32
      %add3A_124 = arith.addi %add3A_100, %add3A_123 : i32
      %add3A_125 = arith.constant 48000 : i32
      %add3A_126 = arith.addi %add3A_100, %add3A_125 : i32
      %add3A_127 = arith.constant 52000 : i32
      %add3A_128 = arith.addi %add3A_100, %add3A_127 : i32
      %add3A_129 = arith.constant 56000 : i32
      %add3A_130 = arith.addi %add3A_100, %add3A_129 : i32
      %add3A_131 = arith.constant 60000 : i32
      %add3A_132 = arith.addi %add3A_100, %add3A_131 : i32
      %mul3A_133 = arith.constant 800 : i32
      %mul3A_134 = arith.muli %add3A_54, %mul3A_133 : i32
      %dma_start3A = arith.constant 0 : i32
      %dma_start3A_135 = tpu.memref_slice %arg5[%dma_start3A] : memref<12800xi32, #tpu.memory_space<vmem>> -> memref<800xi32, #tpu.memory_space<vmem>>
      %dma_start3A_136 = tpu.memref_slice %arg2[%add3A_102] : memref<16000000xi32, #tpu.memory_space<hbm>> -> memref<800xi32, #tpu.memory_space<hbm>>
      %dma_start3A_137 = arith.constant 0 : i32
      %dma_start3A_138 = tpu.memref_slice %arg5[%dma_start3A_137] : memref<12800xi32, #tpu.memory_space<vmem>> -> memref<800xi32, #tpu.memory_space<vmem>>
      %dma_start3A_139 = tpu.memref_slice %arg2[%add3A_102] : memref<16000000xi32, #tpu.memory_space<hbm>> -> memref<800xi32, #tpu.memory_space<hbm>>
      tpu.enqueue_dma source(%dma_start3A_139 : memref<800xi32, #tpu.memory_space<hbm>>) target(%dma_start3A_138 : memref<800xi32, #tpu.memory_space<vmem>>) target_semaphore(%arg10 : memref<!tpu.dma_semaphore, #tpu.memory_space<semaphore_mem>>)
      %dma_start3A_140 = arith.constant 800 : i32
      %dma_start3A_141 = tpu.memref_slice %arg5[%dma_start3A_140] : memref<12800xi32, #tpu.memory_space<vmem>> -> memref<800xi32, #tpu.memory_space<vmem>>
      %dma_start3A_142 = tpu.memref_slice %arg2[%add3A_104] : memref<16000000xi32, #tpu.memory_space<hbm>> -> memref<800xi32, #tpu.memory_space<hbm>>
      %dma_start3A_143 = arith.constant 800 : i32
      %dma_start3A_144 = tpu.memref_slice %arg5[%dma_start3A_143] : memref<12800xi32, #tpu.memory_space<vmem>> -> memref<800xi32, #tpu.memory_space<vmem>>
      %dma_start3A_145 = tpu.memref_slice %arg2[%add3A_104] : memref<16000000xi32, #tpu.memory_space<hbm>> -> memref<800xi32, #tpu.memory_space<hbm>>
      tpu.enqueue_dma source(%dma_start3A_145 : memref<800xi32, #tpu.memory_space<hbm>>) target(%dma_start3A_144 : memref<800xi32, #tpu.memory_space<vmem>>) target_semaphore(%arg10 : memref<!tpu.dma_semaphore, #tpu.memory_space<semaphore_mem>>)
      %dma_start3A_146 = arith.constant 1600 : i32
      %dma_start3A_147 = tpu.memref_slice %arg5[%dma_start3A_146] : memref<12800xi32, #tpu.memory_space<vmem>> -> memref<800xi32, #tpu.memory_space<vmem>>
      %dma_start3A_148 = tpu.memref_slice %arg2[%add3A_106] : memref<16000000xi32, #tpu.memory_space<hbm>> -> memref<800xi32, #tpu.memory_space<hbm>>
      %dma_start3A_149 = arith.constant 1600 : i32
      %dma_start3A_150 = tpu.memref_slice %arg5[%dma_start3A_149] : memref<12800xi32, #tpu.memory_space<vmem>> -> memref<800xi32, #tpu.memory_space<vmem>>
      %dma_start3A_151 = tpu.memref_slice %arg2[%add3A_106] : memref<16000000xi32, #tpu.memory_space<hbm>> -> memref<800xi32, #tpu.memory_space<hbm>>
      tpu.enqueue_dma source(%dma_start3A_151 : memref<800xi32, #tpu.memory_space<hbm>>) target(%dma_start3A_150 : memref<800xi32, #tpu.memory_space<vmem>>) target_semaphore(%arg10 : memref<!tpu.dma_semaphore, #tpu.memory_space<semaphore_mem>>)
      %dma_start3A_152 = arith.constant 2400 : i32
      %dma_start3A_153 = tpu.memref_slice %arg5[%dma_start3A_152] : memref<12800xi32, #tpu.memory_space<vmem>> -> memref<800xi32, #tpu.memory_space<vmem>>
      %dma_start3A_154 = tpu.memref_slice %arg2[%add3A_108] : memref<16000000xi32, #tpu.memory_space<hbm>> -> memref<800xi32, #tpu.memory_space<hbm>>
      %dma_start3A_155 = arith.constant 2400 : i32
      %dma_start3A_156 = tpu.memref_slice %arg5[%dma_start3A_155] : memref<12800xi32, #tpu.memory_space<vmem>> -> memref<800xi32, #tpu.memory_space<vmem>>
      %dma_start3A_157 = tpu.memref_slice %arg2[%add3A_108] : memref<16000000xi32, #tpu.memory_space<hbm>> -> memref<800xi32, #tpu.memory_space<hbm>>
      tpu.enqueue_dma source(%dma_start3A_157 : memref<800xi32, #tpu.memory_space<hbm>>) target(%dma_start3A_156 : memref<800xi32, #tpu.memory_space<vmem>>) target_semaphore(%arg10 : memref<!tpu.dma_semaphore, #tpu.memory_space<semaphore_mem>>)
      %dma_start3A_158 = arith.constant 3200 : i32
      %dma_start3A_159 = tpu.memref_slice %arg5[%dma_start3A_158] : memref<12800xi32, #tpu.memory_space<vmem>> -> memref<800xi32, #tpu.memory_space<vmem>>
      %dma_start3A_160 = tpu.memref_slice %arg2[%add3A_110] : memref<16000000xi32, #tpu.memory_space<hbm>> -> memref<800xi32, #tpu.memory_space<hbm>>
      %dma_start3A_161 = arith.constant 3200 : i32
      %dma_start3A_162 = tpu.memref_slice %arg5[%dma_start3A_161] : memref<12800xi32, #tpu.memory_space<vmem>> -> memref<800xi32, #tpu.memory_space<vmem>>
      %dma_start3A_163 = tpu.memref_slice %arg2[%add3A_110] : memref<16000000xi32, #tpu.memory_space<hbm>> -> memref<800xi32, #tpu.memory_space<hbm>>
      tpu.enqueue_dma source(%dma_start3A_163 : memref<800xi32, #tpu.memory_space<hbm>>) target(%dma_start3A_162 : memref<800xi32, #tpu.memory_space<vmem>>) target_semaphore(%arg10 : memref<!tpu.dma_semaphore, #tpu.memory_space<semaphore_mem>>)
      %dma_start3A_164 = arith.constant 4000 : i32
      %dma_start3A_165 = tpu.memref_slice %arg5[%dma_start3A_164] : memref<12800xi32, #tpu.memory_space<vmem>> -> memref<800xi32, #tpu.memory_space<vmem>>
      %dma_start3A_166 = tpu.memref_slice %arg2[%add3A_112] : memref<16000000xi32, #tpu.memory_space<hbm>> -> memref<800xi32, #tpu.memory_space<hbm>>
      %dma_start3A_167 = arith.constant 4000 : i32
      %dma_start3A_168 = tpu.memref_slice %arg5[%dma_start3A_167] : memref<12800xi32, #tpu.memory_space<vmem>> -> memref<800xi32, #tpu.memory_space<vmem>>
      %dma_start3A_169 = tpu.memref_slice %arg2[%add3A_112] : memref<16000000xi32, #tpu.memory_space<hbm>> -> memref<800xi32, #tpu.memory_space<hbm>>
      tpu.enqueue_dma source(%dma_start3A_169 : memref<800xi32, #tpu.memory_space<hbm>>) target(%dma_start3A_168 : memref<800xi32, #tpu.memory_space<vmem>>) target_semaphore(%arg10 : memref<!tpu.dma_semaphore, #tpu.memory_space<semaphore_mem>>)
      %dma_start3A_170 = arith.constant 4800 : i32
      %dma_start3A_171 = tpu.memref_slice %arg5[%dma_start3A_170] : memref<12800xi32, #tpu.memory_space<vmem>> -> memref<800xi32, #tpu.memory_space<vmem>>
      %dma_start3A_172 = tpu.memref_slice %arg2[%add3A_114] : memref<16000000xi32, #tpu.memory_space<hbm>> -> memref<800xi32, #tpu.memory_space<hbm>>
      %dma_start3A_173 = arith.constant 4800 : i32
      %dma_start3A_174 = tpu.memref_slice %arg5[%dma_start3A_173] : memref<12800xi32, #tpu.memory_space<vmem>> -> memref<800xi32, #tpu.memory_space<vmem>>
      %dma_start3A_175 = tpu.memref_slice %arg2[%add3A_114] : memref<16000000xi32, #tpu.memory_space<hbm>> -> memref<800xi32, #tpu.memory_space<hbm>>
      tpu.enqueue_dma source(%dma_start3A_175 : memref<800xi32, #tpu.memory_space<hbm>>) target(%dma_start3A_174 : memref<800xi32, #tpu.memory_space<vmem>>) target_semaphore(%arg10 : memref<!tpu.dma_semaphore, #tpu.memory_space<semaphore_mem>>)
      %dma_start3A_176 = arith.constant 5600 : i32
      %dma_start3A_177 = tpu.memref_slice %arg5[%dma_start3A_176] : memref<12800xi32, #tpu.memory_space<vmem>> -> memref<800xi32, #tpu.memory_space<vmem>>
      %dma_start3A_178 = tpu.memref_slice %arg2[%add3A_116] : memref<16000000xi32, #tpu.memory_space<hbm>> -> memref<800xi32, #tpu.memory_space<hbm>>
      %dma_start3A_179 = arith.constant 5600 : i32
      %dma_start3A_180 = tpu.memref_slice %arg5[%dma_start3A_179] : memref<12800xi32, #tpu.memory_space<vmem>> -> memref<800xi32, #tpu.memory_space<vmem>>
      %dma_start3A_181 = tpu.memref_slice %arg2[%add3A_116] : memref<16000000xi32, #tpu.memory_space<hbm>> -> memref<800xi32, #tpu.memory_space<hbm>>
      tpu.enqueue_dma source(%dma_start3A_181 : memref<800xi32, #tpu.memory_space<hbm>>) target(%dma_start3A_180 : memref<800xi32, #tpu.memory_space<vmem>>) target_semaphore(%arg10 : memref<!tpu.dma_semaphore, #tpu.memory_space<semaphore_mem>>)
      %dma_start3A_182 = arith.constant 6400 : i32
      %dma_start3A_183 = tpu.memref_slice %arg5[%dma_start3A_182] : memref<12800xi32, #tpu.memory_space<vmem>> -> memref<800xi32, #tpu.memory_space<vmem>>
      %dma_start3A_184 = tpu.memref_slice %arg2[%add3A_118] : memref<16000000xi32, #tpu.memory_space<hbm>> -> memref<800xi32, #tpu.memory_space<hbm>>
      %dma_start3A_185 = arith.constant 6400 : i32
      %dma_start3A_186 = tpu.memref_slice %arg5[%dma_start3A_185] : memref<12800xi32, #tpu.memory_space<vmem>> -> memref<800xi32, #tpu.memory_space<vmem>>
      %dma_start3A_187 = tpu.memref_slice %arg2[%add3A_118] : memref<16000000xi32, #tpu.memory_space<hbm>> -> memref<800xi32, #tpu.memory_space<hbm>>
      tpu.enqueue_dma source(%dma_start3A_187 : memref<800xi32, #tpu.memory_space<hbm>>) target(%dma_start3A_186 : memref<800xi32, #tpu.memory_space<vmem>>) target_semaphore(%arg10 : memref<!tpu.dma_semaphore, #tpu.memory_space<semaphore_mem>>)
      %dma_start3A_188 = arith.constant 7200 : i32
      %dma_start3A_189 = tpu.memref_slice %arg5[%dma_start3A_188] : memref<12800xi32, #tpu.memory_space<vmem>> -> memref<800xi32, #tpu.memory_space<vmem>>
      %dma_start3A_190 = tpu.memref_slice %arg2[%add3A_120] : memref<16000000xi32, #tpu.memory_space<hbm>> -> memref<800xi32, #tpu.memory_space<hbm>>
      %dma_start3A_191 = arith.constant 7200 : i32
      %dma_start3A_192 = tpu.memref_slice %arg5[%dma_start3A_191] : memref<12800xi32, #tpu.memory_space<vmem>> -> memref<800xi32, #tpu.memory_space<vmem>>
      %dma_start3A_193 = tpu.memref_slice %arg2[%add3A_120] : memref<16000000xi32, #tpu.memory_space<hbm>> -> memref<800xi32, #tpu.memory_space<hbm>>
      tpu.enqueue_dma source(%dma_start3A_193 : memref<800xi32, #tpu.memory_space<hbm>>) target(%dma_start3A_192 : memref<800xi32, #tpu.memory_space<vmem>>) target_semaphore(%arg10 : memref<!tpu.dma_semaphore, #tpu.memory_space<semaphore_mem>>)
      %dma_start3A_194 = arith.constant 8000 : i32
      %dma_start3A_195 = tpu.memref_slice %arg5[%dma_start3A_194] : memref<12800xi32, #tpu.memory_space<vmem>> -> memref<800xi32, #tpu.memory_space<vmem>>
      %dma_start3A_196 = tpu.memref_slice %arg2[%add3A_122] : memref<16000000xi32, #tpu.memory_space<hbm>> -> memref<800xi32, #tpu.memory_space<hbm>>
      %dma_start3A_197 = arith.constant 8000 : i32
      %dma_start3A_198 = tpu.memref_slice %arg5[%dma_start3A_197] : memref<12800xi32, #tpu.memory_space<vmem>> -> memref<800xi32, #tpu.memory_space<vmem>>
      %dma_start3A_199 = tpu.memref_slice %arg2[%add3A_122] : memref<16000000xi32, #tpu.memory_space<hbm>> -> memref<800xi32, #tpu.memory_space<hbm>>
      tpu.enqueue_dma source(%dma_start3A_199 : memref<800xi32, #tpu.memory_space<hbm>>) target(%dma_start3A_198 : memref<800xi32, #tpu.memory_space<vmem>>) target_semaphore(%arg10 : memref<!tpu.dma_semaphore, #tpu.memory_space<semaphore_mem>>)
      %dma_start3A_200 = arith.constant 8800 : i32
      %dma_start3A_201 = tpu.memref_slice %arg5[%dma_start3A_200] : memref<12800xi32, #tpu.memory_space<vmem>> -> memref<800xi32, #tpu.memory_space<vmem>>
      %dma_start3A_202 = tpu.memref_slice %arg2[%add3A_124] : memref<16000000xi32, #tpu.memory_space<hbm>> -> memref<800xi32, #tpu.memory_space<hbm>>
      %dma_start3A_203 = arith.constant 8800 : i32
      %dma_start3A_204 = tpu.memref_slice %arg5[%dma_start3A_203] : memref<12800xi32, #tpu.memory_space<vmem>> -> memref<800xi32, #tpu.memory_space<vmem>>
      %dma_start3A_205 = tpu.memref_slice %arg2[%add3A_124] : memref<16000000xi32, #tpu.memory_space<hbm>> -> memref<800xi32, #tpu.memory_space<hbm>>
      tpu.enqueue_dma source(%dma_start3A_205 : memref<800xi32, #tpu.memory_space<hbm>>) target(%dma_start3A_204 : memref<800xi32, #tpu.memory_space<vmem>>) target_semaphore(%arg10 : memref<!tpu.dma_semaphore, #tpu.memory_space<semaphore_mem>>)
      %dma_start3A_206 = arith.constant 9600 : i32
      %dma_start3A_207 = tpu.memref_slice %arg5[%dma_start3A_206] : memref<12800xi32, #tpu.memory_space<vmem>> -> memref<800xi32, #tpu.memory_space<vmem>>
      %dma_start3A_208 = tpu.memref_slice %arg2[%add3A_126] : memref<16000000xi32, #tpu.memory_space<hbm>> -> memref<800xi32, #tpu.memory_space<hbm>>
      %dma_start3A_209 = arith.constant 9600 : i32
      %dma_start3A_210 = tpu.memref_slice %arg5[%dma_start3A_209] : memref<12800xi32, #tpu.memory_space<vmem>> -> memref<800xi32, #tpu.memory_space<vmem>>
      %dma_start3A_211 = tpu.memref_slice %arg2[%add3A_126] : memref<16000000xi32, #tpu.memory_space<hbm>> -> memref<800xi32, #tpu.memory_space<hbm>>
      tpu.enqueue_dma source(%dma_start3A_211 : memref<800xi32, #tpu.memory_space<hbm>>) target(%dma_start3A_210 : memref<800xi32, #tpu.memory_space<vmem>>) target_semaphore(%arg10 : memref<!tpu.dma_semaphore, #tpu.memory_space<semaphore_mem>>)
      %dma_start3A_212 = arith.constant 10400 : i32
      %dma_start3A_213 = tpu.memref_slice %arg5[%dma_start3A_212] : memref<12800xi32, #tpu.memory_space<vmem>> -> memref<800xi32, #tpu.memory_space<vmem>>
      %dma_start3A_214 = tpu.memref_slice %arg2[%add3A_128] : memref<16000000xi32, #tpu.memory_space<hbm>> -> memref<800xi32, #tpu.memory_space<hbm>>
      %dma_start3A_215 = arith.constant 10400 : i32
      %dma_start3A_216 = tpu.memref_slice %arg5[%dma_start3A_215] : memref<12800xi32, #tpu.memory_space<vmem>> -> memref<800xi32, #tpu.memory_space<vmem>>
      %dma_start3A_217 = tpu.memref_slice %arg2[%add3A_128] : memref<16000000xi32, #tpu.memory_space<hbm>> -> memref<800xi32, #tpu.memory_space<hbm>>
      tpu.enqueue_dma source(%dma_start3A_217 : memref<800xi32, #tpu.memory_space<hbm>>) target(%dma_start3A_216 : memref<800xi32, #tpu.memory_space<vmem>>) target_semaphore(%arg10 : memref<!tpu.dma_semaphore, #tpu.memory_space<semaphore_mem>>)
      %dma_start3A_218 = arith.constant 11200 : i32
      %dma_start3A_219 = tpu.memref_slice %arg5[%dma_start3A_218] : memref<12800xi32, #tpu.memory_space<vmem>> -> memref<800xi32, #tpu.memory_space<vmem>>
      %dma_start3A_220 = tpu.memref_slice %arg2[%add3A_130] : memref<16000000xi32, #tpu.memory_space<hbm>> -> memref<800xi32, #tpu.memory_space<hbm>>
      %dma_start3A_221 = arith.constant 11200 : i32
      %dma_start3A_222 = tpu.memref_slice %arg5[%dma_start3A_221] : memref<12800xi32, #tpu.memory_space<vmem>> -> memref<800xi32, #tpu.memory_space<vmem>>
      %dma_start3A_223 = tpu.memref_slice %arg2[%add3A_130] : memref<16000000xi32, #tpu.memory_space<hbm>> -> memref<800xi32, #tpu.memory_space<hbm>>
      tpu.enqueue_dma source(%dma_start3A_223 : memref<800xi32, #tpu.memory_space<hbm>>) target(%dma_start3A_222 : memref<800xi32, #tpu.memory_space<vmem>>) target_semaphore(%arg10 : memref<!tpu.dma_semaphore, #tpu.memory_space<semaphore_mem>>)
      %dma_start3A_224 = arith.constant 12000 : i32
      %dma_start3A_225 = tpu.memref_slice %arg5[%dma_start3A_224] : memref<12800xi32, #tpu.memory_space<vmem>> -> memref<800xi32, #tpu.memory_space<vmem>>
      %dma_start3A_226 = tpu.memref_slice %arg2[%add3A_132] : memref<16000000xi32, #tpu.memory_space<hbm>> -> memref<800xi32, #tpu.memory_space<hbm>>
      %dma_start3A_227 = arith.constant 12000 : i32
      %dma_start3A_228 = tpu.memref_slice %arg5[%dma_start3A_227] : memref<12800xi32, #tpu.memory_space<vmem>> -> memref<800xi32, #tpu.memory_space<vmem>>
      %dma_start3A_229 = tpu.memref_slice %arg2[%add3A_132] : memref<16000000xi32, #tpu.memory_space<hbm>> -> memref<800xi32, #tpu.memory_space<hbm>>
      tpu.enqueue_dma source(%dma_start3A_229 : memref<800xi32, #tpu.memory_space<hbm>>) target(%dma_start3A_228 : memref<800xi32, #tpu.memory_space<vmem>>) target_semaphore(%arg10 : memref<!tpu.dma_semaphore, #tpu.memory_space<semaphore_mem>>)
      %dma_start3A_230 = tpu.memref_slice %arg3[%mul3A_134] : memref<1000000xi32, #tpu.memory_space<hbm>> -> memref<800xi32, #tpu.memory_space<hbm>>
      %dma_start3A_231 = tpu.memref_slice %arg3[%mul3A_134] : memref<1000000xi32, #tpu.memory_space<hbm>> -> memref<800xi32, #tpu.memory_space<hbm>>
      tpu.enqueue_dma source(%dma_start3A_231 : memref<800xi32, #tpu.memory_space<hbm>>) target(%arg7 : memref<800xi32, #tpu.memory_space<vmem>>) target_semaphore(%arg10 : memref<!tpu.dma_semaphore, #tpu.memory_space<semaphore_mem>>)
    } else {
    }
    %add3A_13 = arith.constant 1 : i32
    %add3A_14 = arith.addi %select_n3A, %add3A_13 : i32
    %jit3A_15 = arith.constant 2 : i32
    %div3A = arith.divsi %add3A_14, %jit3A_15 : i32
    %sign3A = arith.constant 0 : i32
    %sign3A_16 = arith.cmpi sgt, %add3A_14, %sign3A : i32
    %sign3A_17 = arith.extui %sign3A_16 : i1 to i32
    %sign3A_18 = arith.constant 0 : i32
    %sign3A_19 = arith.cmpi slt, %add3A_14, %sign3A_18 : i32
    %sign3A_20 = arith.extui %sign3A_19 : i1 to i32
    %sign3A_21 = arith.subi %sign3A_17, %sign3A_20 : i32
    %sign3A_22 = arith.constant 0 : i32
    %sign3A_23 = arith.cmpi sgt, %jit3A_15, %sign3A_22 : i32
    %sign3A_24 = arith.extui %sign3A_23 : i1 to i32
    %sign3A_25 = arith.constant 0 : i32
    %sign3A_26 = arith.cmpi slt, %jit3A_15, %sign3A_25 : i32
    %sign3A_27 = arith.extui %sign3A_26 : i1 to i32
    %sign3A_28 = arith.subi %sign3A_24, %sign3A_27 : i32
    %ne3A = arith.cmpi ne, %sign3A_21, %sign3A_28 : i32
    %rem3A = arith.remsi %add3A_14, %jit3A_15 : i32
    %ne3A_29 = arith.constant 0 : i32
    %ne3A_30 = arith.cmpi ne, %rem3A, %ne3A_29 : i32
    %and3A = arith.andi %ne3A, %ne3A_30 : i1
    %sub3A = arith.constant 1 : i32
    %sub3A_31 = arith.subi %div3A, %sub3A : i32
    %select_n3A_32 = arith.select %and3A, %sub3A_31, %div3A : i32
    %while3A = arith.constant 0 : i32
    %while3A_33 = arith.constant 0 : i32
    %while3A_34 = arith.subi %select_n3A_32, %while3A_33 : i32
    %while3A_35 = arith.addi %while3A_33, %while3A_34 : i32
    %while3A_36 = arith.constant 1 : i32
    %while3A_37 = arith.divsi %while3A_34, %while3A_36 : i32
    %while3A_38 = arith.muli %while3A_37, %while3A_36 : i32
    %while3A_39 = arith.addi %while3A_33, %while3A_38 : i32
    %while3A_40 = arith.constant 1 : i32
    scf.for %while3A_53 = %while3A_33 to %while3A_39 step %while3A_40  : i32 {
      %mul3A_54 = arith.constant 2 : i32
      %mul3A_55 = arith.muli %while3A_53, %mul3A_54 : i32
      %add3A_56 = arith.constant 1 : i32
      %add3A_57 = arith.addi %mul3A_55, %add3A_56 : i32
      %lt3A_58 = arith.cmpi slt, %add3A_57, %select_n3A : i32
      %convert_element_type3A_59 = arith.extui %lt3A_58 : i1 to i32
      %cond3A_60 = arith.constant 0 : i32
      %cond3A_61 = arith.cmpi ne, %convert_element_type3A_59, %cond3A_60 : i32
      scf.if %cond3A_61 {
        %add3A_266 = arith.constant 1 : i32
        %add3A_267 = arith.addi %mul3A_55, %add3A_266 : i32
        %mul3A_268 = arith.constant 32 : i32
        %mul3A_269 = arith.muli %add3A_267, %mul3A_268 : i32
        %add3A_270 = arith.addi %add3A, %mul3A_269 : i32
        %jit3A_271 = arith.constant 5 : i32
        %div3A_272 = arith.divsi %add3A_270, %jit3A_271 : i32
        %sign3A_273 = arith.constant 0 : i32
        %sign3A_274 = arith.cmpi sgt, %add3A_270, %sign3A_273 : i32
        %sign3A_275 = arith.extui %sign3A_274 : i1 to i32
        %sign3A_276 = arith.constant 0 : i32
        %sign3A_277 = arith.cmpi slt, %add3A_270, %sign3A_276 : i32
        %sign3A_278 = arith.extui %sign3A_277 : i1 to i32
        %sign3A_279 = arith.subi %sign3A_275, %sign3A_278 : i32
        %sign3A_280 = arith.constant 0 : i32
        %sign3A_281 = arith.cmpi sgt, %jit3A_271, %sign3A_280 : i32
        %sign3A_282 = arith.extui %sign3A_281 : i1 to i32
        %sign3A_283 = arith.constant 0 : i32
        %sign3A_284 = arith.cmpi slt, %jit3A_271, %sign3A_283 : i32
        %sign3A_285 = arith.extui %sign3A_284 : i1 to i32
        %sign3A_286 = arith.subi %sign3A_282, %sign3A_285 : i32
        %ne3A_287 = arith.cmpi ne, %sign3A_279, %sign3A_286 : i32
        %rem3A_288 = arith.remsi %add3A_270, %jit3A_271 : i32
        %ne3A_289 = arith.constant 0 : i32
        %ne3A_290 = arith.cmpi ne, %rem3A_288, %ne3A_289 : i32
        %and3A_291 = arith.andi %ne3A_287, %ne3A_290 : i1
        %sub3A_292 = arith.constant 1 : i32
        %sub3A_293 = arith.subi %div3A_272, %sub3A_292 : i32
        %select_n3A_294 = arith.select %and3A_291, %sub3A_293, %div3A_272 : i32
        %mul3A_295 = arith.constant 16 : i32
        %mul3A_296 = arith.muli %select_n3A_294, %mul3A_295 : i32
        %mul3A_297 = arith.constant 4000 : i32
        %mul3A_298 = arith.muli %mul3A_296, %mul3A_297 : i32
        %jit3A_299 = arith.constant 5 : i32
        %eq3A_300 = arith.constant 0 : i32
        %eq3A_301 = arith.cmpi eq, %jit3A_299, %eq3A_300 : i32
        %jit3A_302 = arith.constant 1 : i32
        %select_n3A_303 = arith.select %eq3A_301, %jit3A_302, %jit3A_299 : i32
        %rem3A_304 = arith.remsi %add3A_270, %select_n3A_303 : i32
        %ne3A_305 = arith.constant 0 : i32
        %ne3A_306 = arith.cmpi ne, %rem3A_304, %ne3A_305 : i32
        %lt3A_307 = arith.constant 0 : i32
        %lt3A_308 = arith.cmpi slt, %rem3A_304, %lt3A_307 : i32
        %lt3A_309 = arith.constant 0 : i32
        %lt3A_310 = arith.cmpi slt, %select_n3A_303, %lt3A_309 : i32
        %ne3A_311 = arith.xori %lt3A_308, %lt3A_310 : i1
        %and3A_312 = arith.andi %ne3A_311, %ne3A_306 : i1
        %add3A_313 = arith.addi %rem3A_304, %select_n3A_303 : i32
        %select_n3A_314 = arith.select %and3A_312, %add3A_313, %rem3A_304 : i32
        %mul3A_315 = arith.constant 800 : i32
        %mul3A_316 = arith.muli %select_n3A_314, %mul3A_315 : i32
        %add3A_317 = arith.addi %mul3A_298, %mul3A_316 : i32
        %add3A_318 = arith.constant 0 : i32
        %add3A_319 = arith.addi %add3A_317, %add3A_318 : i32
        %add3A_320 = arith.constant 4000 : i32
        %add3A_321 = arith.addi %add3A_317, %add3A_320 : i32
        %add3A_322 = arith.constant 8000 : i32
        %add3A_323 = arith.addi %add3A_317, %add3A_322 : i32
        %add3A_324 = arith.constant 12000 : i32
        %add3A_325 = arith.addi %add3A_317, %add3A_324 : i32
        %add3A_326 = arith.constant 16000 : i32
        %add3A_327 = arith.addi %add3A_317, %add3A_326 : i32
        %add3A_328 = arith.constant 20000 : i32
        %add3A_329 = arith.addi %add3A_317, %add3A_328 : i32
        %add3A_330 = arith.constant 24000 : i32
        %add3A_331 = arith.addi %add3A_317, %add3A_330 : i32
        %add3A_332 = arith.constant 28000 : i32
        %add3A_333 = arith.addi %add3A_317, %add3A_332 : i32
        %add3A_334 = arith.constant 32000 : i32
        %add3A_335 = arith.addi %add3A_317, %add3A_334 : i32
        %add3A_336 = arith.constant 36000 : i32
        %add3A_337 = arith.addi %add3A_317, %add3A_336 : i32
        %add3A_338 = arith.constant 40000 : i32
        %add3A_339 = arith.addi %add3A_317, %add3A_338 : i32
        %add3A_340 = arith.constant 44000 : i32
        %add3A_341 = arith.addi %add3A_317, %add3A_340 : i32
        %add3A_342 = arith.constant 48000 : i32
        %add3A_343 = arith.addi %add3A_317, %add3A_342 : i32
        %add3A_344 = arith.constant 52000 : i32
        %add3A_345 = arith.addi %add3A_317, %add3A_344 : i32
        %add3A_346 = arith.constant 56000 : i32
        %add3A_347 = arith.addi %add3A_317, %add3A_346 : i32
        %add3A_348 = arith.constant 60000 : i32
        %add3A_349 = arith.addi %add3A_317, %add3A_348 : i32
        %mul3A_350 = arith.constant 800 : i32
        %mul3A_351 = arith.muli %add3A_270, %mul3A_350 : i32
        %dma_start3A = arith.constant 0 : i32
        %dma_start3A_352 = tpu.memref_slice %arg6[%dma_start3A] : memref<12800xi32, #tpu.memory_space<vmem>> -> memref<800xi32, #tpu.memory_space<vmem>>
        %dma_start3A_353 = tpu.memref_slice %arg2[%add3A_319] : memref<16000000xi32, #tpu.memory_space<hbm>> -> memref<800xi32, #tpu.memory_space<hbm>>
        %dma_start3A_354 = arith.constant 0 : i32
        %dma_start3A_355 = tpu.memref_slice %arg6[%dma_start3A_354] : memref<12800xi32, #tpu.memory_space<vmem>> -> memref<800xi32, #tpu.memory_space<vmem>>
        %dma_start3A_356 = tpu.memref_slice %arg2[%add3A_319] : memref<16000000xi32, #tpu.memory_space<hbm>> -> memref<800xi32, #tpu.memory_space<hbm>>
        tpu.enqueue_dma source(%dma_start3A_356 : memref<800xi32, #tpu.memory_space<hbm>>) target(%dma_start3A_355 : memref<800xi32, #tpu.memory_space<vmem>>) target_semaphore(%arg11 : memref<!tpu.dma_semaphore, #tpu.memory_space<semaphore_mem>>)
        %dma_start3A_357 = arith.constant 800 : i32
        %dma_start3A_358 = tpu.memref_slice %arg6[%dma_start3A_357] : memref<12800xi32, #tpu.memory_space<vmem>> -> memref<800xi32, #tpu.memory_space<vmem>>
        %dma_start3A_359 = tpu.memref_slice %arg2[%add3A_321] : memref<16000000xi32, #tpu.memory_space<hbm>> -> memref<800xi32, #tpu.memory_space<hbm>>
        %dma_start3A_360 = arith.constant 800 : i32
        %dma_start3A_361 = tpu.memref_slice %arg6[%dma_start3A_360] : memref<12800xi32, #tpu.memory_space<vmem>> -> memref<800xi32, #tpu.memory_space<vmem>>
        %dma_start3A_362 = tpu.memref_slice %arg2[%add3A_321] : memref<16000000xi32, #tpu.memory_space<hbm>> -> memref<800xi32, #tpu.memory_space<hbm>>
        tpu.enqueue_dma source(%dma_start3A_362 : memref<800xi32, #tpu.memory_space<hbm>>) target(%dma_start3A_361 : memref<800xi32, #tpu.memory_space<vmem>>) target_semaphore(%arg11 : memref<!tpu.dma_semaphore, #tpu.memory_space<semaphore_mem>>)
        %dma_start3A_363 = arith.constant 1600 : i32
        %dma_start3A_364 = tpu.memref_slice %arg6[%dma_start3A_363] : memref<12800xi32, #tpu.memory_space<vmem>> -> memref<800xi32, #tpu.memory_space<vmem>>
        %dma_start3A_365 = tpu.memref_slice %arg2[%add3A_323] : memref<16000000xi32, #tpu.memory_space<hbm>> -> memref<800xi32, #tpu.memory_space<hbm>>
        %dma_start3A_366 = arith.constant 1600 : i32
        %dma_start3A_367 = tpu.memref_slice %arg6[%dma_start3A_366] : memref<12800xi32, #tpu.memory_space<vmem>> -> memref<800xi32, #tpu.memory_space<vmem>>
        %dma_start3A_368 = tpu.memref_slice %arg2[%add3A_323] : memref<16000000xi32, #tpu.memory_space<hbm>> -> memref<800xi32, #tpu.memory_space<hbm>>
        tpu.enqueue_dma source(%dma_start3A_368 : memref<800xi32, #tpu.memory_space<hbm>>) target(%dma_start3A_367 : memref<800xi32, #tpu.memory_space<vmem>>) target_semaphore(%arg11 : memref<!tpu.dma_semaphore, #tpu.memory_space<semaphore_mem>>)
        %dma_start3A_369 = arith.constant 2400 : i32
        %dma_start3A_370 = tpu.memref_slice %arg6[%dma_start3A_369] : memref<12800xi32, #tpu.memory_space<vmem>> -> memref<800xi32, #tpu.memory_space<vmem>>
        %dma_start3A_371 = tpu.memref_slice %arg2[%add3A_325] : memref<16000000xi32, #tpu.memory_space<hbm>> -> memref<800xi32, #tpu.memory_space<hbm>>
        %dma_start3A_372 = arith.constant 2400 : i32
        %dma_start3A_373 = tpu.memref_slice %arg6[%dma_start3A_372] : memref<12800xi32, #tpu.memory_space<vmem>> -> memref<800xi32, #tpu.memory_space<vmem>>
        %dma_start3A_374 = tpu.memref_slice %arg2[%add3A_325] : memref<16000000xi32, #tpu.memory_space<hbm>> -> memref<800xi32, #tpu.memory_space<hbm>>
        tpu.enqueue_dma source(%dma_start3A_374 : memref<800xi32, #tpu.memory_space<hbm>>) target(%dma_start3A_373 : memref<800xi32, #tpu.memory_space<vmem>>) target_semaphore(%arg11 : memref<!tpu.dma_semaphore, #tpu.memory_space<semaphore_mem>>)
        %dma_start3A_375 = arith.constant 3200 : i32
        %dma_start3A_376 = tpu.memref_slice %arg6[%dma_start3A_375] : memref<12800xi32, #tpu.memory_space<vmem>> -> memref<800xi32, #tpu.memory_space<vmem>>
        %dma_start3A_377 = tpu.memref_slice %arg2[%add3A_327] : memref<16000000xi32, #tpu.memory_space<hbm>> -> memref<800xi32, #tpu.memory_space<hbm>>
        %dma_start3A_378 = arith.constant 3200 : i32
        %dma_start3A_379 = tpu.memref_slice %arg6[%dma_start3A_378] : memref<12800xi32, #tpu.memory_space<vmem>> -> memref<800xi32, #tpu.memory_space<vmem>>
        %dma_start3A_380 = tpu.memref_slice %arg2[%add3A_327] : memref<16000000xi32, #tpu.memory_space<hbm>> -> memref<800xi32, #tpu.memory_space<hbm>>
        tpu.enqueue_dma source(%dma_start3A_380 : memref<800xi32, #tpu.memory_space<hbm>>) target(%dma_start3A_379 : memref<800xi32, #tpu.memory_space<vmem>>) target_semaphore(%arg11 : memref<!tpu.dma_semaphore, #tpu.memory_space<semaphore_mem>>)
        %dma_start3A_381 = arith.constant 4000 : i32
        %dma_start3A_382 = tpu.memref_slice %arg6[%dma_start3A_381] : memref<12800xi32, #tpu.memory_space<vmem>> -> memref<800xi32, #tpu.memory_space<vmem>>
        %dma_start3A_383 = tpu.memref_slice %arg2[%add3A_329] : memref<16000000xi32, #tpu.memory_space<hbm>> -> memref<800xi32, #tpu.memory_space<hbm>>
        %dma_start3A_384 = arith.constant 4000 : i32
        %dma_start3A_385 = tpu.memref_slice %arg6[%dma_start3A_384] : memref<12800xi32, #tpu.memory_space<vmem>> -> memref<800xi32, #tpu.memory_space<vmem>>
        %dma_start3A_386 = tpu.memref_slice %arg2[%add3A_329] : memref<16000000xi32, #tpu.memory_space<hbm>> -> memref<800xi32, #tpu.memory_space<hbm>>
        tpu.enqueue_dma source(%dma_start3A_386 : memref<800xi32, #tpu.memory_space<hbm>>) target(%dma_start3A_385 : memref<800xi32, #tpu.memory_space<vmem>>) target_semaphore(%arg11 : memref<!tpu.dma_semaphore, #tpu.memory_space<semaphore_mem>>)
        %dma_start3A_387 = arith.constant 4800 : i32
        %dma_start3A_388 = tpu.memref_slice %arg6[%dma_start3A_387] : memref<12800xi32, #tpu.memory_space<vmem>> -> memref<800xi32, #tpu.memory_space<vmem>>
        %dma_start3A_389 = tpu.memref_slice %arg2[%add3A_331] : memref<16000000xi32, #tpu.memory_space<hbm>> -> memref<800xi32, #tpu.memory_space<hbm>>
        %dma_start3A_390 = arith.constant 4800 : i32
        %dma_start3A_391 = tpu.memref_slice %arg6[%dma_start3A_390] : memref<12800xi32, #tpu.memory_space<vmem>> -> memref<800xi32, #tpu.memory_space<vmem>>
        %dma_start3A_392 = tpu.memref_slice %arg2[%add3A_331] : memref<16000000xi32, #tpu.memory_space<hbm>> -> memref<800xi32, #tpu.memory_space<hbm>>
        tpu.enqueue_dma source(%dma_start3A_392 : memref<800xi32, #tpu.memory_space<hbm>>) target(%dma_start3A_391 : memref<800xi32, #tpu.memory_space<vmem>>) target_semaphore(%arg11 : memref<!tpu.dma_semaphore, #tpu.memory_space<semaphore_mem>>)
        %dma_start3A_393 = arith.constant 5600 : i32
        %dma_start3A_394 = tpu.memref_slice %arg6[%dma_start3A_393] : memref<12800xi32, #tpu.memory_space<vmem>> -> memref<800xi32, #tpu.memory_space<vmem>>
        %dma_start3A_395 = tpu.memref_slice %arg2[%add3A_333] : memref<16000000xi32, #tpu.memory_space<hbm>> -> memref<800xi32, #tpu.memory_space<hbm>>
        %dma_start3A_396 = arith.constant 5600 : i32
        %dma_start3A_397 = tpu.memref_slice %arg6[%dma_start3A_396] : memref<12800xi32, #tpu.memory_space<vmem>> -> memref<800xi32, #tpu.memory_space<vmem>>
        %dma_start3A_398 = tpu.memref_slice %arg2[%add3A_333] : memref<16000000xi32, #tpu.memory_space<hbm>> -> memref<800xi32, #tpu.memory_space<hbm>>
        tpu.enqueue_dma source(%dma_start3A_398 : memref<800xi32, #tpu.memory_space<hbm>>) target(%dma_start3A_397 : memref<800xi32, #tpu.memory_space<vmem>>) target_semaphore(%arg11 : memref<!tpu.dma_semaphore, #tpu.memory_space<semaphore_mem>>)
        %dma_start3A_399 = arith.constant 6400 : i32
        %dma_start3A_400 = tpu.memref_slice %arg6[%dma_start3A_399] : memref<12800xi32, #tpu.memory_space<vmem>> -> memref<800xi32, #tpu.memory_space<vmem>>
        %dma_start3A_401 = tpu.memref_slice %arg2[%add3A_335] : memref<16000000xi32, #tpu.memory_space<hbm>> -> memref<800xi32, #tpu.memory_space<hbm>>
        %dma_start3A_402 = arith.constant 6400 : i32
        %dma_start3A_403 = tpu.memref_slice %arg6[%dma_start3A_402] : memref<12800xi32, #tpu.memory_space<vmem>> -> memref<800xi32, #tpu.memory_space<vmem>>
        %dma_start3A_404 = tpu.memref_slice %arg2[%add3A_335] : memref<16000000xi32, #tpu.memory_space<hbm>> -> memref<800xi32, #tpu.memory_space<hbm>>
        tpu.enqueue_dma source(%dma_start3A_404 : memref<800xi32, #tpu.memory_space<hbm>>) target(%dma_start3A_403 : memref<800xi32, #tpu.memory_space<vmem>>) target_semaphore(%arg11 : memref<!tpu.dma_semaphore, #tpu.memory_space<semaphore_mem>>)
        %dma_start3A_405 = arith.constant 7200 : i32
        %dma_start3A_406 = tpu.memref_slice %arg6[%dma_start3A_405] : memref<12800xi32, #tpu.memory_space<vmem>> -> memref<800xi32, #tpu.memory_space<vmem>>
        %dma_start3A_407 = tpu.memref_slice %arg2[%add3A_337] : memref<16000000xi32, #tpu.memory_space<hbm>> -> memref<800xi32, #tpu.memory_space<hbm>>
        %dma_start3A_408 = arith.constant 7200 : i32
        %dma_start3A_409 = tpu.memref_slice %arg6[%dma_start3A_408] : memref<12800xi32, #tpu.memory_space<vmem>> -> memref<800xi32, #tpu.memory_space<vmem>>
        %dma_start3A_410 = tpu.memref_slice %arg2[%add3A_337] : memref<16000000xi32, #tpu.memory_space<hbm>> -> memref<800xi32, #tpu.memory_space<hbm>>
        tpu.enqueue_dma source(%dma_start3A_410 : memref<800xi32, #tpu.memory_space<hbm>>) target(%dma_start3A_409 : memref<800xi32, #tpu.memory_space<vmem>>) target_semaphore(%arg11 : memref<!tpu.dma_semaphore, #tpu.memory_space<semaphore_mem>>)
        %dma_start3A_411 = arith.constant 8000 : i32
        %dma_start3A_412 = tpu.memref_slice %arg6[%dma_start3A_411] : memref<12800xi32, #tpu.memory_space<vmem>> -> memref<800xi32, #tpu.memory_space<vmem>>
        %dma_start3A_413 = tpu.memref_slice %arg2[%add3A_339] : memref<16000000xi32, #tpu.memory_space<hbm>> -> memref<800xi32, #tpu.memory_space<hbm>>
        %dma_start3A_414 = arith.constant 8000 : i32
        %dma_start3A_415 = tpu.memref_slice %arg6[%dma_start3A_414] : memref<12800xi32, #tpu.memory_space<vmem>> -> memref<800xi32, #tpu.memory_space<vmem>>
        %dma_start3A_416 = tpu.memref_slice %arg2[%add3A_339] : memref<16000000xi32, #tpu.memory_space<hbm>> -> memref<800xi32, #tpu.memory_space<hbm>>
        tpu.enqueue_dma source(%dma_start3A_416 : memref<800xi32, #tpu.memory_space<hbm>>) target(%dma_start3A_415 : memref<800xi32, #tpu.memory_space<vmem>>) target_semaphore(%arg11 : memref<!tpu.dma_semaphore, #tpu.memory_space<semaphore_mem>>)
        %dma_start3A_417 = arith.constant 8800 : i32
        %dma_start3A_418 = tpu.memref_slice %arg6[%dma_start3A_417] : memref<12800xi32, #tpu.memory_space<vmem>> -> memref<800xi32, #tpu.memory_space<vmem>>
        %dma_start3A_419 = tpu.memref_slice %arg2[%add3A_341] : memref<16000000xi32, #tpu.memory_space<hbm>> -> memref<800xi32, #tpu.memory_space<hbm>>
        %dma_start3A_420 = arith.constant 8800 : i32
        %dma_start3A_421 = tpu.memref_slice %arg6[%dma_start3A_420] : memref<12800xi32, #tpu.memory_space<vmem>> -> memref<800xi32, #tpu.memory_space<vmem>>
        %dma_start3A_422 = tpu.memref_slice %arg2[%add3A_341] : memref<16000000xi32, #tpu.memory_space<hbm>> -> memref<800xi32, #tpu.memory_space<hbm>>
        tpu.enqueue_dma source(%dma_start3A_422 : memref<800xi32, #tpu.memory_space<hbm>>) target(%dma_start3A_421 : memref<800xi32, #tpu.memory_space<vmem>>) target_semaphore(%arg11 : memref<!tpu.dma_semaphore, #tpu.memory_space<semaphore_mem>>)
        %dma_start3A_423 = arith.constant 9600 : i32
        %dma_start3A_424 = tpu.memref_slice %arg6[%dma_start3A_423] : memref<12800xi32, #tpu.memory_space<vmem>> -> memref<800xi32, #tpu.memory_space<vmem>>
        %dma_start3A_425 = tpu.memref_slice %arg2[%add3A_343] : memref<16000000xi32, #tpu.memory_space<hbm>> -> memref<800xi32, #tpu.memory_space<hbm>>
        %dma_start3A_426 = arith.constant 9600 : i32
        %dma_start3A_427 = tpu.memref_slice %arg6[%dma_start3A_426] : memref<12800xi32, #tpu.memory_space<vmem>> -> memref<800xi32, #tpu.memory_space<vmem>>
        %dma_start3A_428 = tpu.memref_slice %arg2[%add3A_343] : memref<16000000xi32, #tpu.memory_space<hbm>> -> memref<800xi32, #tpu.memory_space<hbm>>
        tpu.enqueue_dma source(%dma_start3A_428 : memref<800xi32, #tpu.memory_space<hbm>>) target(%dma_start3A_427 : memref<800xi32, #tpu.memory_space<vmem>>) target_semaphore(%arg11 : memref<!tpu.dma_semaphore, #tpu.memory_space<semaphore_mem>>)
        %dma_start3A_429 = arith.constant 10400 : i32
        %dma_start3A_430 = tpu.memref_slice %arg6[%dma_start3A_429] : memref<12800xi32, #tpu.memory_space<vmem>> -> memref<800xi32, #tpu.memory_space<vmem>>
        %dma_start3A_431 = tpu.memref_slice %arg2[%add3A_345] : memref<16000000xi32, #tpu.memory_space<hbm>> -> memref<800xi32, #tpu.memory_space<hbm>>
        %dma_start3A_432 = arith.constant 10400 : i32
        %dma_start3A_433 = tpu.memref_slice %arg6[%dma_start3A_432] : memref<12800xi32, #tpu.memory_space<vmem>> -> memref<800xi32, #tpu.memory_space<vmem>>
        %dma_start3A_434 = tpu.memref_slice %arg2[%add3A_345] : memref<16000000xi32, #tpu.memory_space<hbm>> -> memref<800xi32, #tpu.memory_space<hbm>>
        tpu.enqueue_dma source(%dma_start3A_434 : memref<800xi32, #tpu.memory_space<hbm>>) target(%dma_start3A_433 : memref<800xi32, #tpu.memory_space<vmem>>) target_semaphore(%arg11 : memref<!tpu.dma_semaphore, #tpu.memory_space<semaphore_mem>>)
        %dma_start3A_435 = arith.constant 11200 : i32
        %dma_start3A_436 = tpu.memref_slice %arg6[%dma_start3A_435] : memref<12800xi32, #tpu.memory_space<vmem>> -> memref<800xi32, #tpu.memory_space<vmem>>
        %dma_start3A_437 = tpu.memref_slice %arg2[%add3A_347] : memref<16000000xi32, #tpu.memory_space<hbm>> -> memref<800xi32, #tpu.memory_space<hbm>>
        %dma_start3A_438 = arith.constant 11200 : i32
        %dma_start3A_439 = tpu.memref_slice %arg6[%dma_start3A_438] : memref<12800xi32, #tpu.memory_space<vmem>> -> memref<800xi32, #tpu.memory_space<vmem>>
        %dma_start3A_440 = tpu.memref_slice %arg2[%add3A_347] : memref<16000000xi32, #tpu.memory_space<hbm>> -> memref<800xi32, #tpu.memory_space<hbm>>
        tpu.enqueue_dma source(%dma_start3A_440 : memref<800xi32, #tpu.memory_space<hbm>>) target(%dma_start3A_439 : memref<800xi32, #tpu.memory_space<vmem>>) target_semaphore(%arg11 : memref<!tpu.dma_semaphore, #tpu.memory_space<semaphore_mem>>)
        %dma_start3A_441 = arith.constant 12000 : i32
        %dma_start3A_442 = tpu.memref_slice %arg6[%dma_start3A_441] : memref<12800xi32, #tpu.memory_space<vmem>> -> memref<800xi32, #tpu.memory_space<vmem>>
        %dma_start3A_443 = tpu.memref_slice %arg2[%add3A_349] : memref<16000000xi32, #tpu.memory_space<hbm>> -> memref<800xi32, #tpu.memory_space<hbm>>
        %dma_start3A_444 = arith.constant 12000 : i32
        %dma_start3A_445 = tpu.memref_slice %arg6[%dma_start3A_444] : memref<12800xi32, #tpu.memory_space<vmem>> -> memref<800xi32, #tpu.memory_space<vmem>>
        %dma_start3A_446 = tpu.memref_slice %arg2[%add3A_349] : memref<16000000xi32, #tpu.memory_space<hbm>> -> memref<800xi32, #tpu.memory_space<hbm>>
        tpu.enqueue_dma source(%dma_start3A_446 : memref<800xi32, #tpu.memory_space<hbm>>) target(%dma_start3A_445 : memref<800xi32, #tpu.memory_space<vmem>>) target_semaphore(%arg11 : memref<!tpu.dma_semaphore, #tpu.memory_space<semaphore_mem>>)
        %dma_start3A_447 = tpu.memref_slice %arg3[%mul3A_351] : memref<1000000xi32, #tpu.memory_space<hbm>> -> memref<800xi32, #tpu.memory_space<hbm>>
        %dma_start3A_448 = tpu.memref_slice %arg3[%mul3A_351] : memref<1000000xi32, #tpu.memory_space<hbm>> -> memref<800xi32, #tpu.memory_space<hbm>>
        tpu.enqueue_dma source(%dma_start3A_448 : memref<800xi32, #tpu.memory_space<hbm>>) target(%arg8 : memref<800xi32, #tpu.memory_space<vmem>>) target_semaphore(%arg11 : memref<!tpu.dma_semaphore, #tpu.memory_space<semaphore_mem>>)
      } else {
      }
      %mul3A_62 = arith.constant 32 : i32
      %mul3A_63 = arith.muli %mul3A_55, %mul3A_62 : i32
      %add3A_64 = arith.addi %add3A, %mul3A_63 : i32
      %jit3A_65 = arith.constant 5 : i32
      %div3A_66 = arith.divsi %add3A_64, %jit3A_65 : i32
      %sign3A_67 = arith.constant 0 : i32
      %sign3A_68 = arith.cmpi sgt, %add3A_64, %sign3A_67 : i32
      %sign3A_69 = arith.extui %sign3A_68 : i1 to i32
      %sign3A_70 = arith.constant 0 : i32
      %sign3A_71 = arith.cmpi slt, %add3A_64, %sign3A_70 : i32
      %sign3A_72 = arith.extui %sign3A_71 : i1 to i32
      %sign3A_73 = arith.subi %sign3A_69, %sign3A_72 : i32
      %sign3A_74 = arith.constant 0 : i32
      %sign3A_75 = arith.cmpi sgt, %jit3A_65, %sign3A_74 : i32
      %sign3A_76 = arith.extui %sign3A_75 : i1 to i32
      %sign3A_77 = arith.constant 0 : i32
      %sign3A_78 = arith.cmpi slt, %jit3A_65, %sign3A_77 : i32
      %sign3A_79 = arith.extui %sign3A_78 : i1 to i32
      %sign3A_80 = arith.subi %sign3A_76, %sign3A_79 : i32
      %ne3A_81 = arith.cmpi ne, %sign3A_73, %sign3A_80 : i32
      %rem3A_82 = arith.remsi %add3A_64, %jit3A_65 : i32
      %ne3A_83 = arith.constant 0 : i32
      %ne3A_84 = arith.cmpi ne, %rem3A_82, %ne3A_83 : i32
      %and3A_85 = arith.andi %ne3A_81, %ne3A_84 : i1
      %sub3A_86 = arith.constant 1 : i32
      %sub3A_87 = arith.subi %div3A_66, %sub3A_86 : i32
      %select_n3A_88 = arith.select %and3A_85, %sub3A_87, %div3A_66 : i32
      %mul3A_89 = arith.constant 16 : i32
      %mul3A_90 = arith.muli %select_n3A_88, %mul3A_89 : i32
      %mul3A_91 = arith.constant 4000 : i32
      %mul3A_92 = arith.muli %mul3A_90, %mul3A_91 : i32
      %jit3A_93 = arith.constant 5 : i32
      %eq3A = arith.constant 0 : i32
      %eq3A_94 = arith.cmpi eq, %jit3A_93, %eq3A : i32
      %jit3A_95 = arith.constant 1 : i32
      %select_n3A_96 = arith.select %eq3A_94, %jit3A_95, %jit3A_93 : i32
      %rem3A_97 = arith.remsi %add3A_64, %select_n3A_96 : i32
      %ne3A_98 = arith.constant 0 : i32
      %ne3A_99 = arith.cmpi ne, %rem3A_97, %ne3A_98 : i32
      %lt3A_100 = arith.constant 0 : i32
      %lt3A_101 = arith.cmpi slt, %rem3A_97, %lt3A_100 : i32
      %lt3A_102 = arith.constant 0 : i32
      %lt3A_103 = arith.cmpi slt, %select_n3A_96, %lt3A_102 : i32
      %ne3A_104 = arith.xori %lt3A_101, %lt3A_103 : i1
      %and3A_105 = arith.andi %ne3A_104, %ne3A_99 : i1
      %add3A_106 = arith.addi %rem3A_97, %select_n3A_96 : i32
      %select_n3A_107 = arith.select %and3A_105, %add3A_106, %rem3A_97 : i32
      %mul3A_108 = arith.constant 800 : i32
      %mul3A_109 = arith.muli %select_n3A_107, %mul3A_108 : i32
      %add3A_110 = arith.addi %mul3A_92, %mul3A_109 : i32
      %add3A_111 = arith.constant 0 : i32
      %add3A_112 = arith.addi %add3A_110, %add3A_111 : i32
      %add3A_113 = arith.constant 4000 : i32
      %add3A_114 = arith.addi %add3A_110, %add3A_113 : i32
      %add3A_115 = arith.constant 8000 : i32
      %add3A_116 = arith.addi %add3A_110, %add3A_115 : i32
      %add3A_117 = arith.constant 12000 : i32
      %add3A_118 = arith.addi %add3A_110, %add3A_117 : i32
      %add3A_119 = arith.constant 16000 : i32
      %add3A_120 = arith.addi %add3A_110, %add3A_119 : i32
      %add3A_121 = arith.constant 20000 : i32
      %add3A_122 = arith.addi %add3A_110, %add3A_121 : i32
      %add3A_123 = arith.constant 24000 : i32
      %add3A_124 = arith.addi %add3A_110, %add3A_123 : i32
      %add3A_125 = arith.constant 28000 : i32
      %add3A_126 = arith.addi %add3A_110, %add3A_125 : i32
      %add3A_127 = arith.constant 32000 : i32
      %add3A_128 = arith.addi %add3A_110, %add3A_127 : i32
      %add3A_129 = arith.constant 36000 : i32
      %add3A_130 = arith.addi %add3A_110, %add3A_129 : i32
      %add3A_131 = arith.constant 40000 : i32
      %add3A_132 = arith.addi %add3A_110, %add3A_131 : i32
      %add3A_133 = arith.constant 44000 : i32
      %add3A_134 = arith.addi %add3A_110, %add3A_133 : i32
      %add3A_135 = arith.constant 48000 : i32
      %add3A_136 = arith.addi %add3A_110, %add3A_135 : i32
      %add3A_137 = arith.constant 52000 : i32
      %add3A_138 = arith.addi %add3A_110, %add3A_137 : i32
      %add3A_139 = arith.constant 56000 : i32
      %add3A_140 = arith.addi %add3A_110, %add3A_139 : i32
      %add3A_141 = arith.constant 60000 : i32
      %add3A_142 = arith.addi %add3A_110, %add3A_141 : i32
      %mul3A_143 = arith.constant 800 : i32
      %mul3A_144 = arith.muli %add3A_64, %mul3A_143 : i32
      %dma_wait3A = arith.constant 0 : i32
      %dma_wait3A_145 = tpu.memref_slice %arg5[%dma_wait3A] : memref<12800xi32, #tpu.memory_space<vmem>> -> memref<800xi32, #tpu.memory_space<vmem>>
      %dma_wait3A_146 = tpu.memref_slice %arg2[%add3A_112] : memref<16000000xi32, #tpu.memory_space<hbm>> -> memref<800xi32, #tpu.memory_space<hbm>>
      %dma_wait3A_147 = arith.constant 0 : i32
      %dma_wait3A_148 = tpu.memref_slice %arg5[%dma_wait3A_147] : memref<12800xi32, #tpu.memory_space<vmem>> -> memref<800xi32, #tpu.memory_space<vmem>>
      %dma_wait3A_149 = tpu.memref_slice %arg2[%add3A_112] : memref<16000000xi32, #tpu.memory_space<hbm>> -> memref<800xi32, #tpu.memory_space<hbm>>
      tpu.wait_dma2 semaphore(%arg10 : memref<!tpu.dma_semaphore, #tpu.memory_space<semaphore_mem>>) src(%dma_wait3A_149 : memref<800xi32, #tpu.memory_space<hbm>>) dst(%dma_wait3A_148 : memref<800xi32, #tpu.memory_space<vmem>>)
      %dma_wait3A_150 = arith.constant 800 : i32
      %dma_wait3A_151 = tpu.memref_slice %arg5[%dma_wait3A_150] : memref<12800xi32, #tpu.memory_space<vmem>> -> memref<800xi32, #tpu.memory_space<vmem>>
      %dma_wait3A_152 = tpu.memref_slice %arg2[%add3A_114] : memref<16000000xi32, #tpu.memory_space<hbm>> -> memref<800xi32, #tpu.memory_space<hbm>>
      %dma_wait3A_153 = arith.constant 800 : i32
      %dma_wait3A_154 = tpu.memref_slice %arg5[%dma_wait3A_153] : memref<12800xi32, #tpu.memory_space<vmem>> -> memref<800xi32, #tpu.memory_space<vmem>>
      %dma_wait3A_155 = tpu.memref_slice %arg2[%add3A_114] : memref<16000000xi32, #tpu.memory_space<hbm>> -> memref<800xi32, #tpu.memory_space<hbm>>
      tpu.wait_dma2 semaphore(%arg10 : memref<!tpu.dma_semaphore, #tpu.memory_space<semaphore_mem>>) src(%dma_wait3A_155 : memref<800xi32, #tpu.memory_space<hbm>>) dst(%dma_wait3A_154 : memref<800xi32, #tpu.memory_space<vmem>>)
      %dma_wait3A_156 = arith.constant 1600 : i32
      %dma_wait3A_157 = tpu.memref_slice %arg5[%dma_wait3A_156] : memref<12800xi32, #tpu.memory_space<vmem>> -> memref<800xi32, #tpu.memory_space<vmem>>
      %dma_wait3A_158 = tpu.memref_slice %arg2[%add3A_116] : memref<16000000xi32, #tpu.memory_space<hbm>> -> memref<800xi32, #tpu.memory_space<hbm>>
      %dma_wait3A_159 = arith.constant 1600 : i32
      %dma_wait3A_160 = tpu.memref_slice %arg5[%dma_wait3A_159] : memref<12800xi32, #tpu.memory_space<vmem>> -> memref<800xi32, #tpu.memory_space<vmem>>
      %dma_wait3A_161 = tpu.memref_slice %arg2[%add3A_116] : memref<16000000xi32, #tpu.memory_space<hbm>> -> memref<800xi32, #tpu.memory_space<hbm>>
      tpu.wait_dma2 semaphore(%arg10 : memref<!tpu.dma_semaphore, #tpu.memory_space<semaphore_mem>>) src(%dma_wait3A_161 : memref<800xi32, #tpu.memory_space<hbm>>) dst(%dma_wait3A_160 : memref<800xi32, #tpu.memory_space<vmem>>)
      %dma_wait3A_162 = arith.constant 2400 : i32
      %dma_wait3A_163 = tpu.memref_slice %arg5[%dma_wait3A_162] : memref<12800xi32, #tpu.memory_space<vmem>> -> memref<800xi32, #tpu.memory_space<vmem>>
      %dma_wait3A_164 = tpu.memref_slice %arg2[%add3A_118] : memref<16000000xi32, #tpu.memory_space<hbm>> -> memref<800xi32, #tpu.memory_space<hbm>>
      %dma_wait3A_165 = arith.constant 2400 : i32
      %dma_wait3A_166 = tpu.memref_slice %arg5[%dma_wait3A_165] : memref<12800xi32, #tpu.memory_space<vmem>> -> memref<800xi32, #tpu.memory_space<vmem>>
      %dma_wait3A_167 = tpu.memref_slice %arg2[%add3A_118] : memref<16000000xi32, #tpu.memory_space<hbm>> -> memref<800xi32, #tpu.memory_space<hbm>>
      tpu.wait_dma2 semaphore(%arg10 : memref<!tpu.dma_semaphore, #tpu.memory_space<semaphore_mem>>) src(%dma_wait3A_167 : memref<800xi32, #tpu.memory_space<hbm>>) dst(%dma_wait3A_166 : memref<800xi32, #tpu.memory_space<vmem>>)
      %dma_wait3A_168 = arith.constant 3200 : i32
      %dma_wait3A_169 = tpu.memref_slice %arg5[%dma_wait3A_168] : memref<12800xi32, #tpu.memory_space<vmem>> -> memref<800xi32, #tpu.memory_space<vmem>>
      %dma_wait3A_170 = tpu.memref_slice %arg2[%add3A_120] : memref<16000000xi32, #tpu.memory_space<hbm>> -> memref<800xi32, #tpu.memory_space<hbm>>
      %dma_wait3A_171 = arith.constant 3200 : i32
      %dma_wait3A_172 = tpu.memref_slice %arg5[%dma_wait3A_171] : memref<12800xi32, #tpu.memory_space<vmem>> -> memref<800xi32, #tpu.memory_space<vmem>>
      %dma_wait3A_173 = tpu.memref_slice %arg2[%add3A_120] : memref<16000000xi32, #tpu.memory_space<hbm>> -> memref<800xi32, #tpu.memory_space<hbm>>
      tpu.wait_dma2 semaphore(%arg10 : memref<!tpu.dma_semaphore, #tpu.memory_space<semaphore_mem>>) src(%dma_wait3A_173 : memref<800xi32, #tpu.memory_space<hbm>>) dst(%dma_wait3A_172 : memref<800xi32, #tpu.memory_space<vmem>>)
      %dma_wait3A_174 = arith.constant 4000 : i32
      %dma_wait3A_175 = tpu.memref_slice %arg5[%dma_wait3A_174] : memref<12800xi32, #tpu.memory_space<vmem>> -> memref<800xi32, #tpu.memory_space<vmem>>
      %dma_wait3A_176 = tpu.memref_slice %arg2[%add3A_122] : memref<16000000xi32, #tpu.memory_space<hbm>> -> memref<800xi32, #tpu.memory_space<hbm>>
      %dma_wait3A_177 = arith.constant 4000 : i32
      %dma_wait3A_178 = tpu.memref_slice %arg5[%dma_wait3A_177] : memref<12800xi32, #tpu.memory_space<vmem>> -> memref<800xi32, #tpu.memory_space<vmem>>
      %dma_wait3A_179 = tpu.memref_slice %arg2[%add3A_122] : memref<16000000xi32, #tpu.memory_space<hbm>> -> memref<800xi32, #tpu.memory_space<hbm>>
      tpu.wait_dma2 semaphore(%arg10 : memref<!tpu.dma_semaphore, #tpu.memory_space<semaphore_mem>>) src(%dma_wait3A_179 : memref<800xi32, #tpu.memory_space<hbm>>) dst(%dma_wait3A_178 : memref<800xi32, #tpu.memory_space<vmem>>)
      %dma_wait3A_180 = arith.constant 4800 : i32
      %dma_wait3A_181 = tpu.memref_slice %arg5[%dma_wait3A_180] : memref<12800xi32, #tpu.memory_space<vmem>> -> memref<800xi32, #tpu.memory_space<vmem>>
      %dma_wait3A_182 = tpu.memref_slice %arg2[%add3A_124] : memref<16000000xi32, #tpu.memory_space<hbm>> -> memref<800xi32, #tpu.memory_space<hbm>>
      %dma_wait3A_183 = arith.constant 4800 : i32
      %dma_wait3A_184 = tpu.memref_slice %arg5[%dma_wait3A_183] : memref<12800xi32, #tpu.memory_space<vmem>> -> memref<800xi32, #tpu.memory_space<vmem>>
      %dma_wait3A_185 = tpu.memref_slice %arg2[%add3A_124] : memref<16000000xi32, #tpu.memory_space<hbm>> -> memref<800xi32, #tpu.memory_space<hbm>>
      tpu.wait_dma2 semaphore(%arg10 : memref<!tpu.dma_semaphore, #tpu.memory_space<semaphore_mem>>) src(%dma_wait3A_185 : memref<800xi32, #tpu.memory_space<hbm>>) dst(%dma_wait3A_184 : memref<800xi32, #tpu.memory_space<vmem>>)
      %dma_wait3A_186 = arith.constant 5600 : i32
      %dma_wait3A_187 = tpu.memref_slice %arg5[%dma_wait3A_186] : memref<12800xi32, #tpu.memory_space<vmem>> -> memref<800xi32, #tpu.memory_space<vmem>>
      %dma_wait3A_188 = tpu.memref_slice %arg2[%add3A_126] : memref<16000000xi32, #tpu.memory_space<hbm>> -> memref<800xi32, #tpu.memory_space<hbm>>
      %dma_wait3A_189 = arith.constant 5600 : i32
      %dma_wait3A_190 = tpu.memref_slice %arg5[%dma_wait3A_189] : memref<12800xi32, #tpu.memory_space<vmem>> -> memref<800xi32, #tpu.memory_space<vmem>>
      %dma_wait3A_191 = tpu.memref_slice %arg2[%add3A_126] : memref<16000000xi32, #tpu.memory_space<hbm>> -> memref<800xi32, #tpu.memory_space<hbm>>
      tpu.wait_dma2 semaphore(%arg10 : memref<!tpu.dma_semaphore, #tpu.memory_space<semaphore_mem>>) src(%dma_wait3A_191 : memref<800xi32, #tpu.memory_space<hbm>>) dst(%dma_wait3A_190 : memref<800xi32, #tpu.memory_space<vmem>>)
      %dma_wait3A_192 = arith.constant 6400 : i32
      %dma_wait3A_193 = tpu.memref_slice %arg5[%dma_wait3A_192] : memref<12800xi32, #tpu.memory_space<vmem>> -> memref<800xi32, #tpu.memory_space<vmem>>
      %dma_wait3A_194 = tpu.memref_slice %arg2[%add3A_128] : memref<16000000xi32, #tpu.memory_space<hbm>> -> memref<800xi32, #tpu.memory_space<hbm>>
      %dma_wait3A_195 = arith.constant 6400 : i32
      %dma_wait3A_196 = tpu.memref_slice %arg5[%dma_wait3A_195] : memref<12800xi32, #tpu.memory_space<vmem>> -> memref<800xi32, #tpu.memory_space<vmem>>
      %dma_wait3A_197 = tpu.memref_slice %arg2[%add3A_128] : memref<16000000xi32, #tpu.memory_space<hbm>> -> memref<800xi32, #tpu.memory_space<hbm>>
      tpu.wait_dma2 semaphore(%arg10 : memref<!tpu.dma_semaphore, #tpu.memory_space<semaphore_mem>>) src(%dma_wait3A_197 : memref<800xi32, #tpu.memory_space<hbm>>) dst(%dma_wait3A_196 : memref<800xi32, #tpu.memory_space<vmem>>)
      %dma_wait3A_198 = arith.constant 7200 : i32
      %dma_wait3A_199 = tpu.memref_slice %arg5[%dma_wait3A_198] : memref<12800xi32, #tpu.memory_space<vmem>> -> memref<800xi32, #tpu.memory_space<vmem>>
      %dma_wait3A_200 = tpu.memref_slice %arg2[%add3A_130] : memref<16000000xi32, #tpu.memory_space<hbm>> -> memref<800xi32, #tpu.memory_space<hbm>>
      %dma_wait3A_201 = arith.constant 7200 : i32
      %dma_wait3A_202 = tpu.memref_slice %arg5[%dma_wait3A_201] : memref<12800xi32, #tpu.memory_space<vmem>> -> memref<800xi32, #tpu.memory_space<vmem>>
      %dma_wait3A_203 = tpu.memref_slice %arg2[%add3A_130] : memref<16000000xi32, #tpu.memory_space<hbm>> -> memref<800xi32, #tpu.memory_space<hbm>>
      tpu.wait_dma2 semaphore(%arg10 : memref<!tpu.dma_semaphore, #tpu.memory_space<semaphore_mem>>) src(%dma_wait3A_203 : memref<800xi32, #tpu.memory_space<hbm>>) dst(%dma_wait3A_202 : memref<800xi32, #tpu.memory_space<vmem>>)
      %dma_wait3A_204 = arith.constant 8000 : i32
      %dma_wait3A_205 = tpu.memref_slice %arg5[%dma_wait3A_204] : memref<12800xi32, #tpu.memory_space<vmem>> -> memref<800xi32, #tpu.memory_space<vmem>>
      %dma_wait3A_206 = tpu.memref_slice %arg2[%add3A_132] : memref<16000000xi32, #tpu.memory_space<hbm>> -> memref<800xi32, #tpu.memory_space<hbm>>
      %dma_wait3A_207 = arith.constant 8000 : i32
      %dma_wait3A_208 = tpu.memref_slice %arg5[%dma_wait3A_207] : memref<12800xi32, #tpu.memory_space<vmem>> -> memref<800xi32, #tpu.memory_space<vmem>>
      %dma_wait3A_209 = tpu.memref_slice %arg2[%add3A_132] : memref<16000000xi32, #tpu.memory_space<hbm>> -> memref<800xi32, #tpu.memory_space<hbm>>
      tpu.wait_dma2 semaphore(%arg10 : memref<!tpu.dma_semaphore, #tpu.memory_space<semaphore_mem>>) src(%dma_wait3A_209 : memref<800xi32, #tpu.memory_space<hbm>>) dst(%dma_wait3A_208 : memref<800xi32, #tpu.memory_space<vmem>>)
      %dma_wait3A_210 = arith.constant 8800 : i32
      %dma_wait3A_211 = tpu.memref_slice %arg5[%dma_wait3A_210] : memref<12800xi32, #tpu.memory_space<vmem>> -> memref<800xi32, #tpu.memory_space<vmem>>
      %dma_wait3A_212 = tpu.memref_slice %arg2[%add3A_134] : memref<16000000xi32, #tpu.memory_space<hbm>> -> memref<800xi32, #tpu.memory_space<hbm>>
      %dma_wait3A_213 = arith.constant 8800 : i32
      %dma_wait3A_214 = tpu.memref_slice %arg5[%dma_wait3A_213] : memref<12800xi32, #tpu.memory_space<vmem>> -> memref<800xi32, #tpu.memory_space<vmem>>
      %dma_wait3A_215 = tpu.memref_slice %arg2[%add3A_134] : memref<16000000xi32, #tpu.memory_space<hbm>> -> memref<800xi32, #tpu.memory_space<hbm>>
      tpu.wait_dma2 semaphore(%arg10 : memref<!tpu.dma_semaphore, #tpu.memory_space<semaphore_mem>>) src(%dma_wait3A_215 : memref<800xi32, #tpu.memory_space<hbm>>) dst(%dma_wait3A_214 : memref<800xi32, #tpu.memory_space<vmem>>)
      %dma_wait3A_216 = arith.constant 9600 : i32
      %dma_wait3A_217 = tpu.memref_slice %arg5[%dma_wait3A_216] : memref<12800xi32, #tpu.memory_space<vmem>> -> memref<800xi32, #tpu.memory_space<vmem>>
      %dma_wait3A_218 = tpu.memref_slice %arg2[%add3A_136] : memref<16000000xi32, #tpu.memory_space<hbm>> -> memref<800xi32, #tpu.memory_space<hbm>>
      %dma_wait3A_219 = arith.constant 9600 : i32
      %dma_wait3A_220 = tpu.memref_slice %arg5[%dma_wait3A_219] : memref<12800xi32, #tpu.memory_space<vmem>> -> memref<800xi32, #tpu.memory_space<vmem>>
      %dma_wait3A_221 = tpu.memref_slice %arg2[%add3A_136] : memref<16000000xi32, #tpu.memory_space<hbm>> -> memref<800xi32, #tpu.memory_space<hbm>>
      tpu.wait_dma2 semaphore(%arg10 : memref<!tpu.dma_semaphore, #tpu.memory_space<semaphore_mem>>) src(%dma_wait3A_221 : memref<800xi32, #tpu.memory_space<hbm>>) dst(%dma_wait3A_220 : memref<800xi32, #tpu.memory_space<vmem>>)
      %dma_wait3A_222 = arith.constant 10400 : i32
      %dma_wait3A_223 = tpu.memref_slice %arg5[%dma_wait3A_222] : memref<12800xi32, #tpu.memory_space<vmem>> -> memref<800xi32, #tpu.memory_space<vmem>>
      %dma_wait3A_224 = tpu.memref_slice %arg2[%add3A_138] : memref<16000000xi32, #tpu.memory_space<hbm>> -> memref<800xi32, #tpu.memory_space<hbm>>
      %dma_wait3A_225 = arith.constant 10400 : i32
      %dma_wait3A_226 = tpu.memref_slice %arg5[%dma_wait3A_225] : memref<12800xi32, #tpu.memory_space<vmem>> -> memref<800xi32, #tpu.memory_space<vmem>>
      %dma_wait3A_227 = tpu.memref_slice %arg2[%add3A_138] : memref<16000000xi32, #tpu.memory_space<hbm>> -> memref<800xi32, #tpu.memory_space<hbm>>
      tpu.wait_dma2 semaphore(%arg10 : memref<!tpu.dma_semaphore, #tpu.memory_space<semaphore_mem>>) src(%dma_wait3A_227 : memref<800xi32, #tpu.memory_space<hbm>>) dst(%dma_wait3A_226 : memref<800xi32, #tpu.memory_space<vmem>>)
      %dma_wait3A_228 = arith.constant 11200 : i32
      %dma_wait3A_229 = tpu.memref_slice %arg5[%dma_wait3A_228] : memref<12800xi32, #tpu.memory_space<vmem>> -> memref<800xi32, #tpu.memory_space<vmem>>
      %dma_wait3A_230 = tpu.memref_slice %arg2[%add3A_140] : memref<16000000xi32, #tpu.memory_space<hbm>> -> memref<800xi32, #tpu.memory_space<hbm>>
      %dma_wait3A_231 = arith.constant 11200 : i32
      %dma_wait3A_232 = tpu.memref_slice %arg5[%dma_wait3A_231] : memref<12800xi32, #tpu.memory_space<vmem>> -> memref<800xi32, #tpu.memory_space<vmem>>
      %dma_wait3A_233 = tpu.memref_slice %arg2[%add3A_140] : memref<16000000xi32, #tpu.memory_space<hbm>> -> memref<800xi32, #tpu.memory_space<hbm>>
      tpu.wait_dma2 semaphore(%arg10 : memref<!tpu.dma_semaphore, #tpu.memory_space<semaphore_mem>>) src(%dma_wait3A_233 : memref<800xi32, #tpu.memory_space<hbm>>) dst(%dma_wait3A_232 : memref<800xi32, #tpu.memory_space<vmem>>)
      %dma_wait3A_234 = arith.constant 12000 : i32
      %dma_wait3A_235 = tpu.memref_slice %arg5[%dma_wait3A_234] : memref<12800xi32, #tpu.memory_space<vmem>> -> memref<800xi32, #tpu.memory_space<vmem>>
      %dma_wait3A_236 = tpu.memref_slice %arg2[%add3A_142] : memref<16000000xi32, #tpu.memory_space<hbm>> -> memref<800xi32, #tpu.memory_space<hbm>>
      %dma_wait3A_237 = arith.constant 12000 : i32
      %dma_wait3A_238 = tpu.memref_slice %arg5[%dma_wait3A_237] : memref<12800xi32, #tpu.memory_space<vmem>> -> memref<800xi32, #tpu.memory_space<vmem>>
      %dma_wait3A_239 = tpu.memref_slice %arg2[%add3A_142] : memref<16000000xi32, #tpu.memory_space<hbm>> -> memref<800xi32, #tpu.memory_space<hbm>>
      tpu.wait_dma2 semaphore(%arg10 : memref<!tpu.dma_semaphore, #tpu.memory_space<semaphore_mem>>) src(%dma_wait3A_239 : memref<800xi32, #tpu.memory_space<hbm>>) dst(%dma_wait3A_238 : memref<800xi32, #tpu.memory_space<vmem>>)
      %dma_wait3A_240 = tpu.memref_slice %arg3[%mul3A_144] : memref<1000000xi32, #tpu.memory_space<hbm>> -> memref<800xi32, #tpu.memory_space<hbm>>
      %dma_wait3A_241 = tpu.memref_slice %arg3[%mul3A_144] : memref<1000000xi32, #tpu.memory_space<hbm>> -> memref<800xi32, #tpu.memory_space<hbm>>
      tpu.wait_dma2 semaphore(%arg10 : memref<!tpu.dma_semaphore, #tpu.memory_space<semaphore_mem>>) src(%dma_wait3A_241 : memref<800xi32, #tpu.memory_space<hbm>>) dst(%arg7 : memref<800xi32, #tpu.memory_space<vmem>>)
      %scan3A_242 = arith.constant 0 : i32
      %scan3A_243 = arith.constant 0 : i32
      %scan3A_244 = arith.constant 800 : i32
      %scan3A_245 = arith.addi %scan3A_243, %scan3A_244 : i32
      %scan3A_246 = arith.constant 16 : i32
      scf.for %scan3A_266 = %scan3A_243 to %scan3A_245 step %scan3A_246  : i32 {
        %mul3A_267 = arith.constant 16 : i32
        %mul3A_268 = arith.muli %scan3A_266, %mul3A_267 : i32
        %get3A = arith.index_cast %mul3A_268 : i32 to index
        %get3A_269 = tpu.vector_load %arg5[%get3A] {strides = array<i32>} : memref<12800xi32, #tpu.memory_space<vmem>>, vector<16xi32>,
        %add3A_270 = arith.addi %get3A_269, %iota3A : vector<16xi32>
        tpu.vector_store_idx %arg9[%add3A_270], %broadcast_in_dim3A_10 {add = true} : memref<102912xi32, #tpu.memory_space<vmem>>[vector<16xi32>], vector<16xi32>,
        %scan3A_271 = arith.constant 1 : i32
        %scan3A_272 = arith.addi %scan3A_266, %scan3A_271 : i32
        %mul3A_273 = arith.constant 16 : i32
        %mul3A_274 = arith.muli %scan3A_272, %mul3A_273 : i32
        %get3A_275 = arith.index_cast %mul3A_274 : i32 to index
        %get3A_276 = tpu.vector_load %arg5[%get3A_275] {strides = array<i32>} : memref<12800xi32, #tpu.memory_space<vmem>>, vector<16xi32>,
        %add3A_277 = arith.addi %get3A_276, %iota3A : vector<16xi32>
        tpu.vector_store_idx %arg9[%add3A_277], %broadcast_in_dim3A_10 {add = true} : memref<102912xi32, #tpu.memory_space<vmem>>[vector<16xi32>], vector<16xi32>,
        %scan3A_278 = arith.constant 2 : i32
        %scan3A_279 = arith.addi %scan3A_266, %scan3A_278 : i32
        %mul3A_280 = arith.constant 16 : i32
        %mul3A_281 = arith.muli %scan3A_279, %mul3A_280 : i32
        %get3A_282 = arith.index_cast %mul3A_281 : i32 to index
        %get3A_283 = tpu.vector_load %arg5[%get3A_282] {strides = array<i32>} : memref<12800xi32, #tpu.memory_space<vmem>>, vector<16xi32>,
        %add3A_284 = arith.addi %get3A_283, %iota3A : vector<16xi32>
        tpu.vector_store_idx %arg9[%add3A_284], %broadcast_in_dim3A_10 {add = true} : memref<102912xi32, #tpu.memory_space<vmem>>[vector<16xi32>], vector<16xi32>,
        %scan3A_285 = arith.constant 3 : i32
        %scan3A_286 = arith.addi %scan3A_266, %scan3A_285 : i32
        %mul3A_287 = arith.constant 16 : i32
        %mul3A_288 = arith.muli %scan3A_286, %mul3A_287 : i32
        %get3A_289 = arith.index_cast %mul3A_288 : i32 to index
        %get3A_290 = tpu.vector_load %arg5[%get3A_289] {strides = array<i32>} : memref<12800xi32, #tpu.memory_space<vmem>>, vector<16xi32>,
        %add3A_291 = arith.addi %get3A_290, %iota3A : vector<16xi32>
        tpu.vector_store_idx %arg9[%add3A_291], %broadcast_in_dim3A_10 {add = true} : memref<102912xi32, #tpu.memory_space<vmem>>[vector<16xi32>], vector<16xi32>,
        %scan3A_292 = arith.constant 4 : i32
        %scan3A_293 = arith.addi %scan3A_266, %scan3A_292 : i32
        %mul3A_294 = arith.constant 16 : i32
        %mul3A_295 = arith.muli %scan3A_293, %mul3A_294 : i32
        %get3A_296 = arith.index_cast %mul3A_295 : i32 to index
        %get3A_297 = tpu.vector_load %arg5[%get3A_296] {strides = array<i32>} : memref<12800xi32, #tpu.memory_space<vmem>>, vector<16xi32>,
        %add3A_298 = arith.addi %get3A_297, %iota3A : vector<16xi32>
        tpu.vector_store_idx %arg9[%add3A_298], %broadcast_in_dim3A_10 {add = true} : memref<102912xi32, #tpu.memory_space<vmem>>[vector<16xi32>], vector<16xi32>,
        %scan3A_299 = arith.constant 5 : i32
        %scan3A_300 = arith.addi %scan3A_266, %scan3A_299 : i32
        %mul3A_301 = arith.constant 16 : i32
        %mul3A_302 = arith.muli %scan3A_300, %mul3A_301 : i32
        %get3A_303 = arith.index_cast %mul3A_302 : i32 to index
        %get3A_304 = tpu.vector_load %arg5[%get3A_303] {strides = array<i32>} : memref<12800xi32, #tpu.memory_space<vmem>>, vector<16xi32>,
        %add3A_305 = arith.addi %get3A_304, %iota3A : vector<16xi32>
        tpu.vector_store_idx %arg9[%add3A_305], %broadcast_in_dim3A_10 {add = true} : memref<102912xi32, #tpu.memory_space<vmem>>[vector<16xi32>], vector<16xi32>,
        %scan3A_306 = arith.constant 6 : i32
        %scan3A_307 = arith.addi %scan3A_266, %scan3A_306 : i32
        %mul3A_308 = arith.constant 16 : i32
        %mul3A_309 = arith.muli %scan3A_307, %mul3A_308 : i32
        %get3A_310 = arith.index_cast %mul3A_309 : i32 to index
        %get3A_311 = tpu.vector_load %arg5[%get3A_310] {strides = array<i32>} : memref<12800xi32, #tpu.memory_space<vmem>>, vector<16xi32>,
        %add3A_312 = arith.addi %get3A_311, %iota3A : vector<16xi32>
        tpu.vector_store_idx %arg9[%add3A_312], %broadcast_in_dim3A_10 {add = true} : memref<102912xi32, #tpu.memory_space<vmem>>[vector<16xi32>], vector<16xi32>,
        %scan3A_313 = arith.constant 7 : i32
        %scan3A_314 = arith.addi %scan3A_266, %scan3A_313 : i32
        %mul3A_315 = arith.constant 16 : i32
        %mul3A_316 = arith.muli %scan3A_314, %mul3A_315 : i32
        %get3A_317 = arith.index_cast %mul3A_316 : i32 to index
        %get3A_318 = tpu.vector_load %arg5[%get3A_317] {strides = array<i32>} : memref<12800xi32, #tpu.memory_space<vmem>>, vector<16xi32>,
        %add3A_319 = arith.addi %get3A_318, %iota3A : vector<16xi32>
        tpu.vector_store_idx %arg9[%add3A_319], %broadcast_in_dim3A_10 {add = true} : memref<102912xi32, #tpu.memory_space<vmem>>[vector<16xi32>], vector<16xi32>,
        %scan3A_320 = arith.constant 8 : i32
        %scan3A_321 = arith.addi %scan3A_266, %scan3A_320 : i32
        %mul3A_322 = arith.constant 16 : i32
        %mul3A_323 = arith.muli %scan3A_321, %mul3A_322 : i32
        %get3A_324 = arith.index_cast %mul3A_323 : i32 to index
        %get3A_325 = tpu.vector_load %arg5[%get3A_324] {strides = array<i32>} : memref<12800xi32, #tpu.memory_space<vmem>>, vector<16xi32>,
        %add3A_326 = arith.addi %get3A_325, %iota3A : vector<16xi32>
        tpu.vector_store_idx %arg9[%add3A_326], %broadcast_in_dim3A_10 {add = true} : memref<102912xi32, #tpu.memory_space<vmem>>[vector<16xi32>], vector<16xi32>,
        %scan3A_327 = arith.constant 9 : i32
        %scan3A_328 = arith.addi %scan3A_266, %scan3A_327 : i32
        %mul3A_329 = arith.constant 16 : i32
        %mul3A_330 = arith.muli %scan3A_328, %mul3A_329 : i32
        %get3A_331 = arith.index_cast %mul3A_330 : i32 to index
        %get3A_332 = tpu.vector_load %arg5[%get3A_331] {strides = array<i32>} : memref<12800xi32, #tpu.memory_space<vmem>>, vector<16xi32>,
        %add3A_333 = arith.addi %get3A_332, %iota3A : vector<16xi32>
        tpu.vector_store_idx %arg9[%add3A_333], %broadcast_in_dim3A_10 {add = true} : memref<102912xi32, #tpu.memory_space<vmem>>[vector<16xi32>], vector<16xi32>,
        %scan3A_334 = arith.constant 10 : i32
        %scan3A_335 = arith.addi %scan3A_266, %scan3A_334 : i32
        %mul3A_336 = arith.constant 16 : i32
        %mul3A_337 = arith.muli %scan3A_335, %mul3A_336 : i32
        %get3A_338 = arith.index_cast %mul3A_337 : i32 to index
        %get3A_339 = tpu.vector_load %arg5[%get3A_338] {strides = array<i32>} : memref<12800xi32, #tpu.memory_space<vmem>>, vector<16xi32>,
        %add3A_340 = arith.addi %get3A_339, %iota3A : vector<16xi32>
        tpu.vector_store_idx %arg9[%add3A_340], %broadcast_in_dim3A_10 {add = true} : memref<102912xi32, #tpu.memory_space<vmem>>[vector<16xi32>], vector<16xi32>,
        %scan3A_341 = arith.constant 11 : i32
        %scan3A_342 = arith.addi %scan3A_266, %scan3A_341 : i32
        %mul3A_343 = arith.constant 16 : i32
        %mul3A_344 = arith.muli %scan3A_342, %mul3A_343 : i32
        %get3A_345 = arith.index_cast %mul3A_344 : i32 to index
        %get3A_346 = tpu.vector_load %arg5[%get3A_345] {strides = array<i32>} : memref<12800xi32, #tpu.memory_space<vmem>>, vector<16xi32>,
        %add3A_347 = arith.addi %get3A_346, %iota3A : vector<16xi32>
        tpu.vector_store_idx %arg9[%add3A_347], %broadcast_in_dim3A_10 {add = true} : memref<102912xi32, #tpu.memory_space<vmem>>[vector<16xi32>], vector<16xi32>,
        %scan3A_348 = arith.constant 12 : i32
        %scan3A_349 = arith.addi %scan3A_266, %scan3A_348 : i32
        %mul3A_350 = arith.constant 16 : i32
        %mul3A_351 = arith.muli %scan3A_349, %mul3A_350 : i32
        %get3A_352 = arith.index_cast %mul3A_351 : i32 to index
        %get3A_353 = tpu.vector_load %arg5[%get3A_352] {strides = array<i32>} : memref<12800xi32, #tpu.memory_space<vmem>>, vector<16xi32>,
        %add3A_354 = arith.addi %get3A_353, %iota3A : vector<16xi32>
        tpu.vector_store_idx %arg9[%add3A_354], %broadcast_in_dim3A_10 {add = true} : memref<102912xi32, #tpu.memory_space<vmem>>[vector<16xi32>], vector<16xi32>,
        %scan3A_355 = arith.constant 13 : i32
        %scan3A_356 = arith.addi %scan3A_266, %scan3A_355 : i32
        %mul3A_357 = arith.constant 16 : i32
        %mul3A_358 = arith.muli %scan3A_356, %mul3A_357 : i32
        %get3A_359 = arith.index_cast %mul3A_358 : i32 to index
        %get3A_360 = tpu.vector_load %arg5[%get3A_359] {strides = array<i32>} : memref<12800xi32, #tpu.memory_space<vmem>>, vector<16xi32>,
        %add3A_361 = arith.addi %get3A_360, %iota3A : vector<16xi32>
        tpu.vector_store_idx %arg9[%add3A_361], %broadcast_in_dim3A_10 {add = true} : memref<102912xi32, #tpu.memory_space<vmem>>[vector<16xi32>], vector<16xi32>,
        %scan3A_362 = arith.constant 14 : i32
        %scan3A_363 = arith.addi %scan3A_266, %scan3A_362 : i32
        %mul3A_364 = arith.constant 16 : i32
        %mul3A_365 = arith.muli %scan3A_363, %mul3A_364 : i32
        %get3A_366 = arith.index_cast %mul3A_365 : i32 to index
        %get3A_367 = tpu.vector_load %arg5[%get3A_366] {strides = array<i32>} : memref<12800xi32, #tpu.memory_space<vmem>>, vector<16xi32>,
        %add3A_368 = arith.addi %get3A_367, %iota3A : vector<16xi32>
        tpu.vector_store_idx %arg9[%add3A_368], %broadcast_in_dim3A_10 {add = true} : memref<102912xi32, #tpu.memory_space<vmem>>[vector<16xi32>], vector<16xi32>,
        %scan3A_369 = arith.constant 15 : i32
        %scan3A_370 = arith.addi %scan3A_266, %scan3A_369 : i32
        %mul3A_371 = arith.constant 16 : i32
        %mul3A_372 = arith.muli %scan3A_370, %mul3A_371 : i32
        %get3A_373 = arith.index_cast %mul3A_372 : i32 to index
        %get3A_374 = tpu.vector_load %arg5[%get3A_373] {strides = array<i32>} : memref<12800xi32, #tpu.memory_space<vmem>>, vector<16xi32>,
        %add3A_375 = arith.addi %get3A_374, %iota3A : vector<16xi32>
        tpu.vector_store_idx %arg9[%add3A_375], %broadcast_in_dim3A_10 {add = true} : memref<102912xi32, #tpu.memory_space<vmem>>[vector<16xi32>], vector<16xi32>,
      }
      %scan3A_247 = arith.constant 800 : i32
      %scan3A_248 = arith.constant 0 : i32
      %scan3A_249 = arith.constant 0 : i32
      %scan3A_250 = arith.constant 50 : i32
      %scan3A_251 = arith.addi %scan3A_249, %scan3A_250 : i32
      %scan3A_252 = arith.constant 10 : i32
      scf.for %scan3A_266 = %scan3A_249 to %scan3A_251 step %scan3A_252  : i32 {
        %mul3A_267 = arith.constant 16 : i32
        %mul3A_268 = arith.muli %scan3A_266, %mul3A_267 : i32
        %get3A = arith.index_cast %mul3A_268 : i32 to index
        %get3A_269 = tpu.vector_load %arg7[%get3A] {strides = array<i32>} : memref<800xi32, #tpu.memory_space<vmem>>, vector<16xi32>,
        %add3A_270 = arith.addi %get3A_269, %iota3A : vector<16xi32>
        tpu.vector_store_idx %arg9[%add3A_270], %broadcast_in_dim3A_10 {add = true} : memref<102912xi32, #tpu.memory_space<vmem>>[vector<16xi32>], vector<16xi32>,
        %scan3A_271 = arith.constant 1 : i32
        %scan3A_272 = arith.addi %scan3A_266, %scan3A_271 : i32
        %mul3A_273 = arith.constant 16 : i32
        %mul3A_274 = arith.muli %scan3A_272, %mul3A_273 : i32
        %get3A_275 = arith.index_cast %mul3A_274 : i32 to index
        %get3A_276 = tpu.vector_load %arg7[%get3A_275] {strides = array<i32>} : memref<800xi32, #tpu.memory_space<vmem>>, vector<16xi32>,
        %add3A_277 = arith.addi %get3A_276, %iota3A : vector<16xi32>
        tpu.vector_store_idx %arg9[%add3A_277], %broadcast_in_dim3A_10 {add = true} : memref<102912xi32, #tpu.memory_space<vmem>>[vector<16xi32>], vector<16xi32>,
        %scan3A_278 = arith.constant 2 : i32
        %scan3A_279 = arith.addi %scan3A_266, %scan3A_278 : i32
        %mul3A_280 = arith.constant 16 : i32
        %mul3A_281 = arith.muli %scan3A_279, %mul3A_280 : i32
        %get3A_282 = arith.index_cast %mul3A_281 : i32 to index
        %get3A_283 = tpu.vector_load %arg7[%get3A_282] {strides = array<i32>} : memref<800xi32, #tpu.memory_space<vmem>>, vector<16xi32>,
        %add3A_284 = arith.addi %get3A_283, %iota3A : vector<16xi32>
        tpu.vector_store_idx %arg9[%add3A_284], %broadcast_in_dim3A_10 {add = true} : memref<102912xi32, #tpu.memory_space<vmem>>[vector<16xi32>], vector<16xi32>,
        %scan3A_285 = arith.constant 3 : i32
        %scan3A_286 = arith.addi %scan3A_266, %scan3A_285 : i32
        %mul3A_287 = arith.constant 16 : i32
        %mul3A_288 = arith.muli %scan3A_286, %mul3A_287 : i32
        %get3A_289 = arith.index_cast %mul3A_288 : i32 to index
        %get3A_290 = tpu.vector_load %arg7[%get3A_289] {strides = array<i32>} : memref<800xi32, #tpu.memory_space<vmem>>, vector<16xi32>,
        %add3A_291 = arith.addi %get3A_290, %iota3A : vector<16xi32>
        tpu.vector_store_idx %arg9[%add3A_291], %broadcast_in_dim3A_10 {add = true} : memref<102912xi32, #tpu.memory_space<vmem>>[vector<16xi32>], vector<16xi32>,
        %scan3A_292 = arith.constant 4 : i32
        %scan3A_293 = arith.addi %scan3A_266, %scan3A_292 : i32
        %mul3A_294 = arith.constant 16 : i32
        %mul3A_295 = arith.muli %scan3A_293, %mul3A_294 : i32
        %get3A_296 = arith.index_cast %mul3A_295 : i32 to index
        %get3A_297 = tpu.vector_load %arg7[%get3A_296] {strides = array<i32>} : memref<800xi32, #tpu.memory_space<vmem>>, vector<16xi32>,
        %add3A_298 = arith.addi %get3A_297, %iota3A : vector<16xi32>
        tpu.vector_store_idx %arg9[%add3A_298], %broadcast_in_dim3A_10 {add = true} : memref<102912xi32, #tpu.memory_space<vmem>>[vector<16xi32>], vector<16xi32>,
        %scan3A_299 = arith.constant 5 : i32
        %scan3A_300 = arith.addi %scan3A_266, %scan3A_299 : i32
        %mul3A_301 = arith.constant 16 : i32
        %mul3A_302 = arith.muli %scan3A_300, %mul3A_301 : i32
        %get3A_303 = arith.index_cast %mul3A_302 : i32 to index
        %get3A_304 = tpu.vector_load %arg7[%get3A_303] {strides = array<i32>} : memref<800xi32, #tpu.memory_space<vmem>>, vector<16xi32>,
        %add3A_305 = arith.addi %get3A_304, %iota3A : vector<16xi32>
        tpu.vector_store_idx %arg9[%add3A_305], %broadcast_in_dim3A_10 {add = true} : memref<102912xi32, #tpu.memory_space<vmem>>[vector<16xi32>], vector<16xi32>,
        %scan3A_306 = arith.constant 6 : i32
        %scan3A_307 = arith.addi %scan3A_266, %scan3A_306 : i32
        %mul3A_308 = arith.constant 16 : i32
        %mul3A_309 = arith.muli %scan3A_307, %mul3A_308 : i32
        %get3A_310 = arith.index_cast %mul3A_309 : i32 to index
        %get3A_311 = tpu.vector_load %arg7[%get3A_310] {strides = array<i32>} : memref<800xi32, #tpu.memory_space<vmem>>, vector<16xi32>,
        %add3A_312 = arith.addi %get3A_311, %iota3A : vector<16xi32>
        tpu.vector_store_idx %arg9[%add3A_312], %broadcast_in_dim3A_10 {add = true} : memref<102912xi32, #tpu.memory_space<vmem>>[vector<16xi32>], vector<16xi32>,
        %scan3A_313 = arith.constant 7 : i32
        %scan3A_314 = arith.addi %scan3A_266, %scan3A_313 : i32
        %mul3A_315 = arith.constant 16 : i32
        %mul3A_316 = arith.muli %scan3A_314, %mul3A_315 : i32
        %get3A_317 = arith.index_cast %mul3A_316 : i32 to index
        %get3A_318 = tpu.vector_load %arg7[%get3A_317] {strides = array<i32>} : memref<800xi32, #tpu.memory_space<vmem>>, vector<16xi32>,
        %add3A_319 = arith.addi %get3A_318, %iota3A : vector<16xi32>
        tpu.vector_store_idx %arg9[%add3A_319], %broadcast_in_dim3A_10 {add = true} : memref<102912xi32, #tpu.memory_space<vmem>>[vector<16xi32>], vector<16xi32>,
        %scan3A_320 = arith.constant 8 : i32
        %scan3A_321 = arith.addi %scan3A_266, %scan3A_320 : i32
        %mul3A_322 = arith.constant 16 : i32
        %mul3A_323 = arith.muli %scan3A_321, %mul3A_322 : i32
        %get3A_324 = arith.index_cast %mul3A_323 : i32 to index
        %get3A_325 = tpu.vector_load %arg7[%get3A_324] {strides = array<i32>} : memref<800xi32, #tpu.memory_space<vmem>>, vector<16xi32>,
        %add3A_326 = arith.addi %get3A_325, %iota3A : vector<16xi32>
        tpu.vector_store_idx %arg9[%add3A_326], %broadcast_in_dim3A_10 {add = true} : memref<102912xi32, #tpu.memory_space<vmem>>[vector<16xi32>], vector<16xi32>,
        %scan3A_327 = arith.constant 9 : i32
        %scan3A_328 = arith.addi %scan3A_266, %scan3A_327 : i32
        %mul3A_329 = arith.constant 16 : i32
        %mul3A_330 = arith.muli %scan3A_328, %mul3A_329 : i32
        %get3A_331 = arith.index_cast %mul3A_330 : i32 to index
        %get3A_332 = tpu.vector_load %arg7[%get3A_331] {strides = array<i32>} : memref<800xi32, #tpu.memory_space<vmem>>, vector<16xi32>,
        %add3A_333 = arith.addi %get3A_332, %iota3A : vector<16xi32>
        tpu.vector_store_idx %arg9[%add3A_333], %broadcast_in_dim3A_10 {add = true} : memref<102912xi32, #tpu.memory_space<vmem>>[vector<16xi32>], vector<16xi32>,
      }
      %scan3A_253 = arith.constant 50 : i32
      %add3A_254 = arith.constant 2 : i32
      %add3A_255 = arith.addi %mul3A_55, %add3A_254 : i32
      %lt3A_256 = arith.cmpi slt, %add3A_255, %select_n3A : i32
      %convert_element_type3A_257 = arith.extui %lt3A_256 : i1 to i32
      %cond3A_258 = arith.constant 0 : i32
      %cond3A_259 = arith.cmpi ne, %convert_element_type3A_257, %cond3A_258 : i32
      scf.if %cond3A_259 {
        %add3A_266 = arith.constant 2 : i32
        %add3A_267 = arith.addi %mul3A_55, %add3A_266 : i32
        %mul3A_268 = arith.constant 32 : i32
        %mul3A_269 = arith.muli %add3A_267, %mul3A_268 : i32
        %add3A_270 = arith.addi %add3A, %mul3A_269 : i32
        %jit3A_271 = arith.constant 5 : i32
        %div3A_272 = arith.divsi %add3A_270, %jit3A_271 : i32
        %sign3A_273 = arith.constant 0 : i32
        %sign3A_274 = arith.cmpi sgt, %add3A_270, %sign3A_273 : i32
        %sign3A_275 = arith.extui %sign3A_274 : i1 to i32
        %sign3A_276 = arith.constant 0 : i32
        %sign3A_277 = arith.cmpi slt, %add3A_270, %sign3A_276 : i32
        %sign3A_278 = arith.extui %sign3A_277 : i1 to i32
        %sign3A_279 = arith.subi %sign3A_275, %sign3A_278 : i32
        %sign3A_280 = arith.constant 0 : i32
        %sign3A_281 = arith.cmpi sgt, %jit3A_271, %sign3A_280 : i32
        %sign3A_282 = arith.extui %sign3A_281 : i1 to i32
        %sign3A_283 = arith.constant 0 : i32
        %sign3A_284 = arith.cmpi slt, %jit3A_271, %sign3A_283 : i32
        %sign3A_285 = arith.extui %sign3A_284 : i1 to i32
        %sign3A_286 = arith.subi %sign3A_282, %sign3A_285 : i32
        %ne3A_287 = arith.cmpi ne, %sign3A_279, %sign3A_286 : i32
        %rem3A_288 = arith.remsi %add3A_270, %jit3A_271 : i32
        %ne3A_289 = arith.constant 0 : i32
        %ne3A_290 = arith.cmpi ne, %rem3A_288, %ne3A_289 : i32
        %and3A_291 = arith.andi %ne3A_287, %ne3A_290 : i1
        %sub3A_292 = arith.constant 1 : i32
        %sub3A_293 = arith.subi %div3A_272, %sub3A_292 : i32
        %select_n3A_294 = arith.select %and3A_291, %sub3A_293, %div3A_272 : i32
        %mul3A_295 = arith.constant 16 : i32
        %mul3A_296 = arith.muli %select_n3A_294, %mul3A_295 : i32
        %mul3A_297 = arith.constant 4000 : i32
        %mul3A_298 = arith.muli %mul3A_296, %mul3A_297 : i32
        %jit3A_299 = arith.constant 5 : i32
        %eq3A_300 = arith.constant 0 : i32
        %eq3A_301 = arith.cmpi eq, %jit3A_299, %eq3A_300 : i32
        %jit3A_302 = arith.constant 1 : i32
        %select_n3A_303 = arith.select %eq3A_301, %jit3A_302, %jit3A_299 : i32
        %rem3A_304 = arith.remsi %add3A_270, %select_n3A_303 : i32
        %ne3A_305 = arith.constant 0 : i32
        %ne3A_306 = arith.cmpi ne, %rem3A_304, %ne3A_305 : i32
        %lt3A_307 = arith.constant 0 : i32
        %lt3A_308 = arith.cmpi slt, %rem3A_304, %lt3A_307 : i32
        %lt3A_309 = arith.constant 0 : i32
        %lt3A_310 = arith.cmpi slt, %select_n3A_303, %lt3A_309 : i32
        %ne3A_311 = arith.xori %lt3A_308, %lt3A_310 : i1
        %and3A_312 = arith.andi %ne3A_311, %ne3A_306 : i1
        %add3A_313 = arith.addi %rem3A_304, %select_n3A_303 : i32
        %select_n3A_314 = arith.select %and3A_312, %add3A_313, %rem3A_304 : i32
        %mul3A_315 = arith.constant 800 : i32
        %mul3A_316 = arith.muli %select_n3A_314, %mul3A_315 : i32
        %add3A_317 = arith.addi %mul3A_298, %mul3A_316 : i32
        %add3A_318 = arith.constant 0 : i32
        %add3A_319 = arith.addi %add3A_317, %add3A_318 : i32
        %add3A_320 = arith.constant 4000 : i32
        %add3A_321 = arith.addi %add3A_317, %add3A_320 : i32
        %add3A_322 = arith.constant 8000 : i32
        %add3A_323 = arith.addi %add3A_317, %add3A_322 : i32
        %add3A_324 = arith.constant 12000 : i32
        %add3A_325 = arith.addi %add3A_317, %add3A_324 : i32
        %add3A_326 = arith.constant 16000 : i32
        %add3A_327 = arith.addi %add3A_317, %add3A_326 : i32
        %add3A_328 = arith.constant 20000 : i32
        %add3A_329 = arith.addi %add3A_317, %add3A_328 : i32
        %add3A_330 = arith.constant 24000 : i32
        %add3A_331 = arith.addi %add3A_317, %add3A_330 : i32
        %add3A_332 = arith.constant 28000 : i32
        %add3A_333 = arith.addi %add3A_317, %add3A_332 : i32
        %add3A_334 = arith.constant 32000 : i32
        %add3A_335 = arith.addi %add3A_317, %add3A_334 : i32
        %add3A_336 = arith.constant 36000 : i32
        %add3A_337 = arith.addi %add3A_317, %add3A_336 : i32
        %add3A_338 = arith.constant 40000 : i32
        %add3A_339 = arith.addi %add3A_317, %add3A_338 : i32
        %add3A_340 = arith.constant 44000 : i32
        %add3A_341 = arith.addi %add3A_317, %add3A_340 : i32
        %add3A_342 = arith.constant 48000 : i32
        %add3A_343 = arith.addi %add3A_317, %add3A_342 : i32
        %add3A_344 = arith.constant 52000 : i32
        %add3A_345 = arith.addi %add3A_317, %add3A_344 : i32
        %add3A_346 = arith.constant 56000 : i32
        %add3A_347 = arith.addi %add3A_317, %add3A_346 : i32
        %add3A_348 = arith.constant 60000 : i32
        %add3A_349 = arith.addi %add3A_317, %add3A_348 : i32
        %mul3A_350 = arith.constant 800 : i32
        %mul3A_351 = arith.muli %add3A_270, %mul3A_350 : i32
        %dma_start3A = arith.constant 0 : i32
        %dma_start3A_352 = tpu.memref_slice %arg5[%dma_start3A] : memref<12800xi32, #tpu.memory_space<vmem>> -> memref<800xi32, #tpu.memory_space<vmem>>
        %dma_start3A_353 = tpu.memref_slice %arg2[%add3A_319] : memref<16000000xi32, #tpu.memory_space<hbm>> -> memref<800xi32, #tpu.memory_space<hbm>>
        %dma_start3A_354 = arith.constant 0 : i32
        %dma_start3A_355 = tpu.memref_slice %arg5[%dma_start3A_354] : memref<12800xi32, #tpu.memory_space<vmem>> -> memref<800xi32, #tpu.memory_space<vmem>>
        %dma_start3A_356 = tpu.memref_slice %arg2[%add3A_319] : memref<16000000xi32, #tpu.memory_space<hbm>> -> memref<800xi32, #tpu.memory_space<hbm>>
        tpu.enqueue_dma source(%dma_start3A_356 : memref<800xi32, #tpu.memory_space<hbm>>) target(%dma_start3A_355 : memref<800xi32, #tpu.memory_space<vmem>>) target_semaphore(%arg10 : memref<!tpu.dma_semaphore, #tpu.memory_space<semaphore_mem>>)
        %dma_start3A_357 = arith.constant 800 : i32
        %dma_start3A_358 = tpu.memref_slice %arg5[%dma_start3A_357] : memref<12800xi32, #tpu.memory_space<vmem>> -> memref<800xi32, #tpu.memory_space<vmem>>
        %dma_start3A_359 = tpu.memref_slice %arg2[%add3A_321] : memref<16000000xi32, #tpu.memory_space<hbm>> -> memref<800xi32, #tpu.memory_space<hbm>>
        %dma_start3A_360 = arith.constant 800 : i32
        %dma_start3A_361 = tpu.memref_slice %arg5[%dma_start3A_360] : memref<12800xi32, #tpu.memory_space<vmem>> -> memref<800xi32, #tpu.memory_space<vmem>>
        %dma_start3A_362 = tpu.memref_slice %arg2[%add3A_321] : memref<16000000xi32, #tpu.memory_space<hbm>> -> memref<800xi32, #tpu.memory_space<hbm>>
        tpu.enqueue_dma source(%dma_start3A_362 : memref<800xi32, #tpu.memory_space<hbm>>) target(%dma_start3A_361 : memref<800xi32, #tpu.memory_space<vmem>>) target_semaphore(%arg10 : memref<!tpu.dma_semaphore, #tpu.memory_space<semaphore_mem>>)
        %dma_start3A_363 = arith.constant 1600 : i32
        %dma_start3A_364 = tpu.memref_slice %arg5[%dma_start3A_363] : memref<12800xi32, #tpu.memory_space<vmem>> -> memref<800xi32, #tpu.memory_space<vmem>>
        %dma_start3A_365 = tpu.memref_slice %arg2[%add3A_323] : memref<16000000xi32, #tpu.memory_space<hbm>> -> memref<800xi32, #tpu.memory_space<hbm>>
        %dma_start3A_366 = arith.constant 1600 : i32
        %dma_start3A_367 = tpu.memref_slice %arg5[%dma_start3A_366] : memref<12800xi32, #tpu.memory_space<vmem>> -> memref<800xi32, #tpu.memory_space<vmem>>
        %dma_start3A_368 = tpu.memref_slice %arg2[%add3A_323] : memref<16000000xi32, #tpu.memory_space<hbm>> -> memref<800xi32, #tpu.memory_space<hbm>>
        tpu.enqueue_dma source(%dma_start3A_368 : memref<800xi32, #tpu.memory_space<hbm>>) target(%dma_start3A_367 : memref<800xi32, #tpu.memory_space<vmem>>) target_semaphore(%arg10 : memref<!tpu.dma_semaphore, #tpu.memory_space<semaphore_mem>>)
        %dma_start3A_369 = arith.constant 2400 : i32
        %dma_start3A_370 = tpu.memref_slice %arg5[%dma_start3A_369] : memref<12800xi32, #tpu.memory_space<vmem>> -> memref<800xi32, #tpu.memory_space<vmem>>
        %dma_start3A_371 = tpu.memref_slice %arg2[%add3A_325] : memref<16000000xi32, #tpu.memory_space<hbm>> -> memref<800xi32, #tpu.memory_space<hbm>>
        %dma_start3A_372 = arith.constant 2400 : i32
        %dma_start3A_373 = tpu.memref_slice %arg5[%dma_start3A_372] : memref<12800xi32, #tpu.memory_space<vmem>> -> memref<800xi32, #tpu.memory_space<vmem>>
        %dma_start3A_374 = tpu.memref_slice %arg2[%add3A_325] : memref<16000000xi32, #tpu.memory_space<hbm>> -> memref<800xi32, #tpu.memory_space<hbm>>
        tpu.enqueue_dma source(%dma_start3A_374 : memref<800xi32, #tpu.memory_space<hbm>>) target(%dma_start3A_373 : memref<800xi32, #tpu.memory_space<vmem>>) target_semaphore(%arg10 : memref<!tpu.dma_semaphore, #tpu.memory_space<semaphore_mem>>)
        %dma_start3A_375 = arith.constant 3200 : i32
        %dma_start3A_376 = tpu.memref_slice %arg5[%dma_start3A_375] : memref<12800xi32, #tpu.memory_space<vmem>> -> memref<800xi32, #tpu.memory_space<vmem>>
        %dma_start3A_377 = tpu.memref_slice %arg2[%add3A_327] : memref<16000000xi32, #tpu.memory_space<hbm>> -> memref<800xi32, #tpu.memory_space<hbm>>
        %dma_start3A_378 = arith.constant 3200 : i32
        %dma_start3A_379 = tpu.memref_slice %arg5[%dma_start3A_378] : memref<12800xi32, #tpu.memory_space<vmem>> -> memref<800xi32, #tpu.memory_space<vmem>>
        %dma_start3A_380 = tpu.memref_slice %arg2[%add3A_327] : memref<16000000xi32, #tpu.memory_space<hbm>> -> memref<800xi32, #tpu.memory_space<hbm>>
        tpu.enqueue_dma source(%dma_start3A_380 : memref<800xi32, #tpu.memory_space<hbm>>) target(%dma_start3A_379 : memref<800xi32, #tpu.memory_space<vmem>>) target_semaphore(%arg10 : memref<!tpu.dma_semaphore, #tpu.memory_space<semaphore_mem>>)
        %dma_start3A_381 = arith.constant 4000 : i32
        %dma_start3A_382 = tpu.memref_slice %arg5[%dma_start3A_381] : memref<12800xi32, #tpu.memory_space<vmem>> -> memref<800xi32, #tpu.memory_space<vmem>>
        %dma_start3A_383 = tpu.memref_slice %arg2[%add3A_329] : memref<16000000xi32, #tpu.memory_space<hbm>> -> memref<800xi32, #tpu.memory_space<hbm>>
        %dma_start3A_384 = arith.constant 4000 : i32
        %dma_start3A_385 = tpu.memref_slice %arg5[%dma_start3A_384] : memref<12800xi32, #tpu.memory_space<vmem>> -> memref<800xi32, #tpu.memory_space<vmem>>
        %dma_start3A_386 = tpu.memref_slice %arg2[%add3A_329] : memref<16000000xi32, #tpu.memory_space<hbm>> -> memref<800xi32, #tpu.memory_space<hbm>>
        tpu.enqueue_dma source(%dma_start3A_386 : memref<800xi32, #tpu.memory_space<hbm>>) target(%dma_start3A_385 : memref<800xi32, #tpu.memory_space<vmem>>) target_semaphore(%arg10 : memref<!tpu.dma_semaphore, #tpu.memory_space<semaphore_mem>>)
        %dma_start3A_387 = arith.constant 4800 : i32
        %dma_start3A_388 = tpu.memref_slice %arg5[%dma_start3A_387] : memref<12800xi32, #tpu.memory_space<vmem>> -> memref<800xi32, #tpu.memory_space<vmem>>
        %dma_start3A_389 = tpu.memref_slice %arg2[%add3A_331] : memref<16000000xi32, #tpu.memory_space<hbm>> -> memref<800xi32, #tpu.memory_space<hbm>>
        %dma_start3A_390 = arith.constant 4800 : i32
        %dma_start3A_391 = tpu.memref_slice %arg5[%dma_start3A_390] : memref<12800xi32, #tpu.memory_space<vmem>> -> memref<800xi32, #tpu.memory_space<vmem>>
        %dma_start3A_392 = tpu.memref_slice %arg2[%add3A_331] : memref<16000000xi32, #tpu.memory_space<hbm>> -> memref<800xi32, #tpu.memory_space<hbm>>
        tpu.enqueue_dma source(%dma_start3A_392 : memref<800xi32, #tpu.memory_space<hbm>>) target(%dma_start3A_391 : memref<800xi32, #tpu.memory_space<vmem>>) target_semaphore(%arg10 : memref<!tpu.dma_semaphore, #tpu.memory_space<semaphore_mem>>)
        %dma_start3A_393 = arith.constant 5600 : i32
        %dma_start3A_394 = tpu.memref_slice %arg5[%dma_start3A_393] : memref<12800xi32, #tpu.memory_space<vmem>> -> memref<800xi32, #tpu.memory_space<vmem>>
        %dma_start3A_395 = tpu.memref_slice %arg2[%add3A_333] : memref<16000000xi32, #tpu.memory_space<hbm>> -> memref<800xi32, #tpu.memory_space<hbm>>
        %dma_start3A_396 = arith.constant 5600 : i32
        %dma_start3A_397 = tpu.memref_slice %arg5[%dma_start3A_396] : memref<12800xi32, #tpu.memory_space<vmem>> -> memref<800xi32, #tpu.memory_space<vmem>>
        %dma_start3A_398 = tpu.memref_slice %arg2[%add3A_333] : memref<16000000xi32, #tpu.memory_space<hbm>> -> memref<800xi32, #tpu.memory_space<hbm>>
        tpu.enqueue_dma source(%dma_start3A_398 : memref<800xi32, #tpu.memory_space<hbm>>) target(%dma_start3A_397 : memref<800xi32, #tpu.memory_space<vmem>>) target_semaphore(%arg10 : memref<!tpu.dma_semaphore, #tpu.memory_space<semaphore_mem>>)
        %dma_start3A_399 = arith.constant 6400 : i32
        %dma_start3A_400 = tpu.memref_slice %arg5[%dma_start3A_399] : memref<12800xi32, #tpu.memory_space<vmem>> -> memref<800xi32, #tpu.memory_space<vmem>>
        %dma_start3A_401 = tpu.memref_slice %arg2[%add3A_335] : memref<16000000xi32, #tpu.memory_space<hbm>> -> memref<800xi32, #tpu.memory_space<hbm>>
        %dma_start3A_402 = arith.constant 6400 : i32
        %dma_start3A_403 = tpu.memref_slice %arg5[%dma_start3A_402] : memref<12800xi32, #tpu.memory_space<vmem>> -> memref<800xi32, #tpu.memory_space<vmem>>
        %dma_start3A_404 = tpu.memref_slice %arg2[%add3A_335] : memref<16000000xi32, #tpu.memory_space<hbm>> -> memref<800xi32, #tpu.memory_space<hbm>>
        tpu.enqueue_dma source(%dma_start3A_404 : memref<800xi32, #tpu.memory_space<hbm>>) target(%dma_start3A_403 : memref<800xi32, #tpu.memory_space<vmem>>) target_semaphore(%arg10 : memref<!tpu.dma_semaphore, #tpu.memory_space<semaphore_mem>>)
        %dma_start3A_405 = arith.constant 7200 : i32
        %dma_start3A_406 = tpu.memref_slice %arg5[%dma_start3A_405] : memref<12800xi32, #tpu.memory_space<vmem>> -> memref<800xi32, #tpu.memory_space<vmem>>
        %dma_start3A_407 = tpu.memref_slice %arg2[%add3A_337] : memref<16000000xi32, #tpu.memory_space<hbm>> -> memref<800xi32, #tpu.memory_space<hbm>>
        %dma_start3A_408 = arith.constant 7200 : i32
        %dma_start3A_409 = tpu.memref_slice %arg5[%dma_start3A_408] : memref<12800xi32, #tpu.memory_space<vmem>> -> memref<800xi32, #tpu.memory_space<vmem>>
        %dma_start3A_410 = tpu.memref_slice %arg2[%add3A_337] : memref<16000000xi32, #tpu.memory_space<hbm>> -> memref<800xi32, #tpu.memory_space<hbm>>
        tpu.enqueue_dma source(%dma_start3A_410 : memref<800xi32, #tpu.memory_space<hbm>>) target(%dma_start3A_409 : memref<800xi32, #tpu.memory_space<vmem>>) target_semaphore(%arg10 : memref<!tpu.dma_semaphore, #tpu.memory_space<semaphore_mem>>)
        %dma_start3A_411 = arith.constant 8000 : i32
        %dma_start3A_412 = tpu.memref_slice %arg5[%dma_start3A_411] : memref<12800xi32, #tpu.memory_space<vmem>> -> memref<800xi32, #tpu.memory_space<vmem>>
        %dma_start3A_413 = tpu.memref_slice %arg2[%add3A_339] : memref<16000000xi32, #tpu.memory_space<hbm>> -> memref<800xi32, #tpu.memory_space<hbm>>
        %dma_start3A_414 = arith.constant 8000 : i32
        %dma_start3A_415 = tpu.memref_slice %arg5[%dma_start3A_414] : memref<12800xi32, #tpu.memory_space<vmem>> -> memref<800xi32, #tpu.memory_space<vmem>>
        %dma_start3A_416 = tpu.memref_slice %arg2[%add3A_339] : memref<16000000xi32, #tpu.memory_space<hbm>> -> memref<800xi32, #tpu.memory_space<hbm>>
        tpu.enqueue_dma source(%dma_start3A_416 : memref<800xi32, #tpu.memory_space<hbm>>) target(%dma_start3A_415 : memref<800xi32, #tpu.memory_space<vmem>>) target_semaphore(%arg10 : memref<!tpu.dma_semaphore, #tpu.memory_space<semaphore_mem>>)
        %dma_start3A_417 = arith.constant 8800 : i32
        %dma_start3A_418 = tpu.memref_slice %arg5[%dma_start3A_417] : memref<12800xi32, #tpu.memory_space<vmem>> -> memref<800xi32, #tpu.memory_space<vmem>>
        %dma_start3A_419 = tpu.memref_slice %arg2[%add3A_341] : memref<16000000xi32, #tpu.memory_space<hbm>> -> memref<800xi32, #tpu.memory_space<hbm>>
        %dma_start3A_420 = arith.constant 8800 : i32
        %dma_start3A_421 = tpu.memref_slice %arg5[%dma_start3A_420] : memref<12800xi32, #tpu.memory_space<vmem>> -> memref<800xi32, #tpu.memory_space<vmem>>
        %dma_start3A_422 = tpu.memref_slice %arg2[%add3A_341] : memref<16000000xi32, #tpu.memory_space<hbm>> -> memref<800xi32, #tpu.memory_space<hbm>>
        tpu.enqueue_dma source(%dma_start3A_422 : memref<800xi32, #tpu.memory_space<hbm>>) target(%dma_start3A_421 : memref<800xi32, #tpu.memory_space<vmem>>) target_semaphore(%arg10 : memref<!tpu.dma_semaphore, #tpu.memory_space<semaphore_mem>>)
        %dma_start3A_423 = arith.constant 9600 : i32
        %dma_start3A_424 = tpu.memref_slice %arg5[%dma_start3A_423] : memref<12800xi32, #tpu.memory_space<vmem>> -> memref<800xi32, #tpu.memory_space<vmem>>
        %dma_start3A_425 = tpu.memref_slice %arg2[%add3A_343] : memref<16000000xi32, #tpu.memory_space<hbm>> -> memref<800xi32, #tpu.memory_space<hbm>>
        %dma_start3A_426 = arith.constant 9600 : i32
        %dma_start3A_427 = tpu.memref_slice %arg5[%dma_start3A_426] : memref<12800xi32, #tpu.memory_space<vmem>> -> memref<800xi32, #tpu.memory_space<vmem>>
        %dma_start3A_428 = tpu.memref_slice %arg2[%add3A_343] : memref<16000000xi32, #tpu.memory_space<hbm>> -> memref<800xi32, #tpu.memory_space<hbm>>
        tpu.enqueue_dma source(%dma_start3A_428 : memref<800xi32, #tpu.memory_space<hbm>>) target(%dma_start3A_427 : memref<800xi32, #tpu.memory_space<vmem>>) target_semaphore(%arg10 : memref<!tpu.dma_semaphore, #tpu.memory_space<semaphore_mem>>)
        %dma_start3A_429 = arith.constant 10400 : i32
        %dma_start3A_430 = tpu.memref_slice %arg5[%dma_start3A_429] : memref<12800xi32, #tpu.memory_space<vmem>> -> memref<800xi32, #tpu.memory_space<vmem>>
        %dma_start3A_431 = tpu.memref_slice %arg2[%add3A_345] : memref<16000000xi32, #tpu.memory_space<hbm>> -> memref<800xi32, #tpu.memory_space<hbm>>
        %dma_start3A_432 = arith.constant 10400 : i32
        %dma_start3A_433 = tpu.memref_slice %arg5[%dma_start3A_432] : memref<12800xi32, #tpu.memory_space<vmem>> -> memref<800xi32, #tpu.memory_space<vmem>>
        %dma_start3A_434 = tpu.memref_slice %arg2[%add3A_345] : memref<16000000xi32, #tpu.memory_space<hbm>> -> memref<800xi32, #tpu.memory_space<hbm>>
        tpu.enqueue_dma source(%dma_start3A_434 : memref<800xi32, #tpu.memory_space<hbm>>) target(%dma_start3A_433 : memref<800xi32, #tpu.memory_space<vmem>>) target_semaphore(%arg10 : memref<!tpu.dma_semaphore, #tpu.memory_space<semaphore_mem>>)
        %dma_start3A_435 = arith.constant 11200 : i32
        %dma_start3A_436 = tpu.memref_slice %arg5[%dma_start3A_435] : memref<12800xi32, #tpu.memory_space<vmem>> -> memref<800xi32, #tpu.memory_space<vmem>>
        %dma_start3A_437 = tpu.memref_slice %arg2[%add3A_347] : memref<16000000xi32, #tpu.memory_space<hbm>> -> memref<800xi32, #tpu.memory_space<hbm>>
        %dma_start3A_438 = arith.constant 11200 : i32
        %dma_start3A_439 = tpu.memref_slice %arg5[%dma_start3A_438] : memref<12800xi32, #tpu.memory_space<vmem>> -> memref<800xi32, #tpu.memory_space<vmem>>
        %dma_start3A_440 = tpu.memref_slice %arg2[%add3A_347] : memref<16000000xi32, #tpu.memory_space<hbm>> -> memref<800xi32, #tpu.memory_space<hbm>>
        tpu.enqueue_dma source(%dma_start3A_440 : memref<800xi32, #tpu.memory_space<hbm>>) target(%dma_start3A_439 : memref<800xi32, #tpu.memory_space<vmem>>) target_semaphore(%arg10 : memref<!tpu.dma_semaphore, #tpu.memory_space<semaphore_mem>>)
        %dma_start3A_441 = arith.constant 12000 : i32
        %dma_start3A_442 = tpu.memref_slice %arg5[%dma_start3A_441] : memref<12800xi32, #tpu.memory_space<vmem>> -> memref<800xi32, #tpu.memory_space<vmem>>
        %dma_start3A_443 = tpu.memref_slice %arg2[%add3A_349] : memref<16000000xi32, #tpu.memory_space<hbm>> -> memref<800xi32, #tpu.memory_space<hbm>>
        %dma_start3A_444 = arith.constant 12000 : i32
        %dma_start3A_445 = tpu.memref_slice %arg5[%dma_start3A_444] : memref<12800xi32, #tpu.memory_space<vmem>> -> memref<800xi32, #tpu.memory_space<vmem>>
        %dma_start3A_446 = tpu.memref_slice %arg2[%add3A_349] : memref<16000000xi32, #tpu.memory_space<hbm>> -> memref<800xi32, #tpu.memory_space<hbm>>
        tpu.enqueue_dma source(%dma_start3A_446 : memref<800xi32, #tpu.memory_space<hbm>>) target(%dma_start3A_445 : memref<800xi32, #tpu.memory_space<vmem>>) target_semaphore(%arg10 : memref<!tpu.dma_semaphore, #tpu.memory_space<semaphore_mem>>)
        %dma_start3A_447 = tpu.memref_slice %arg3[%mul3A_351] : memref<1000000xi32, #tpu.memory_space<hbm>> -> memref<800xi32, #tpu.memory_space<hbm>>
        %dma_start3A_448 = tpu.memref_slice %arg3[%mul3A_351] : memref<1000000xi32, #tpu.memory_space<hbm>> -> memref<800xi32, #tpu.memory_space<hbm>>
        tpu.enqueue_dma source(%dma_start3A_448 : memref<800xi32, #tpu.memory_space<hbm>>) target(%arg7 : memref<800xi32, #tpu.memory_space<vmem>>) target_semaphore(%arg10 : memref<!tpu.dma_semaphore, #tpu.memory_space<semaphore_mem>>)
      } else {
      }
      %add3A_260 = arith.constant 1 : i32
      %add3A_261 = arith.addi %mul3A_55, %add3A_260 : i32
      %lt3A_262 = arith.cmpi slt, %add3A_261, %select_n3A : i32
      %convert_element_type3A_263 = arith.extui %lt3A_262 : i1 to i32
      %cond3A_264 = arith.constant 0 : i32
      %cond3A_265 = arith.cmpi ne, %convert_element_type3A_263, %cond3A_264 : i32
      scf.if %cond3A_265 {
        %add3A_266 = arith.constant 1 : i32
        %add3A_267 = arith.addi %mul3A_55, %add3A_266 : i32
        %mul3A_268 = arith.constant 32 : i32
        %mul3A_269 = arith.muli %add3A_267, %mul3A_268 : i32
        %add3A_270 = arith.addi %add3A, %mul3A_269 : i32
        %jit3A_271 = arith.constant 5 : i32
        %div3A_272 = arith.divsi %add3A_270, %jit3A_271 : i32
        %sign3A_273 = arith.constant 0 : i32
        %sign3A_274 = arith.cmpi sgt, %add3A_270, %sign3A_273 : i32
        %sign3A_275 = arith.extui %sign3A_274 : i1 to i32
        %sign3A_276 = arith.constant 0 : i32
        %sign3A_277 = arith.cmpi slt, %add3A_270, %sign3A_276 : i32
        %sign3A_278 = arith.extui %sign3A_277 : i1 to i32
        %sign3A_279 = arith.subi %sign3A_275, %sign3A_278 : i32
        %sign3A_280 = arith.constant 0 : i32
        %sign3A_281 = arith.cmpi sgt, %jit3A_271, %sign3A_280 : i32
        %sign3A_282 = arith.extui %sign3A_281 : i1 to i32
        %sign3A_283 = arith.constant 0 : i32
        %sign3A_284 = arith.cmpi slt, %jit3A_271, %sign3A_283 : i32
        %sign3A_285 = arith.extui %sign3A_284 : i1 to i32
        %sign3A_286 = arith.subi %sign3A_282, %sign3A_285 : i32
        %ne3A_287 = arith.cmpi ne, %sign3A_279, %sign3A_286 : i32
        %rem3A_288 = arith.remsi %add3A_270, %jit3A_271 : i32
        %ne3A_289 = arith.constant 0 : i32
        %ne3A_290 = arith.cmpi ne, %rem3A_288, %ne3A_289 : i32
        %and3A_291 = arith.andi %ne3A_287, %ne3A_290 : i1
        %sub3A_292 = arith.constant 1 : i32
        %sub3A_293 = arith.subi %div3A_272, %sub3A_292 : i32
        %select_n3A_294 = arith.select %and3A_291, %sub3A_293, %div3A_272 : i32
        %mul3A_295 = arith.constant 16 : i32
        %mul3A_296 = arith.muli %select_n3A_294, %mul3A_295 : i32
        %mul3A_297 = arith.constant 4000 : i32
        %mul3A_298 = arith.muli %mul3A_296, %mul3A_297 : i32
        %jit3A_299 = arith.constant 5 : i32
        %eq3A_300 = arith.constant 0 : i32
        %eq3A_301 = arith.cmpi eq, %jit3A_299, %eq3A_300 : i32
        %jit3A_302 = arith.constant 1 : i32
        %select_n3A_303 = arith.select %eq3A_301, %jit3A_302, %jit3A_299 : i32
        %rem3A_304 = arith.remsi %add3A_270, %select_n3A_303 : i32
        %ne3A_305 = arith.constant 0 : i32
        %ne3A_306 = arith.cmpi ne, %rem3A_304, %ne3A_305 : i32
        %lt3A_307 = arith.constant 0 : i32
        %lt3A_308 = arith.cmpi slt, %rem3A_304, %lt3A_307 : i32
        %lt3A_309 = arith.constant 0 : i32
        %lt3A_310 = arith.cmpi slt, %select_n3A_303, %lt3A_309 : i32
        %ne3A_311 = arith.xori %lt3A_308, %lt3A_310 : i1
        %and3A_312 = arith.andi %ne3A_311, %ne3A_306 : i1
        %add3A_313 = arith.addi %rem3A_304, %select_n3A_303 : i32
        %select_n3A_314 = arith.select %and3A_312, %add3A_313, %rem3A_304 : i32
        %mul3A_315 = arith.constant 800 : i32
        %mul3A_316 = arith.muli %select_n3A_314, %mul3A_315 : i32
        %add3A_317 = arith.addi %mul3A_298, %mul3A_316 : i32
        %add3A_318 = arith.constant 0 : i32
        %add3A_319 = arith.addi %add3A_317, %add3A_318 : i32
        %add3A_320 = arith.constant 4000 : i32
        %add3A_321 = arith.addi %add3A_317, %add3A_320 : i32
        %add3A_322 = arith.constant 8000 : i32
        %add3A_323 = arith.addi %add3A_317, %add3A_322 : i32
        %add3A_324 = arith.constant 12000 : i32
        %add3A_325 = arith.addi %add3A_317, %add3A_324 : i32
        %add3A_326 = arith.constant 16000 : i32
        %add3A_327 = arith.addi %add3A_317, %add3A_326 : i32
        %add3A_328 = arith.constant 20000 : i32
        %add3A_329 = arith.addi %add3A_317, %add3A_328 : i32
        %add3A_330 = arith.constant 24000 : i32
        %add3A_331 = arith.addi %add3A_317, %add3A_330 : i32
        %add3A_332 = arith.constant 28000 : i32
        %add3A_333 = arith.addi %add3A_317, %add3A_332 : i32
        %add3A_334 = arith.constant 32000 : i32
        %add3A_335 = arith.addi %add3A_317, %add3A_334 : i32
        %add3A_336 = arith.constant 36000 : i32
        %add3A_337 = arith.addi %add3A_317, %add3A_336 : i32
        %add3A_338 = arith.constant 40000 : i32
        %add3A_339 = arith.addi %add3A_317, %add3A_338 : i32
        %add3A_340 = arith.constant 44000 : i32
        %add3A_341 = arith.addi %add3A_317, %add3A_340 : i32
        %add3A_342 = arith.constant 48000 : i32
        %add3A_343 = arith.addi %add3A_317, %add3A_342 : i32
        %add3A_344 = arith.constant 52000 : i32
        %add3A_345 = arith.addi %add3A_317, %add3A_344 : i32
        %add3A_346 = arith.constant 56000 : i32
        %add3A_347 = arith.addi %add3A_317, %add3A_346 : i32
        %add3A_348 = arith.constant 60000 : i32
        %add3A_349 = arith.addi %add3A_317, %add3A_348 : i32
        %mul3A_350 = arith.constant 800 : i32
        %mul3A_351 = arith.muli %add3A_270, %mul3A_350 : i32
        %dma_wait3A_352 = arith.constant 0 : i32
        %dma_wait3A_353 = tpu.memref_slice %arg6[%dma_wait3A_352] : memref<12800xi32, #tpu.memory_space<vmem>> -> memref<800xi32, #tpu.memory_space<vmem>>
        %dma_wait3A_354 = tpu.memref_slice %arg2[%add3A_319] : memref<16000000xi32, #tpu.memory_space<hbm>> -> memref<800xi32, #tpu.memory_space<hbm>>
        %dma_wait3A_355 = arith.constant 0 : i32
        %dma_wait3A_356 = tpu.memref_slice %arg6[%dma_wait3A_355] : memref<12800xi32, #tpu.memory_space<vmem>> -> memref<800xi32, #tpu.memory_space<vmem>>
        %dma_wait3A_357 = tpu.memref_slice %arg2[%add3A_319] : memref<16000000xi32, #tpu.memory_space<hbm>> -> memref<800xi32, #tpu.memory_space<hbm>>
        tpu.wait_dma2 semaphore(%arg11 : memref<!tpu.dma_semaphore, #tpu.memory_space<semaphore_mem>>) src(%dma_wait3A_357 : memref<800xi32, #tpu.memory_space<hbm>>) dst(%dma_wait3A_356 : memref<800xi32, #tpu.memory_space<vmem>>)
        %dma_wait3A_358 = arith.constant 800 : i32
        %dma_wait3A_359 = tpu.memref_slice %arg6[%dma_wait3A_358] : memref<12800xi32, #tpu.memory_space<vmem>> -> memref<800xi32, #tpu.memory_space<vmem>>
        %dma_wait3A_360 = tpu.memref_slice %arg2[%add3A_321] : memref<16000000xi32, #tpu.memory_space<hbm>> -> memref<800xi32, #tpu.memory_space<hbm>>
        %dma_wait3A_361 = arith.constant 800 : i32
        %dma_wait3A_362 = tpu.memref_slice %arg6[%dma_wait3A_361] : memref<12800xi32, #tpu.memory_space<vmem>> -> memref<800xi32, #tpu.memory_space<vmem>>
        %dma_wait3A_363 = tpu.memref_slice %arg2[%add3A_321] : memref<16000000xi32, #tpu.memory_space<hbm>> -> memref<800xi32, #tpu.memory_space<hbm>>
        tpu.wait_dma2 semaphore(%arg11 : memref<!tpu.dma_semaphore, #tpu.memory_space<semaphore_mem>>) src(%dma_wait3A_363 : memref<800xi32, #tpu.memory_space<hbm>>) dst(%dma_wait3A_362 : memref<800xi32, #tpu.memory_space<vmem>>)
        %dma_wait3A_364 = arith.constant 1600 : i32
        %dma_wait3A_365 = tpu.memref_slice %arg6[%dma_wait3A_364] : memref<12800xi32, #tpu.memory_space<vmem>> -> memref<800xi32, #tpu.memory_space<vmem>>
        %dma_wait3A_366 = tpu.memref_slice %arg2[%add3A_323] : memref<16000000xi32, #tpu.memory_space<hbm>> -> memref<800xi32, #tpu.memory_space<hbm>>
        %dma_wait3A_367 = arith.constant 1600 : i32
        %dma_wait3A_368 = tpu.memref_slice %arg6[%dma_wait3A_367] : memref<12800xi32, #tpu.memory_space<vmem>> -> memref<800xi32, #tpu.memory_space<vmem>>
        %dma_wait3A_369 = tpu.memref_slice %arg2[%add3A_323] : memref<16000000xi32, #tpu.memory_space<hbm>> -> memref<800xi32, #tpu.memory_space<hbm>>
        tpu.wait_dma2 semaphore(%arg11 : memref<!tpu.dma_semaphore, #tpu.memory_space<semaphore_mem>>) src(%dma_wait3A_369 : memref<800xi32, #tpu.memory_space<hbm>>) dst(%dma_wait3A_368 : memref<800xi32, #tpu.memory_space<vmem>>)
        %dma_wait3A_370 = arith.constant 2400 : i32
        %dma_wait3A_371 = tpu.memref_slice %arg6[%dma_wait3A_370] : memref<12800xi32, #tpu.memory_space<vmem>> -> memref<800xi32, #tpu.memory_space<vmem>>
        %dma_wait3A_372 = tpu.memref_slice %arg2[%add3A_325] : memref<16000000xi32, #tpu.memory_space<hbm>> -> memref<800xi32, #tpu.memory_space<hbm>>
        %dma_wait3A_373 = arith.constant 2400 : i32
        %dma_wait3A_374 = tpu.memref_slice %arg6[%dma_wait3A_373] : memref<12800xi32, #tpu.memory_space<vmem>> -> memref<800xi32, #tpu.memory_space<vmem>>
        %dma_wait3A_375 = tpu.memref_slice %arg2[%add3A_325] : memref<16000000xi32, #tpu.memory_space<hbm>> -> memref<800xi32, #tpu.memory_space<hbm>>
        tpu.wait_dma2 semaphore(%arg11 : memref<!tpu.dma_semaphore, #tpu.memory_space<semaphore_mem>>) src(%dma_wait3A_375 : memref<800xi32, #tpu.memory_space<hbm>>) dst(%dma_wait3A_374 : memref<800xi32, #tpu.memory_space<vmem>>)
        %dma_wait3A_376 = arith.constant 3200 : i32
        %dma_wait3A_377 = tpu.memref_slice %arg6[%dma_wait3A_376] : memref<12800xi32, #tpu.memory_space<vmem>> -> memref<800xi32, #tpu.memory_space<vmem>>
        %dma_wait3A_378 = tpu.memref_slice %arg2[%add3A_327] : memref<16000000xi32, #tpu.memory_space<hbm>> -> memref<800xi32, #tpu.memory_space<hbm>>
        %dma_wait3A_379 = arith.constant 3200 : i32
        %dma_wait3A_380 = tpu.memref_slice %arg6[%dma_wait3A_379] : memref<12800xi32, #tpu.memory_space<vmem>> -> memref<800xi32, #tpu.memory_space<vmem>>
        %dma_wait3A_381 = tpu.memref_slice %arg2[%add3A_327] : memref<16000000xi32, #tpu.memory_space<hbm>> -> memref<800xi32, #tpu.memory_space<hbm>>
        tpu.wait_dma2 semaphore(%arg11 : memref<!tpu.dma_semaphore, #tpu.memory_space<semaphore_mem>>) src(%dma_wait3A_381 : memref<800xi32, #tpu.memory_space<hbm>>) dst(%dma_wait3A_380 : memref<800xi32, #tpu.memory_space<vmem>>)
        %dma_wait3A_382 = arith.constant 4000 : i32
        %dma_wait3A_383 = tpu.memref_slice %arg6[%dma_wait3A_382] : memref<12800xi32, #tpu.memory_space<vmem>> -> memref<800xi32, #tpu.memory_space<vmem>>
        %dma_wait3A_384 = tpu.memref_slice %arg2[%add3A_329] : memref<16000000xi32, #tpu.memory_space<hbm>> -> memref<800xi32, #tpu.memory_space<hbm>>
        %dma_wait3A_385 = arith.constant 4000 : i32
        %dma_wait3A_386 = tpu.memref_slice %arg6[%dma_wait3A_385] : memref<12800xi32, #tpu.memory_space<vmem>> -> memref<800xi32, #tpu.memory_space<vmem>>
        %dma_wait3A_387 = tpu.memref_slice %arg2[%add3A_329] : memref<16000000xi32, #tpu.memory_space<hbm>> -> memref<800xi32, #tpu.memory_space<hbm>>
        tpu.wait_dma2 semaphore(%arg11 : memref<!tpu.dma_semaphore, #tpu.memory_space<semaphore_mem>>) src(%dma_wait3A_387 : memref<800xi32, #tpu.memory_space<hbm>>) dst(%dma_wait3A_386 : memref<800xi32, #tpu.memory_space<vmem>>)
        %dma_wait3A_388 = arith.constant 4800 : i32
        %dma_wait3A_389 = tpu.memref_slice %arg6[%dma_wait3A_388] : memref<12800xi32, #tpu.memory_space<vmem>> -> memref<800xi32, #tpu.memory_space<vmem>>
        %dma_wait3A_390 = tpu.memref_slice %arg2[%add3A_331] : memref<16000000xi32, #tpu.memory_space<hbm>> -> memref<800xi32, #tpu.memory_space<hbm>>
        %dma_wait3A_391 = arith.constant 4800 : i32
        %dma_wait3A_392 = tpu.memref_slice %arg6[%dma_wait3A_391] : memref<12800xi32, #tpu.memory_space<vmem>> -> memref<800xi32, #tpu.memory_space<vmem>>
        %dma_wait3A_393 = tpu.memref_slice %arg2[%add3A_331] : memref<16000000xi32, #tpu.memory_space<hbm>> -> memref<800xi32, #tpu.memory_space<hbm>>
        tpu.wait_dma2 semaphore(%arg11 : memref<!tpu.dma_semaphore, #tpu.memory_space<semaphore_mem>>) src(%dma_wait3A_393 : memref<800xi32, #tpu.memory_space<hbm>>) dst(%dma_wait3A_392 : memref<800xi32, #tpu.memory_space<vmem>>)
        %dma_wait3A_394 = arith.constant 5600 : i32
        %dma_wait3A_395 = tpu.memref_slice %arg6[%dma_wait3A_394] : memref<12800xi32, #tpu.memory_space<vmem>> -> memref<800xi32, #tpu.memory_space<vmem>>
        %dma_wait3A_396 = tpu.memref_slice %arg2[%add3A_333] : memref<16000000xi32, #tpu.memory_space<hbm>> -> memref<800xi32, #tpu.memory_space<hbm>>
        %dma_wait3A_397 = arith.constant 5600 : i32
        %dma_wait3A_398 = tpu.memref_slice %arg6[%dma_wait3A_397] : memref<12800xi32, #tpu.memory_space<vmem>> -> memref<800xi32, #tpu.memory_space<vmem>>
        %dma_wait3A_399 = tpu.memref_slice %arg2[%add3A_333] : memref<16000000xi32, #tpu.memory_space<hbm>> -> memref<800xi32, #tpu.memory_space<hbm>>
        tpu.wait_dma2 semaphore(%arg11 : memref<!tpu.dma_semaphore, #tpu.memory_space<semaphore_mem>>) src(%dma_wait3A_399 : memref<800xi32, #tpu.memory_space<hbm>>) dst(%dma_wait3A_398 : memref<800xi32, #tpu.memory_space<vmem>>)
        %dma_wait3A_400 = arith.constant 6400 : i32
        %dma_wait3A_401 = tpu.memref_slice %arg6[%dma_wait3A_400] : memref<12800xi32, #tpu.memory_space<vmem>> -> memref<800xi32, #tpu.memory_space<vmem>>
        %dma_wait3A_402 = tpu.memref_slice %arg2[%add3A_335] : memref<16000000xi32, #tpu.memory_space<hbm>> -> memref<800xi32, #tpu.memory_space<hbm>>
        %dma_wait3A_403 = arith.constant 6400 : i32
        %dma_wait3A_404 = tpu.memref_slice %arg6[%dma_wait3A_403] : memref<12800xi32, #tpu.memory_space<vmem>> -> memref<800xi32, #tpu.memory_space<vmem>>
        %dma_wait3A_405 = tpu.memref_slice %arg2[%add3A_335] : memref<16000000xi32, #tpu.memory_space<hbm>> -> memref<800xi32, #tpu.memory_space<hbm>>
        tpu.wait_dma2 semaphore(%arg11 : memref<!tpu.dma_semaphore, #tpu.memory_space<semaphore_mem>>) src(%dma_wait3A_405 : memref<800xi32, #tpu.memory_space<hbm>>) dst(%dma_wait3A_404 : memref<800xi32, #tpu.memory_space<vmem>>)
        %dma_wait3A_406 = arith.constant 7200 : i32
        %dma_wait3A_407 = tpu.memref_slice %arg6[%dma_wait3A_406] : memref<12800xi32, #tpu.memory_space<vmem>> -> memref<800xi32, #tpu.memory_space<vmem>>
        %dma_wait3A_408 = tpu.memref_slice %arg2[%add3A_337] : memref<16000000xi32, #tpu.memory_space<hbm>> -> memref<800xi32, #tpu.memory_space<hbm>>
        %dma_wait3A_409 = arith.constant 7200 : i32
        %dma_wait3A_410 = tpu.memref_slice %arg6[%dma_wait3A_409] : memref<12800xi32, #tpu.memory_space<vmem>> -> memref<800xi32, #tpu.memory_space<vmem>>
        %dma_wait3A_411 = tpu.memref_slice %arg2[%add3A_337] : memref<16000000xi32, #tpu.memory_space<hbm>> -> memref<800xi32, #tpu.memory_space<hbm>>
        tpu.wait_dma2 semaphore(%arg11 : memref<!tpu.dma_semaphore, #tpu.memory_space<semaphore_mem>>) src(%dma_wait3A_411 : memref<800xi32, #tpu.memory_space<hbm>>) dst(%dma_wait3A_410 : memref<800xi32, #tpu.memory_space<vmem>>)
        %dma_wait3A_412 = arith.constant 8000 : i32
        %dma_wait3A_413 = tpu.memref_slice %arg6[%dma_wait3A_412] : memref<12800xi32, #tpu.memory_space<vmem>> -> memref<800xi32, #tpu.memory_space<vmem>>
        %dma_wait3A_414 = tpu.memref_slice %arg2[%add3A_339] : memref<16000000xi32, #tpu.memory_space<hbm>> -> memref<800xi32, #tpu.memory_space<hbm>>
        %dma_wait3A_415 = arith.constant 8000 : i32
        %dma_wait3A_416 = tpu.memref_slice %arg6[%dma_wait3A_415] : memref<12800xi32, #tpu.memory_space<vmem>> -> memref<800xi32, #tpu.memory_space<vmem>>
        %dma_wait3A_417 = tpu.memref_slice %arg2[%add3A_339] : memref<16000000xi32, #tpu.memory_space<hbm>> -> memref<800xi32, #tpu.memory_space<hbm>>
        tpu.wait_dma2 semaphore(%arg11 : memref<!tpu.dma_semaphore, #tpu.memory_space<semaphore_mem>>) src(%dma_wait3A_417 : memref<800xi32, #tpu.memory_space<hbm>>) dst(%dma_wait3A_416 : memref<800xi32, #tpu.memory_space<vmem>>)
        %dma_wait3A_418 = arith.constant 8800 : i32
        %dma_wait3A_419 = tpu.memref_slice %arg6[%dma_wait3A_418] : memref<12800xi32, #tpu.memory_space<vmem>> -> memref<800xi32, #tpu.memory_space<vmem>>
        %dma_wait3A_420 = tpu.memref_slice %arg2[%add3A_341] : memref<16000000xi32, #tpu.memory_space<hbm>> -> memref<800xi32, #tpu.memory_space<hbm>>
        %dma_wait3A_421 = arith.constant 8800 : i32
        %dma_wait3A_422 = tpu.memref_slice %arg6[%dma_wait3A_421] : memref<12800xi32, #tpu.memory_space<vmem>> -> memref<800xi32, #tpu.memory_space<vmem>>
        %dma_wait3A_423 = tpu.memref_slice %arg2[%add3A_341] : memref<16000000xi32, #tpu.memory_space<hbm>> -> memref<800xi32, #tpu.memory_space<hbm>>
        tpu.wait_dma2 semaphore(%arg11 : memref<!tpu.dma_semaphore, #tpu.memory_space<semaphore_mem>>) src(%dma_wait3A_423 : memref<800xi32, #tpu.memory_space<hbm>>) dst(%dma_wait3A_422 : memref<800xi32, #tpu.memory_space<vmem>>)
        %dma_wait3A_424 = arith.constant 9600 : i32
        %dma_wait3A_425 = tpu.memref_slice %arg6[%dma_wait3A_424] : memref<12800xi32, #tpu.memory_space<vmem>> -> memref<800xi32, #tpu.memory_space<vmem>>
        %dma_wait3A_426 = tpu.memref_slice %arg2[%add3A_343] : memref<16000000xi32, #tpu.memory_space<hbm>> -> memref<800xi32, #tpu.memory_space<hbm>>
        %dma_wait3A_427 = arith.constant 9600 : i32
        %dma_wait3A_428 = tpu.memref_slice %arg6[%dma_wait3A_427] : memref<12800xi32, #tpu.memory_space<vmem>> -> memref<800xi32, #tpu.memory_space<vmem>>
        %dma_wait3A_429 = tpu.memref_slice %arg2[%add3A_343] : memref<16000000xi32, #tpu.memory_space<hbm>> -> memref<800xi32, #tpu.memory_space<hbm>>
        tpu.wait_dma2 semaphore(%arg11 : memref<!tpu.dma_semaphore, #tpu.memory_space<semaphore_mem>>) src(%dma_wait3A_429 : memref<800xi32, #tpu.memory_space<hbm>>) dst(%dma_wait3A_428 : memref<800xi32, #tpu.memory_space<vmem>>)
        %dma_wait3A_430 = arith.constant 10400 : i32
        %dma_wait3A_431 = tpu.memref_slice %arg6[%dma_wait3A_430] : memref<12800xi32, #tpu.memory_space<vmem>> -> memref<800xi32, #tpu.memory_space<vmem>>
        %dma_wait3A_432 = tpu.memref_slice %arg2[%add3A_345] : memref<16000000xi32, #tpu.memory_space<hbm>> -> memref<800xi32, #tpu.memory_space<hbm>>
        %dma_wait3A_433 = arith.constant 10400 : i32
        %dma_wait3A_434 = tpu.memref_slice %arg6[%dma_wait3A_433] : memref<12800xi32, #tpu.memory_space<vmem>> -> memref<800xi32, #tpu.memory_space<vmem>>
        %dma_wait3A_435 = tpu.memref_slice %arg2[%add3A_345] : memref<16000000xi32, #tpu.memory_space<hbm>> -> memref<800xi32, #tpu.memory_space<hbm>>
        tpu.wait_dma2 semaphore(%arg11 : memref<!tpu.dma_semaphore, #tpu.memory_space<semaphore_mem>>) src(%dma_wait3A_435 : memref<800xi32, #tpu.memory_space<hbm>>) dst(%dma_wait3A_434 : memref<800xi32, #tpu.memory_space<vmem>>)
        %dma_wait3A_436 = arith.constant 11200 : i32
        %dma_wait3A_437 = tpu.memref_slice %arg6[%dma_wait3A_436] : memref<12800xi32, #tpu.memory_space<vmem>> -> memref<800xi32, #tpu.memory_space<vmem>>
        %dma_wait3A_438 = tpu.memref_slice %arg2[%add3A_347] : memref<16000000xi32, #tpu.memory_space<hbm>> -> memref<800xi32, #tpu.memory_space<hbm>>
        %dma_wait3A_439 = arith.constant 11200 : i32
        %dma_wait3A_440 = tpu.memref_slice %arg6[%dma_wait3A_439] : memref<12800xi32, #tpu.memory_space<vmem>> -> memref<800xi32, #tpu.memory_space<vmem>>
        %dma_wait3A_441 = tpu.memref_slice %arg2[%add3A_347] : memref<16000000xi32, #tpu.memory_space<hbm>> -> memref<800xi32, #tpu.memory_space<hbm>>
        tpu.wait_dma2 semaphore(%arg11 : memref<!tpu.dma_semaphore, #tpu.memory_space<semaphore_mem>>) src(%dma_wait3A_441 : memref<800xi32, #tpu.memory_space<hbm>>) dst(%dma_wait3A_440 : memref<800xi32, #tpu.memory_space<vmem>>)
        %dma_wait3A_442 = arith.constant 12000 : i32
        %dma_wait3A_443 = tpu.memref_slice %arg6[%dma_wait3A_442] : memref<12800xi32, #tpu.memory_space<vmem>> -> memref<800xi32, #tpu.memory_space<vmem>>
        %dma_wait3A_444 = tpu.memref_slice %arg2[%add3A_349] : memref<16000000xi32, #tpu.memory_space<hbm>> -> memref<800xi32, #tpu.memory_space<hbm>>
        %dma_wait3A_445 = arith.constant 12000 : i32
        %dma_wait3A_446 = tpu.memref_slice %arg6[%dma_wait3A_445] : memref<12800xi32, #tpu.memory_space<vmem>> -> memref<800xi32, #tpu.memory_space<vmem>>
        %dma_wait3A_447 = tpu.memref_slice %arg2[%add3A_349] : memref<16000000xi32, #tpu.memory_space<hbm>> -> memref<800xi32, #tpu.memory_space<hbm>>
        tpu.wait_dma2 semaphore(%arg11 : memref<!tpu.dma_semaphore, #tpu.memory_space<semaphore_mem>>) src(%dma_wait3A_447 : memref<800xi32, #tpu.memory_space<hbm>>) dst(%dma_wait3A_446 : memref<800xi32, #tpu.memory_space<vmem>>)
        %dma_wait3A_448 = tpu.memref_slice %arg3[%mul3A_351] : memref<1000000xi32, #tpu.memory_space<hbm>> -> memref<800xi32, #tpu.memory_space<hbm>>
        %dma_wait3A_449 = tpu.memref_slice %arg3[%mul3A_351] : memref<1000000xi32, #tpu.memory_space<hbm>> -> memref<800xi32, #tpu.memory_space<hbm>>
        tpu.wait_dma2 semaphore(%arg11 : memref<!tpu.dma_semaphore, #tpu.memory_space<semaphore_mem>>) src(%dma_wait3A_449 : memref<800xi32, #tpu.memory_space<hbm>>) dst(%arg8 : memref<800xi32, #tpu.memory_space<vmem>>)
        %scan3A_450 = arith.constant 0 : i32
        %scan3A_451 = arith.constant 0 : i32
        %scan3A_452 = arith.constant 800 : i32
        %scan3A_453 = arith.addi %scan3A_451, %scan3A_452 : i32
        %scan3A_454 = arith.constant 16 : i32
        scf.for %scan3A_462 = %scan3A_451 to %scan3A_453 step %scan3A_454  : i32 {
          %mul3A_463 = arith.constant 16 : i32
          %mul3A_464 = arith.muli %scan3A_462, %mul3A_463 : i32
          %get3A = arith.index_cast %mul3A_464 : i32 to index
          %get3A_465 = tpu.vector_load %arg6[%get3A] {strides = array<i32>} : memref<12800xi32, #tpu.memory_space<vmem>>, vector<16xi32>,
          %add3A_466 = arith.addi %get3A_465, %iota3A : vector<16xi32>
          tpu.vector_store_idx %arg9[%add3A_466], %broadcast_in_dim3A_10 {add = true} : memref<102912xi32, #tpu.memory_space<vmem>>[vector<16xi32>], vector<16xi32>,
          %scan3A_467 = arith.constant 1 : i32
          %scan3A_468 = arith.addi %scan3A_462, %scan3A_467 : i32
          %mul3A_469 = arith.constant 16 : i32
          %mul3A_470 = arith.muli %scan3A_468, %mul3A_469 : i32
          %get3A_471 = arith.index_cast %mul3A_470 : i32 to index
          %get3A_472 = tpu.vector_load %arg6[%get3A_471] {strides = array<i32>} : memref<12800xi32, #tpu.memory_space<vmem>>, vector<16xi32>,
          %add3A_473 = arith.addi %get3A_472, %iota3A : vector<16xi32>
          tpu.vector_store_idx %arg9[%add3A_473], %broadcast_in_dim3A_10 {add = true} : memref<102912xi32, #tpu.memory_space<vmem>>[vector<16xi32>], vector<16xi32>,
          %scan3A_474 = arith.constant 2 : i32
          %scan3A_475 = arith.addi %scan3A_462, %scan3A_474 : i32
          %mul3A_476 = arith.constant 16 : i32
          %mul3A_477 = arith.muli %scan3A_475, %mul3A_476 : i32
          %get3A_478 = arith.index_cast %mul3A_477 : i32 to index
          %get3A_479 = tpu.vector_load %arg6[%get3A_478] {strides = array<i32>} : memref<12800xi32, #tpu.memory_space<vmem>>, vector<16xi32>,
          %add3A_480 = arith.addi %get3A_479, %iota3A : vector<16xi32>
          tpu.vector_store_idx %arg9[%add3A_480], %broadcast_in_dim3A_10 {add = true} : memref<102912xi32, #tpu.memory_space<vmem>>[vector<16xi32>], vector<16xi32>,
          %scan3A_481 = arith.constant 3 : i32
          %scan3A_482 = arith.addi %scan3A_462, %scan3A_481 : i32
          %mul3A_483 = arith.constant 16 : i32
          %mul3A_484 = arith.muli %scan3A_482, %mul3A_483 : i32
          %get3A_485 = arith.index_cast %mul3A_484 : i32 to index
          %get3A_486 = tpu.vector_load %arg6[%get3A_485] {strides = array<i32>} : memref<12800xi32, #tpu.memory_space<vmem>>, vector<16xi32>,
          %add3A_487 = arith.addi %get3A_486, %iota3A : vector<16xi32>
          tpu.vector_store_idx %arg9[%add3A_487], %broadcast_in_dim3A_10 {add = true} : memref<102912xi32, #tpu.memory_space<vmem>>[vector<16xi32>], vector<16xi32>,
          %scan3A_488 = arith.constant 4 : i32
          %scan3A_489 = arith.addi %scan3A_462, %scan3A_488 : i32
          %mul3A_490 = arith.constant 16 : i32
          %mul3A_491 = arith.muli %scan3A_489, %mul3A_490 : i32
          %get3A_492 = arith.index_cast %mul3A_491 : i32 to index
          %get3A_493 = tpu.vector_load %arg6[%get3A_492] {strides = array<i32>} : memref<12800xi32, #tpu.memory_space<vmem>>, vector<16xi32>,
          %add3A_494 = arith.addi %get3A_493, %iota3A : vector<16xi32>
          tpu.vector_store_idx %arg9[%add3A_494], %broadcast_in_dim3A_10 {add = true} : memref<102912xi32, #tpu.memory_space<vmem>>[vector<16xi32>], vector<16xi32>,
          %scan3A_495 = arith.constant 5 : i32
          %scan3A_496 = arith.addi %scan3A_462, %scan3A_495 : i32
          %mul3A_497 = arith.constant 16 : i32
          %mul3A_498 = arith.muli %scan3A_496, %mul3A_497 : i32
          %get3A_499 = arith.index_cast %mul3A_498 : i32 to index
          %get3A_500 = tpu.vector_load %arg6[%get3A_499] {strides = array<i32>} : memref<12800xi32, #tpu.memory_space<vmem>>, vector<16xi32>,
          %add3A_501 = arith.addi %get3A_500, %iota3A : vector<16xi32>
          tpu.vector_store_idx %arg9[%add3A_501], %broadcast_in_dim3A_10 {add = true} : memref<102912xi32, #tpu.memory_space<vmem>>[vector<16xi32>], vector<16xi32>,
          %scan3A_502 = arith.constant 6 : i32
          %scan3A_503 = arith.addi %scan3A_462, %scan3A_502 : i32
          %mul3A_504 = arith.constant 16 : i32
          %mul3A_505 = arith.muli %scan3A_503, %mul3A_504 : i32
          %get3A_506 = arith.index_cast %mul3A_505 : i32 to index
          %get3A_507 = tpu.vector_load %arg6[%get3A_506] {strides = array<i32>} : memref<12800xi32, #tpu.memory_space<vmem>>, vector<16xi32>,
          %add3A_508 = arith.addi %get3A_507, %iota3A : vector<16xi32>
          tpu.vector_store_idx %arg9[%add3A_508], %broadcast_in_dim3A_10 {add = true} : memref<102912xi32, #tpu.memory_space<vmem>>[vector<16xi32>], vector<16xi32>,
          %scan3A_509 = arith.constant 7 : i32
          %scan3A_510 = arith.addi %scan3A_462, %scan3A_509 : i32
          %mul3A_511 = arith.constant 16 : i32
          %mul3A_512 = arith.muli %scan3A_510, %mul3A_511 : i32
          %get3A_513 = arith.index_cast %mul3A_512 : i32 to index
          %get3A_514 = tpu.vector_load %arg6[%get3A_513] {strides = array<i32>} : memref<12800xi32, #tpu.memory_space<vmem>>, vector<16xi32>,
          %add3A_515 = arith.addi %get3A_514, %iota3A : vector<16xi32>
          tpu.vector_store_idx %arg9[%add3A_515], %broadcast_in_dim3A_10 {add = true} : memref<102912xi32, #tpu.memory_space<vmem>>[vector<16xi32>], vector<16xi32>,
          %scan3A_516 = arith.constant 8 : i32
          %scan3A_517 = arith.addi %scan3A_462, %scan3A_516 : i32
          %mul3A_518 = arith.constant 16 : i32
          %mul3A_519 = arith.muli %scan3A_517, %mul3A_518 : i32
          %get3A_520 = arith.index_cast %mul3A_519 : i32 to index
          %get3A_521 = tpu.vector_load %arg6[%get3A_520] {strides = array<i32>} : memref<12800xi32, #tpu.memory_space<vmem>>, vector<16xi32>,
          %add3A_522 = arith.addi %get3A_521, %iota3A : vector<16xi32>
          tpu.vector_store_idx %arg9[%add3A_522], %broadcast_in_dim3A_10 {add = true} : memref<102912xi32, #tpu.memory_space<vmem>>[vector<16xi32>], vector<16xi32>,
          %scan3A_523 = arith.constant 9 : i32
          %scan3A_524 = arith.addi %scan3A_462, %scan3A_523 : i32
          %mul3A_525 = arith.constant 16 : i32
          %mul3A_526 = arith.muli %scan3A_524, %mul3A_525 : i32
          %get3A_527 = arith.index_cast %mul3A_526 : i32 to index
          %get3A_528 = tpu.vector_load %arg6[%get3A_527] {strides = array<i32>} : memref<12800xi32, #tpu.memory_space<vmem>>, vector<16xi32>,
          %add3A_529 = arith.addi %get3A_528, %iota3A : vector<16xi32>
          tpu.vector_store_idx %arg9[%add3A_529], %broadcast_in_dim3A_10 {add = true} : memref<102912xi32, #tpu.memory_space<vmem>>[vector<16xi32>], vector<16xi32>,
          %scan3A_530 = arith.constant 10 : i32
          %scan3A_531 = arith.addi %scan3A_462, %scan3A_530 : i32
          %mul3A_532 = arith.constant 16 : i32
          %mul3A_533 = arith.muli %scan3A_531, %mul3A_532 : i32
          %get3A_534 = arith.index_cast %mul3A_533 : i32 to index
          %get3A_535 = tpu.vector_load %arg6[%get3A_534] {strides = array<i32>} : memref<12800xi32, #tpu.memory_space<vmem>>, vector<16xi32>,
          %add3A_536 = arith.addi %get3A_535, %iota3A : vector<16xi32>
          tpu.vector_store_idx %arg9[%add3A_536], %broadcast_in_dim3A_10 {add = true} : memref<102912xi32, #tpu.memory_space<vmem>>[vector<16xi32>], vector<16xi32>,
          %scan3A_537 = arith.constant 11 : i32
          %scan3A_538 = arith.addi %scan3A_462, %scan3A_537 : i32
          %mul3A_539 = arith.constant 16 : i32
          %mul3A_540 = arith.muli %scan3A_538, %mul3A_539 : i32
          %get3A_541 = arith.index_cast %mul3A_540 : i32 to index
          %get3A_542 = tpu.vector_load %arg6[%get3A_541] {strides = array<i32>} : memref<12800xi32, #tpu.memory_space<vmem>>, vector<16xi32>,
          %add3A_543 = arith.addi %get3A_542, %iota3A : vector<16xi32>
          tpu.vector_store_idx %arg9[%add3A_543], %broadcast_in_dim3A_10 {add = true} : memref<102912xi32, #tpu.memory_space<vmem>>[vector<16xi32>], vector<16xi32>,
          %scan3A_544 = arith.constant 12 : i32
          %scan3A_545 = arith.addi %scan3A_462, %scan3A_544 : i32
          %mul3A_546 = arith.constant 16 : i32
          %mul3A_547 = arith.muli %scan3A_545, %mul3A_546 : i32
          %get3A_548 = arith.index_cast %mul3A_547 : i32 to index
          %get3A_549 = tpu.vector_load %arg6[%get3A_548] {strides = array<i32>} : memref<12800xi32, #tpu.memory_space<vmem>>, vector<16xi32>,
          %add3A_550 = arith.addi %get3A_549, %iota3A : vector<16xi32>
          tpu.vector_store_idx %arg9[%add3A_550], %broadcast_in_dim3A_10 {add = true} : memref<102912xi32, #tpu.memory_space<vmem>>[vector<16xi32>], vector<16xi32>,
          %scan3A_551 = arith.constant 13 : i32
          %scan3A_552 = arith.addi %scan3A_462, %scan3A_551 : i32
          %mul3A_553 = arith.constant 16 : i32
          %mul3A_554 = arith.muli %scan3A_552, %mul3A_553 : i32
          %get3A_555 = arith.index_cast %mul3A_554 : i32 to index
          %get3A_556 = tpu.vector_load %arg6[%get3A_555] {strides = array<i32>} : memref<12800xi32, #tpu.memory_space<vmem>>, vector<16xi32>,
          %add3A_557 = arith.addi %get3A_556, %iota3A : vector<16xi32>
          tpu.vector_store_idx %arg9[%add3A_557], %broadcast_in_dim3A_10 {add = true} : memref<102912xi32, #tpu.memory_space<vmem>>[vector<16xi32>], vector<16xi32>,
          %scan3A_558 = arith.constant 14 : i32
          %scan3A_559 = arith.addi %scan3A_462, %scan3A_558 : i32
          %mul3A_560 = arith.constant 16 : i32
          %mul3A_561 = arith.muli %scan3A_559, %mul3A_560 : i32
          %get3A_562 = arith.index_cast %mul3A_561 : i32 to index
          %get3A_563 = tpu.vector_load %arg6[%get3A_562] {strides = array<i32>} : memref<12800xi32, #tpu.memory_space<vmem>>, vector<16xi32>,
          %add3A_564 = arith.addi %get3A_563, %iota3A : vector<16xi32>
          tpu.vector_store_idx %arg9[%add3A_564], %broadcast_in_dim3A_10 {add = true} : memref<102912xi32, #tpu.memory_space<vmem>>[vector<16xi32>], vector<16xi32>,
          %scan3A_565 = arith.constant 15 : i32
          %scan3A_566 = arith.addi %scan3A_462, %scan3A_565 : i32
          %mul3A_567 = arith.constant 16 : i32
          %mul3A_568 = arith.muli %scan3A_566, %mul3A_567 : i32
          %get3A_569 = arith.index_cast %mul3A_568 : i32 to index
          %get3A_570 = tpu.vector_load %arg6[%get3A_569] {strides = array<i32>} : memref<12800xi32, #tpu.memory_space<vmem>>, vector<16xi32>,
          %add3A_571 = arith.addi %get3A_570, %iota3A : vector<16xi32>
          tpu.vector_store_idx %arg9[%add3A_571], %broadcast_in_dim3A_10 {add = true} : memref<102912xi32, #tpu.memory_space<vmem>>[vector<16xi32>], vector<16xi32>,
        }
        %scan3A_455 = arith.constant 800 : i32
        %scan3A_456 = arith.constant 0 : i32
        %scan3A_457 = arith.constant 0 : i32
        %scan3A_458 = arith.constant 50 : i32
        %scan3A_459 = arith.addi %scan3A_457, %scan3A_458 : i32
        %scan3A_460 = arith.constant 10 : i32
        scf.for %scan3A_462 = %scan3A_457 to %scan3A_459 step %scan3A_460  : i32 {
          %mul3A_463 = arith.constant 16 : i32
          %mul3A_464 = arith.muli %scan3A_462, %mul3A_463 : i32
          %get3A = arith.index_cast %mul3A_464 : i32 to index
          %get3A_465 = tpu.vector_load %arg8[%get3A] {strides = array<i32>} : memref<800xi32, #tpu.memory_space<vmem>>, vector<16xi32>,
          %add3A_466 = arith.addi %get3A_465, %iota3A : vector<16xi32>
          tpu.vector_store_idx %arg9[%add3A_466], %broadcast_in_dim3A_10 {add = true} : memref<102912xi32, #tpu.memory_space<vmem>>[vector<16xi32>], vector<16xi32>,
          %scan3A_467 = arith.constant 1 : i32
          %scan3A_468 = arith.addi %scan3A_462, %scan3A_467 : i32
          %mul3A_469 = arith.constant 16 : i32
          %mul3A_470 = arith.muli %scan3A_468, %mul3A_469 : i32
          %get3A_471 = arith.index_cast %mul3A_470 : i32 to index
          %get3A_472 = tpu.vector_load %arg8[%get3A_471] {strides = array<i32>} : memref<800xi32, #tpu.memory_space<vmem>>, vector<16xi32>,
          %add3A_473 = arith.addi %get3A_472, %iota3A : vector<16xi32>
          tpu.vector_store_idx %arg9[%add3A_473], %broadcast_in_dim3A_10 {add = true} : memref<102912xi32, #tpu.memory_space<vmem>>[vector<16xi32>], vector<16xi32>,
          %scan3A_474 = arith.constant 2 : i32
          %scan3A_475 = arith.addi %scan3A_462, %scan3A_474 : i32
          %mul3A_476 = arith.constant 16 : i32
          %mul3A_477 = arith.muli %scan3A_475, %mul3A_476 : i32
          %get3A_478 = arith.index_cast %mul3A_477 : i32 to index
          %get3A_479 = tpu.vector_load %arg8[%get3A_478] {strides = array<i32>} : memref<800xi32, #tpu.memory_space<vmem>>, vector<16xi32>,
          %add3A_480 = arith.addi %get3A_479, %iota3A : vector<16xi32>
          tpu.vector_store_idx %arg9[%add3A_480], %broadcast_in_dim3A_10 {add = true} : memref<102912xi32, #tpu.memory_space<vmem>>[vector<16xi32>], vector<16xi32>,
          %scan3A_481 = arith.constant 3 : i32
          %scan3A_482 = arith.addi %scan3A_462, %scan3A_481 : i32
          %mul3A_483 = arith.constant 16 : i32
          %mul3A_484 = arith.muli %scan3A_482, %mul3A_483 : i32
          %get3A_485 = arith.index_cast %mul3A_484 : i32 to index
          %get3A_486 = tpu.vector_load %arg8[%get3A_485] {strides = array<i32>} : memref<800xi32, #tpu.memory_space<vmem>>, vector<16xi32>,
          %add3A_487 = arith.addi %get3A_486, %iota3A : vector<16xi32>
          tpu.vector_store_idx %arg9[%add3A_487], %broadcast_in_dim3A_10 {add = true} : memref<102912xi32, #tpu.memory_space<vmem>>[vector<16xi32>], vector<16xi32>,
          %scan3A_488 = arith.constant 4 : i32
          %scan3A_489 = arith.addi %scan3A_462, %scan3A_488 : i32
          %mul3A_490 = arith.constant 16 : i32
          %mul3A_491 = arith.muli %scan3A_489, %mul3A_490 : i32
          %get3A_492 = arith.index_cast %mul3A_491 : i32 to index
          %get3A_493 = tpu.vector_load %arg8[%get3A_492] {strides = array<i32>} : memref<800xi32, #tpu.memory_space<vmem>>, vector<16xi32>,
          %add3A_494 = arith.addi %get3A_493, %iota3A : vector<16xi32>
          tpu.vector_store_idx %arg9[%add3A_494], %broadcast_in_dim3A_10 {add = true} : memref<102912xi32, #tpu.memory_space<vmem>>[vector<16xi32>], vector<16xi32>,
          %scan3A_495 = arith.constant 5 : i32
          %scan3A_496 = arith.addi %scan3A_462, %scan3A_495 : i32
          %mul3A_497 = arith.constant 16 : i32
          %mul3A_498 = arith.muli %scan3A_496, %mul3A_497 : i32
          %get3A_499 = arith.index_cast %mul3A_498 : i32 to index
          %get3A_500 = tpu.vector_load %arg8[%get3A_499] {strides = array<i32>} : memref<800xi32, #tpu.memory_space<vmem>>, vector<16xi32>,
          %add3A_501 = arith.addi %get3A_500, %iota3A : vector<16xi32>
          tpu.vector_store_idx %arg9[%add3A_501], %broadcast_in_dim3A_10 {add = true} : memref<102912xi32, #tpu.memory_space<vmem>>[vector<16xi32>], vector<16xi32>,
          %scan3A_502 = arith.constant 6 : i32
          %scan3A_503 = arith.addi %scan3A_462, %scan3A_502 : i32
          %mul3A_504 = arith.constant 16 : i32
          %mul3A_505 = arith.muli %scan3A_503, %mul3A_504 : i32
          %get3A_506 = arith.index_cast %mul3A_505 : i32 to index
          %get3A_507 = tpu.vector_load %arg8[%get3A_506] {strides = array<i32>} : memref<800xi32, #tpu.memory_space<vmem>>, vector<16xi32>,
          %add3A_508 = arith.addi %get3A_507, %iota3A : vector<16xi32>
          tpu.vector_store_idx %arg9[%add3A_508], %broadcast_in_dim3A_10 {add = true} : memref<102912xi32, #tpu.memory_space<vmem>>[vector<16xi32>], vector<16xi32>,
          %scan3A_509 = arith.constant 7 : i32
          %scan3A_510 = arith.addi %scan3A_462, %scan3A_509 : i32
          %mul3A_511 = arith.constant 16 : i32
          %mul3A_512 = arith.muli %scan3A_510, %mul3A_511 : i32
          %get3A_513 = arith.index_cast %mul3A_512 : i32 to index
          %get3A_514 = tpu.vector_load %arg8[%get3A_513] {strides = array<i32>} : memref<800xi32, #tpu.memory_space<vmem>>, vector<16xi32>,
          %add3A_515 = arith.addi %get3A_514, %iota3A : vector<16xi32>
          tpu.vector_store_idx %arg9[%add3A_515], %broadcast_in_dim3A_10 {add = true} : memref<102912xi32, #tpu.memory_space<vmem>>[vector<16xi32>], vector<16xi32>,
          %scan3A_516 = arith.constant 8 : i32
          %scan3A_517 = arith.addi %scan3A_462, %scan3A_516 : i32
          %mul3A_518 = arith.constant 16 : i32
          %mul3A_519 = arith.muli %scan3A_517, %mul3A_518 : i32
          %get3A_520 = arith.index_cast %mul3A_519 : i32 to index
          %get3A_521 = tpu.vector_load %arg8[%get3A_520] {strides = array<i32>} : memref<800xi32, #tpu.memory_space<vmem>>, vector<16xi32>,
          %add3A_522 = arith.addi %get3A_521, %iota3A : vector<16xi32>
          tpu.vector_store_idx %arg9[%add3A_522], %broadcast_in_dim3A_10 {add = true} : memref<102912xi32, #tpu.memory_space<vmem>>[vector<16xi32>], vector<16xi32>,
          %scan3A_523 = arith.constant 9 : i32
          %scan3A_524 = arith.addi %scan3A_462, %scan3A_523 : i32
          %mul3A_525 = arith.constant 16 : i32
          %mul3A_526 = arith.muli %scan3A_524, %mul3A_525 : i32
          %get3A_527 = arith.index_cast %mul3A_526 : i32 to index
          %get3A_528 = tpu.vector_load %arg8[%get3A_527] {strides = array<i32>} : memref<800xi32, #tpu.memory_space<vmem>>, vector<16xi32>,
          %add3A_529 = arith.addi %get3A_528, %iota3A : vector<16xi32>
          tpu.vector_store_idx %arg9[%add3A_529], %broadcast_in_dim3A_10 {add = true} : memref<102912xi32, #tpu.memory_space<vmem>>[vector<16xi32>], vector<16xi32>,
        }
        %scan3A_461 = arith.constant 50 : i32
      } else {
      }
    }
    %while3A_41 = arith.constant 1 : i32
    scf.for %while3A_53 = %while3A_39 to %while3A_35 step %while3A_41  : i32 {
      %mul3A_54 = arith.constant 2 : i32
      %mul3A_55 = arith.muli %while3A_53, %mul3A_54 : i32
      %add3A_56 = arith.constant 1 : i32
      %add3A_57 = arith.addi %mul3A_55, %add3A_56 : i32
      %lt3A_58 = arith.cmpi slt, %add3A_57, %select_n3A : i32
      %convert_element_type3A_59 = arith.extui %lt3A_58 : i1 to i32
      %cond3A_60 = arith.constant 0 : i32
      %cond3A_61 = arith.cmpi ne, %convert_element_type3A_59, %cond3A_60 : i32
      scf.if %cond3A_61 {
        %add3A_266 = arith.constant 1 : i32
        %add3A_267 = arith.addi %mul3A_55, %add3A_266 : i32
        %mul3A_268 = arith.constant 32 : i32
        %mul3A_269 = arith.muli %add3A_267, %mul3A_268 : i32
        %add3A_270 = arith.addi %add3A, %mul3A_269 : i32
        %jit3A_271 = arith.constant 5 : i32
        %div3A_272 = arith.divsi %add3A_270, %jit3A_271 : i32
        %sign3A_273 = arith.constant 0 : i32
        %sign3A_274 = arith.cmpi sgt, %add3A_270, %sign3A_273 : i32
        %sign3A_275 = arith.extui %sign3A_274 : i1 to i32
        %sign3A_276 = arith.constant 0 : i32
        %sign3A_277 = arith.cmpi slt, %add3A_270, %sign3A_276 : i32
        %sign3A_278 = arith.extui %sign3A_277 : i1 to i32
        %sign3A_279 = arith.subi %sign3A_275, %sign3A_278 : i32
        %sign3A_280 = arith.constant 0 : i32
        %sign3A_281 = arith.cmpi sgt, %jit3A_271, %sign3A_280 : i32
        %sign3A_282 = arith.extui %sign3A_281 : i1 to i32
        %sign3A_283 = arith.constant 0 : i32
        %sign3A_284 = arith.cmpi slt, %jit3A_271, %sign3A_283 : i32
        %sign3A_285 = arith.extui %sign3A_284 : i1 to i32
        %sign3A_286 = arith.subi %sign3A_282, %sign3A_285 : i32
        %ne3A_287 = arith.cmpi ne, %sign3A_279, %sign3A_286 : i32
        %rem3A_288 = arith.remsi %add3A_270, %jit3A_271 : i32
        %ne3A_289 = arith.constant 0 : i32
        %ne3A_290 = arith.cmpi ne, %rem3A_288, %ne3A_289 : i32
        %and3A_291 = arith.andi %ne3A_287, %ne3A_290 : i1
        %sub3A_292 = arith.constant 1 : i32
        %sub3A_293 = arith.subi %div3A_272, %sub3A_292 : i32
        %select_n3A_294 = arith.select %and3A_291, %sub3A_293, %div3A_272 : i32
        %mul3A_295 = arith.constant 16 : i32
        %mul3A_296 = arith.muli %select_n3A_294, %mul3A_295 : i32
        %mul3A_297 = arith.constant 4000 : i32
        %mul3A_298 = arith.muli %mul3A_296, %mul3A_297 : i32
        %jit3A_299 = arith.constant 5 : i32
        %eq3A_300 = arith.constant 0 : i32
        %eq3A_301 = arith.cmpi eq, %jit3A_299, %eq3A_300 : i32
        %jit3A_302 = arith.constant 1 : i32
        %select_n3A_303 = arith.select %eq3A_301, %jit3A_302, %jit3A_299 : i32
        %rem3A_304 = arith.remsi %add3A_270, %select_n3A_303 : i32
        %ne3A_305 = arith.constant 0 : i32
        %ne3A_306 = arith.cmpi ne, %rem3A_304, %ne3A_305 : i32
        %lt3A_307 = arith.constant 0 : i32
        %lt3A_308 = arith.cmpi slt, %rem3A_304, %lt3A_307 : i32
        %lt3A_309 = arith.constant 0 : i32
        %lt3A_310 = arith.cmpi slt, %select_n3A_303, %lt3A_309 : i32
        %ne3A_311 = arith.xori %lt3A_308, %lt3A_310 : i1
        %and3A_312 = arith.andi %ne3A_311, %ne3A_306 : i1
        %add3A_313 = arith.addi %rem3A_304, %select_n3A_303 : i32
        %select_n3A_314 = arith.select %and3A_312, %add3A_313, %rem3A_304 : i32
        %mul3A_315 = arith.constant 800 : i32
        %mul3A_316 = arith.muli %select_n3A_314, %mul3A_315 : i32
        %add3A_317 = arith.addi %mul3A_298, %mul3A_316 : i32
        %add3A_318 = arith.constant 0 : i32
        %add3A_319 = arith.addi %add3A_317, %add3A_318 : i32
        %add3A_320 = arith.constant 4000 : i32
        %add3A_321 = arith.addi %add3A_317, %add3A_320 : i32
        %add3A_322 = arith.constant 8000 : i32
        %add3A_323 = arith.addi %add3A_317, %add3A_322 : i32
        %add3A_324 = arith.constant 12000 : i32
        %add3A_325 = arith.addi %add3A_317, %add3A_324 : i32
        %add3A_326 = arith.constant 16000 : i32
        %add3A_327 = arith.addi %add3A_317, %add3A_326 : i32
        %add3A_328 = arith.constant 20000 : i32
        %add3A_329 = arith.addi %add3A_317, %add3A_328 : i32
        %add3A_330 = arith.constant 24000 : i32
        %add3A_331 = arith.addi %add3A_317, %add3A_330 : i32
        %add3A_332 = arith.constant 28000 : i32
        %add3A_333 = arith.addi %add3A_317, %add3A_332 : i32
        %add3A_334 = arith.constant 32000 : i32
        %add3A_335 = arith.addi %add3A_317, %add3A_334 : i32
        %add3A_336 = arith.constant 36000 : i32
        %add3A_337 = arith.addi %add3A_317, %add3A_336 : i32
        %add3A_338 = arith.constant 40000 : i32
        %add3A_339 = arith.addi %add3A_317, %add3A_338 : i32
        %add3A_340 = arith.constant 44000 : i32
        %add3A_341 = arith.addi %add3A_317, %add3A_340 : i32
        %add3A_342 = arith.constant 48000 : i32
        %add3A_343 = arith.addi %add3A_317, %add3A_342 : i32
        %add3A_344 = arith.constant 52000 : i32
        %add3A_345 = arith.addi %add3A_317, %add3A_344 : i32
        %add3A_346 = arith.constant 56000 : i32
        %add3A_347 = arith.addi %add3A_317, %add3A_346 : i32
        %add3A_348 = arith.constant 60000 : i32
        %add3A_349 = arith.addi %add3A_317, %add3A_348 : i32
        %mul3A_350 = arith.constant 800 : i32
        %mul3A_351 = arith.muli %add3A_270, %mul3A_350 : i32
        %dma_start3A = arith.constant 0 : i32
        %dma_start3A_352 = tpu.memref_slice %arg6[%dma_start3A] : memref<12800xi32, #tpu.memory_space<vmem>> -> memref<800xi32, #tpu.memory_space<vmem>>
        %dma_start3A_353 = tpu.memref_slice %arg2[%add3A_319] : memref<16000000xi32, #tpu.memory_space<hbm>> -> memref<800xi32, #tpu.memory_space<hbm>>
        %dma_start3A_354 = arith.constant 0 : i32
        %dma_start3A_355 = tpu.memref_slice %arg6[%dma_start3A_354] : memref<12800xi32, #tpu.memory_space<vmem>> -> memref<800xi32, #tpu.memory_space<vmem>>
        %dma_start3A_356 = tpu.memref_slice %arg2[%add3A_319] : memref<16000000xi32, #tpu.memory_space<hbm>> -> memref<800xi32, #tpu.memory_space<hbm>>
        tpu.enqueue_dma source(%dma_start3A_356 : memref<800xi32, #tpu.memory_space<hbm>>) target(%dma_start3A_355 : memref<800xi32, #tpu.memory_space<vmem>>) target_semaphore(%arg11 : memref<!tpu.dma_semaphore, #tpu.memory_space<semaphore_mem>>)
        %dma_start3A_357 = arith.constant 800 : i32
        %dma_start3A_358 = tpu.memref_slice %arg6[%dma_start3A_357] : memref<12800xi32, #tpu.memory_space<vmem>> -> memref<800xi32, #tpu.memory_space<vmem>>
        %dma_start3A_359 = tpu.memref_slice %arg2[%add3A_321] : memref<16000000xi32, #tpu.memory_space<hbm>> -> memref<800xi32, #tpu.memory_space<hbm>>
        %dma_start3A_360 = arith.constant 800 : i32
        %dma_start3A_361 = tpu.memref_slice %arg6[%dma_start3A_360] : memref<12800xi32, #tpu.memory_space<vmem>> -> memref<800xi32, #tpu.memory_space<vmem>>
        %dma_start3A_362 = tpu.memref_slice %arg2[%add3A_321] : memref<16000000xi32, #tpu.memory_space<hbm>> -> memref<800xi32, #tpu.memory_space<hbm>>
        tpu.enqueue_dma source(%dma_start3A_362 : memref<800xi32, #tpu.memory_space<hbm>>) target(%dma_start3A_361 : memref<800xi32, #tpu.memory_space<vmem>>) target_semaphore(%arg11 : memref<!tpu.dma_semaphore, #tpu.memory_space<semaphore_mem>>)
        %dma_start3A_363 = arith.constant 1600 : i32
        %dma_start3A_364 = tpu.memref_slice %arg6[%dma_start3A_363] : memref<12800xi32, #tpu.memory_space<vmem>> -> memref<800xi32, #tpu.memory_space<vmem>>
        %dma_start3A_365 = tpu.memref_slice %arg2[%add3A_323] : memref<16000000xi32, #tpu.memory_space<hbm>> -> memref<800xi32, #tpu.memory_space<hbm>>
        %dma_start3A_366 = arith.constant 1600 : i32
        %dma_start3A_367 = tpu.memref_slice %arg6[%dma_start3A_366] : memref<12800xi32, #tpu.memory_space<vmem>> -> memref<800xi32, #tpu.memory_space<vmem>>
        %dma_start3A_368 = tpu.memref_slice %arg2[%add3A_323] : memref<16000000xi32, #tpu.memory_space<hbm>> -> memref<800xi32, #tpu.memory_space<hbm>>
        tpu.enqueue_dma source(%dma_start3A_368 : memref<800xi32, #tpu.memory_space<hbm>>) target(%dma_start3A_367 : memref<800xi32, #tpu.memory_space<vmem>>) target_semaphore(%arg11 : memref<!tpu.dma_semaphore, #tpu.memory_space<semaphore_mem>>)
        %dma_start3A_369 = arith.constant 2400 : i32
        %dma_start3A_370 = tpu.memref_slice %arg6[%dma_start3A_369] : memref<12800xi32, #tpu.memory_space<vmem>> -> memref<800xi32, #tpu.memory_space<vmem>>
        %dma_start3A_371 = tpu.memref_slice %arg2[%add3A_325] : memref<16000000xi32, #tpu.memory_space<hbm>> -> memref<800xi32, #tpu.memory_space<hbm>>
        %dma_start3A_372 = arith.constant 2400 : i32
        %dma_start3A_373 = tpu.memref_slice %arg6[%dma_start3A_372] : memref<12800xi32, #tpu.memory_space<vmem>> -> memref<800xi32, #tpu.memory_space<vmem>>
        %dma_start3A_374 = tpu.memref_slice %arg2[%add3A_325] : memref<16000000xi32, #tpu.memory_space<hbm>> -> memref<800xi32, #tpu.memory_space<hbm>>
        tpu.enqueue_dma source(%dma_start3A_374 : memref<800xi32, #tpu.memory_space<hbm>>) target(%dma_start3A_373 : memref<800xi32, #tpu.memory_space<vmem>>) target_semaphore(%arg11 : memref<!tpu.dma_semaphore, #tpu.memory_space<semaphore_mem>>)
        %dma_start3A_375 = arith.constant 3200 : i32
        %dma_start3A_376 = tpu.memref_slice %arg6[%dma_start3A_375] : memref<12800xi32, #tpu.memory_space<vmem>> -> memref<800xi32, #tpu.memory_space<vmem>>
        %dma_start3A_377 = tpu.memref_slice %arg2[%add3A_327] : memref<16000000xi32, #tpu.memory_space<hbm>> -> memref<800xi32, #tpu.memory_space<hbm>>
        %dma_start3A_378 = arith.constant 3200 : i32
        %dma_start3A_379 = tpu.memref_slice %arg6[%dma_start3A_378] : memref<12800xi32, #tpu.memory_space<vmem>> -> memref<800xi32, #tpu.memory_space<vmem>>
        %dma_start3A_380 = tpu.memref_slice %arg2[%add3A_327] : memref<16000000xi32, #tpu.memory_space<hbm>> -> memref<800xi32, #tpu.memory_space<hbm>>
        tpu.enqueue_dma source(%dma_start3A_380 : memref<800xi32, #tpu.memory_space<hbm>>) target(%dma_start3A_379 : memref<800xi32, #tpu.memory_space<vmem>>) target_semaphore(%arg11 : memref<!tpu.dma_semaphore, #tpu.memory_space<semaphore_mem>>)
        %dma_start3A_381 = arith.constant 4000 : i32
        %dma_start3A_382 = tpu.memref_slice %arg6[%dma_start3A_381] : memref<12800xi32, #tpu.memory_space<vmem>> -> memref<800xi32, #tpu.memory_space<vmem>>
        %dma_start3A_383 = tpu.memref_slice %arg2[%add3A_329] : memref<16000000xi32, #tpu.memory_space<hbm>> -> memref<800xi32, #tpu.memory_space<hbm>>
        %dma_start3A_384 = arith.constant 4000 : i32
        %dma_start3A_385 = tpu.memref_slice %arg6[%dma_start3A_384] : memref<12800xi32, #tpu.memory_space<vmem>> -> memref<800xi32, #tpu.memory_space<vmem>>
        %dma_start3A_386 = tpu.memref_slice %arg2[%add3A_329] : memref<16000000xi32, #tpu.memory_space<hbm>> -> memref<800xi32, #tpu.memory_space<hbm>>
        tpu.enqueue_dma source(%dma_start3A_386 : memref<800xi32, #tpu.memory_space<hbm>>) target(%dma_start3A_385 : memref<800xi32, #tpu.memory_space<vmem>>) target_semaphore(%arg11 : memref<!tpu.dma_semaphore, #tpu.memory_space<semaphore_mem>>)
        %dma_start3A_387 = arith.constant 4800 : i32
        %dma_start3A_388 = tpu.memref_slice %arg6[%dma_start3A_387] : memref<12800xi32, #tpu.memory_space<vmem>> -> memref<800xi32, #tpu.memory_space<vmem>>
        %dma_start3A_389 = tpu.memref_slice %arg2[%add3A_331] : memref<16000000xi32, #tpu.memory_space<hbm>> -> memref<800xi32, #tpu.memory_space<hbm>>
        %dma_start3A_390 = arith.constant 4800 : i32
        %dma_start3A_391 = tpu.memref_slice %arg6[%dma_start3A_390] : memref<12800xi32, #tpu.memory_space<vmem>> -> memref<800xi32, #tpu.memory_space<vmem>>
        %dma_start3A_392 = tpu.memref_slice %arg2[%add3A_331] : memref<16000000xi32, #tpu.memory_space<hbm>> -> memref<800xi32, #tpu.memory_space<hbm>>
        tpu.enqueue_dma source(%dma_start3A_392 : memref<800xi32, #tpu.memory_space<hbm>>) target(%dma_start3A_391 : memref<800xi32, #tpu.memory_space<vmem>>) target_semaphore(%arg11 : memref<!tpu.dma_semaphore, #tpu.memory_space<semaphore_mem>>)
        %dma_start3A_393 = arith.constant 5600 : i32
        %dma_start3A_394 = tpu.memref_slice %arg6[%dma_start3A_393] : memref<12800xi32, #tpu.memory_space<vmem>> -> memref<800xi32, #tpu.memory_space<vmem>>
        %dma_start3A_395 = tpu.memref_slice %arg2[%add3A_333] : memref<16000000xi32, #tpu.memory_space<hbm>> -> memref<800xi32, #tpu.memory_space<hbm>>
        %dma_start3A_396 = arith.constant 5600 : i32
        %dma_start3A_397 = tpu.memref_slice %arg6[%dma_start3A_396] : memref<12800xi32, #tpu.memory_space<vmem>> -> memref<800xi32, #tpu.memory_space<vmem>>
        %dma_start3A_398 = tpu.memref_slice %arg2[%add3A_333] : memref<16000000xi32, #tpu.memory_space<hbm>> -> memref<800xi32, #tpu.memory_space<hbm>>
        tpu.enqueue_dma source(%dma_start3A_398 : memref<800xi32, #tpu.memory_space<hbm>>) target(%dma_start3A_397 : memref<800xi32, #tpu.memory_space<vmem>>) target_semaphore(%arg11 : memref<!tpu.dma_semaphore, #tpu.memory_space<semaphore_mem>>)
        %dma_start3A_399 = arith.constant 6400 : i32
        %dma_start3A_400 = tpu.memref_slice %arg6[%dma_start3A_399] : memref<12800xi32, #tpu.memory_space<vmem>> -> memref<800xi32, #tpu.memory_space<vmem>>
        %dma_start3A_401 = tpu.memref_slice %arg2[%add3A_335] : memref<16000000xi32, #tpu.memory_space<hbm>> -> memref<800xi32, #tpu.memory_space<hbm>>
        %dma_start3A_402 = arith.constant 6400 : i32
        %dma_start3A_403 = tpu.memref_slice %arg6[%dma_start3A_402] : memref<12800xi32, #tpu.memory_space<vmem>> -> memref<800xi32, #tpu.memory_space<vmem>>
        %dma_start3A_404 = tpu.memref_slice %arg2[%add3A_335] : memref<16000000xi32, #tpu.memory_space<hbm>> -> memref<800xi32, #tpu.memory_space<hbm>>
        tpu.enqueue_dma source(%dma_start3A_404 : memref<800xi32, #tpu.memory_space<hbm>>) target(%dma_start3A_403 : memref<800xi32, #tpu.memory_space<vmem>>) target_semaphore(%arg11 : memref<!tpu.dma_semaphore, #tpu.memory_space<semaphore_mem>>)
        %dma_start3A_405 = arith.constant 7200 : i32
        %dma_start3A_406 = tpu.memref_slice %arg6[%dma_start3A_405] : memref<12800xi32, #tpu.memory_space<vmem>> -> memref<800xi32, #tpu.memory_space<vmem>>
        %dma_start3A_407 = tpu.memref_slice %arg2[%add3A_337] : memref<16000000xi32, #tpu.memory_space<hbm>> -> memref<800xi32, #tpu.memory_space<hbm>>
        %dma_start3A_408 = arith.constant 7200 : i32
        %dma_start3A_409 = tpu.memref_slice %arg6[%dma_start3A_408] : memref<12800xi32, #tpu.memory_space<vmem>> -> memref<800xi32, #tpu.memory_space<vmem>>
        %dma_start3A_410 = tpu.memref_slice %arg2[%add3A_337] : memref<16000000xi32, #tpu.memory_space<hbm>> -> memref<800xi32, #tpu.memory_space<hbm>>
        tpu.enqueue_dma source(%dma_start3A_410 : memref<800xi32, #tpu.memory_space<hbm>>) target(%dma_start3A_409 : memref<800xi32, #tpu.memory_space<vmem>>) target_semaphore(%arg11 : memref<!tpu.dma_semaphore, #tpu.memory_space<semaphore_mem>>)
        %dma_start3A_411 = arith.constant 8000 : i32
        %dma_start3A_412 = tpu.memref_slice %arg6[%dma_start3A_411] : memref<12800xi32, #tpu.memory_space<vmem>> -> memref<800xi32, #tpu.memory_space<vmem>>
        %dma_start3A_413 = tpu.memref_slice %arg2[%add3A_339] : memref<16000000xi32, #tpu.memory_space<hbm>> -> memref<800xi32, #tpu.memory_space<hbm>>
        %dma_start3A_414 = arith.constant 8000 : i32
        %dma_start3A_415 = tpu.memref_slice %arg6[%dma_start3A_414] : memref<12800xi32, #tpu.memory_space<vmem>> -> memref<800xi32, #tpu.memory_space<vmem>>
        %dma_start3A_416 = tpu.memref_slice %arg2[%add3A_339] : memref<16000000xi32, #tpu.memory_space<hbm>> -> memref<800xi32, #tpu.memory_space<hbm>>
        tpu.enqueue_dma source(%dma_start3A_416 : memref<800xi32, #tpu.memory_space<hbm>>) target(%dma_start3A_415 : memref<800xi32, #tpu.memory_space<vmem>>) target_semaphore(%arg11 : memref<!tpu.dma_semaphore, #tpu.memory_space<semaphore_mem>>)
        %dma_start3A_417 = arith.constant 8800 : i32
        %dma_start3A_418 = tpu.memref_slice %arg6[%dma_start3A_417] : memref<12800xi32, #tpu.memory_space<vmem>> -> memref<800xi32, #tpu.memory_space<vmem>>
        %dma_start3A_419 = tpu.memref_slice %arg2[%add3A_341] : memref<16000000xi32, #tpu.memory_space<hbm>> -> memref<800xi32, #tpu.memory_space<hbm>>
        %dma_start3A_420 = arith.constant 8800 : i32
        %dma_start3A_421 = tpu.memref_slice %arg6[%dma_start3A_420] : memref<12800xi32, #tpu.memory_space<vmem>> -> memref<800xi32, #tpu.memory_space<vmem>>
        %dma_start3A_422 = tpu.memref_slice %arg2[%add3A_341] : memref<16000000xi32, #tpu.memory_space<hbm>> -> memref<800xi32, #tpu.memory_space<hbm>>
        tpu.enqueue_dma source(%dma_start3A_422 : memref<800xi32, #tpu.memory_space<hbm>>) target(%dma_start3A_421 : memref<800xi32, #tpu.memory_space<vmem>>) target_semaphore(%arg11 : memref<!tpu.dma_semaphore, #tpu.memory_space<semaphore_mem>>)
        %dma_start3A_423 = arith.constant 9600 : i32
        %dma_start3A_424 = tpu.memref_slice %arg6[%dma_start3A_423] : memref<12800xi32, #tpu.memory_space<vmem>> -> memref<800xi32, #tpu.memory_space<vmem>>
        %dma_start3A_425 = tpu.memref_slice %arg2[%add3A_343] : memref<16000000xi32, #tpu.memory_space<hbm>> -> memref<800xi32, #tpu.memory_space<hbm>>
        %dma_start3A_426 = arith.constant 9600 : i32
        %dma_start3A_427 = tpu.memref_slice %arg6[%dma_start3A_426] : memref<12800xi32, #tpu.memory_space<vmem>> -> memref<800xi32, #tpu.memory_space<vmem>>
        %dma_start3A_428 = tpu.memref_slice %arg2[%add3A_343] : memref<16000000xi32, #tpu.memory_space<hbm>> -> memref<800xi32, #tpu.memory_space<hbm>>
        tpu.enqueue_dma source(%dma_start3A_428 : memref<800xi32, #tpu.memory_space<hbm>>) target(%dma_start3A_427 : memref<800xi32, #tpu.memory_space<vmem>>) target_semaphore(%arg11 : memref<!tpu.dma_semaphore, #tpu.memory_space<semaphore_mem>>)
        %dma_start3A_429 = arith.constant 10400 : i32
        %dma_start3A_430 = tpu.memref_slice %arg6[%dma_start3A_429] : memref<12800xi32, #tpu.memory_space<vmem>> -> memref<800xi32, #tpu.memory_space<vmem>>
        %dma_start3A_431 = tpu.memref_slice %arg2[%add3A_345] : memref<16000000xi32, #tpu.memory_space<hbm>> -> memref<800xi32, #tpu.memory_space<hbm>>
        %dma_start3A_432 = arith.constant 10400 : i32
        %dma_start3A_433 = tpu.memref_slice %arg6[%dma_start3A_432] : memref<12800xi32, #tpu.memory_space<vmem>> -> memref<800xi32, #tpu.memory_space<vmem>>
        %dma_start3A_434 = tpu.memref_slice %arg2[%add3A_345] : memref<16000000xi32, #tpu.memory_space<hbm>> -> memref<800xi32, #tpu.memory_space<hbm>>
        tpu.enqueue_dma source(%dma_start3A_434 : memref<800xi32, #tpu.memory_space<hbm>>) target(%dma_start3A_433 : memref<800xi32, #tpu.memory_space<vmem>>) target_semaphore(%arg11 : memref<!tpu.dma_semaphore, #tpu.memory_space<semaphore_mem>>)
        %dma_start3A_435 = arith.constant 11200 : i32
        %dma_start3A_436 = tpu.memref_slice %arg6[%dma_start3A_435] : memref<12800xi32, #tpu.memory_space<vmem>> -> memref<800xi32, #tpu.memory_space<vmem>>
        %dma_start3A_437 = tpu.memref_slice %arg2[%add3A_347] : memref<16000000xi32, #tpu.memory_space<hbm>> -> memref<800xi32, #tpu.memory_space<hbm>>
        %dma_start3A_438 = arith.constant 11200 : i32
        %dma_start3A_439 = tpu.memref_slice %arg6[%dma_start3A_438] : memref<12800xi32, #tpu.memory_space<vmem>> -> memref<800xi32, #tpu.memory_space<vmem>>
        %dma_start3A_440 = tpu.memref_slice %arg2[%add3A_347] : memref<16000000xi32, #tpu.memory_space<hbm>> -> memref<800xi32, #tpu.memory_space<hbm>>
        tpu.enqueue_dma source(%dma_start3A_440 : memref<800xi32, #tpu.memory_space<hbm>>) target(%dma_start3A_439 : memref<800xi32, #tpu.memory_space<vmem>>) target_semaphore(%arg11 : memref<!tpu.dma_semaphore, #tpu.memory_space<semaphore_mem>>)
        %dma_start3A_441 = arith.constant 12000 : i32
        %dma_start3A_442 = tpu.memref_slice %arg6[%dma_start3A_441] : memref<12800xi32, #tpu.memory_space<vmem>> -> memref<800xi32, #tpu.memory_space<vmem>>
        %dma_start3A_443 = tpu.memref_slice %arg2[%add3A_349] : memref<16000000xi32, #tpu.memory_space<hbm>> -> memref<800xi32, #tpu.memory_space<hbm>>
        %dma_start3A_444 = arith.constant 12000 : i32
        %dma_start3A_445 = tpu.memref_slice %arg6[%dma_start3A_444] : memref<12800xi32, #tpu.memory_space<vmem>> -> memref<800xi32, #tpu.memory_space<vmem>>
        %dma_start3A_446 = tpu.memref_slice %arg2[%add3A_349] : memref<16000000xi32, #tpu.memory_space<hbm>> -> memref<800xi32, #tpu.memory_space<hbm>>
        tpu.enqueue_dma source(%dma_start3A_446 : memref<800xi32, #tpu.memory_space<hbm>>) target(%dma_start3A_445 : memref<800xi32, #tpu.memory_space<vmem>>) target_semaphore(%arg11 : memref<!tpu.dma_semaphore, #tpu.memory_space<semaphore_mem>>)
        %dma_start3A_447 = tpu.memref_slice %arg3[%mul3A_351] : memref<1000000xi32, #tpu.memory_space<hbm>> -> memref<800xi32, #tpu.memory_space<hbm>>
        %dma_start3A_448 = tpu.memref_slice %arg3[%mul3A_351] : memref<1000000xi32, #tpu.memory_space<hbm>> -> memref<800xi32, #tpu.memory_space<hbm>>
        tpu.enqueue_dma source(%dma_start3A_448 : memref<800xi32, #tpu.memory_space<hbm>>) target(%arg8 : memref<800xi32, #tpu.memory_space<vmem>>) target_semaphore(%arg11 : memref<!tpu.dma_semaphore, #tpu.memory_space<semaphore_mem>>)
      } else {
      }
      %mul3A_62 = arith.constant 32 : i32
      %mul3A_63 = arith.muli %mul3A_55, %mul3A_62 : i32
      %add3A_64 = arith.addi %add3A, %mul3A_63 : i32
      %jit3A_65 = arith.constant 5 : i32
      %div3A_66 = arith.divsi %add3A_64, %jit3A_65 : i32
      %sign3A_67 = arith.constant 0 : i32
      %sign3A_68 = arith.cmpi sgt, %add3A_64, %sign3A_67 : i32
      %sign3A_69 = arith.extui %sign3A_68 : i1 to i32
      %sign3A_70 = arith.constant 0 : i32
      %sign3A_71 = arith.cmpi slt, %add3A_64, %sign3A_70 : i32
      %sign3A_72 = arith.extui %sign3A_71 : i1 to i32
      %sign3A_73 = arith.subi %sign3A_69, %sign3A_72 : i32
      %sign3A_74 = arith.constant 0 : i32
      %sign3A_75 = arith.cmpi sgt, %jit3A_65, %sign3A_74 : i32
      %sign3A_76 = arith.extui %sign3A_75 : i1 to i32
      %sign3A_77 = arith.constant 0 : i32
      %sign3A_78 = arith.cmpi slt, %jit3A_65, %sign3A_77 : i32
      %sign3A_79 = arith.extui %sign3A_78 : i1 to i32
      %sign3A_80 = arith.subi %sign3A_76, %sign3A_79 : i32
      %ne3A_81 = arith.cmpi ne, %sign3A_73, %sign3A_80 : i32
      %rem3A_82 = arith.remsi %add3A_64, %jit3A_65 : i32
      %ne3A_83 = arith.constant 0 : i32
      %ne3A_84 = arith.cmpi ne, %rem3A_82, %ne3A_83 : i32
      %and3A_85 = arith.andi %ne3A_81, %ne3A_84 : i1
      %sub3A_86 = arith.constant 1 : i32
      %sub3A_87 = arith.subi %div3A_66, %sub3A_86 : i32
      %select_n3A_88 = arith.select %and3A_85, %sub3A_87, %div3A_66 : i32
      %mul3A_89 = arith.constant 16 : i32
      %mul3A_90 = arith.muli %select_n3A_88, %mul3A_89 : i32
      %mul3A_91 = arith.constant 4000 : i32
      %mul3A_92 = arith.muli %mul3A_90, %mul3A_91 : i32
      %jit3A_93 = arith.constant 5 : i32
      %eq3A = arith.constant 0 : i32
      %eq3A_94 = arith.cmpi eq, %jit3A_93, %eq3A : i32
      %jit3A_95 = arith.constant 1 : i32
      %select_n3A_96 = arith.select %eq3A_94, %jit3A_95, %jit3A_93 : i32
      %rem3A_97 = arith.remsi %add3A_64, %select_n3A_96 : i32
      %ne3A_98 = arith.constant 0 : i32
      %ne3A_99 = arith.cmpi ne, %rem3A_97, %ne3A_98 : i32
      %lt3A_100 = arith.constant 0 : i32
      %lt3A_101 = arith.cmpi slt, %rem3A_97, %lt3A_100 : i32
      %lt3A_102 = arith.constant 0 : i32
      %lt3A_103 = arith.cmpi slt, %select_n3A_96, %lt3A_102 : i32
      %ne3A_104 = arith.xori %lt3A_101, %lt3A_103 : i1
      %and3A_105 = arith.andi %ne3A_104, %ne3A_99 : i1
      %add3A_106 = arith.addi %rem3A_97, %select_n3A_96 : i32
      %select_n3A_107 = arith.select %and3A_105, %add3A_106, %rem3A_97 : i32
      %mul3A_108 = arith.constant 800 : i32
      %mul3A_109 = arith.muli %select_n3A_107, %mul3A_108 : i32
      %add3A_110 = arith.addi %mul3A_92, %mul3A_109 : i32
      %add3A_111 = arith.constant 0 : i32
      %add3A_112 = arith.addi %add3A_110, %add3A_111 : i32
      %add3A_113 = arith.constant 4000 : i32
      %add3A_114 = arith.addi %add3A_110, %add3A_113 : i32
      %add3A_115 = arith.constant 8000 : i32
      %add3A_116 = arith.addi %add3A_110, %add3A_115 : i32
      %add3A_117 = arith.constant 12000 : i32
      %add3A_118 = arith.addi %add3A_110, %add3A_117 : i32
      %add3A_119 = arith.constant 16000 : i32
      %add3A_120 = arith.addi %add3A_110, %add3A_119 : i32
      %add3A_121 = arith.constant 20000 : i32
      %add3A_122 = arith.addi %add3A_110, %add3A_121 : i32
      %add3A_123 = arith.constant 24000 : i32
      %add3A_124 = arith.addi %add3A_110, %add3A_123 : i32
      %add3A_125 = arith.constant 28000 : i32
      %add3A_126 = arith.addi %add3A_110, %add3A_125 : i32
      %add3A_127 = arith.constant 32000 : i32
      %add3A_128 = arith.addi %add3A_110, %add3A_127 : i32
      %add3A_129 = arith.constant 36000 : i32
      %add3A_130 = arith.addi %add3A_110, %add3A_129 : i32
      %add3A_131 = arith.constant 40000 : i32
      %add3A_132 = arith.addi %add3A_110, %add3A_131 : i32
      %add3A_133 = arith.constant 44000 : i32
      %add3A_134 = arith.addi %add3A_110, %add3A_133 : i32
      %add3A_135 = arith.constant 48000 : i32
      %add3A_136 = arith.addi %add3A_110, %add3A_135 : i32
      %add3A_137 = arith.constant 52000 : i32
      %add3A_138 = arith.addi %add3A_110, %add3A_137 : i32
      %add3A_139 = arith.constant 56000 : i32
      %add3A_140 = arith.addi %add3A_110, %add3A_139 : i32
      %add3A_141 = arith.constant 60000 : i32
      %add3A_142 = arith.addi %add3A_110, %add3A_141 : i32
      %mul3A_143 = arith.constant 800 : i32
      %mul3A_144 = arith.muli %add3A_64, %mul3A_143 : i32
      %dma_wait3A = arith.constant 0 : i32
      %dma_wait3A_145 = tpu.memref_slice %arg5[%dma_wait3A] : memref<12800xi32, #tpu.memory_space<vmem>> -> memref<800xi32, #tpu.memory_space<vmem>>
      %dma_wait3A_146 = tpu.memref_slice %arg2[%add3A_112] : memref<16000000xi32, #tpu.memory_space<hbm>> -> memref<800xi32, #tpu.memory_space<hbm>>
      %dma_wait3A_147 = arith.constant 0 : i32
      %dma_wait3A_148 = tpu.memref_slice %arg5[%dma_wait3A_147] : memref<12800xi32, #tpu.memory_space<vmem>> -> memref<800xi32, #tpu.memory_space<vmem>>
      %dma_wait3A_149 = tpu.memref_slice %arg2[%add3A_112] : memref<16000000xi32, #tpu.memory_space<hbm>> -> memref<800xi32, #tpu.memory_space<hbm>>
      tpu.wait_dma2 semaphore(%arg10 : memref<!tpu.dma_semaphore, #tpu.memory_space<semaphore_mem>>) src(%dma_wait3A_149 : memref<800xi32, #tpu.memory_space<hbm>>) dst(%dma_wait3A_148 : memref<800xi32, #tpu.memory_space<vmem>>)
      %dma_wait3A_150 = arith.constant 800 : i32
      %dma_wait3A_151 = tpu.memref_slice %arg5[%dma_wait3A_150] : memref<12800xi32, #tpu.memory_space<vmem>> -> memref<800xi32, #tpu.memory_space<vmem>>
      %dma_wait3A_152 = tpu.memref_slice %arg2[%add3A_114] : memref<16000000xi32, #tpu.memory_space<hbm>> -> memref<800xi32, #tpu.memory_space<hbm>>
      %dma_wait3A_153 = arith.constant 800 : i32
      %dma_wait3A_154 = tpu.memref_slice %arg5[%dma_wait3A_153] : memref<12800xi32, #tpu.memory_space<vmem>> -> memref<800xi32, #tpu.memory_space<vmem>>
      %dma_wait3A_155 = tpu.memref_slice %arg2[%add3A_114] : memref<16000000xi32, #tpu.memory_space<hbm>> -> memref<800xi32, #tpu.memory_space<hbm>>
      tpu.wait_dma2 semaphore(%arg10 : memref<!tpu.dma_semaphore, #tpu.memory_space<semaphore_mem>>) src(%dma_wait3A_155 : memref<800xi32, #tpu.memory_space<hbm>>) dst(%dma_wait3A_154 : memref<800xi32, #tpu.memory_space<vmem>>)
      %dma_wait3A_156 = arith.constant 1600 : i32
      %dma_wait3A_157 = tpu.memref_slice %arg5[%dma_wait3A_156] : memref<12800xi32, #tpu.memory_space<vmem>> -> memref<800xi32, #tpu.memory_space<vmem>>
      %dma_wait3A_158 = tpu.memref_slice %arg2[%add3A_116] : memref<16000000xi32, #tpu.memory_space<hbm>> -> memref<800xi32, #tpu.memory_space<hbm>>
      %dma_wait3A_159 = arith.constant 1600 : i32
      %dma_wait3A_160 = tpu.memref_slice %arg5[%dma_wait3A_159] : memref<12800xi32, #tpu.memory_space<vmem>> -> memref<800xi32, #tpu.memory_space<vmem>>
      %dma_wait3A_161 = tpu.memref_slice %arg2[%add3A_116] : memref<16000000xi32, #tpu.memory_space<hbm>> -> memref<800xi32, #tpu.memory_space<hbm>>
      tpu.wait_dma2 semaphore(%arg10 : memref<!tpu.dma_semaphore, #tpu.memory_space<semaphore_mem>>) src(%dma_wait3A_161 : memref<800xi32, #tpu.memory_space<hbm>>) dst(%dma_wait3A_160 : memref<800xi32, #tpu.memory_space<vmem>>)
      %dma_wait3A_162 = arith.constant 2400 : i32
      %dma_wait3A_163 = tpu.memref_slice %arg5[%dma_wait3A_162] : memref<12800xi32, #tpu.memory_space<vmem>> -> memref<800xi32, #tpu.memory_space<vmem>>
      %dma_wait3A_164 = tpu.memref_slice %arg2[%add3A_118] : memref<16000000xi32, #tpu.memory_space<hbm>> -> memref<800xi32, #tpu.memory_space<hbm>>
      %dma_wait3A_165 = arith.constant 2400 : i32
      %dma_wait3A_166 = tpu.memref_slice %arg5[%dma_wait3A_165] : memref<12800xi32, #tpu.memory_space<vmem>> -> memref<800xi32, #tpu.memory_space<vmem>>
      %dma_wait3A_167 = tpu.memref_slice %arg2[%add3A_118] : memref<16000000xi32, #tpu.memory_space<hbm>> -> memref<800xi32, #tpu.memory_space<hbm>>
      tpu.wait_dma2 semaphore(%arg10 : memref<!tpu.dma_semaphore, #tpu.memory_space<semaphore_mem>>) src(%dma_wait3A_167 : memref<800xi32, #tpu.memory_space<hbm>>) dst(%dma_wait3A_166 : memref<800xi32, #tpu.memory_space<vmem>>)
      %dma_wait3A_168 = arith.constant 3200 : i32
      %dma_wait3A_169 = tpu.memref_slice %arg5[%dma_wait3A_168] : memref<12800xi32, #tpu.memory_space<vmem>> -> memref<800xi32, #tpu.memory_space<vmem>>
      %dma_wait3A_170 = tpu.memref_slice %arg2[%add3A_120] : memref<16000000xi32, #tpu.memory_space<hbm>> -> memref<800xi32, #tpu.memory_space<hbm>>
      %dma_wait3A_171 = arith.constant 3200 : i32
      %dma_wait3A_172 = tpu.memref_slice %arg5[%dma_wait3A_171] : memref<12800xi32, #tpu.memory_space<vmem>> -> memref<800xi32, #tpu.memory_space<vmem>>
      %dma_wait3A_173 = tpu.memref_slice %arg2[%add3A_120] : memref<16000000xi32, #tpu.memory_space<hbm>> -> memref<800xi32, #tpu.memory_space<hbm>>
      tpu.wait_dma2 semaphore(%arg10 : memref<!tpu.dma_semaphore, #tpu.memory_space<semaphore_mem>>) src(%dma_wait3A_173 : memref<800xi32, #tpu.memory_space<hbm>>) dst(%dma_wait3A_172 : memref<800xi32, #tpu.memory_space<vmem>>)
      %dma_wait3A_174 = arith.constant 4000 : i32
      %dma_wait3A_175 = tpu.memref_slice %arg5[%dma_wait3A_174] : memref<12800xi32, #tpu.memory_space<vmem>> -> memref<800xi32, #tpu.memory_space<vmem>>
      %dma_wait3A_176 = tpu.memref_slice %arg2[%add3A_122] : memref<16000000xi32, #tpu.memory_space<hbm>> -> memref<800xi32, #tpu.memory_space<hbm>>
      %dma_wait3A_177 = arith.constant 4000 : i32
      %dma_wait3A_178 = tpu.memref_slice %arg5[%dma_wait3A_177] : memref<12800xi32, #tpu.memory_space<vmem>> -> memref<800xi32, #tpu.memory_space<vmem>>
      %dma_wait3A_179 = tpu.memref_slice %arg2[%add3A_122] : memref<16000000xi32, #tpu.memory_space<hbm>> -> memref<800xi32, #tpu.memory_space<hbm>>
      tpu.wait_dma2 semaphore(%arg10 : memref<!tpu.dma_semaphore, #tpu.memory_space<semaphore_mem>>) src(%dma_wait3A_179 : memref<800xi32, #tpu.memory_space<hbm>>) dst(%dma_wait3A_178 : memref<800xi32, #tpu.memory_space<vmem>>)
      %dma_wait3A_180 = arith.constant 4800 : i32
      %dma_wait3A_181 = tpu.memref_slice %arg5[%dma_wait3A_180] : memref<12800xi32, #tpu.memory_space<vmem>> -> memref<800xi32, #tpu.memory_space<vmem>>
      %dma_wait3A_182 = tpu.memref_slice %arg2[%add3A_124] : memref<16000000xi32, #tpu.memory_space<hbm>> -> memref<800xi32, #tpu.memory_space<hbm>>
      %dma_wait3A_183 = arith.constant 4800 : i32
      %dma_wait3A_184 = tpu.memref_slice %arg5[%dma_wait3A_183] : memref<12800xi32, #tpu.memory_space<vmem>> -> memref<800xi32, #tpu.memory_space<vmem>>
      %dma_wait3A_185 = tpu.memref_slice %arg2[%add3A_124] : memref<16000000xi32, #tpu.memory_space<hbm>> -> memref<800xi32, #tpu.memory_space<hbm>>
      tpu.wait_dma2 semaphore(%arg10 : memref<!tpu.dma_semaphore, #tpu.memory_space<semaphore_mem>>) src(%dma_wait3A_185 : memref<800xi32, #tpu.memory_space<hbm>>) dst(%dma_wait3A_184 : memref<800xi32, #tpu.memory_space<vmem>>)
      %dma_wait3A_186 = arith.constant 5600 : i32
      %dma_wait3A_187 = tpu.memref_slice %arg5[%dma_wait3A_186] : memref<12800xi32, #tpu.memory_space<vmem>> -> memref<800xi32, #tpu.memory_space<vmem>>
      %dma_wait3A_188 = tpu.memref_slice %arg2[%add3A_126] : memref<16000000xi32, #tpu.memory_space<hbm>> -> memref<800xi32, #tpu.memory_space<hbm>>
      %dma_wait3A_189 = arith.constant 5600 : i32
      %dma_wait3A_190 = tpu.memref_slice %arg5[%dma_wait3A_189] : memref<12800xi32, #tpu.memory_space<vmem>> -> memref<800xi32, #tpu.memory_space<vmem>>
      %dma_wait3A_191 = tpu.memref_slice %arg2[%add3A_126] : memref<16000000xi32, #tpu.memory_space<hbm>> -> memref<800xi32, #tpu.memory_space<hbm>>
      tpu.wait_dma2 semaphore(%arg10 : memref<!tpu.dma_semaphore, #tpu.memory_space<semaphore_mem>>) src(%dma_wait3A_191 : memref<800xi32, #tpu.memory_space<hbm>>) dst(%dma_wait3A_190 : memref<800xi32, #tpu.memory_space<vmem>>)
      %dma_wait3A_192 = arith.constant 6400 : i32
      %dma_wait3A_193 = tpu.memref_slice %arg5[%dma_wait3A_192] : memref<12800xi32, #tpu.memory_space<vmem>> -> memref<800xi32, #tpu.memory_space<vmem>>
      %dma_wait3A_194 = tpu.memref_slice %arg2[%add3A_128] : memref<16000000xi32, #tpu.memory_space<hbm>> -> memref<800xi32, #tpu.memory_space<hbm>>
      %dma_wait3A_195 = arith.constant 6400 : i32
      %dma_wait3A_196 = tpu.memref_slice %arg5[%dma_wait3A_195] : memref<12800xi32, #tpu.memory_space<vmem>> -> memref<800xi32, #tpu.memory_space<vmem>>
      %dma_wait3A_197 = tpu.memref_slice %arg2[%add3A_128] : memref<16000000xi32, #tpu.memory_space<hbm>> -> memref<800xi32, #tpu.memory_space<hbm>>
      tpu.wait_dma2 semaphore(%arg10 : memref<!tpu.dma_semaphore, #tpu.memory_space<semaphore_mem>>) src(%dma_wait3A_197 : memref<800xi32, #tpu.memory_space<hbm>>) dst(%dma_wait3A_196 : memref<800xi32, #tpu.memory_space<vmem>>)
      %dma_wait3A_198 = arith.constant 7200 : i32
      %dma_wait3A_199 = tpu.memref_slice %arg5[%dma_wait3A_198] : memref<12800xi32, #tpu.memory_space<vmem>> -> memref<800xi32, #tpu.memory_space<vmem>>
      %dma_wait3A_200 = tpu.memref_slice %arg2[%add3A_130] : memref<16000000xi32, #tpu.memory_space<hbm>> -> memref<800xi32, #tpu.memory_space<hbm>>
      %dma_wait3A_201 = arith.constant 7200 : i32
      %dma_wait3A_202 = tpu.memref_slice %arg5[%dma_wait3A_201] : memref<12800xi32, #tpu.memory_space<vmem>> -> memref<800xi32, #tpu.memory_space<vmem>>
      %dma_wait3A_203 = tpu.memref_slice %arg2[%add3A_130] : memref<16000000xi32, #tpu.memory_space<hbm>> -> memref<800xi32, #tpu.memory_space<hbm>>
      tpu.wait_dma2 semaphore(%arg10 : memref<!tpu.dma_semaphore, #tpu.memory_space<semaphore_mem>>) src(%dma_wait3A_203 : memref<800xi32, #tpu.memory_space<hbm>>) dst(%dma_wait3A_202 : memref<800xi32, #tpu.memory_space<vmem>>)
      %dma_wait3A_204 = arith.constant 8000 : i32
      %dma_wait3A_205 = tpu.memref_slice %arg5[%dma_wait3A_204] : memref<12800xi32, #tpu.memory_space<vmem>> -> memref<800xi32, #tpu.memory_space<vmem>>
      %dma_wait3A_206 = tpu.memref_slice %arg2[%add3A_132] : memref<16000000xi32, #tpu.memory_space<hbm>> -> memref<800xi32, #tpu.memory_space<hbm>>
      %dma_wait3A_207 = arith.constant 8000 : i32
      %dma_wait3A_208 = tpu.memref_slice %arg5[%dma_wait3A_207] : memref<12800xi32, #tpu.memory_space<vmem>> -> memref<800xi32, #tpu.memory_space<vmem>>
      %dma_wait3A_209 = tpu.memref_slice %arg2[%add3A_132] : memref<16000000xi32, #tpu.memory_space<hbm>> -> memref<800xi32, #tpu.memory_space<hbm>>
      tpu.wait_dma2 semaphore(%arg10 : memref<!tpu.dma_semaphore, #tpu.memory_space<semaphore_mem>>) src(%dma_wait3A_209 : memref<800xi32, #tpu.memory_space<hbm>>) dst(%dma_wait3A_208 : memref<800xi32, #tpu.memory_space<vmem>>)
      %dma_wait3A_210 = arith.constant 8800 : i32
      %dma_wait3A_211 = tpu.memref_slice %arg5[%dma_wait3A_210] : memref<12800xi32, #tpu.memory_space<vmem>> -> memref<800xi32, #tpu.memory_space<vmem>>
      %dma_wait3A_212 = tpu.memref_slice %arg2[%add3A_134] : memref<16000000xi32, #tpu.memory_space<hbm>> -> memref<800xi32, #tpu.memory_space<hbm>>
      %dma_wait3A_213 = arith.constant 8800 : i32
      %dma_wait3A_214 = tpu.memref_slice %arg5[%dma_wait3A_213] : memref<12800xi32, #tpu.memory_space<vmem>> -> memref<800xi32, #tpu.memory_space<vmem>>
      %dma_wait3A_215 = tpu.memref_slice %arg2[%add3A_134] : memref<16000000xi32, #tpu.memory_space<hbm>> -> memref<800xi32, #tpu.memory_space<hbm>>
      tpu.wait_dma2 semaphore(%arg10 : memref<!tpu.dma_semaphore, #tpu.memory_space<semaphore_mem>>) src(%dma_wait3A_215 : memref<800xi32, #tpu.memory_space<hbm>>) dst(%dma_wait3A_214 : memref<800xi32, #tpu.memory_space<vmem>>)
      %dma_wait3A_216 = arith.constant 9600 : i32
      %dma_wait3A_217 = tpu.memref_slice %arg5[%dma_wait3A_216] : memref<12800xi32, #tpu.memory_space<vmem>> -> memref<800xi32, #tpu.memory_space<vmem>>
      %dma_wait3A_218 = tpu.memref_slice %arg2[%add3A_136] : memref<16000000xi32, #tpu.memory_space<hbm>> -> memref<800xi32, #tpu.memory_space<hbm>>
      %dma_wait3A_219 = arith.constant 9600 : i32
      %dma_wait3A_220 = tpu.memref_slice %arg5[%dma_wait3A_219] : memref<12800xi32, #tpu.memory_space<vmem>> -> memref<800xi32, #tpu.memory_space<vmem>>
      %dma_wait3A_221 = tpu.memref_slice %arg2[%add3A_136] : memref<16000000xi32, #tpu.memory_space<hbm>> -> memref<800xi32, #tpu.memory_space<hbm>>
      tpu.wait_dma2 semaphore(%arg10 : memref<!tpu.dma_semaphore, #tpu.memory_space<semaphore_mem>>) src(%dma_wait3A_221 : memref<800xi32, #tpu.memory_space<hbm>>) dst(%dma_wait3A_220 : memref<800xi32, #tpu.memory_space<vmem>>)
      %dma_wait3A_222 = arith.constant 10400 : i32
      %dma_wait3A_223 = tpu.memref_slice %arg5[%dma_wait3A_222] : memref<12800xi32, #tpu.memory_space<vmem>> -> memref<800xi32, #tpu.memory_space<vmem>>
      %dma_wait3A_224 = tpu.memref_slice %arg2[%add3A_138] : memref<16000000xi32, #tpu.memory_space<hbm>> -> memref<800xi32, #tpu.memory_space<hbm>>
      %dma_wait3A_225 = arith.constant 10400 : i32
      %dma_wait3A_226 = tpu.memref_slice %arg5[%dma_wait3A_225] : memref<12800xi32, #tpu.memory_space<vmem>> -> memref<800xi32, #tpu.memory_space<vmem>>
      %dma_wait3A_227 = tpu.memref_slice %arg2[%add3A_138] : memref<16000000xi32, #tpu.memory_space<hbm>> -> memref<800xi32, #tpu.memory_space<hbm>>
      tpu.wait_dma2 semaphore(%arg10 : memref<!tpu.dma_semaphore, #tpu.memory_space<semaphore_mem>>) src(%dma_wait3A_227 : memref<800xi32, #tpu.memory_space<hbm>>) dst(%dma_wait3A_226 : memref<800xi32, #tpu.memory_space<vmem>>)
      %dma_wait3A_228 = arith.constant 11200 : i32
      %dma_wait3A_229 = tpu.memref_slice %arg5[%dma_wait3A_228] : memref<12800xi32, #tpu.memory_space<vmem>> -> memref<800xi32, #tpu.memory_space<vmem>>
      %dma_wait3A_230 = tpu.memref_slice %arg2[%add3A_140] : memref<16000000xi32, #tpu.memory_space<hbm>> -> memref<800xi32, #tpu.memory_space<hbm>>
      %dma_wait3A_231 = arith.constant 11200 : i32
      %dma_wait3A_232 = tpu.memref_slice %arg5[%dma_wait3A_231] : memref<12800xi32, #tpu.memory_space<vmem>> -> memref<800xi32, #tpu.memory_space<vmem>>
      %dma_wait3A_233 = tpu.memref_slice %arg2[%add3A_140] : memref<16000000xi32, #tpu.memory_space<hbm>> -> memref<800xi32, #tpu.memory_space<hbm>>
      tpu.wait_dma2 semaphore(%arg10 : memref<!tpu.dma_semaphore, #tpu.memory_space<semaphore_mem>>) src(%dma_wait3A_233 : memref<800xi32, #tpu.memory_space<hbm>>) dst(%dma_wait3A_232 : memref<800xi32, #tpu.memory_space<vmem>>)
      %dma_wait3A_234 = arith.constant 12000 : i32
      %dma_wait3A_235 = tpu.memref_slice %arg5[%dma_wait3A_234] : memref<12800xi32, #tpu.memory_space<vmem>> -> memref<800xi32, #tpu.memory_space<vmem>>
      %dma_wait3A_236 = tpu.memref_slice %arg2[%add3A_142] : memref<16000000xi32, #tpu.memory_space<hbm>> -> memref<800xi32, #tpu.memory_space<hbm>>
      %dma_wait3A_237 = arith.constant 12000 : i32
      %dma_wait3A_238 = tpu.memref_slice %arg5[%dma_wait3A_237] : memref<12800xi32, #tpu.memory_space<vmem>> -> memref<800xi32, #tpu.memory_space<vmem>>
      %dma_wait3A_239 = tpu.memref_slice %arg2[%add3A_142] : memref<16000000xi32, #tpu.memory_space<hbm>> -> memref<800xi32, #tpu.memory_space<hbm>>
      tpu.wait_dma2 semaphore(%arg10 : memref<!tpu.dma_semaphore, #tpu.memory_space<semaphore_mem>>) src(%dma_wait3A_239 : memref<800xi32, #tpu.memory_space<hbm>>) dst(%dma_wait3A_238 : memref<800xi32, #tpu.memory_space<vmem>>)
      %dma_wait3A_240 = tpu.memref_slice %arg3[%mul3A_144] : memref<1000000xi32, #tpu.memory_space<hbm>> -> memref<800xi32, #tpu.memory_space<hbm>>
      %dma_wait3A_241 = tpu.memref_slice %arg3[%mul3A_144] : memref<1000000xi32, #tpu.memory_space<hbm>> -> memref<800xi32, #tpu.memory_space<hbm>>
      tpu.wait_dma2 semaphore(%arg10 : memref<!tpu.dma_semaphore, #tpu.memory_space<semaphore_mem>>) src(%dma_wait3A_241 : memref<800xi32, #tpu.memory_space<hbm>>) dst(%arg7 : memref<800xi32, #tpu.memory_space<vmem>>)
      %scan3A_242 = arith.constant 0 : i32
      %scan3A_243 = arith.constant 0 : i32
      %scan3A_244 = arith.constant 800 : i32
      %scan3A_245 = arith.addi %scan3A_243, %scan3A_244 : i32
      %scan3A_246 = arith.constant 16 : i32
      scf.for %scan3A_266 = %scan3A_243 to %scan3A_245 step %scan3A_246  : i32 {
        %mul3A_267 = arith.constant 16 : i32
        %mul3A_268 = arith.muli %scan3A_266, %mul3A_267 : i32
        %get3A = arith.index_cast %mul3A_268 : i32 to index
        %get3A_269 = tpu.vector_load %arg5[%get3A] {strides = array<i32>} : memref<12800xi32, #tpu.memory_space<vmem>>, vector<16xi32>,
        %add3A_270 = arith.addi %get3A_269, %iota3A : vector<16xi32>
        tpu.vector_store_idx %arg9[%add3A_270], %broadcast_in_dim3A_10 {add = true} : memref<102912xi32, #tpu.memory_space<vmem>>[vector<16xi32>], vector<16xi32>,
        %scan3A_271 = arith.constant 1 : i32
        %scan3A_272 = arith.addi %scan3A_266, %scan3A_271 : i32
        %mul3A_273 = arith.constant 16 : i32
        %mul3A_274 = arith.muli %scan3A_272, %mul3A_273 : i32
        %get3A_275 = arith.index_cast %mul3A_274 : i32 to index
        %get3A_276 = tpu.vector_load %arg5[%get3A_275] {strides = array<i32>} : memref<12800xi32, #tpu.memory_space<vmem>>, vector<16xi32>,
        %add3A_277 = arith.addi %get3A_276, %iota3A : vector<16xi32>
        tpu.vector_store_idx %arg9[%add3A_277], %broadcast_in_dim3A_10 {add = true} : memref<102912xi32, #tpu.memory_space<vmem>>[vector<16xi32>], vector<16xi32>,
        %scan3A_278 = arith.constant 2 : i32
        %scan3A_279 = arith.addi %scan3A_266, %scan3A_278 : i32
        %mul3A_280 = arith.constant 16 : i32
        %mul3A_281 = arith.muli %scan3A_279, %mul3A_280 : i32
        %get3A_282 = arith.index_cast %mul3A_281 : i32 to index
        %get3A_283 = tpu.vector_load %arg5[%get3A_282] {strides = array<i32>} : memref<12800xi32, #tpu.memory_space<vmem>>, vector<16xi32>,
        %add3A_284 = arith.addi %get3A_283, %iota3A : vector<16xi32>
        tpu.vector_store_idx %arg9[%add3A_284], %broadcast_in_dim3A_10 {add = true} : memref<102912xi32, #tpu.memory_space<vmem>>[vector<16xi32>], vector<16xi32>,
        %scan3A_285 = arith.constant 3 : i32
        %scan3A_286 = arith.addi %scan3A_266, %scan3A_285 : i32
        %mul3A_287 = arith.constant 16 : i32
        %mul3A_288 = arith.muli %scan3A_286, %mul3A_287 : i32
        %get3A_289 = arith.index_cast %mul3A_288 : i32 to index
        %get3A_290 = tpu.vector_load %arg5[%get3A_289] {strides = array<i32>} : memref<12800xi32, #tpu.memory_space<vmem>>, vector<16xi32>,
        %add3A_291 = arith.addi %get3A_290, %iota3A : vector<16xi32>
        tpu.vector_store_idx %arg9[%add3A_291], %broadcast_in_dim3A_10 {add = true} : memref<102912xi32, #tpu.memory_space<vmem>>[vector<16xi32>], vector<16xi32>,
        %scan3A_292 = arith.constant 4 : i32
        %scan3A_293 = arith.addi %scan3A_266, %scan3A_292 : i32
        %mul3A_294 = arith.constant 16 : i32
        %mul3A_295 = arith.muli %scan3A_293, %mul3A_294 : i32
        %get3A_296 = arith.index_cast %mul3A_295 : i32 to index
        %get3A_297 = tpu.vector_load %arg5[%get3A_296] {strides = array<i32>} : memref<12800xi32, #tpu.memory_space<vmem>>, vector<16xi32>,
        %add3A_298 = arith.addi %get3A_297, %iota3A : vector<16xi32>
        tpu.vector_store_idx %arg9[%add3A_298], %broadcast_in_dim3A_10 {add = true} : memref<102912xi32, #tpu.memory_space<vmem>>[vector<16xi32>], vector<16xi32>,
        %scan3A_299 = arith.constant 5 : i32
        %scan3A_300 = arith.addi %scan3A_266, %scan3A_299 : i32
        %mul3A_301 = arith.constant 16 : i32
        %mul3A_302 = arith.muli %scan3A_300, %mul3A_301 : i32
        %get3A_303 = arith.index_cast %mul3A_302 : i32 to index
        %get3A_304 = tpu.vector_load %arg5[%get3A_303] {strides = array<i32>} : memref<12800xi32, #tpu.memory_space<vmem>>, vector<16xi32>,
        %add3A_305 = arith.addi %get3A_304, %iota3A : vector<16xi32>
        tpu.vector_store_idx %arg9[%add3A_305], %broadcast_in_dim3A_10 {add = true} : memref<102912xi32, #tpu.memory_space<vmem>>[vector<16xi32>], vector<16xi32>,
        %scan3A_306 = arith.constant 6 : i32
        %scan3A_307 = arith.addi %scan3A_266, %scan3A_306 : i32
        %mul3A_308 = arith.constant 16 : i32
        %mul3A_309 = arith.muli %scan3A_307, %mul3A_308 : i32
        %get3A_310 = arith.index_cast %mul3A_309 : i32 to index
        %get3A_311 = tpu.vector_load %arg5[%get3A_310] {strides = array<i32>} : memref<12800xi32, #tpu.memory_space<vmem>>, vector<16xi32>,
        %add3A_312 = arith.addi %get3A_311, %iota3A : vector<16xi32>
        tpu.vector_store_idx %arg9[%add3A_312], %broadcast_in_dim3A_10 {add = true} : memref<102912xi32, #tpu.memory_space<vmem>>[vector<16xi32>], vector<16xi32>,
        %scan3A_313 = arith.constant 7 : i32
        %scan3A_314 = arith.addi %scan3A_266, %scan3A_313 : i32
        %mul3A_315 = arith.constant 16 : i32
        %mul3A_316 = arith.muli %scan3A_314, %mul3A_315 : i32
        %get3A_317 = arith.index_cast %mul3A_316 : i32 to index
        %get3A_318 = tpu.vector_load %arg5[%get3A_317] {strides = array<i32>} : memref<12800xi32, #tpu.memory_space<vmem>>, vector<16xi32>,
        %add3A_319 = arith.addi %get3A_318, %iota3A : vector<16xi32>
        tpu.vector_store_idx %arg9[%add3A_319], %broadcast_in_dim3A_10 {add = true} : memref<102912xi32, #tpu.memory_space<vmem>>[vector<16xi32>], vector<16xi32>,
        %scan3A_320 = arith.constant 8 : i32
        %scan3A_321 = arith.addi %scan3A_266, %scan3A_320 : i32
        %mul3A_322 = arith.constant 16 : i32
        %mul3A_323 = arith.muli %scan3A_321, %mul3A_322 : i32
        %get3A_324 = arith.index_cast %mul3A_323 : i32 to index
        %get3A_325 = tpu.vector_load %arg5[%get3A_324] {strides = array<i32>} : memref<12800xi32, #tpu.memory_space<vmem>>, vector<16xi32>,
        %add3A_326 = arith.addi %get3A_325, %iota3A : vector<16xi32>
        tpu.vector_store_idx %arg9[%add3A_326], %broadcast_in_dim3A_10 {add = true} : memref<102912xi32, #tpu.memory_space<vmem>>[vector<16xi32>], vector<16xi32>,
        %scan3A_327 = arith.constant 9 : i32
        %scan3A_328 = arith.addi %scan3A_266, %scan3A_327 : i32
        %mul3A_329 = arith.constant 16 : i32
        %mul3A_330 = arith.muli %scan3A_328, %mul3A_329 : i32
        %get3A_331 = arith.index_cast %mul3A_330 : i32 to index
        %get3A_332 = tpu.vector_load %arg5[%get3A_331] {strides = array<i32>} : memref<12800xi32, #tpu.memory_space<vmem>>, vector<16xi32>,
        %add3A_333 = arith.addi %get3A_332, %iota3A : vector<16xi32>
        tpu.vector_store_idx %arg9[%add3A_333], %broadcast_in_dim3A_10 {add = true} : memref<102912xi32, #tpu.memory_space<vmem>>[vector<16xi32>], vector<16xi32>,
        %scan3A_334 = arith.constant 10 : i32
        %scan3A_335 = arith.addi %scan3A_266, %scan3A_334 : i32
        %mul3A_336 = arith.constant 16 : i32
        %mul3A_337 = arith.muli %scan3A_335, %mul3A_336 : i32
        %get3A_338 = arith.index_cast %mul3A_337 : i32 to index
        %get3A_339 = tpu.vector_load %arg5[%get3A_338] {strides = array<i32>} : memref<12800xi32, #tpu.memory_space<vmem>>, vector<16xi32>,
        %add3A_340 = arith.addi %get3A_339, %iota3A : vector<16xi32>
        tpu.vector_store_idx %arg9[%add3A_340], %broadcast_in_dim3A_10 {add = true} : memref<102912xi32, #tpu.memory_space<vmem>>[vector<16xi32>], vector<16xi32>,
        %scan3A_341 = arith.constant 11 : i32
        %scan3A_342 = arith.addi %scan3A_266, %scan3A_341 : i32
        %mul3A_343 = arith.constant 16 : i32
        %mul3A_344 = arith.muli %scan3A_342, %mul3A_343 : i32
        %get3A_345 = arith.index_cast %mul3A_344 : i32 to index
        %get3A_346 = tpu.vector_load %arg5[%get3A_345] {strides = array<i32>} : memref<12800xi32, #tpu.memory_space<vmem>>, vector<16xi32>,
        %add3A_347 = arith.addi %get3A_346, %iota3A : vector<16xi32>
        tpu.vector_store_idx %arg9[%add3A_347], %broadcast_in_dim3A_10 {add = true} : memref<102912xi32, #tpu.memory_space<vmem>>[vector<16xi32>], vector<16xi32>,
        %scan3A_348 = arith.constant 12 : i32
        %scan3A_349 = arith.addi %scan3A_266, %scan3A_348 : i32
        %mul3A_350 = arith.constant 16 : i32
        %mul3A_351 = arith.muli %scan3A_349, %mul3A_350 : i32
        %get3A_352 = arith.index_cast %mul3A_351 : i32 to index
        %get3A_353 = tpu.vector_load %arg5[%get3A_352] {strides = array<i32>} : memref<12800xi32, #tpu.memory_space<vmem>>, vector<16xi32>,
        %add3A_354 = arith.addi %get3A_353, %iota3A : vector<16xi32>
        tpu.vector_store_idx %arg9[%add3A_354], %broadcast_in_dim3A_10 {add = true} : memref<102912xi32, #tpu.memory_space<vmem>>[vector<16xi32>], vector<16xi32>,
        %scan3A_355 = arith.constant 13 : i32
        %scan3A_356 = arith.addi %scan3A_266, %scan3A_355 : i32
        %mul3A_357 = arith.constant 16 : i32
        %mul3A_358 = arith.muli %scan3A_356, %mul3A_357 : i32
        %get3A_359 = arith.index_cast %mul3A_358 : i32 to index
        %get3A_360 = tpu.vector_load %arg5[%get3A_359] {strides = array<i32>} : memref<12800xi32, #tpu.memory_space<vmem>>, vector<16xi32>,
        %add3A_361 = arith.addi %get3A_360, %iota3A : vector<16xi32>
        tpu.vector_store_idx %arg9[%add3A_361], %broadcast_in_dim3A_10 {add = true} : memref<102912xi32, #tpu.memory_space<vmem>>[vector<16xi32>], vector<16xi32>,
        %scan3A_362 = arith.constant 14 : i32
        %scan3A_363 = arith.addi %scan3A_266, %scan3A_362 : i32
        %mul3A_364 = arith.constant 16 : i32
        %mul3A_365 = arith.muli %scan3A_363, %mul3A_364 : i32
        %get3A_366 = arith.index_cast %mul3A_365 : i32 to index
        %get3A_367 = tpu.vector_load %arg5[%get3A_366] {strides = array<i32>} : memref<12800xi32, #tpu.memory_space<vmem>>, vector<16xi32>,
        %add3A_368 = arith.addi %get3A_367, %iota3A : vector<16xi32>
        tpu.vector_store_idx %arg9[%add3A_368], %broadcast_in_dim3A_10 {add = true} : memref<102912xi32, #tpu.memory_space<vmem>>[vector<16xi32>], vector<16xi32>,
        %scan3A_369 = arith.constant 15 : i32
        %scan3A_370 = arith.addi %scan3A_266, %scan3A_369 : i32
        %mul3A_371 = arith.constant 16 : i32
        %mul3A_372 = arith.muli %scan3A_370, %mul3A_371 : i32
        %get3A_373 = arith.index_cast %mul3A_372 : i32 to index
        %get3A_374 = tpu.vector_load %arg5[%get3A_373] {strides = array<i32>} : memref<12800xi32, #tpu.memory_space<vmem>>, vector<16xi32>,
        %add3A_375 = arith.addi %get3A_374, %iota3A : vector<16xi32>
        tpu.vector_store_idx %arg9[%add3A_375], %broadcast_in_dim3A_10 {add = true} : memref<102912xi32, #tpu.memory_space<vmem>>[vector<16xi32>], vector<16xi32>,
      }
      %scan3A_247 = arith.constant 800 : i32
      %scan3A_248 = arith.constant 0 : i32
      %scan3A_249 = arith.constant 0 : i32
      %scan3A_250 = arith.constant 50 : i32
      %scan3A_251 = arith.addi %scan3A_249, %scan3A_250 : i32
      %scan3A_252 = arith.constant 10 : i32
      scf.for %scan3A_266 = %scan3A_249 to %scan3A_251 step %scan3A_252  : i32 {
        %mul3A_267 = arith.constant 16 : i32
        %mul3A_268 = arith.muli %scan3A_266, %mul3A_267 : i32
        %get3A = arith.index_cast %mul3A_268 : i32 to index
        %get3A_269 = tpu.vector_load %arg7[%get3A] {strides = array<i32>} : memref<800xi32, #tpu.memory_space<vmem>>, vector<16xi32>,
        %add3A_270 = arith.addi %get3A_269, %iota3A : vector<16xi32>
        tpu.vector_store_idx %arg9[%add3A_270], %broadcast_in_dim3A_10 {add = true} : memref<102912xi32, #tpu.memory_space<vmem>>[vector<16xi32>], vector<16xi32>,
        %scan3A_271 = arith.constant 1 : i32
        %scan3A_272 = arith.addi %scan3A_266, %scan3A_271 : i32
        %mul3A_273 = arith.constant 16 : i32
        %mul3A_274 = arith.muli %scan3A_272, %mul3A_273 : i32
        %get3A_275 = arith.index_cast %mul3A_274 : i32 to index
        %get3A_276 = tpu.vector_load %arg7[%get3A_275] {strides = array<i32>} : memref<800xi32, #tpu.memory_space<vmem>>, vector<16xi32>,
        %add3A_277 = arith.addi %get3A_276, %iota3A : vector<16xi32>
        tpu.vector_store_idx %arg9[%add3A_277], %broadcast_in_dim3A_10 {add = true} : memref<102912xi32, #tpu.memory_space<vmem>>[vector<16xi32>], vector<16xi32>,
        %scan3A_278 = arith.constant 2 : i32
        %scan3A_279 = arith.addi %scan3A_266, %scan3A_278 : i32
        %mul3A_280 = arith.constant 16 : i32
        %mul3A_281 = arith.muli %scan3A_279, %mul3A_280 : i32
        %get3A_282 = arith.index_cast %mul3A_281 : i32 to index
        %get3A_283 = tpu.vector_load %arg7[%get3A_282] {strides = array<i32>} : memref<800xi32, #tpu.memory_space<vmem>>, vector<16xi32>,
        %add3A_284 = arith.addi %get3A_283, %iota3A : vector<16xi32>
        tpu.vector_store_idx %arg9[%add3A_284], %broadcast_in_dim3A_10 {add = true} : memref<102912xi32, #tpu.memory_space<vmem>>[vector<16xi32>], vector<16xi32>,
        %scan3A_285 = arith.constant 3 : i32
        %scan3A_286 = arith.addi %scan3A_266, %scan3A_285 : i32
        %mul3A_287 = arith.constant 16 : i32
        %mul3A_288 = arith.muli %scan3A_286, %mul3A_287 : i32
        %get3A_289 = arith.index_cast %mul3A_288 : i32 to index
        %get3A_290 = tpu.vector_load %arg7[%get3A_289] {strides = array<i32>} : memref<800xi32, #tpu.memory_space<vmem>>, vector<16xi32>,
        %add3A_291 = arith.addi %get3A_290, %iota3A : vector<16xi32>
        tpu.vector_store_idx %arg9[%add3A_291], %broadcast_in_dim3A_10 {add = true} : memref<102912xi32, #tpu.memory_space<vmem>>[vector<16xi32>], vector<16xi32>,
        %scan3A_292 = arith.constant 4 : i32
        %scan3A_293 = arith.addi %scan3A_266, %scan3A_292 : i32
        %mul3A_294 = arith.constant 16 : i32
        %mul3A_295 = arith.muli %scan3A_293, %mul3A_294 : i32
        %get3A_296 = arith.index_cast %mul3A_295 : i32 to index
        %get3A_297 = tpu.vector_load %arg7[%get3A_296] {strides = array<i32>} : memref<800xi32, #tpu.memory_space<vmem>>, vector<16xi32>,
        %add3A_298 = arith.addi %get3A_297, %iota3A : vector<16xi32>
        tpu.vector_store_idx %arg9[%add3A_298], %broadcast_in_dim3A_10 {add = true} : memref<102912xi32, #tpu.memory_space<vmem>>[vector<16xi32>], vector<16xi32>,
        %scan3A_299 = arith.constant 5 : i32
        %scan3A_300 = arith.addi %scan3A_266, %scan3A_299 : i32
        %mul3A_301 = arith.constant 16 : i32
        %mul3A_302 = arith.muli %scan3A_300, %mul3A_301 : i32
        %get3A_303 = arith.index_cast %mul3A_302 : i32 to index
        %get3A_304 = tpu.vector_load %arg7[%get3A_303] {strides = array<i32>} : memref<800xi32, #tpu.memory_space<vmem>>, vector<16xi32>,
        %add3A_305 = arith.addi %get3A_304, %iota3A : vector<16xi32>
        tpu.vector_store_idx %arg9[%add3A_305], %broadcast_in_dim3A_10 {add = true} : memref<102912xi32, #tpu.memory_space<vmem>>[vector<16xi32>], vector<16xi32>,
        %scan3A_306 = arith.constant 6 : i32
        %scan3A_307 = arith.addi %scan3A_266, %scan3A_306 : i32
        %mul3A_308 = arith.constant 16 : i32
        %mul3A_309 = arith.muli %scan3A_307, %mul3A_308 : i32
        %get3A_310 = arith.index_cast %mul3A_309 : i32 to index
        %get3A_311 = tpu.vector_load %arg7[%get3A_310] {strides = array<i32>} : memref<800xi32, #tpu.memory_space<vmem>>, vector<16xi32>,
        %add3A_312 = arith.addi %get3A_311, %iota3A : vector<16xi32>
        tpu.vector_store_idx %arg9[%add3A_312], %broadcast_in_dim3A_10 {add = true} : memref<102912xi32, #tpu.memory_space<vmem>>[vector<16xi32>], vector<16xi32>,
        %scan3A_313 = arith.constant 7 : i32
        %scan3A_314 = arith.addi %scan3A_266, %scan3A_313 : i32
        %mul3A_315 = arith.constant 16 : i32
        %mul3A_316 = arith.muli %scan3A_314, %mul3A_315 : i32
        %get3A_317 = arith.index_cast %mul3A_316 : i32 to index
        %get3A_318 = tpu.vector_load %arg7[%get3A_317] {strides = array<i32>} : memref<800xi32, #tpu.memory_space<vmem>>, vector<16xi32>,
        %add3A_319 = arith.addi %get3A_318, %iota3A : vector<16xi32>
        tpu.vector_store_idx %arg9[%add3A_319], %broadcast_in_dim3A_10 {add = true} : memref<102912xi32, #tpu.memory_space<vmem>>[vector<16xi32>], vector<16xi32>,
        %scan3A_320 = arith.constant 8 : i32
        %scan3A_321 = arith.addi %scan3A_266, %scan3A_320 : i32
        %mul3A_322 = arith.constant 16 : i32
        %mul3A_323 = arith.muli %scan3A_321, %mul3A_322 : i32
        %get3A_324 = arith.index_cast %mul3A_323 : i32 to index
        %get3A_325 = tpu.vector_load %arg7[%get3A_324] {strides = array<i32>} : memref<800xi32, #tpu.memory_space<vmem>>, vector<16xi32>,
        %add3A_326 = arith.addi %get3A_325, %iota3A : vector<16xi32>
        tpu.vector_store_idx %arg9[%add3A_326], %broadcast_in_dim3A_10 {add = true} : memref<102912xi32, #tpu.memory_space<vmem>>[vector<16xi32>], vector<16xi32>,
        %scan3A_327 = arith.constant 9 : i32
        %scan3A_328 = arith.addi %scan3A_266, %scan3A_327 : i32
        %mul3A_329 = arith.constant 16 : i32
        %mul3A_330 = arith.muli %scan3A_328, %mul3A_329 : i32
        %get3A_331 = arith.index_cast %mul3A_330 : i32 to index
        %get3A_332 = tpu.vector_load %arg7[%get3A_331] {strides = array<i32>} : memref<800xi32, #tpu.memory_space<vmem>>, vector<16xi32>,
        %add3A_333 = arith.addi %get3A_332, %iota3A : vector<16xi32>
        tpu.vector_store_idx %arg9[%add3A_333], %broadcast_in_dim3A_10 {add = true} : memref<102912xi32, #tpu.memory_space<vmem>>[vector<16xi32>], vector<16xi32>,
      }
      %scan3A_253 = arith.constant 50 : i32
      %add3A_254 = arith.constant 2 : i32
      %add3A_255 = arith.addi %mul3A_55, %add3A_254 : i32
      %lt3A_256 = arith.cmpi slt, %add3A_255, %select_n3A : i32
      %convert_element_type3A_257 = arith.extui %lt3A_256 : i1 to i32
      %cond3A_258 = arith.constant 0 : i32
      %cond3A_259 = arith.cmpi ne, %convert_element_type3A_257, %cond3A_258 : i32
      scf.if %cond3A_259 {
        %add3A_266 = arith.constant 2 : i32
        %add3A_267 = arith.addi %mul3A_55, %add3A_266 : i32
        %mul3A_268 = arith.constant 32 : i32
        %mul3A_269 = arith.muli %add3A_267, %mul3A_268 : i32
        %add3A_270 = arith.addi %add3A, %mul3A_269 : i32
        %jit3A_271 = arith.constant 5 : i32
        %div3A_272 = arith.divsi %add3A_270, %jit3A_271 : i32
        %sign3A_273 = arith.constant 0 : i32
        %sign3A_274 = arith.cmpi sgt, %add3A_270, %sign3A_273 : i32
        %sign3A_275 = arith.extui %sign3A_274 : i1 to i32
        %sign3A_276 = arith.constant 0 : i32
        %sign3A_277 = arith.cmpi slt, %add3A_270, %sign3A_276 : i32
        %sign3A_278 = arith.extui %sign3A_277 : i1 to i32
        %sign3A_279 = arith.subi %sign3A_275, %sign3A_278 : i32
        %sign3A_280 = arith.constant 0 : i32
        %sign3A_281 = arith.cmpi sgt, %jit3A_271, %sign3A_280 : i32
        %sign3A_282 = arith.extui %sign3A_281 : i1 to i32
        %sign3A_283 = arith.constant 0 : i32
        %sign3A_284 = arith.cmpi slt, %jit3A_271, %sign3A_283 : i32
        %sign3A_285 = arith.extui %sign3A_284 : i1 to i32
        %sign3A_286 = arith.subi %sign3A_282, %sign3A_285 : i32
        %ne3A_287 = arith.cmpi ne, %sign3A_279, %sign3A_286 : i32
        %rem3A_288 = arith.remsi %add3A_270, %jit3A_271 : i32
        %ne3A_289 = arith.constant 0 : i32
        %ne3A_290 = arith.cmpi ne, %rem3A_288, %ne3A_289 : i32
        %and3A_291 = arith.andi %ne3A_287, %ne3A_290 : i1
        %sub3A_292 = arith.constant 1 : i32
        %sub3A_293 = arith.subi %div3A_272, %sub3A_292 : i32
        %select_n3A_294 = arith.select %and3A_291, %sub3A_293, %div3A_272 : i32
        %mul3A_295 = arith.constant 16 : i32
        %mul3A_296 = arith.muli %select_n3A_294, %mul3A_295 : i32
        %mul3A_297 = arith.constant 4000 : i32
        %mul3A_298 = arith.muli %mul3A_296, %mul3A_297 : i32
        %jit3A_299 = arith.constant 5 : i32
        %eq3A_300 = arith.constant 0 : i32
        %eq3A_301 = arith.cmpi eq, %jit3A_299, %eq3A_300 : i32
        %jit3A_302 = arith.constant 1 : i32
        %select_n3A_303 = arith.select %eq3A_301, %jit3A_302, %jit3A_299 : i32
        %rem3A_304 = arith.remsi %add3A_270, %select_n3A_303 : i32
        %ne3A_305 = arith.constant 0 : i32
        %ne3A_306 = arith.cmpi ne, %rem3A_304, %ne3A_305 : i32
        %lt3A_307 = arith.constant 0 : i32
        %lt3A_308 = arith.cmpi slt, %rem3A_304, %lt3A_307 : i32
        %lt3A_309 = arith.constant 0 : i32
        %lt3A_310 = arith.cmpi slt, %select_n3A_303, %lt3A_309 : i32
        %ne3A_311 = arith.xori %lt3A_308, %lt3A_310 : i1
        %and3A_312 = arith.andi %ne3A_311, %ne3A_306 : i1
        %add3A_313 = arith.addi %rem3A_304, %select_n3A_303 : i32
        %select_n3A_314 = arith.select %and3A_312, %add3A_313, %rem3A_304 : i32
        %mul3A_315 = arith.constant 800 : i32
        %mul3A_316 = arith.muli %select_n3A_314, %mul3A_315 : i32
        %add3A_317 = arith.addi %mul3A_298, %mul3A_316 : i32
        %add3A_318 = arith.constant 0 : i32
        %add3A_319 = arith.addi %add3A_317, %add3A_318 : i32
        %add3A_320 = arith.constant 4000 : i32
        %add3A_321 = arith.addi %add3A_317, %add3A_320 : i32
        %add3A_322 = arith.constant 8000 : i32
        %add3A_323 = arith.addi %add3A_317, %add3A_322 : i32
        %add3A_324 = arith.constant 12000 : i32
        %add3A_325 = arith.addi %add3A_317, %add3A_324 : i32
        %add3A_326 = arith.constant 16000 : i32
        %add3A_327 = arith.addi %add3A_317, %add3A_326 : i32
        %add3A_328 = arith.constant 20000 : i32
        %add3A_329 = arith.addi %add3A_317, %add3A_328 : i32
        %add3A_330 = arith.constant 24000 : i32
        %add3A_331 = arith.addi %add3A_317, %add3A_330 : i32
        %add3A_332 = arith.constant 28000 : i32
        %add3A_333 = arith.addi %add3A_317, %add3A_332 : i32
        %add3A_334 = arith.constant 32000 : i32
        %add3A_335 = arith.addi %add3A_317, %add3A_334 : i32
        %add3A_336 = arith.constant 36000 : i32
        %add3A_337 = arith.addi %add3A_317, %add3A_336 : i32
        %add3A_338 = arith.constant 40000 : i32
        %add3A_339 = arith.addi %add3A_317, %add3A_338 : i32
        %add3A_340 = arith.constant 44000 : i32
        %add3A_341 = arith.addi %add3A_317, %add3A_340 : i32
        %add3A_342 = arith.constant 48000 : i32
        %add3A_343 = arith.addi %add3A_317, %add3A_342 : i32
        %add3A_344 = arith.constant 52000 : i32
        %add3A_345 = arith.addi %add3A_317, %add3A_344 : i32
        %add3A_346 = arith.constant 56000 : i32
        %add3A_347 = arith.addi %add3A_317, %add3A_346 : i32
        %add3A_348 = arith.constant 60000 : i32
        %add3A_349 = arith.addi %add3A_317, %add3A_348 : i32
        %mul3A_350 = arith.constant 800 : i32
        %mul3A_351 = arith.muli %add3A_270, %mul3A_350 : i32
        %dma_start3A = arith.constant 0 : i32
        %dma_start3A_352 = tpu.memref_slice %arg5[%dma_start3A] : memref<12800xi32, #tpu.memory_space<vmem>> -> memref<800xi32, #tpu.memory_space<vmem>>
        %dma_start3A_353 = tpu.memref_slice %arg2[%add3A_319] : memref<16000000xi32, #tpu.memory_space<hbm>> -> memref<800xi32, #tpu.memory_space<hbm>>
        %dma_start3A_354 = arith.constant 0 : i32
        %dma_start3A_355 = tpu.memref_slice %arg5[%dma_start3A_354] : memref<12800xi32, #tpu.memory_space<vmem>> -> memref<800xi32, #tpu.memory_space<vmem>>
        %dma_start3A_356 = tpu.memref_slice %arg2[%add3A_319] : memref<16000000xi32, #tpu.memory_space<hbm>> -> memref<800xi32, #tpu.memory_space<hbm>>
        tpu.enqueue_dma source(%dma_start3A_356 : memref<800xi32, #tpu.memory_space<hbm>>) target(%dma_start3A_355 : memref<800xi32, #tpu.memory_space<vmem>>) target_semaphore(%arg10 : memref<!tpu.dma_semaphore, #tpu.memory_space<semaphore_mem>>)
        %dma_start3A_357 = arith.constant 800 : i32
        %dma_start3A_358 = tpu.memref_slice %arg5[%dma_start3A_357] : memref<12800xi32, #tpu.memory_space<vmem>> -> memref<800xi32, #tpu.memory_space<vmem>>
        %dma_start3A_359 = tpu.memref_slice %arg2[%add3A_321] : memref<16000000xi32, #tpu.memory_space<hbm>> -> memref<800xi32, #tpu.memory_space<hbm>>
        %dma_start3A_360 = arith.constant 800 : i32
        %dma_start3A_361 = tpu.memref_slice %arg5[%dma_start3A_360] : memref<12800xi32, #tpu.memory_space<vmem>> -> memref<800xi32, #tpu.memory_space<vmem>>
        %dma_start3A_362 = tpu.memref_slice %arg2[%add3A_321] : memref<16000000xi32, #tpu.memory_space<hbm>> -> memref<800xi32, #tpu.memory_space<hbm>>
        tpu.enqueue_dma source(%dma_start3A_362 : memref<800xi32, #tpu.memory_space<hbm>>) target(%dma_start3A_361 : memref<800xi32, #tpu.memory_space<vmem>>) target_semaphore(%arg10 : memref<!tpu.dma_semaphore, #tpu.memory_space<semaphore_mem>>)
        %dma_start3A_363 = arith.constant 1600 : i32
        %dma_start3A_364 = tpu.memref_slice %arg5[%dma_start3A_363] : memref<12800xi32, #tpu.memory_space<vmem>> -> memref<800xi32, #tpu.memory_space<vmem>>
        %dma_start3A_365 = tpu.memref_slice %arg2[%add3A_323] : memref<16000000xi32, #tpu.memory_space<hbm>> -> memref<800xi32, #tpu.memory_space<hbm>>
        %dma_start3A_366 = arith.constant 1600 : i32
        %dma_start3A_367 = tpu.memref_slice %arg5[%dma_start3A_366] : memref<12800xi32, #tpu.memory_space<vmem>> -> memref<800xi32, #tpu.memory_space<vmem>>
        %dma_start3A_368 = tpu.memref_slice %arg2[%add3A_323] : memref<16000000xi32, #tpu.memory_space<hbm>> -> memref<800xi32, #tpu.memory_space<hbm>>
        tpu.enqueue_dma source(%dma_start3A_368 : memref<800xi32, #tpu.memory_space<hbm>>) target(%dma_start3A_367 : memref<800xi32, #tpu.memory_space<vmem>>) target_semaphore(%arg10 : memref<!tpu.dma_semaphore, #tpu.memory_space<semaphore_mem>>)
        %dma_start3A_369 = arith.constant 2400 : i32
        %dma_start3A_370 = tpu.memref_slice %arg5[%dma_start3A_369] : memref<12800xi32, #tpu.memory_space<vmem>> -> memref<800xi32, #tpu.memory_space<vmem>>
        %dma_start3A_371 = tpu.memref_slice %arg2[%add3A_325] : memref<16000000xi32, #tpu.memory_space<hbm>> -> memref<800xi32, #tpu.memory_space<hbm>>
        %dma_start3A_372 = arith.constant 2400 : i32
        %dma_start3A_373 = tpu.memref_slice %arg5[%dma_start3A_372] : memref<12800xi32, #tpu.memory_space<vmem>> -> memref<800xi32, #tpu.memory_space<vmem>>
        %dma_start3A_374 = tpu.memref_slice %arg2[%add3A_325] : memref<16000000xi32, #tpu.memory_space<hbm>> -> memref<800xi32, #tpu.memory_space<hbm>>
        tpu.enqueue_dma source(%dma_start3A_374 : memref<800xi32, #tpu.memory_space<hbm>>) target(%dma_start3A_373 : memref<800xi32, #tpu.memory_space<vmem>>) target_semaphore(%arg10 : memref<!tpu.dma_semaphore, #tpu.memory_space<semaphore_mem>>)
        %dma_start3A_375 = arith.constant 3200 : i32
        %dma_start3A_376 = tpu.memref_slice %arg5[%dma_start3A_375] : memref<12800xi32, #tpu.memory_space<vmem>> -> memref<800xi32, #tpu.memory_space<vmem>>
        %dma_start3A_377 = tpu.memref_slice %arg2[%add3A_327] : memref<16000000xi32, #tpu.memory_space<hbm>> -> memref<800xi32, #tpu.memory_space<hbm>>
        %dma_start3A_378 = arith.constant 3200 : i32
        %dma_start3A_379 = tpu.memref_slice %arg5[%dma_start3A_378] : memref<12800xi32, #tpu.memory_space<vmem>> -> memref<800xi32, #tpu.memory_space<vmem>>
        %dma_start3A_380 = tpu.memref_slice %arg2[%add3A_327] : memref<16000000xi32, #tpu.memory_space<hbm>> -> memref<800xi32, #tpu.memory_space<hbm>>
        tpu.enqueue_dma source(%dma_start3A_380 : memref<800xi32, #tpu.memory_space<hbm>>) target(%dma_start3A_379 : memref<800xi32, #tpu.memory_space<vmem>>) target_semaphore(%arg10 : memref<!tpu.dma_semaphore, #tpu.memory_space<semaphore_mem>>)
        %dma_start3A_381 = arith.constant 4000 : i32
        %dma_start3A_382 = tpu.memref_slice %arg5[%dma_start3A_381] : memref<12800xi32, #tpu.memory_space<vmem>> -> memref<800xi32, #tpu.memory_space<vmem>>
        %dma_start3A_383 = tpu.memref_slice %arg2[%add3A_329] : memref<16000000xi32, #tpu.memory_space<hbm>> -> memref<800xi32, #tpu.memory_space<hbm>>
        %dma_start3A_384 = arith.constant 4000 : i32
        %dma_start3A_385 = tpu.memref_slice %arg5[%dma_start3A_384] : memref<12800xi32, #tpu.memory_space<vmem>> -> memref<800xi32, #tpu.memory_space<vmem>>
        %dma_start3A_386 = tpu.memref_slice %arg2[%add3A_329] : memref<16000000xi32, #tpu.memory_space<hbm>> -> memref<800xi32, #tpu.memory_space<hbm>>
        tpu.enqueue_dma source(%dma_start3A_386 : memref<800xi32, #tpu.memory_space<hbm>>) target(%dma_start3A_385 : memref<800xi32, #tpu.memory_space<vmem>>) target_semaphore(%arg10 : memref<!tpu.dma_semaphore, #tpu.memory_space<semaphore_mem>>)
        %dma_start3A_387 = arith.constant 4800 : i32
        %dma_start3A_388 = tpu.memref_slice %arg5[%dma_start3A_387] : memref<12800xi32, #tpu.memory_space<vmem>> -> memref<800xi32, #tpu.memory_space<vmem>>
        %dma_start3A_389 = tpu.memref_slice %arg2[%add3A_331] : memref<16000000xi32, #tpu.memory_space<hbm>> -> memref<800xi32, #tpu.memory_space<hbm>>
        %dma_start3A_390 = arith.constant 4800 : i32
        %dma_start3A_391 = tpu.memref_slice %arg5[%dma_start3A_390] : memref<12800xi32, #tpu.memory_space<vmem>> -> memref<800xi32, #tpu.memory_space<vmem>>
        %dma_start3A_392 = tpu.memref_slice %arg2[%add3A_331] : memref<16000000xi32, #tpu.memory_space<hbm>> -> memref<800xi32, #tpu.memory_space<hbm>>
        tpu.enqueue_dma source(%dma_start3A_392 : memref<800xi32, #tpu.memory_space<hbm>>) target(%dma_start3A_391 : memref<800xi32, #tpu.memory_space<vmem>>) target_semaphore(%arg10 : memref<!tpu.dma_semaphore, #tpu.memory_space<semaphore_mem>>)
        %dma_start3A_393 = arith.constant 5600 : i32
        %dma_start3A_394 = tpu.memref_slice %arg5[%dma_start3A_393] : memref<12800xi32, #tpu.memory_space<vmem>> -> memref<800xi32, #tpu.memory_space<vmem>>
        %dma_start3A_395 = tpu.memref_slice %arg2[%add3A_333] : memref<16000000xi32, #tpu.memory_space<hbm>> -> memref<800xi32, #tpu.memory_space<hbm>>
        %dma_start3A_396 = arith.constant 5600 : i32
        %dma_start3A_397 = tpu.memref_slice %arg5[%dma_start3A_396] : memref<12800xi32, #tpu.memory_space<vmem>> -> memref<800xi32, #tpu.memory_space<vmem>>
        %dma_start3A_398 = tpu.memref_slice %arg2[%add3A_333] : memref<16000000xi32, #tpu.memory_space<hbm>> -> memref<800xi32, #tpu.memory_space<hbm>>
        tpu.enqueue_dma source(%dma_start3A_398 : memref<800xi32, #tpu.memory_space<hbm>>) target(%dma_start3A_397 : memref<800xi32, #tpu.memory_space<vmem>>) target_semaphore(%arg10 : memref<!tpu.dma_semaphore, #tpu.memory_space<semaphore_mem>>)
        %dma_start3A_399 = arith.constant 6400 : i32
        %dma_start3A_400 = tpu.memref_slice %arg5[%dma_start3A_399] : memref<12800xi32, #tpu.memory_space<vmem>> -> memref<800xi32, #tpu.memory_space<vmem>>
        %dma_start3A_401 = tpu.memref_slice %arg2[%add3A_335] : memref<16000000xi32, #tpu.memory_space<hbm>> -> memref<800xi32, #tpu.memory_space<hbm>>
        %dma_start3A_402 = arith.constant 6400 : i32
        %dma_start3A_403 = tpu.memref_slice %arg5[%dma_start3A_402] : memref<12800xi32, #tpu.memory_space<vmem>> -> memref<800xi32, #tpu.memory_space<vmem>>
        %dma_start3A_404 = tpu.memref_slice %arg2[%add3A_335] : memref<16000000xi32, #tpu.memory_space<hbm>> -> memref<800xi32, #tpu.memory_space<hbm>>
        tpu.enqueue_dma source(%dma_start3A_404 : memref<800xi32, #tpu.memory_space<hbm>>) target(%dma_start3A_403 : memref<800xi32, #tpu.memory_space<vmem>>) target_semaphore(%arg10 : memref<!tpu.dma_semaphore, #tpu.memory_space<semaphore_mem>>)
        %dma_start3A_405 = arith.constant 7200 : i32
        %dma_start3A_406 = tpu.memref_slice %arg5[%dma_start3A_405] : memref<12800xi32, #tpu.memory_space<vmem>> -> memref<800xi32, #tpu.memory_space<vmem>>
        %dma_start3A_407 = tpu.memref_slice %arg2[%add3A_337] : memref<16000000xi32, #tpu.memory_space<hbm>> -> memref<800xi32, #tpu.memory_space<hbm>>
        %dma_start3A_408 = arith.constant 7200 : i32
        %dma_start3A_409 = tpu.memref_slice %arg5[%dma_start3A_408] : memref<12800xi32, #tpu.memory_space<vmem>> -> memref<800xi32, #tpu.memory_space<vmem>>
        %dma_start3A_410 = tpu.memref_slice %arg2[%add3A_337] : memref<16000000xi32, #tpu.memory_space<hbm>> -> memref<800xi32, #tpu.memory_space<hbm>>
        tpu.enqueue_dma source(%dma_start3A_410 : memref<800xi32, #tpu.memory_space<hbm>>) target(%dma_start3A_409 : memref<800xi32, #tpu.memory_space<vmem>>) target_semaphore(%arg10 : memref<!tpu.dma_semaphore, #tpu.memory_space<semaphore_mem>>)
        %dma_start3A_411 = arith.constant 8000 : i32
        %dma_start3A_412 = tpu.memref_slice %arg5[%dma_start3A_411] : memref<12800xi32, #tpu.memory_space<vmem>> -> memref<800xi32, #tpu.memory_space<vmem>>
        %dma_start3A_413 = tpu.memref_slice %arg2[%add3A_339] : memref<16000000xi32, #tpu.memory_space<hbm>> -> memref<800xi32, #tpu.memory_space<hbm>>
        %dma_start3A_414 = arith.constant 8000 : i32
        %dma_start3A_415 = tpu.memref_slice %arg5[%dma_start3A_414] : memref<12800xi32, #tpu.memory_space<vmem>> -> memref<800xi32, #tpu.memory_space<vmem>>
        %dma_start3A_416 = tpu.memref_slice %arg2[%add3A_339] : memref<16000000xi32, #tpu.memory_space<hbm>> -> memref<800xi32, #tpu.memory_space<hbm>>
        tpu.enqueue_dma source(%dma_start3A_416 : memref<800xi32, #tpu.memory_space<hbm>>) target(%dma_start3A_415 : memref<800xi32, #tpu.memory_space<vmem>>) target_semaphore(%arg10 : memref<!tpu.dma_semaphore, #tpu.memory_space<semaphore_mem>>)
        %dma_start3A_417 = arith.constant 8800 : i32
        %dma_start3A_418 = tpu.memref_slice %arg5[%dma_start3A_417] : memref<12800xi32, #tpu.memory_space<vmem>> -> memref<800xi32, #tpu.memory_space<vmem>>
        %dma_start3A_419 = tpu.memref_slice %arg2[%add3A_341] : memref<16000000xi32, #tpu.memory_space<hbm>> -> memref<800xi32, #tpu.memory_space<hbm>>
        %dma_start3A_420 = arith.constant 8800 : i32
        %dma_start3A_421 = tpu.memref_slice %arg5[%dma_start3A_420] : memref<12800xi32, #tpu.memory_space<vmem>> -> memref<800xi32, #tpu.memory_space<vmem>>
        %dma_start3A_422 = tpu.memref_slice %arg2[%add3A_341] : memref<16000000xi32, #tpu.memory_space<hbm>> -> memref<800xi32, #tpu.memory_space<hbm>>
        tpu.enqueue_dma source(%dma_start3A_422 : memref<800xi32, #tpu.memory_space<hbm>>) target(%dma_start3A_421 : memref<800xi32, #tpu.memory_space<vmem>>) target_semaphore(%arg10 : memref<!tpu.dma_semaphore, #tpu.memory_space<semaphore_mem>>)
        %dma_start3A_423 = arith.constant 9600 : i32
        %dma_start3A_424 = tpu.memref_slice %arg5[%dma_start3A_423] : memref<12800xi32, #tpu.memory_space<vmem>> -> memref<800xi32, #tpu.memory_space<vmem>>
        %dma_start3A_425 = tpu.memref_slice %arg2[%add3A_343] : memref<16000000xi32, #tpu.memory_space<hbm>> -> memref<800xi32, #tpu.memory_space<hbm>>
        %dma_start3A_426 = arith.constant 9600 : i32
        %dma_start3A_427 = tpu.memref_slice %arg5[%dma_start3A_426] : memref<12800xi32, #tpu.memory_space<vmem>> -> memref<800xi32, #tpu.memory_space<vmem>>
        %dma_start3A_428 = tpu.memref_slice %arg2[%add3A_343] : memref<16000000xi32, #tpu.memory_space<hbm>> -> memref<800xi32, #tpu.memory_space<hbm>>
        tpu.enqueue_dma source(%dma_start3A_428 : memref<800xi32, #tpu.memory_space<hbm>>) target(%dma_start3A_427 : memref<800xi32, #tpu.memory_space<vmem>>) target_semaphore(%arg10 : memref<!tpu.dma_semaphore, #tpu.memory_space<semaphore_mem>>)
        %dma_start3A_429 = arith.constant 10400 : i32
        %dma_start3A_430 = tpu.memref_slice %arg5[%dma_start3A_429] : memref<12800xi32, #tpu.memory_space<vmem>> -> memref<800xi32, #tpu.memory_space<vmem>>
        %dma_start3A_431 = tpu.memref_slice %arg2[%add3A_345] : memref<16000000xi32, #tpu.memory_space<hbm>> -> memref<800xi32, #tpu.memory_space<hbm>>
        %dma_start3A_432 = arith.constant 10400 : i32
        %dma_start3A_433 = tpu.memref_slice %arg5[%dma_start3A_432] : memref<12800xi32, #tpu.memory_space<vmem>> -> memref<800xi32, #tpu.memory_space<vmem>>
        %dma_start3A_434 = tpu.memref_slice %arg2[%add3A_345] : memref<16000000xi32, #tpu.memory_space<hbm>> -> memref<800xi32, #tpu.memory_space<hbm>>
        tpu.enqueue_dma source(%dma_start3A_434 : memref<800xi32, #tpu.memory_space<hbm>>) target(%dma_start3A_433 : memref<800xi32, #tpu.memory_space<vmem>>) target_semaphore(%arg10 : memref<!tpu.dma_semaphore, #tpu.memory_space<semaphore_mem>>)
        %dma_start3A_435 = arith.constant 11200 : i32
        %dma_start3A_436 = tpu.memref_slice %arg5[%dma_start3A_435] : memref<12800xi32, #tpu.memory_space<vmem>> -> memref<800xi32, #tpu.memory_space<vmem>>
        %dma_start3A_437 = tpu.memref_slice %arg2[%add3A_347] : memref<16000000xi32, #tpu.memory_space<hbm>> -> memref<800xi32, #tpu.memory_space<hbm>>
        %dma_start3A_438 = arith.constant 11200 : i32
        %dma_start3A_439 = tpu.memref_slice %arg5[%dma_start3A_438] : memref<12800xi32, #tpu.memory_space<vmem>> -> memref<800xi32, #tpu.memory_space<vmem>>
        %dma_start3A_440 = tpu.memref_slice %arg2[%add3A_347] : memref<16000000xi32, #tpu.memory_space<hbm>> -> memref<800xi32, #tpu.memory_space<hbm>>
        tpu.enqueue_dma source(%dma_start3A_440 : memref<800xi32, #tpu.memory_space<hbm>>) target(%dma_start3A_439 : memref<800xi32, #tpu.memory_space<vmem>>) target_semaphore(%arg10 : memref<!tpu.dma_semaphore, #tpu.memory_space<semaphore_mem>>)
        %dma_start3A_441 = arith.constant 12000 : i32
        %dma_start3A_442 = tpu.memref_slice %arg5[%dma_start3A_441] : memref<12800xi32, #tpu.memory_space<vmem>> -> memref<800xi32, #tpu.memory_space<vmem>>
        %dma_start3A_443 = tpu.memref_slice %arg2[%add3A_349] : memref<16000000xi32, #tpu.memory_space<hbm>> -> memref<800xi32, #tpu.memory_space<hbm>>
        %dma_start3A_444 = arith.constant 12000 : i32
        %dma_start3A_445 = tpu.memref_slice %arg5[%dma_start3A_444] : memref<12800xi32, #tpu.memory_space<vmem>> -> memref<800xi32, #tpu.memory_space<vmem>>
        %dma_start3A_446 = tpu.memref_slice %arg2[%add3A_349] : memref<16000000xi32, #tpu.memory_space<hbm>> -> memref<800xi32, #tpu.memory_space<hbm>>
        tpu.enqueue_dma source(%dma_start3A_446 : memref<800xi32, #tpu.memory_space<hbm>>) target(%dma_start3A_445 : memref<800xi32, #tpu.memory_space<vmem>>) target_semaphore(%arg10 : memref<!tpu.dma_semaphore, #tpu.memory_space<semaphore_mem>>)
        %dma_start3A_447 = tpu.memref_slice %arg3[%mul3A_351] : memref<1000000xi32, #tpu.memory_space<hbm>> -> memref<800xi32, #tpu.memory_space<hbm>>
        %dma_start3A_448 = tpu.memref_slice %arg3[%mul3A_351] : memref<1000000xi32, #tpu.memory_space<hbm>> -> memref<800xi32, #tpu.memory_space<hbm>>
        tpu.enqueue_dma source(%dma_start3A_448 : memref<800xi32, #tpu.memory_space<hbm>>) target(%arg7 : memref<800xi32, #tpu.memory_space<vmem>>) target_semaphore(%arg10 : memref<!tpu.dma_semaphore, #tpu.memory_space<semaphore_mem>>)
      } else {
      }
      %add3A_260 = arith.constant 1 : i32
      %add3A_261 = arith.addi %mul3A_55, %add3A_260 : i32
      %lt3A_262 = arith.cmpi slt, %add3A_261, %select_n3A : i32
      %convert_element_type3A_263 = arith.extui %lt3A_262 : i1 to i32
      %cond3A_264 = arith.constant 0 : i32
      %cond3A_265 = arith.cmpi ne, %convert_element_type3A_263, %cond3A_264 : i32
      scf.if %cond3A_265 {
        %add3A_266 = arith.constant 1 : i32
        %add3A_267 = arith.addi %mul3A_55, %add3A_266 : i32
        %mul3A_268 = arith.constant 32 : i32
        %mul3A_269 = arith.muli %add3A_267, %mul3A_268 : i32
        %add3A_270 = arith.addi %add3A, %mul3A_269 : i32
        %jit3A_271 = arith.constant 5 : i32
        %div3A_272 = arith.divsi %add3A_270, %jit3A_271 : i32
        %sign3A_273 = arith.constant 0 : i32
        %sign3A_274 = arith.cmpi sgt, %add3A_270, %sign3A_273 : i32
        %sign3A_275 = arith.extui %sign3A_274 : i1 to i32
        %sign3A_276 = arith.constant 0 : i32
        %sign3A_277 = arith.cmpi slt, %add3A_270, %sign3A_276 : i32
        %sign3A_278 = arith.extui %sign3A_277 : i1 to i32
        %sign3A_279 = arith.subi %sign3A_275, %sign3A_278 : i32
        %sign3A_280 = arith.constant 0 : i32
        %sign3A_281 = arith.cmpi sgt, %jit3A_271, %sign3A_280 : i32
        %sign3A_282 = arith.extui %sign3A_281 : i1 to i32
        %sign3A_283 = arith.constant 0 : i32
        %sign3A_284 = arith.cmpi slt, %jit3A_271, %sign3A_283 : i32
        %sign3A_285 = arith.extui %sign3A_284 : i1 to i32
        %sign3A_286 = arith.subi %sign3A_282, %sign3A_285 : i32
        %ne3A_287 = arith.cmpi ne, %sign3A_279, %sign3A_286 : i32
        %rem3A_288 = arith.remsi %add3A_270, %jit3A_271 : i32
        %ne3A_289 = arith.constant 0 : i32
        %ne3A_290 = arith.cmpi ne, %rem3A_288, %ne3A_289 : i32
        %and3A_291 = arith.andi %ne3A_287, %ne3A_290 : i1
        %sub3A_292 = arith.constant 1 : i32
        %sub3A_293 = arith.subi %div3A_272, %sub3A_292 : i32
        %select_n3A_294 = arith.select %and3A_291, %sub3A_293, %div3A_272 : i32
        %mul3A_295 = arith.constant 16 : i32
        %mul3A_296 = arith.muli %select_n3A_294, %mul3A_295 : i32
        %mul3A_297 = arith.constant 4000 : i32
        %mul3A_298 = arith.muli %mul3A_296, %mul3A_297 : i32
        %jit3A_299 = arith.constant 5 : i32
        %eq3A_300 = arith.constant 0 : i32
        %eq3A_301 = arith.cmpi eq, %jit3A_299, %eq3A_300 : i32
        %jit3A_302 = arith.constant 1 : i32
        %select_n3A_303 = arith.select %eq3A_301, %jit3A_302, %jit3A_299 : i32
        %rem3A_304 = arith.remsi %add3A_270, %select_n3A_303 : i32
        %ne3A_305 = arith.constant 0 : i32
        %ne3A_306 = arith.cmpi ne, %rem3A_304, %ne3A_305 : i32
        %lt3A_307 = arith.constant 0 : i32
        %lt3A_308 = arith.cmpi slt, %rem3A_304, %lt3A_307 : i32
        %lt3A_309 = arith.constant 0 : i32
        %lt3A_310 = arith.cmpi slt, %select_n3A_303, %lt3A_309 : i32
        %ne3A_311 = arith.xori %lt3A_308, %lt3A_310 : i1
        %and3A_312 = arith.andi %ne3A_311, %ne3A_306 : i1
        %add3A_313 = arith.addi %rem3A_304, %select_n3A_303 : i32
        %select_n3A_314 = arith.select %and3A_312, %add3A_313, %rem3A_304 : i32
        %mul3A_315 = arith.constant 800 : i32
        %mul3A_316 = arith.muli %select_n3A_314, %mul3A_315 : i32
        %add3A_317 = arith.addi %mul3A_298, %mul3A_316 : i32
        %add3A_318 = arith.constant 0 : i32
        %add3A_319 = arith.addi %add3A_317, %add3A_318 : i32
        %add3A_320 = arith.constant 4000 : i32
        %add3A_321 = arith.addi %add3A_317, %add3A_320 : i32
        %add3A_322 = arith.constant 8000 : i32
        %add3A_323 = arith.addi %add3A_317, %add3A_322 : i32
        %add3A_324 = arith.constant 12000 : i32
        %add3A_325 = arith.addi %add3A_317, %add3A_324 : i32
        %add3A_326 = arith.constant 16000 : i32
        %add3A_327 = arith.addi %add3A_317, %add3A_326 : i32
        %add3A_328 = arith.constant 20000 : i32
        %add3A_329 = arith.addi %add3A_317, %add3A_328 : i32
        %add3A_330 = arith.constant 24000 : i32
        %add3A_331 = arith.addi %add3A_317, %add3A_330 : i32
        %add3A_332 = arith.constant 28000 : i32
        %add3A_333 = arith.addi %add3A_317, %add3A_332 : i32
        %add3A_334 = arith.constant 32000 : i32
        %add3A_335 = arith.addi %add3A_317, %add3A_334 : i32
        %add3A_336 = arith.constant 36000 : i32
        %add3A_337 = arith.addi %add3A_317, %add3A_336 : i32
        %add3A_338 = arith.constant 40000 : i32
        %add3A_339 = arith.addi %add3A_317, %add3A_338 : i32
        %add3A_340 = arith.constant 44000 : i32
        %add3A_341 = arith.addi %add3A_317, %add3A_340 : i32
        %add3A_342 = arith.constant 48000 : i32
        %add3A_343 = arith.addi %add3A_317, %add3A_342 : i32
        %add3A_344 = arith.constant 52000 : i32
        %add3A_345 = arith.addi %add3A_317, %add3A_344 : i32
        %add3A_346 = arith.constant 56000 : i32
        %add3A_347 = arith.addi %add3A_317, %add3A_346 : i32
        %add3A_348 = arith.constant 60000 : i32
        %add3A_349 = arith.addi %add3A_317, %add3A_348 : i32
        %mul3A_350 = arith.constant 800 : i32
        %mul3A_351 = arith.muli %add3A_270, %mul3A_350 : i32
        %dma_wait3A_352 = arith.constant 0 : i32
        %dma_wait3A_353 = tpu.memref_slice %arg6[%dma_wait3A_352] : memref<12800xi32, #tpu.memory_space<vmem>> -> memref<800xi32, #tpu.memory_space<vmem>>
        %dma_wait3A_354 = tpu.memref_slice %arg2[%add3A_319] : memref<16000000xi32, #tpu.memory_space<hbm>> -> memref<800xi32, #tpu.memory_space<hbm>>
        %dma_wait3A_355 = arith.constant 0 : i32
        %dma_wait3A_356 = tpu.memref_slice %arg6[%dma_wait3A_355] : memref<12800xi32, #tpu.memory_space<vmem>> -> memref<800xi32, #tpu.memory_space<vmem>>
        %dma_wait3A_357 = tpu.memref_slice %arg2[%add3A_319] : memref<16000000xi32, #tpu.memory_space<hbm>> -> memref<800xi32, #tpu.memory_space<hbm>>
        tpu.wait_dma2 semaphore(%arg11 : memref<!tpu.dma_semaphore, #tpu.memory_space<semaphore_mem>>) src(%dma_wait3A_357 : memref<800xi32, #tpu.memory_space<hbm>>) dst(%dma_wait3A_356 : memref<800xi32, #tpu.memory_space<vmem>>)
        %dma_wait3A_358 = arith.constant 800 : i32
        %dma_wait3A_359 = tpu.memref_slice %arg6[%dma_wait3A_358] : memref<12800xi32, #tpu.memory_space<vmem>> -> memref<800xi32, #tpu.memory_space<vmem>>
        %dma_wait3A_360 = tpu.memref_slice %arg2[%add3A_321] : memref<16000000xi32, #tpu.memory_space<hbm>> -> memref<800xi32, #tpu.memory_space<hbm>>
        %dma_wait3A_361 = arith.constant 800 : i32
        %dma_wait3A_362 = tpu.memref_slice %arg6[%dma_wait3A_361] : memref<12800xi32, #tpu.memory_space<vmem>> -> memref<800xi32, #tpu.memory_space<vmem>>
        %dma_wait3A_363 = tpu.memref_slice %arg2[%add3A_321] : memref<16000000xi32, #tpu.memory_space<hbm>> -> memref<800xi32, #tpu.memory_space<hbm>>
        tpu.wait_dma2 semaphore(%arg11 : memref<!tpu.dma_semaphore, #tpu.memory_space<semaphore_mem>>) src(%dma_wait3A_363 : memref<800xi32, #tpu.memory_space<hbm>>) dst(%dma_wait3A_362 : memref<800xi32, #tpu.memory_space<vmem>>)
        %dma_wait3A_364 = arith.constant 1600 : i32
        %dma_wait3A_365 = tpu.memref_slice %arg6[%dma_wait3A_364] : memref<12800xi32, #tpu.memory_space<vmem>> -> memref<800xi32, #tpu.memory_space<vmem>>
        %dma_wait3A_366 = tpu.memref_slice %arg2[%add3A_323] : memref<16000000xi32, #tpu.memory_space<hbm>> -> memref<800xi32, #tpu.memory_space<hbm>>
        %dma_wait3A_367 = arith.constant 1600 : i32
        %dma_wait3A_368 = tpu.memref_slice %arg6[%dma_wait3A_367] : memref<12800xi32, #tpu.memory_space<vmem>> -> memref<800xi32, #tpu.memory_space<vmem>>
        %dma_wait3A_369 = tpu.memref_slice %arg2[%add3A_323] : memref<16000000xi32, #tpu.memory_space<hbm>> -> memref<800xi32, #tpu.memory_space<hbm>>
        tpu.wait_dma2 semaphore(%arg11 : memref<!tpu.dma_semaphore, #tpu.memory_space<semaphore_mem>>) src(%dma_wait3A_369 : memref<800xi32, #tpu.memory_space<hbm>>) dst(%dma_wait3A_368 : memref<800xi32, #tpu.memory_space<vmem>>)
        %dma_wait3A_370 = arith.constant 2400 : i32
        %dma_wait3A_371 = tpu.memref_slice %arg6[%dma_wait3A_370] : memref<12800xi32, #tpu.memory_space<vmem>> -> memref<800xi32, #tpu.memory_space<vmem>>
        %dma_wait3A_372 = tpu.memref_slice %arg2[%add3A_325] : memref<16000000xi32, #tpu.memory_space<hbm>> -> memref<800xi32, #tpu.memory_space<hbm>>
        %dma_wait3A_373 = arith.constant 2400 : i32
        %dma_wait3A_374 = tpu.memref_slice %arg6[%dma_wait3A_373] : memref<12800xi32, #tpu.memory_space<vmem>> -> memref<800xi32, #tpu.memory_space<vmem>>
        %dma_wait3A_375 = tpu.memref_slice %arg2[%add3A_325] : memref<16000000xi32, #tpu.memory_space<hbm>> -> memref<800xi32, #tpu.memory_space<hbm>>
        tpu.wait_dma2 semaphore(%arg11 : memref<!tpu.dma_semaphore, #tpu.memory_space<semaphore_mem>>) src(%dma_wait3A_375 : memref<800xi32, #tpu.memory_space<hbm>>) dst(%dma_wait3A_374 : memref<800xi32, #tpu.memory_space<vmem>>)
        %dma_wait3A_376 = arith.constant 3200 : i32
        %dma_wait3A_377 = tpu.memref_slice %arg6[%dma_wait3A_376] : memref<12800xi32, #tpu.memory_space<vmem>> -> memref<800xi32, #tpu.memory_space<vmem>>
        %dma_wait3A_378 = tpu.memref_slice %arg2[%add3A_327] : memref<16000000xi32, #tpu.memory_space<hbm>> -> memref<800xi32, #tpu.memory_space<hbm>>
        %dma_wait3A_379 = arith.constant 3200 : i32
        %dma_wait3A_380 = tpu.memref_slice %arg6[%dma_wait3A_379] : memref<12800xi32, #tpu.memory_space<vmem>> -> memref<800xi32, #tpu.memory_space<vmem>>
        %dma_wait3A_381 = tpu.memref_slice %arg2[%add3A_327] : memref<16000000xi32, #tpu.memory_space<hbm>> -> memref<800xi32, #tpu.memory_space<hbm>>
        tpu.wait_dma2 semaphore(%arg11 : memref<!tpu.dma_semaphore, #tpu.memory_space<semaphore_mem>>) src(%dma_wait3A_381 : memref<800xi32, #tpu.memory_space<hbm>>) dst(%dma_wait3A_380 : memref<800xi32, #tpu.memory_space<vmem>>)
        %dma_wait3A_382 = arith.constant 4000 : i32
        %dma_wait3A_383 = tpu.memref_slice %arg6[%dma_wait3A_382] : memref<12800xi32, #tpu.memory_space<vmem>> -> memref<800xi32, #tpu.memory_space<vmem>>
        %dma_wait3A_384 = tpu.memref_slice %arg2[%add3A_329] : memref<16000000xi32, #tpu.memory_space<hbm>> -> memref<800xi32, #tpu.memory_space<hbm>>
        %dma_wait3A_385 = arith.constant 4000 : i32
        %dma_wait3A_386 = tpu.memref_slice %arg6[%dma_wait3A_385] : memref<12800xi32, #tpu.memory_space<vmem>> -> memref<800xi32, #tpu.memory_space<vmem>>
        %dma_wait3A_387 = tpu.memref_slice %arg2[%add3A_329] : memref<16000000xi32, #tpu.memory_space<hbm>> -> memref<800xi32, #tpu.memory_space<hbm>>
        tpu.wait_dma2 semaphore(%arg11 : memref<!tpu.dma_semaphore, #tpu.memory_space<semaphore_mem>>) src(%dma_wait3A_387 : memref<800xi32, #tpu.memory_space<hbm>>) dst(%dma_wait3A_386 : memref<800xi32, #tpu.memory_space<vmem>>)
        %dma_wait3A_388 = arith.constant 4800 : i32
        %dma_wait3A_389 = tpu.memref_slice %arg6[%dma_wait3A_388] : memref<12800xi32, #tpu.memory_space<vmem>> -> memref<800xi32, #tpu.memory_space<vmem>>
        %dma_wait3A_390 = tpu.memref_slice %arg2[%add3A_331] : memref<16000000xi32, #tpu.memory_space<hbm>> -> memref<800xi32, #tpu.memory_space<hbm>>
        %dma_wait3A_391 = arith.constant 4800 : i32
        %dma_wait3A_392 = tpu.memref_slice %arg6[%dma_wait3A_391] : memref<12800xi32, #tpu.memory_space<vmem>> -> memref<800xi32, #tpu.memory_space<vmem>>
        %dma_wait3A_393 = tpu.memref_slice %arg2[%add3A_331] : memref<16000000xi32, #tpu.memory_space<hbm>> -> memref<800xi32, #tpu.memory_space<hbm>>
        tpu.wait_dma2 semaphore(%arg11 : memref<!tpu.dma_semaphore, #tpu.memory_space<semaphore_mem>>) src(%dma_wait3A_393 : memref<800xi32, #tpu.memory_space<hbm>>) dst(%dma_wait3A_392 : memref<800xi32, #tpu.memory_space<vmem>>)
        %dma_wait3A_394 = arith.constant 5600 : i32
        %dma_wait3A_395 = tpu.memref_slice %arg6[%dma_wait3A_394] : memref<12800xi32, #tpu.memory_space<vmem>> -> memref<800xi32, #tpu.memory_space<vmem>>
        %dma_wait3A_396 = tpu.memref_slice %arg2[%add3A_333] : memref<16000000xi32, #tpu.memory_space<hbm>> -> memref<800xi32, #tpu.memory_space<hbm>>
        %dma_wait3A_397 = arith.constant 5600 : i32
        %dma_wait3A_398 = tpu.memref_slice %arg6[%dma_wait3A_397] : memref<12800xi32, #tpu.memory_space<vmem>> -> memref<800xi32, #tpu.memory_space<vmem>>
        %dma_wait3A_399 = tpu.memref_slice %arg2[%add3A_333] : memref<16000000xi32, #tpu.memory_space<hbm>> -> memref<800xi32, #tpu.memory_space<hbm>>
        tpu.wait_dma2 semaphore(%arg11 : memref<!tpu.dma_semaphore, #tpu.memory_space<semaphore_mem>>) src(%dma_wait3A_399 : memref<800xi32, #tpu.memory_space<hbm>>) dst(%dma_wait3A_398 : memref<800xi32, #tpu.memory_space<vmem>>)
        %dma_wait3A_400 = arith.constant 6400 : i32
        %dma_wait3A_401 = tpu.memref_slice %arg6[%dma_wait3A_400] : memref<12800xi32, #tpu.memory_space<vmem>> -> memref<800xi32, #tpu.memory_space<vmem>>
        %dma_wait3A_402 = tpu.memref_slice %arg2[%add3A_335] : memref<16000000xi32, #tpu.memory_space<hbm>> -> memref<800xi32, #tpu.memory_space<hbm>>
        %dma_wait3A_403 = arith.constant 6400 : i32
        %dma_wait3A_404 = tpu.memref_slice %arg6[%dma_wait3A_403] : memref<12800xi32, #tpu.memory_space<vmem>> -> memref<800xi32, #tpu.memory_space<vmem>>
        %dma_wait3A_405 = tpu.memref_slice %arg2[%add3A_335] : memref<16000000xi32, #tpu.memory_space<hbm>> -> memref<800xi32, #tpu.memory_space<hbm>>
        tpu.wait_dma2 semaphore(%arg11 : memref<!tpu.dma_semaphore, #tpu.memory_space<semaphore_mem>>) src(%dma_wait3A_405 : memref<800xi32, #tpu.memory_space<hbm>>) dst(%dma_wait3A_404 : memref<800xi32, #tpu.memory_space<vmem>>)
        %dma_wait3A_406 = arith.constant 7200 : i32
        %dma_wait3A_407 = tpu.memref_slice %arg6[%dma_wait3A_406] : memref<12800xi32, #tpu.memory_space<vmem>> -> memref<800xi32, #tpu.memory_space<vmem>>
        %dma_wait3A_408 = tpu.memref_slice %arg2[%add3A_337] : memref<16000000xi32, #tpu.memory_space<hbm>> -> memref<800xi32, #tpu.memory_space<hbm>>
        %dma_wait3A_409 = arith.constant 7200 : i32
        %dma_wait3A_410 = tpu.memref_slice %arg6[%dma_wait3A_409] : memref<12800xi32, #tpu.memory_space<vmem>> -> memref<800xi32, #tpu.memory_space<vmem>>
        %dma_wait3A_411 = tpu.memref_slice %arg2[%add3A_337] : memref<16000000xi32, #tpu.memory_space<hbm>> -> memref<800xi32, #tpu.memory_space<hbm>>
        tpu.wait_dma2 semaphore(%arg11 : memref<!tpu.dma_semaphore, #tpu.memory_space<semaphore_mem>>) src(%dma_wait3A_411 : memref<800xi32, #tpu.memory_space<hbm>>) dst(%dma_wait3A_410 : memref<800xi32, #tpu.memory_space<vmem>>)
        %dma_wait3A_412 = arith.constant 8000 : i32
        %dma_wait3A_413 = tpu.memref_slice %arg6[%dma_wait3A_412] : memref<12800xi32, #tpu.memory_space<vmem>> -> memref<800xi32, #tpu.memory_space<vmem>>
        %dma_wait3A_414 = tpu.memref_slice %arg2[%add3A_339] : memref<16000000xi32, #tpu.memory_space<hbm>> -> memref<800xi32, #tpu.memory_space<hbm>>
        %dma_wait3A_415 = arith.constant 8000 : i32
        %dma_wait3A_416 = tpu.memref_slice %arg6[%dma_wait3A_415] : memref<12800xi32, #tpu.memory_space<vmem>> -> memref<800xi32, #tpu.memory_space<vmem>>
        %dma_wait3A_417 = tpu.memref_slice %arg2[%add3A_339] : memref<16000000xi32, #tpu.memory_space<hbm>> -> memref<800xi32, #tpu.memory_space<hbm>>
        tpu.wait_dma2 semaphore(%arg11 : memref<!tpu.dma_semaphore, #tpu.memory_space<semaphore_mem>>) src(%dma_wait3A_417 : memref<800xi32, #tpu.memory_space<hbm>>) dst(%dma_wait3A_416 : memref<800xi32, #tpu.memory_space<vmem>>)
        %dma_wait3A_418 = arith.constant 8800 : i32
        %dma_wait3A_419 = tpu.memref_slice %arg6[%dma_wait3A_418] : memref<12800xi32, #tpu.memory_space<vmem>> -> memref<800xi32, #tpu.memory_space<vmem>>
        %dma_wait3A_420 = tpu.memref_slice %arg2[%add3A_341] : memref<16000000xi32, #tpu.memory_space<hbm>> -> memref<800xi32, #tpu.memory_space<hbm>>
        %dma_wait3A_421 = arith.constant 8800 : i32
        %dma_wait3A_422 = tpu.memref_slice %arg6[%dma_wait3A_421] : memref<12800xi32, #tpu.memory_space<vmem>> -> memref<800xi32, #tpu.memory_space<vmem>>
        %dma_wait3A_423 = tpu.memref_slice %arg2[%add3A_341] : memref<16000000xi32, #tpu.memory_space<hbm>> -> memref<800xi32, #tpu.memory_space<hbm>>
        tpu.wait_dma2 semaphore(%arg11 : memref<!tpu.dma_semaphore, #tpu.memory_space<semaphore_mem>>) src(%dma_wait3A_423 : memref<800xi32, #tpu.memory_space<hbm>>) dst(%dma_wait3A_422 : memref<800xi32, #tpu.memory_space<vmem>>)
        %dma_wait3A_424 = arith.constant 9600 : i32
        %dma_wait3A_425 = tpu.memref_slice %arg6[%dma_wait3A_424] : memref<12800xi32, #tpu.memory_space<vmem>> -> memref<800xi32, #tpu.memory_space<vmem>>
        %dma_wait3A_426 = tpu.memref_slice %arg2[%add3A_343] : memref<16000000xi32, #tpu.memory_space<hbm>> -> memref<800xi32, #tpu.memory_space<hbm>>
        %dma_wait3A_427 = arith.constant 9600 : i32
        %dma_wait3A_428 = tpu.memref_slice %arg6[%dma_wait3A_427] : memref<12800xi32, #tpu.memory_space<vmem>> -> memref<800xi32, #tpu.memory_space<vmem>>
        %dma_wait3A_429 = tpu.memref_slice %arg2[%add3A_343] : memref<16000000xi32, #tpu.memory_space<hbm>> -> memref<800xi32, #tpu.memory_space<hbm>>
        tpu.wait_dma2 semaphore(%arg11 : memref<!tpu.dma_semaphore, #tpu.memory_space<semaphore_mem>>) src(%dma_wait3A_429 : memref<800xi32, #tpu.memory_space<hbm>>) dst(%dma_wait3A_428 : memref<800xi32, #tpu.memory_space<vmem>>)
        %dma_wait3A_430 = arith.constant 10400 : i32
        %dma_wait3A_431 = tpu.memref_slice %arg6[%dma_wait3A_430] : memref<12800xi32, #tpu.memory_space<vmem>> -> memref<800xi32, #tpu.memory_space<vmem>>
        %dma_wait3A_432 = tpu.memref_slice %arg2[%add3A_345] : memref<16000000xi32, #tpu.memory_space<hbm>> -> memref<800xi32, #tpu.memory_space<hbm>>
        %dma_wait3A_433 = arith.constant 10400 : i32
        %dma_wait3A_434 = tpu.memref_slice %arg6[%dma_wait3A_433] : memref<12800xi32, #tpu.memory_space<vmem>> -> memref<800xi32, #tpu.memory_space<vmem>>
        %dma_wait3A_435 = tpu.memref_slice %arg2[%add3A_345] : memref<16000000xi32, #tpu.memory_space<hbm>> -> memref<800xi32, #tpu.memory_space<hbm>>
        tpu.wait_dma2 semaphore(%arg11 : memref<!tpu.dma_semaphore, #tpu.memory_space<semaphore_mem>>) src(%dma_wait3A_435 : memref<800xi32, #tpu.memory_space<hbm>>) dst(%dma_wait3A_434 : memref<800xi32, #tpu.memory_space<vmem>>)
        %dma_wait3A_436 = arith.constant 11200 : i32
        %dma_wait3A_437 = tpu.memref_slice %arg6[%dma_wait3A_436] : memref<12800xi32, #tpu.memory_space<vmem>> -> memref<800xi32, #tpu.memory_space<vmem>>
        %dma_wait3A_438 = tpu.memref_slice %arg2[%add3A_347] : memref<16000000xi32, #tpu.memory_space<hbm>> -> memref<800xi32, #tpu.memory_space<hbm>>
        %dma_wait3A_439 = arith.constant 11200 : i32
        %dma_wait3A_440 = tpu.memref_slice %arg6[%dma_wait3A_439] : memref<12800xi32, #tpu.memory_space<vmem>> -> memref<800xi32, #tpu.memory_space<vmem>>
        %dma_wait3A_441 = tpu.memref_slice %arg2[%add3A_347] : memref<16000000xi32, #tpu.memory_space<hbm>> -> memref<800xi32, #tpu.memory_space<hbm>>
        tpu.wait_dma2 semaphore(%arg11 : memref<!tpu.dma_semaphore, #tpu.memory_space<semaphore_mem>>) src(%dma_wait3A_441 : memref<800xi32, #tpu.memory_space<hbm>>) dst(%dma_wait3A_440 : memref<800xi32, #tpu.memory_space<vmem>>)
        %dma_wait3A_442 = arith.constant 12000 : i32
        %dma_wait3A_443 = tpu.memref_slice %arg6[%dma_wait3A_442] : memref<12800xi32, #tpu.memory_space<vmem>> -> memref<800xi32, #tpu.memory_space<vmem>>
        %dma_wait3A_444 = tpu.memref_slice %arg2[%add3A_349] : memref<16000000xi32, #tpu.memory_space<hbm>> -> memref<800xi32, #tpu.memory_space<hbm>>
        %dma_wait3A_445 = arith.constant 12000 : i32
        %dma_wait3A_446 = tpu.memref_slice %arg6[%dma_wait3A_445] : memref<12800xi32, #tpu.memory_space<vmem>> -> memref<800xi32, #tpu.memory_space<vmem>>
        %dma_wait3A_447 = tpu.memref_slice %arg2[%add3A_349] : memref<16000000xi32, #tpu.memory_space<hbm>> -> memref<800xi32, #tpu.memory_space<hbm>>
        tpu.wait_dma2 semaphore(%arg11 : memref<!tpu.dma_semaphore, #tpu.memory_space<semaphore_mem>>) src(%dma_wait3A_447 : memref<800xi32, #tpu.memory_space<hbm>>) dst(%dma_wait3A_446 : memref<800xi32, #tpu.memory_space<vmem>>)
        %dma_wait3A_448 = tpu.memref_slice %arg3[%mul3A_351] : memref<1000000xi32, #tpu.memory_space<hbm>> -> memref<800xi32, #tpu.memory_space<hbm>>
        %dma_wait3A_449 = tpu.memref_slice %arg3[%mul3A_351] : memref<1000000xi32, #tpu.memory_space<hbm>> -> memref<800xi32, #tpu.memory_space<hbm>>
        tpu.wait_dma2 semaphore(%arg11 : memref<!tpu.dma_semaphore, #tpu.memory_space<semaphore_mem>>) src(%dma_wait3A_449 : memref<800xi32, #tpu.memory_space<hbm>>) dst(%arg8 : memref<800xi32, #tpu.memory_space<vmem>>)
        %scan3A_450 = arith.constant 0 : i32
        %scan3A_451 = arith.constant 0 : i32
        %scan3A_452 = arith.constant 800 : i32
        %scan3A_453 = arith.addi %scan3A_451, %scan3A_452 : i32
        %scan3A_454 = arith.constant 16 : i32
        scf.for %scan3A_462 = %scan3A_451 to %scan3A_453 step %scan3A_454  : i32 {
          %mul3A_463 = arith.constant 16 : i32
          %mul3A_464 = arith.muli %scan3A_462, %mul3A_463 : i32
          %get3A = arith.index_cast %mul3A_464 : i32 to index
          %get3A_465 = tpu.vector_load %arg6[%get3A] {strides = array<i32>} : memref<12800xi32, #tpu.memory_space<vmem>>, vector<16xi32>,
          %add3A_466 = arith.addi %get3A_465, %iota3A : vector<16xi32>
          tpu.vector_store_idx %arg9[%add3A_466], %broadcast_in_dim3A_10 {add = true} : memref<102912xi32, #tpu.memory_space<vmem>>[vector<16xi32>], vector<16xi32>,
          %scan3A_467 = arith.constant 1 : i32
          %scan3A_468 = arith.addi %scan3A_462, %scan3A_467 : i32
          %mul3A_469 = arith.constant 16 : i32
          %mul3A_470 = arith.muli %scan3A_468, %mul3A_469 : i32
          %get3A_471 = arith.index_cast %mul3A_470 : i32 to index
          %get3A_472 = tpu.vector_load %arg6[%get3A_471] {strides = array<i32>} : memref<12800xi32, #tpu.memory_space<vmem>>, vector<16xi32>,
          %add3A_473 = arith.addi %get3A_472, %iota3A : vector<16xi32>
          tpu.vector_store_idx %arg9[%add3A_473], %broadcast_in_dim3A_10 {add = true} : memref<102912xi32, #tpu.memory_space<vmem>>[vector<16xi32>], vector<16xi32>,
          %scan3A_474 = arith.constant 2 : i32
          %scan3A_475 = arith.addi %scan3A_462, %scan3A_474 : i32
          %mul3A_476 = arith.constant 16 : i32
          %mul3A_477 = arith.muli %scan3A_475, %mul3A_476 : i32
          %get3A_478 = arith.index_cast %mul3A_477 : i32 to index
          %get3A_479 = tpu.vector_load %arg6[%get3A_478] {strides = array<i32>} : memref<12800xi32, #tpu.memory_space<vmem>>, vector<16xi32>,
          %add3A_480 = arith.addi %get3A_479, %iota3A : vector<16xi32>
          tpu.vector_store_idx %arg9[%add3A_480], %broadcast_in_dim3A_10 {add = true} : memref<102912xi32, #tpu.memory_space<vmem>>[vector<16xi32>], vector<16xi32>,
          %scan3A_481 = arith.constant 3 : i32
          %scan3A_482 = arith.addi %scan3A_462, %scan3A_481 : i32
          %mul3A_483 = arith.constant 16 : i32
          %mul3A_484 = arith.muli %scan3A_482, %mul3A_483 : i32
          %get3A_485 = arith.index_cast %mul3A_484 : i32 to index
          %get3A_486 = tpu.vector_load %arg6[%get3A_485] {strides = array<i32>} : memref<12800xi32, #tpu.memory_space<vmem>>, vector<16xi32>,
          %add3A_487 = arith.addi %get3A_486, %iota3A : vector<16xi32>
          tpu.vector_store_idx %arg9[%add3A_487], %broadcast_in_dim3A_10 {add = true} : memref<102912xi32, #tpu.memory_space<vmem>>[vector<16xi32>], vector<16xi32>,
          %scan3A_488 = arith.constant 4 : i32
          %scan3A_489 = arith.addi %scan3A_462, %scan3A_488 : i32
          %mul3A_490 = arith.constant 16 : i32
          %mul3A_491 = arith.muli %scan3A_489, %mul3A_490 : i32
          %get3A_492 = arith.index_cast %mul3A_491 : i32 to index
          %get3A_493 = tpu.vector_load %arg6[%get3A_492] {strides = array<i32>} : memref<12800xi32, #tpu.memory_space<vmem>>, vector<16xi32>,
          %add3A_494 = arith.addi %get3A_493, %iota3A : vector<16xi32>
          tpu.vector_store_idx %arg9[%add3A_494], %broadcast_in_dim3A_10 {add = true} : memref<102912xi32, #tpu.memory_space<vmem>>[vector<16xi32>], vector<16xi32>,
          %scan3A_495 = arith.constant 5 : i32
          %scan3A_496 = arith.addi %scan3A_462, %scan3A_495 : i32
          %mul3A_497 = arith.constant 16 : i32
          %mul3A_498 = arith.muli %scan3A_496, %mul3A_497 : i32
          %get3A_499 = arith.index_cast %mul3A_498 : i32 to index
          %get3A_500 = tpu.vector_load %arg6[%get3A_499] {strides = array<i32>} : memref<12800xi32, #tpu.memory_space<vmem>>, vector<16xi32>,
          %add3A_501 = arith.addi %get3A_500, %iota3A : vector<16xi32>
          tpu.vector_store_idx %arg9[%add3A_501], %broadcast_in_dim3A_10 {add = true} : memref<102912xi32, #tpu.memory_space<vmem>>[vector<16xi32>], vector<16xi32>,
          %scan3A_502 = arith.constant 6 : i32
          %scan3A_503 = arith.addi %scan3A_462, %scan3A_502 : i32
          %mul3A_504 = arith.constant 16 : i32
          %mul3A_505 = arith.muli %scan3A_503, %mul3A_504 : i32
          %get3A_506 = arith.index_cast %mul3A_505 : i32 to index
          %get3A_507 = tpu.vector_load %arg6[%get3A_506] {strides = array<i32>} : memref<12800xi32, #tpu.memory_space<vmem>>, vector<16xi32>,
          %add3A_508 = arith.addi %get3A_507, %iota3A : vector<16xi32>
          tpu.vector_store_idx %arg9[%add3A_508], %broadcast_in_dim3A_10 {add = true} : memref<102912xi32, #tpu.memory_space<vmem>>[vector<16xi32>], vector<16xi32>,
          %scan3A_509 = arith.constant 7 : i32
          %scan3A_510 = arith.addi %scan3A_462, %scan3A_509 : i32
          %mul3A_511 = arith.constant 16 : i32
          %mul3A_512 = arith.muli %scan3A_510, %mul3A_511 : i32
          %get3A_513 = arith.index_cast %mul3A_512 : i32 to index
          %get3A_514 = tpu.vector_load %arg6[%get3A_513] {strides = array<i32>} : memref<12800xi32, #tpu.memory_space<vmem>>, vector<16xi32>,
          %add3A_515 = arith.addi %get3A_514, %iota3A : vector<16xi32>
          tpu.vector_store_idx %arg9[%add3A_515], %broadcast_in_dim3A_10 {add = true} : memref<102912xi32, #tpu.memory_space<vmem>>[vector<16xi32>], vector<16xi32>,
          %scan3A_516 = arith.constant 8 : i32
          %scan3A_517 = arith.addi %scan3A_462, %scan3A_516 : i32
          %mul3A_518 = arith.constant 16 : i32
          %mul3A_519 = arith.muli %scan3A_517, %mul3A_518 : i32
          %get3A_520 = arith.index_cast %mul3A_519 : i32 to index
          %get3A_521 = tpu.vector_load %arg6[%get3A_520] {strides = array<i32>} : memref<12800xi32, #tpu.memory_space<vmem>>, vector<16xi32>,
          %add3A_522 = arith.addi %get3A_521, %iota3A : vector<16xi32>
          tpu.vector_store_idx %arg9[%add3A_522], %broadcast_in_dim3A_10 {add = true} : memref<102912xi32, #tpu.memory_space<vmem>>[vector<16xi32>], vector<16xi32>,
          %scan3A_523 = arith.constant 9 : i32
          %scan3A_524 = arith.addi %scan3A_462, %scan3A_523 : i32
          %mul3A_525 = arith.constant 16 : i32
          %mul3A_526 = arith.muli %scan3A_524, %mul3A_525 : i32
          %get3A_527 = arith.index_cast %mul3A_526 : i32 to index
          %get3A_528 = tpu.vector_load %arg6[%get3A_527] {strides = array<i32>} : memref<12800xi32, #tpu.memory_space<vmem>>, vector<16xi32>,
          %add3A_529 = arith.addi %get3A_528, %iota3A : vector<16xi32>
          tpu.vector_store_idx %arg9[%add3A_529], %broadcast_in_dim3A_10 {add = true} : memref<102912xi32, #tpu.memory_space<vmem>>[vector<16xi32>], vector<16xi32>,
          %scan3A_530 = arith.constant 10 : i32
          %scan3A_531 = arith.addi %scan3A_462, %scan3A_530 : i32
          %mul3A_532 = arith.constant 16 : i32
          %mul3A_533 = arith.muli %scan3A_531, %mul3A_532 : i32
          %get3A_534 = arith.index_cast %mul3A_533 : i32 to index
          %get3A_535 = tpu.vector_load %arg6[%get3A_534] {strides = array<i32>} : memref<12800xi32, #tpu.memory_space<vmem>>, vector<16xi32>,
          %add3A_536 = arith.addi %get3A_535, %iota3A : vector<16xi32>
          tpu.vector_store_idx %arg9[%add3A_536], %broadcast_in_dim3A_10 {add = true} : memref<102912xi32, #tpu.memory_space<vmem>>[vector<16xi32>], vector<16xi32>,
          %scan3A_537 = arith.constant 11 : i32
          %scan3A_538 = arith.addi %scan3A_462, %scan3A_537 : i32
          %mul3A_539 = arith.constant 16 : i32
          %mul3A_540 = arith.muli %scan3A_538, %mul3A_539 : i32
          %get3A_541 = arith.index_cast %mul3A_540 : i32 to index
          %get3A_542 = tpu.vector_load %arg6[%get3A_541] {strides = array<i32>} : memref<12800xi32, #tpu.memory_space<vmem>>, vector<16xi32>,
          %add3A_543 = arith.addi %get3A_542, %iota3A : vector<16xi32>
          tpu.vector_store_idx %arg9[%add3A_543], %broadcast_in_dim3A_10 {add = true} : memref<102912xi32, #tpu.memory_space<vmem>>[vector<16xi32>], vector<16xi32>,
          %scan3A_544 = arith.constant 12 : i32
          %scan3A_545 = arith.addi %scan3A_462, %scan3A_544 : i32
          %mul3A_546 = arith.constant 16 : i32
          %mul3A_547 = arith.muli %scan3A_545, %mul3A_546 : i32
          %get3A_548 = arith.index_cast %mul3A_547 : i32 to index
          %get3A_549 = tpu.vector_load %arg6[%get3A_548] {strides = array<i32>} : memref<12800xi32, #tpu.memory_space<vmem>>, vector<16xi32>,
          %add3A_550 = arith.addi %get3A_549, %iota3A : vector<16xi32>
          tpu.vector_store_idx %arg9[%add3A_550], %broadcast_in_dim3A_10 {add = true} : memref<102912xi32, #tpu.memory_space<vmem>>[vector<16xi32>], vector<16xi32>,
          %scan3A_551 = arith.constant 13 : i32
          %scan3A_552 = arith.addi %scan3A_462, %scan3A_551 : i32
          %mul3A_553 = arith.constant 16 : i32
          %mul3A_554 = arith.muli %scan3A_552, %mul3A_553 : i32
          %get3A_555 = arith.index_cast %mul3A_554 : i32 to index
          %get3A_556 = tpu.vector_load %arg6[%get3A_555] {strides = array<i32>} : memref<12800xi32, #tpu.memory_space<vmem>>, vector<16xi32>,
          %add3A_557 = arith.addi %get3A_556, %iota3A : vector<16xi32>
          tpu.vector_store_idx %arg9[%add3A_557], %broadcast_in_dim3A_10 {add = true} : memref<102912xi32, #tpu.memory_space<vmem>>[vector<16xi32>], vector<16xi32>,
          %scan3A_558 = arith.constant 14 : i32
          %scan3A_559 = arith.addi %scan3A_462, %scan3A_558 : i32
          %mul3A_560 = arith.constant 16 : i32
          %mul3A_561 = arith.muli %scan3A_559, %mul3A_560 : i32
          %get3A_562 = arith.index_cast %mul3A_561 : i32 to index
          %get3A_563 = tpu.vector_load %arg6[%get3A_562] {strides = array<i32>} : memref<12800xi32, #tpu.memory_space<vmem>>, vector<16xi32>,
          %add3A_564 = arith.addi %get3A_563, %iota3A : vector<16xi32>
          tpu.vector_store_idx %arg9[%add3A_564], %broadcast_in_dim3A_10 {add = true} : memref<102912xi32, #tpu.memory_space<vmem>>[vector<16xi32>], vector<16xi32>,
          %scan3A_565 = arith.constant 15 : i32
          %scan3A_566 = arith.addi %scan3A_462, %scan3A_565 : i32
          %mul3A_567 = arith.constant 16 : i32
          %mul3A_568 = arith.muli %scan3A_566, %mul3A_567 : i32
          %get3A_569 = arith.index_cast %mul3A_568 : i32 to index
          %get3A_570 = tpu.vector_load %arg6[%get3A_569] {strides = array<i32>} : memref<12800xi32, #tpu.memory_space<vmem>>, vector<16xi32>,
          %add3A_571 = arith.addi %get3A_570, %iota3A : vector<16xi32>
          tpu.vector_store_idx %arg9[%add3A_571], %broadcast_in_dim3A_10 {add = true} : memref<102912xi32, #tpu.memory_space<vmem>>[vector<16xi32>], vector<16xi32>,
        }
        %scan3A_455 = arith.constant 800 : i32
        %scan3A_456 = arith.constant 0 : i32
        %scan3A_457 = arith.constant 0 : i32
        %scan3A_458 = arith.constant 50 : i32
        %scan3A_459 = arith.addi %scan3A_457, %scan3A_458 : i32
        %scan3A_460 = arith.constant 10 : i32
        scf.for %scan3A_462 = %scan3A_457 to %scan3A_459 step %scan3A_460  : i32 {
          %mul3A_463 = arith.constant 16 : i32
          %mul3A_464 = arith.muli %scan3A_462, %mul3A_463 : i32
          %get3A = arith.index_cast %mul3A_464 : i32 to index
          %get3A_465 = tpu.vector_load %arg8[%get3A] {strides = array<i32>} : memref<800xi32, #tpu.memory_space<vmem>>, vector<16xi32>,
          %add3A_466 = arith.addi %get3A_465, %iota3A : vector<16xi32>
          tpu.vector_store_idx %arg9[%add3A_466], %broadcast_in_dim3A_10 {add = true} : memref<102912xi32, #tpu.memory_space<vmem>>[vector<16xi32>], vector<16xi32>,
          %scan3A_467 = arith.constant 1 : i32
          %scan3A_468 = arith.addi %scan3A_462, %scan3A_467 : i32
          %mul3A_469 = arith.constant 16 : i32
          %mul3A_470 = arith.muli %scan3A_468, %mul3A_469 : i32
          %get3A_471 = arith.index_cast %mul3A_470 : i32 to index
          %get3A_472 = tpu.vector_load %arg8[%get3A_471] {strides = array<i32>} : memref<800xi32, #tpu.memory_space<vmem>>, vector<16xi32>,
          %add3A_473 = arith.addi %get3A_472, %iota3A : vector<16xi32>
          tpu.vector_store_idx %arg9[%add3A_473], %broadcast_in_dim3A_10 {add = true} : memref<102912xi32, #tpu.memory_space<vmem>>[vector<16xi32>], vector<16xi32>,
          %scan3A_474 = arith.constant 2 : i32
          %scan3A_475 = arith.addi %scan3A_462, %scan3A_474 : i32
          %mul3A_476 = arith.constant 16 : i32
          %mul3A_477 = arith.muli %scan3A_475, %mul3A_476 : i32
          %get3A_478 = arith.index_cast %mul3A_477 : i32 to index
          %get3A_479 = tpu.vector_load %arg8[%get3A_478] {strides = array<i32>} : memref<800xi32, #tpu.memory_space<vmem>>, vector<16xi32>,
          %add3A_480 = arith.addi %get3A_479, %iota3A : vector<16xi32>
          tpu.vector_store_idx %arg9[%add3A_480], %broadcast_in_dim3A_10 {add = true} : memref<102912xi32, #tpu.memory_space<vmem>>[vector<16xi32>], vector<16xi32>,
          %scan3A_481 = arith.constant 3 : i32
          %scan3A_482 = arith.addi %scan3A_462, %scan3A_481 : i32
          %mul3A_483 = arith.constant 16 : i32
          %mul3A_484 = arith.muli %scan3A_482, %mul3A_483 : i32
          %get3A_485 = arith.index_cast %mul3A_484 : i32 to index
          %get3A_486 = tpu.vector_load %arg8[%get3A_485] {strides = array<i32>} : memref<800xi32, #tpu.memory_space<vmem>>, vector<16xi32>,
          %add3A_487 = arith.addi %get3A_486, %iota3A : vector<16xi32>
          tpu.vector_store_idx %arg9[%add3A_487], %broadcast_in_dim3A_10 {add = true} : memref<102912xi32, #tpu.memory_space<vmem>>[vector<16xi32>], vector<16xi32>,
          %scan3A_488 = arith.constant 4 : i32
          %scan3A_489 = arith.addi %scan3A_462, %scan3A_488 : i32
          %mul3A_490 = arith.constant 16 : i32
          %mul3A_491 = arith.muli %scan3A_489, %mul3A_490 : i32
          %get3A_492 = arith.index_cast %mul3A_491 : i32 to index
          %get3A_493 = tpu.vector_load %arg8[%get3A_492] {strides = array<i32>} : memref<800xi32, #tpu.memory_space<vmem>>, vector<16xi32>,
          %add3A_494 = arith.addi %get3A_493, %iota3A : vector<16xi32>
          tpu.vector_store_idx %arg9[%add3A_494], %broadcast_in_dim3A_10 {add = true} : memref<102912xi32, #tpu.memory_space<vmem>>[vector<16xi32>], vector<16xi32>,
          %scan3A_495 = arith.constant 5 : i32
          %scan3A_496 = arith.addi %scan3A_462, %scan3A_495 : i32
          %mul3A_497 = arith.constant 16 : i32
          %mul3A_498 = arith.muli %scan3A_496, %mul3A_497 : i32
          %get3A_499 = arith.index_cast %mul3A_498 : i32 to index
          %get3A_500 = tpu.vector_load %arg8[%get3A_499] {strides = array<i32>} : memref<800xi32, #tpu.memory_space<vmem>>, vector<16xi32>,
          %add3A_501 = arith.addi %get3A_500, %iota3A : vector<16xi32>
          tpu.vector_store_idx %arg9[%add3A_501], %broadcast_in_dim3A_10 {add = true} : memref<102912xi32, #tpu.memory_space<vmem>>[vector<16xi32>], vector<16xi32>,
          %scan3A_502 = arith.constant 6 : i32
          %scan3A_503 = arith.addi %scan3A_462, %scan3A_502 : i32
          %mul3A_504 = arith.constant 16 : i32
          %mul3A_505 = arith.muli %scan3A_503, %mul3A_504 : i32
          %get3A_506 = arith.index_cast %mul3A_505 : i32 to index
          %get3A_507 = tpu.vector_load %arg8[%get3A_506] {strides = array<i32>} : memref<800xi32, #tpu.memory_space<vmem>>, vector<16xi32>,
          %add3A_508 = arith.addi %get3A_507, %iota3A : vector<16xi32>
          tpu.vector_store_idx %arg9[%add3A_508], %broadcast_in_dim3A_10 {add = true} : memref<102912xi32, #tpu.memory_space<vmem>>[vector<16xi32>], vector<16xi32>,
          %scan3A_509 = arith.constant 7 : i32
          %scan3A_510 = arith.addi %scan3A_462, %scan3A_509 : i32
          %mul3A_511 = arith.constant 16 : i32
          %mul3A_512 = arith.muli %scan3A_510, %mul3A_511 : i32
          %get3A_513 = arith.index_cast %mul3A_512 : i32 to index
          %get3A_514 = tpu.vector_load %arg8[%get3A_513] {strides = array<i32>} : memref<800xi32, #tpu.memory_space<vmem>>, vector<16xi32>,
          %add3A_515 = arith.addi %get3A_514, %iota3A : vector<16xi32>
          tpu.vector_store_idx %arg9[%add3A_515], %broadcast_in_dim3A_10 {add = true} : memref<102912xi32, #tpu.memory_space<vmem>>[vector<16xi32>], vector<16xi32>,
          %scan3A_516 = arith.constant 8 : i32
          %scan3A_517 = arith.addi %scan3A_462, %scan3A_516 : i32
          %mul3A_518 = arith.constant 16 : i32
          %mul3A_519 = arith.muli %scan3A_517, %mul3A_518 : i32
          %get3A_520 = arith.index_cast %mul3A_519 : i32 to index
          %get3A_521 = tpu.vector_load %arg8[%get3A_520] {strides = array<i32>} : memref<800xi32, #tpu.memory_space<vmem>>, vector<16xi32>,
          %add3A_522 = arith.addi %get3A_521, %iota3A : vector<16xi32>
          tpu.vector_store_idx %arg9[%add3A_522], %broadcast_in_dim3A_10 {add = true} : memref<102912xi32, #tpu.memory_space<vmem>>[vector<16xi32>], vector<16xi32>,
          %scan3A_523 = arith.constant 9 : i32
          %scan3A_524 = arith.addi %scan3A_462, %scan3A_523 : i32
          %mul3A_525 = arith.constant 16 : i32
          %mul3A_526 = arith.muli %scan3A_524, %mul3A_525 : i32
          %get3A_527 = arith.index_cast %mul3A_526 : i32 to index
          %get3A_528 = tpu.vector_load %arg8[%get3A_527] {strides = array<i32>} : memref<800xi32, #tpu.memory_space<vmem>>, vector<16xi32>,
          %add3A_529 = arith.addi %get3A_528, %iota3A : vector<16xi32>
          tpu.vector_store_idx %arg9[%add3A_529], %broadcast_in_dim3A_10 {add = true} : memref<102912xi32, #tpu.memory_space<vmem>>[vector<16xi32>], vector<16xi32>,
        }
        %scan3A_461 = arith.constant 50 : i32
      } else {
      }
    }
    %mul3A_42 = arith.constant 16 : i32
    %mul3A_43 = vector.broadcast %mul3A_42 : i32 to vector<16xi32>
    %mul3A_44 = arith.muli %iota3A, %mul3A_43 : vector<16xi32>
    %scan3A_45 = arith.constant 0 : i32
    %scan3A_46 = arith.constant 0 : i32
    %scan3A_47 = arith.constant 402 : i32
    %scan3A_48 = arith.addi %scan3A_46, %scan3A_47 : i32
    %scan3A_49 = arith.constant 2 : i32
    scf.for %scan3A_53 = %scan3A_46 to %scan3A_48 step %scan3A_49  : i32 {
      %mul3A_54 = arith.constant 256 : i32
      %mul3A_55 = arith.muli %scan3A_53, %mul3A_54 : i32
      %add3A_56 = vector.broadcast %mul3A_55 : i32 to vector<16xi32>
      %add3A_57 = arith.addi %mul3A_44, %add3A_56 : vector<16xi32>
      %gather3A = tpu.vector_load_idx %arg9[%add3A_57] : memref<102912xi32, #tpu.memory_space<vmem>>[vector<16xi32>], vector<16xi32>,
      %mul3A_58 = arith.constant 256 : i32
      %mul3A_59 = arith.muli %scan3A_53, %mul3A_58 : i32
      %add3A_60 = arith.constant 1 : i32
      %add3A_61 = arith.addi %mul3A_59, %add3A_60 : i32
      %add3A_62 = vector.broadcast %add3A_61 : i32 to vector<16xi32>
      %add3A_63 = arith.addi %mul3A_44, %add3A_62 : vector<16xi32>
      %gather3A_64 = tpu.vector_load_idx %arg9[%add3A_63] : memref<102912xi32, #tpu.memory_space<vmem>>[vector<16xi32>], vector<16xi32>,
      %add3A_65 = arith.addi %gather3A, %gather3A_64 : vector<16xi32>
      %mul3A_66 = arith.constant 256 : i32
      %mul3A_67 = arith.muli %scan3A_53, %mul3A_66 : i32
      %add3A_68 = arith.constant 2 : i32
      %add3A_69 = arith.addi %mul3A_67, %add3A_68 : i32
      %add3A_70 = vector.broadcast %add3A_69 : i32 to vector<16xi32>
      %add3A_71 = arith.addi %mul3A_44, %add3A_70 : vector<16xi32>
      %gather3A_72 = tpu.vector_load_idx %arg9[%add3A_71] : memref<102912xi32, #tpu.memory_space<vmem>>[vector<16xi32>], vector<16xi32>,
      %add3A_73 = arith.addi %add3A_65, %gather3A_72 : vector<16xi32>
      %mul3A_74 = arith.constant 256 : i32
      %mul3A_75 = arith.muli %scan3A_53, %mul3A_74 : i32
      %add3A_76 = arith.constant 3 : i32
      %add3A_77 = arith.addi %mul3A_75, %add3A_76 : i32
      %add3A_78 = vector.broadcast %add3A_77 : i32 to vector<16xi32>
      %add3A_79 = arith.addi %mul3A_44, %add3A_78 : vector<16xi32>
      %gather3A_80 = tpu.vector_load_idx %arg9[%add3A_79] : memref<102912xi32, #tpu.memory_space<vmem>>[vector<16xi32>], vector<16xi32>,
      %add3A_81 = arith.addi %add3A_73, %gather3A_80 : vector<16xi32>
      %mul3A_82 = arith.constant 256 : i32
      %mul3A_83 = arith.muli %scan3A_53, %mul3A_82 : i32
      %add3A_84 = arith.constant 4 : i32
      %add3A_85 = arith.addi %mul3A_83, %add3A_84 : i32
      %add3A_86 = vector.broadcast %add3A_85 : i32 to vector<16xi32>
      %add3A_87 = arith.addi %mul3A_44, %add3A_86 : vector<16xi32>
      %gather3A_88 = tpu.vector_load_idx %arg9[%add3A_87] : memref<102912xi32, #tpu.memory_space<vmem>>[vector<16xi32>], vector<16xi32>,
      %add3A_89 = arith.addi %add3A_81, %gather3A_88 : vector<16xi32>
      %mul3A_90 = arith.constant 256 : i32
      %mul3A_91 = arith.muli %scan3A_53, %mul3A_90 : i32
      %add3A_92 = arith.constant 5 : i32
      %add3A_93 = arith.addi %mul3A_91, %add3A_92 : i32
      %add3A_94 = vector.broadcast %add3A_93 : i32 to vector<16xi32>
      %add3A_95 = arith.addi %mul3A_44, %add3A_94 : vector<16xi32>
      %gather3A_96 = tpu.vector_load_idx %arg9[%add3A_95] : memref<102912xi32, #tpu.memory_space<vmem>>[vector<16xi32>], vector<16xi32>,
      %add3A_97 = arith.addi %add3A_89, %gather3A_96 : vector<16xi32>
      %mul3A_98 = arith.constant 256 : i32
      %mul3A_99 = arith.muli %scan3A_53, %mul3A_98 : i32
      %add3A_100 = arith.constant 6 : i32
      %add3A_101 = arith.addi %mul3A_99, %add3A_100 : i32
      %add3A_102 = vector.broadcast %add3A_101 : i32 to vector<16xi32>
      %add3A_103 = arith.addi %mul3A_44, %add3A_102 : vector<16xi32>
      %gather3A_104 = tpu.vector_load_idx %arg9[%add3A_103] : memref<102912xi32, #tpu.memory_space<vmem>>[vector<16xi32>], vector<16xi32>,
      %add3A_105 = arith.addi %add3A_97, %gather3A_104 : vector<16xi32>
      %mul3A_106 = arith.constant 256 : i32
      %mul3A_107 = arith.muli %scan3A_53, %mul3A_106 : i32
      %add3A_108 = arith.constant 7 : i32
      %add3A_109 = arith.addi %mul3A_107, %add3A_108 : i32
      %add3A_110 = vector.broadcast %add3A_109 : i32 to vector<16xi32>
      %add3A_111 = arith.addi %mul3A_44, %add3A_110 : vector<16xi32>
      %gather3A_112 = tpu.vector_load_idx %arg9[%add3A_111] : memref<102912xi32, #tpu.memory_space<vmem>>[vector<16xi32>], vector<16xi32>,
      %add3A_113 = arith.addi %add3A_105, %gather3A_112 : vector<16xi32>
      %mul3A_114 = arith.constant 256 : i32
      %mul3A_115 = arith.muli %scan3A_53, %mul3A_114 : i32
      %add3A_116 = arith.constant 8 : i32
      %add3A_117 = arith.addi %mul3A_115, %add3A_116 : i32
      %add3A_118 = vector.broadcast %add3A_117 : i32 to vector<16xi32>
      %add3A_119 = arith.addi %mul3A_44, %add3A_118 : vector<16xi32>
      %gather3A_120 = tpu.vector_load_idx %arg9[%add3A_119] : memref<102912xi32, #tpu.memory_space<vmem>>[vector<16xi32>], vector<16xi32>,
      %add3A_121 = arith.addi %add3A_113, %gather3A_120 : vector<16xi32>
      %mul3A_122 = arith.constant 256 : i32
      %mul3A_123 = arith.muli %scan3A_53, %mul3A_122 : i32
      %add3A_124 = arith.constant 9 : i32
      %add3A_125 = arith.addi %mul3A_123, %add3A_124 : i32
      %add3A_126 = vector.broadcast %add3A_125 : i32 to vector<16xi32>
      %add3A_127 = arith.addi %mul3A_44, %add3A_126 : vector<16xi32>
      %gather3A_128 = tpu.vector_load_idx %arg9[%add3A_127] : memref<102912xi32, #tpu.memory_space<vmem>>[vector<16xi32>], vector<16xi32>,
      %add3A_129 = arith.addi %add3A_121, %gather3A_128 : vector<16xi32>
      %mul3A_130 = arith.constant 256 : i32
      %mul3A_131 = arith.muli %scan3A_53, %mul3A_130 : i32
      %add3A_132 = arith.constant 10 : i32
      %add3A_133 = arith.addi %mul3A_131, %add3A_132 : i32
      %add3A_134 = vector.broadcast %add3A_133 : i32 to vector<16xi32>
      %add3A_135 = arith.addi %mul3A_44, %add3A_134 : vector<16xi32>
      %gather3A_136 = tpu.vector_load_idx %arg9[%add3A_135] : memref<102912xi32, #tpu.memory_space<vmem>>[vector<16xi32>], vector<16xi32>,
      %add3A_137 = arith.addi %add3A_129, %gather3A_136 : vector<16xi32>
      %mul3A_138 = arith.constant 256 : i32
      %mul3A_139 = arith.muli %scan3A_53, %mul3A_138 : i32
      %add3A_140 = arith.constant 11 : i32
      %add3A_141 = arith.addi %mul3A_139, %add3A_140 : i32
      %add3A_142 = vector.broadcast %add3A_141 : i32 to vector<16xi32>
      %add3A_143 = arith.addi %mul3A_44, %add3A_142 : vector<16xi32>
      %gather3A_144 = tpu.vector_load_idx %arg9[%add3A_143] : memref<102912xi32, #tpu.memory_space<vmem>>[vector<16xi32>], vector<16xi32>,
      %add3A_145 = arith.addi %add3A_137, %gather3A_144 : vector<16xi32>
      %mul3A_146 = arith.constant 256 : i32
      %mul3A_147 = arith.muli %scan3A_53, %mul3A_146 : i32
      %add3A_148 = arith.constant 12 : i32
      %add3A_149 = arith.addi %mul3A_147, %add3A_148 : i32
      %add3A_150 = vector.broadcast %add3A_149 : i32 to vector<16xi32>
      %add3A_151 = arith.addi %mul3A_44, %add3A_150 : vector<16xi32>
      %gather3A_152 = tpu.vector_load_idx %arg9[%add3A_151] : memref<102912xi32, #tpu.memory_space<vmem>>[vector<16xi32>], vector<16xi32>,
      %add3A_153 = arith.addi %add3A_145, %gather3A_152 : vector<16xi32>
      %mul3A_154 = arith.constant 256 : i32
      %mul3A_155 = arith.muli %scan3A_53, %mul3A_154 : i32
      %add3A_156 = arith.constant 13 : i32
      %add3A_157 = arith.addi %mul3A_155, %add3A_156 : i32
      %add3A_158 = vector.broadcast %add3A_157 : i32 to vector<16xi32>
      %add3A_159 = arith.addi %mul3A_44, %add3A_158 : vector<16xi32>
      %gather3A_160 = tpu.vector_load_idx %arg9[%add3A_159] : memref<102912xi32, #tpu.memory_space<vmem>>[vector<16xi32>], vector<16xi32>,
      %add3A_161 = arith.addi %add3A_153, %gather3A_160 : vector<16xi32>
      %mul3A_162 = arith.constant 256 : i32
      %mul3A_163 = arith.muli %scan3A_53, %mul3A_162 : i32
      %add3A_164 = arith.constant 14 : i32
      %add3A_165 = arith.addi %mul3A_163, %add3A_164 : i32
      %add3A_166 = vector.broadcast %add3A_165 : i32 to vector<16xi32>
      %add3A_167 = arith.addi %mul3A_44, %add3A_166 : vector<16xi32>
      %gather3A_168 = tpu.vector_load_idx %arg9[%add3A_167] : memref<102912xi32, #tpu.memory_space<vmem>>[vector<16xi32>], vector<16xi32>,
      %add3A_169 = arith.addi %add3A_161, %gather3A_168 : vector<16xi32>
      %mul3A_170 = arith.constant 256 : i32
      %mul3A_171 = arith.muli %scan3A_53, %mul3A_170 : i32
      %add3A_172 = arith.constant 15 : i32
      %add3A_173 = arith.addi %mul3A_171, %add3A_172 : i32
      %add3A_174 = vector.broadcast %add3A_173 : i32 to vector<16xi32>
      %add3A_175 = arith.addi %mul3A_44, %add3A_174 : vector<16xi32>
      %gather3A_176 = tpu.vector_load_idx %arg9[%add3A_175] : memref<102912xi32, #tpu.memory_space<vmem>>[vector<16xi32>], vector<16xi32>,
      %add3A_177 = arith.addi %add3A_169, %gather3A_176 : vector<16xi32>
      %mul3A_178 = arith.constant 16 : i32
      %mul3A_179 = arith.muli %scan3A_53, %mul3A_178 : i32
      %swap3A = arith.index_cast %mul3A_179 : i32 to index
      %swap3A_180 = tpu.vector_load %arg5[%swap3A] {strides = array<i32>} : memref<12800xi32, #tpu.memory_space<vmem>>, vector<16xi32>,
      tpu.vector_store %arg5[%swap3A], %add3A_177 {strides = array<i32>} : memref<12800xi32, #tpu.memory_space<vmem>>, vector<16xi32>,
      %scan3A_181 = arith.constant 1 : i32
      %scan3A_182 = arith.addi %scan3A_53, %scan3A_181 : i32
      %mul3A_183 = arith.constant 256 : i32
      %mul3A_184 = arith.muli %scan3A_182, %mul3A_183 : i32
      %add3A_185 = vector.broadcast %mul3A_184 : i32 to vector<16xi32>
      %add3A_186 = arith.addi %mul3A_44, %add3A_185 : vector<16xi32>
      %gather3A_187 = tpu.vector_load_idx %arg9[%add3A_186] : memref<102912xi32, #tpu.memory_space<vmem>>[vector<16xi32>], vector<16xi32>,
      %mul3A_188 = arith.constant 256 : i32
      %mul3A_189 = arith.muli %scan3A_182, %mul3A_188 : i32
      %add3A_190 = arith.constant 1 : i32
      %add3A_191 = arith.addi %mul3A_189, %add3A_190 : i32
      %add3A_192 = vector.broadcast %add3A_191 : i32 to vector<16xi32>
      %add3A_193 = arith.addi %mul3A_44, %add3A_192 : vector<16xi32>
      %gather3A_194 = tpu.vector_load_idx %arg9[%add3A_193] : memref<102912xi32, #tpu.memory_space<vmem>>[vector<16xi32>], vector<16xi32>,
      %add3A_195 = arith.addi %gather3A_187, %gather3A_194 : vector<16xi32>
      %mul3A_196 = arith.constant 256 : i32
      %mul3A_197 = arith.muli %scan3A_182, %mul3A_196 : i32
      %add3A_198 = arith.constant 2 : i32
      %add3A_199 = arith.addi %mul3A_197, %add3A_198 : i32
      %add3A_200 = vector.broadcast %add3A_199 : i32 to vector<16xi32>
      %add3A_201 = arith.addi %mul3A_44, %add3A_200 : vector<16xi32>
      %gather3A_202 = tpu.vector_load_idx %arg9[%add3A_201] : memref<102912xi32, #tpu.memory_space<vmem>>[vector<16xi32>], vector<16xi32>,
      %add3A_203 = arith.addi %add3A_195, %gather3A_202 : vector<16xi32>
      %mul3A_204 = arith.constant 256 : i32
      %mul3A_205 = arith.muli %scan3A_182, %mul3A_204 : i32
      %add3A_206 = arith.constant 3 : i32
      %add3A_207 = arith.addi %mul3A_205, %add3A_206 : i32
      %add3A_208 = vector.broadcast %add3A_207 : i32 to vector<16xi32>
      %add3A_209 = arith.addi %mul3A_44, %add3A_208 : vector<16xi32>
      %gather3A_210 = tpu.vector_load_idx %arg9[%add3A_209] : memref<102912xi32, #tpu.memory_space<vmem>>[vector<16xi32>], vector<16xi32>,
      %add3A_211 = arith.addi %add3A_203, %gather3A_210 : vector<16xi32>
      %mul3A_212 = arith.constant 256 : i32
      %mul3A_213 = arith.muli %scan3A_182, %mul3A_212 : i32
      %add3A_214 = arith.constant 4 : i32
      %add3A_215 = arith.addi %mul3A_213, %add3A_214 : i32
      %add3A_216 = vector.broadcast %add3A_215 : i32 to vector<16xi32>
      %add3A_217 = arith.addi %mul3A_44, %add3A_216 : vector<16xi32>
      %gather3A_218 = tpu.vector_load_idx %arg9[%add3A_217] : memref<102912xi32, #tpu.memory_space<vmem>>[vector<16xi32>], vector<16xi32>,
      %add3A_219 = arith.addi %add3A_211, %gather3A_218 : vector<16xi32>
      %mul3A_220 = arith.constant 256 : i32
      %mul3A_221 = arith.muli %scan3A_182, %mul3A_220 : i32
      %add3A_222 = arith.constant 5 : i32
      %add3A_223 = arith.addi %mul3A_221, %add3A_222 : i32
      %add3A_224 = vector.broadcast %add3A_223 : i32 to vector<16xi32>
      %add3A_225 = arith.addi %mul3A_44, %add3A_224 : vector<16xi32>
      %gather3A_226 = tpu.vector_load_idx %arg9[%add3A_225] : memref<102912xi32, #tpu.memory_space<vmem>>[vector<16xi32>], vector<16xi32>,
      %add3A_227 = arith.addi %add3A_219, %gather3A_226 : vector<16xi32>
      %mul3A_228 = arith.constant 256 : i32
      %mul3A_229 = arith.muli %scan3A_182, %mul3A_228 : i32
      %add3A_230 = arith.constant 6 : i32
      %add3A_231 = arith.addi %mul3A_229, %add3A_230 : i32
      %add3A_232 = vector.broadcast %add3A_231 : i32 to vector<16xi32>
      %add3A_233 = arith.addi %mul3A_44, %add3A_232 : vector<16xi32>
      %gather3A_234 = tpu.vector_load_idx %arg9[%add3A_233] : memref<102912xi32, #tpu.memory_space<vmem>>[vector<16xi32>], vector<16xi32>,
      %add3A_235 = arith.addi %add3A_227, %gather3A_234 : vector<16xi32>
      %mul3A_236 = arith.constant 256 : i32
      %mul3A_237 = arith.muli %scan3A_182, %mul3A_236 : i32
      %add3A_238 = arith.constant 7 : i32
      %add3A_239 = arith.addi %mul3A_237, %add3A_238 : i32
      %add3A_240 = vector.broadcast %add3A_239 : i32 to vector<16xi32>
      %add3A_241 = arith.addi %mul3A_44, %add3A_240 : vector<16xi32>
      %gather3A_242 = tpu.vector_load_idx %arg9[%add3A_241] : memref<102912xi32, #tpu.memory_space<vmem>>[vector<16xi32>], vector<16xi32>,
      %add3A_243 = arith.addi %add3A_235, %gather3A_242 : vector<16xi32>
      %mul3A_244 = arith.constant 256 : i32
      %mul3A_245 = arith.muli %scan3A_182, %mul3A_244 : i32
      %add3A_246 = arith.constant 8 : i32
      %add3A_247 = arith.addi %mul3A_245, %add3A_246 : i32
      %add3A_248 = vector.broadcast %add3A_247 : i32 to vector<16xi32>
      %add3A_249 = arith.addi %mul3A_44, %add3A_248 : vector<16xi32>
      %gather3A_250 = tpu.vector_load_idx %arg9[%add3A_249] : memref<102912xi32, #tpu.memory_space<vmem>>[vector<16xi32>], vector<16xi32>,
      %add3A_251 = arith.addi %add3A_243, %gather3A_250 : vector<16xi32>
      %mul3A_252 = arith.constant 256 : i32
      %mul3A_253 = arith.muli %scan3A_182, %mul3A_252 : i32
      %add3A_254 = arith.constant 9 : i32
      %add3A_255 = arith.addi %mul3A_253, %add3A_254 : i32
      %add3A_256 = vector.broadcast %add3A_255 : i32 to vector<16xi32>
      %add3A_257 = arith.addi %mul3A_44, %add3A_256 : vector<16xi32>
      %gather3A_258 = tpu.vector_load_idx %arg9[%add3A_257] : memref<102912xi32, #tpu.memory_space<vmem>>[vector<16xi32>], vector<16xi32>,
      %add3A_259 = arith.addi %add3A_251, %gather3A_258 : vector<16xi32>
      %mul3A_260 = arith.constant 256 : i32
      %mul3A_261 = arith.muli %scan3A_182, %mul3A_260 : i32
      %add3A_262 = arith.constant 10 : i32
      %add3A_263 = arith.addi %mul3A_261, %add3A_262 : i32
      %add3A_264 = vector.broadcast %add3A_263 : i32 to vector<16xi32>
      %add3A_265 = arith.addi %mul3A_44, %add3A_264 : vector<16xi32>
      %gather3A_266 = tpu.vector_load_idx %arg9[%add3A_265] : memref<102912xi32, #tpu.memory_space<vmem>>[vector<16xi32>], vector<16xi32>,
      %add3A_267 = arith.addi %add3A_259, %gather3A_266 : vector<16xi32>
      %mul3A_268 = arith.constant 256 : i32
      %mul3A_269 = arith.muli %scan3A_182, %mul3A_268 : i32
      %add3A_270 = arith.constant 11 : i32
      %add3A_271 = arith.addi %mul3A_269, %add3A_270 : i32
      %add3A_272 = vector.broadcast %add3A_271 : i32 to vector<16xi32>
      %add3A_273 = arith.addi %mul3A_44, %add3A_272 : vector<16xi32>
      %gather3A_274 = tpu.vector_load_idx %arg9[%add3A_273] : memref<102912xi32, #tpu.memory_space<vmem>>[vector<16xi32>], vector<16xi32>,
      %add3A_275 = arith.addi %add3A_267, %gather3A_274 : vector<16xi32>
      %mul3A_276 = arith.constant 256 : i32
      %mul3A_277 = arith.muli %scan3A_182, %mul3A_276 : i32
      %add3A_278 = arith.constant 12 : i32
      %add3A_279 = arith.addi %mul3A_277, %add3A_278 : i32
      %add3A_280 = vector.broadcast %add3A_279 : i32 to vector<16xi32>
      %add3A_281 = arith.addi %mul3A_44, %add3A_280 : vector<16xi32>
      %gather3A_282 = tpu.vector_load_idx %arg9[%add3A_281] : memref<102912xi32, #tpu.memory_space<vmem>>[vector<16xi32>], vector<16xi32>,
      %add3A_283 = arith.addi %add3A_275, %gather3A_282 : vector<16xi32>
      %mul3A_284 = arith.constant 256 : i32
      %mul3A_285 = arith.muli %scan3A_182, %mul3A_284 : i32
      %add3A_286 = arith.constant 13 : i32
      %add3A_287 = arith.addi %mul3A_285, %add3A_286 : i32
      %add3A_288 = vector.broadcast %add3A_287 : i32 to vector<16xi32>
      %add3A_289 = arith.addi %mul3A_44, %add3A_288 : vector<16xi32>
      %gather3A_290 = tpu.vector_load_idx %arg9[%add3A_289] : memref<102912xi32, #tpu.memory_space<vmem>>[vector<16xi32>], vector<16xi32>,
      %add3A_291 = arith.addi %add3A_283, %gather3A_290 : vector<16xi32>
      %mul3A_292 = arith.constant 256 : i32
      %mul3A_293 = arith.muli %scan3A_182, %mul3A_292 : i32
      %add3A_294 = arith.constant 14 : i32
      %add3A_295 = arith.addi %mul3A_293, %add3A_294 : i32
      %add3A_296 = vector.broadcast %add3A_295 : i32 to vector<16xi32>
      %add3A_297 = arith.addi %mul3A_44, %add3A_296 : vector<16xi32>
      %gather3A_298 = tpu.vector_load_idx %arg9[%add3A_297] : memref<102912xi32, #tpu.memory_space<vmem>>[vector<16xi32>], vector<16xi32>,
      %add3A_299 = arith.addi %add3A_291, %gather3A_298 : vector<16xi32>
      %mul3A_300 = arith.constant 256 : i32
      %mul3A_301 = arith.muli %scan3A_182, %mul3A_300 : i32
      %add3A_302 = arith.constant 15 : i32
      %add3A_303 = arith.addi %mul3A_301, %add3A_302 : i32
      %add3A_304 = vector.broadcast %add3A_303 : i32 to vector<16xi32>
      %add3A_305 = arith.addi %mul3A_44, %add3A_304 : vector<16xi32>
      %gather3A_306 = tpu.vector_load_idx %arg9[%add3A_305] : memref<102912xi32, #tpu.memory_space<vmem>>[vector<16xi32>], vector<16xi32>,
      %add3A_307 = arith.addi %add3A_299, %gather3A_306 : vector<16xi32>
      %mul3A_308 = arith.constant 16 : i32
      %mul3A_309 = arith.muli %scan3A_182, %mul3A_308 : i32
      %swap3A_310 = arith.index_cast %mul3A_309 : i32 to index
      %swap3A_311 = tpu.vector_load %arg5[%swap3A_310] {strides = array<i32>} : memref<12800xi32, #tpu.memory_space<vmem>>, vector<16xi32>,
      tpu.vector_store %arg5[%swap3A_310], %add3A_307 {strides = array<i32>} : memref<12800xi32, #tpu.memory_space<vmem>>, vector<16xi32>,
    }
    %scan3A_50 = arith.constant 402 : i32
    %mul3A_51 = arith.constant 6432 : i32
    %mul3A_52 = arith.muli %add3A, %mul3A_51 : i32
    "tpu.region"() ({
      %run_scoped3A = tpu.sem_alloc : memref<!tpu.dma_semaphore, #tpu.memory_space<semaphore_mem>>
      %dma_start3A = arith.constant 0 : i32
      %dma_start3A_53 = tpu.memref_slice %arg5[%dma_start3A] : memref<12800xi32, #tpu.memory_space<vmem>> -> memref<6432xi32, #tpu.memory_space<vmem>>
      %dma_start3A_54 = tpu.memref_slice %arg4[%mul3A_52] : memref<205824xi32, #tpu.memory_space<hbm>> -> memref<6432xi32, #tpu.memory_space<hbm>>
      %dma_start3A_55 = tpu.memref_slice %arg4[%mul3A_52] : memref<205824xi32, #tpu.memory_space<hbm>> -> memref<6432xi32, #tpu.memory_space<hbm>>
      %dma_start3A_56 = arith.constant 0 : i32
      %dma_start3A_57 = tpu.memref_slice %arg5[%dma_start3A_56] : memref<12800xi32, #tpu.memory_space<vmem>> -> memref<6432xi32, #tpu.memory_space<vmem>>
      tpu.enqueue_dma source(%dma_start3A_57 : memref<6432xi32, #tpu.memory_space<vmem>>) target(%dma_start3A_55 : memref<6432xi32, #tpu.memory_space<hbm>>) target_semaphore(%run_scoped3A : memref<!tpu.dma_semaphore, #tpu.memory_space<semaphore_mem>>)
      %dma_wait3A = arith.constant 0 : i32
      %dma_wait3A_58 = tpu.memref_slice %arg5[%dma_wait3A] : memref<12800xi32, #tpu.memory_space<vmem>> -> memref<6432xi32, #tpu.memory_space<vmem>>
      %dma_wait3A_59 = tpu.memref_slice %arg4[%mul3A_52] : memref<205824xi32, #tpu.memory_space<hbm>> -> memref<6432xi32, #tpu.memory_space<hbm>>
      %dma_wait3A_60 = tpu.memref_slice %arg4[%mul3A_52] : memref<205824xi32, #tpu.memory_space<hbm>> -> memref<6432xi32, #tpu.memory_space<hbm>>
      %dma_wait3A_61 = arith.constant 0 : i32
      %dma_wait3A_62 = tpu.memref_slice %arg5[%dma_wait3A_61] : memref<12800xi32, #tpu.memory_space<vmem>> -> memref<6432xi32, #tpu.memory_space<vmem>>
      tpu.wait_dma2 semaphore(%run_scoped3A : memref<!tpu.dma_semaphore, #tpu.memory_space<semaphore_mem>>) src(%dma_wait3A_62 : memref<6432xi32, #tpu.memory_space<vmem>>) dst(%dma_wait3A_60 : memref<6432xi32, #tpu.memory_space<hbm>>)
      tpu.yield
    }) : () -> ()
    return
  }
}

module attributes {stable_mosaic.version = 14 : i64} {
  func.func @_stage1_body(%arg0: i32, %arg1: memref<1x1x4000xi32, #tpu.memory_space<vmem>>, %arg2: memref<1x16x4000xf32, #tpu.memory_space<vmem>>, %arg3: memref<1x16x4000xi32, #tpu.memory_space<vmem>>, %arg4: memref<1x1x4000xi32, #tpu.memory_space<vmem>>, %arg5: memref<16x16xi32, #tpu.memory_space<vmem>>, %arg6: memref<1x1xf32, #tpu.memory_space<vmem>>, %arg7: memref<16x16xf32, #tpu.memory_space<vmem>>, %arg8: memref<1x1xf32, #tpu.memory_space<smem>>) attributes {dimension_semantics = [#tpu.dimension_semantics<arbitrary>], iteration_bounds = array<i64: 250>, scalar_prefetch = 0 : i64, scratch_operands = 2 : i64, tpu.core_type = #tpu.core_type<tc>, window_params = [{transform_indices = @transform_0, window_bounds = array<i64: 1, 1, 4000>}, {transform_indices = @transform_1, window_bounds = array<i64: 1, 16, 4000>}, {transform_indices = @transform_2, window_bounds = array<i64: 1, 16, 4000>}, {transform_indices = @transform_3, window_bounds = array<i64: 1, 1, 4000>}, {pipeline_mode = #tpu.pipeline_mode<synchronous>, transform_indices = @transform_4, window_bounds = array<i64: 16, 16>}, {pipeline_mode = #tpu.pipeline_mode<synchronous>, transform_indices = @transform_5, window_bounds = array<i64: 1, 1>}]} {
    %eq3A = arith.constant 0 : i32
    %eq3A_0 = arith.cmpi eq, %arg0, %eq3A : i32
    %convert_element_type3A = arith.extui %eq3A_0 : i1 to i32
    %cond3A = arith.constant 0 : i32
    %cond3A_1 = arith.cmpi ne, %convert_element_type3A, %cond3A : i32
    scf.if %cond3A_1 {
      %broadcast_in_dim3A_104 = arith.constant 0.000000e+00 : f32
      %broadcast_in_dim3A_105 = vector.broadcast %broadcast_in_dim3A_104 : f32 to vector<16x16xf32>
      %swap3A_106 = arith.constant 0 : index
      %swap3A_107 = arith.constant 0 : index
      %swap3A_108 = vector.load %arg7[%swap3A_106, %swap3A_107] : memref<16x16xf32, #tpu.memory_space<vmem>>, vector<16x16xf32>
      tpu.vector_store %arg7[%swap3A_106, %swap3A_107], %broadcast_in_dim3A_105 {strides = array<i32>} : memref<16x16xf32, #tpu.memory_space<vmem>>, vector<16x16xf32>,
      %swap3A_109 = arith.constant 0.000000e+00 : f32
      %swap3A_110 = arith.constant 0 : index
      %swap3A_111 = arith.constant 0 : index
      %swap3A_112 = memref.load %arg8[%swap3A_110, %swap3A_111] : memref<1x1xf32, #tpu.memory_space<smem>>
      memref.store %swap3A_109, %arg8[%swap3A_110, %swap3A_111] : memref<1x1xf32, #tpu.memory_space<smem>>
    } else {
    }
    %get3A = arith.constant 0 : index
    %get3A_2 = arith.constant 0 : index
    %get3A_3 = arith.constant 0 : index
    %get3A_4 = vector.load %arg2[%get3A, %get3A_2, %get3A_3] : memref<1x16x4000xf32, #tpu.memory_space<vmem>>, vector<1x16x4000xf32>
    %get3A_5 = vector.shape_cast %get3A_4 : vector<1x16x4000xf32> to vector<16x4000xf32>
    %get3A_6 = arith.constant 0 : index
    %get3A_7 = arith.constant 0 : index
    %get3A_8 = arith.constant 0 : index
    %get3A_9 = vector.load %arg1[%get3A_6, %get3A_7, %get3A_8] : memref<1x1x4000xi32, #tpu.memory_space<vmem>>, vector<1x1x4000xi32>
    %get3A_10 = vector.shape_cast %get3A_9 : vector<1x1x4000xi32> to vector<1x4000xi32>
    %reduce_max3A = arith.constant dense<0xFF800000> : vector<4000xf32>
    %reduce_max3A_11 = vector.multi_reduction <maximumf>, %get3A_5, %reduce_max3A [0] : vector<16x4000xf32> to vector<4000xf32>
    %broadcast_in_dim3A = vector.shape_cast %reduce_max3A_11 : vector<4000xf32> to vector<1x4000xf32>
    %sub3A = vector.broadcast %broadcast_in_dim3A : vector<1x4000xf32> to vector<16x4000xf32>
    %sub3A_12 = arith.subf %get3A_5, %sub3A : vector<16x4000xf32>
    %exp3A = math.exp %sub3A_12 : vector<16x4000xf32>
    %reduce_sum3A = arith.constant dense<0.000000e+00> : vector<4000xf32>
    %reduce_sum3A_13 = vector.multi_reduction <add>, %exp3A, %reduce_sum3A [0] : vector<16x4000xf32> to vector<4000xf32>
    %broadcast_in_dim3A_14 = vector.shape_cast %reduce_sum3A_13 : vector<4000xf32> to vector<1x4000xf32>
    %div3A = arith.constant 1.990000e+02 : f32
    %div3A_15 = vector.broadcast %div3A : f32 to vector<1x4000xf32>
    %div3A_16 = arith.divf %div3A_15, %broadcast_in_dim3A_14 : vector<1x4000xf32>
    %mul3A = vector.broadcast %div3A_16 : vector<1x4000xf32> to vector<16x4000xf32>
    %mul3A_17 = arith.mulf %exp3A, %mul3A : vector<16x4000xf32>
    %convert_element_type3A_18 = arith.fptosi %mul3A_17 : vector<16x4000xf32> to vector<16x4000xi32>
    %jit3A = arith.constant 0 : i32
    %jit3A_19 = arith.constant 199 : i32
    %max3A = vector.broadcast %jit3A : i32 to vector<16x4000xi32>
    %max3A_20 = arith.maxsi %max3A, %convert_element_type3A_18 : vector<16x4000xi32>
    %min3A = vector.broadcast %jit3A_19 : i32 to vector<16x4000xi32>
    %min3A_21 = arith.minsi %min3A, %max3A_20 : vector<16x4000xi32>
    %iota3A = tpu.iota {dimensions = array<i32: 0>} : vector<16x4000xi32>
    %mul3A_22 = arith.constant 16 : i32
    %mul3A_23 = vector.broadcast %mul3A_22 : i32 to vector<16x4000xi32>
    %mul3A_24 = arith.muli %min3A_21, %mul3A_23 : vector<16x4000xi32>
    %mul3A_25 = arith.constant 3216 : i32
    %mul3A_26 = vector.broadcast %mul3A_25 : i32 to vector<16x4000xi32>
    %mul3A_27 = arith.muli %iota3A, %mul3A_26 : vector<16x4000xi32>
    %add3A = arith.addi %mul3A_24, %mul3A_27 : vector<16x4000xi32>
    %broadcast_in_dim3A_28 = vector.shape_cast %add3A : vector<16x4000xi32> to vector<1x16x4000xi32>
    %swap3A = arith.constant 0 : index
    %swap3A_29 = arith.constant 0 : index
    %swap3A_30 = arith.constant 0 : index
    %swap3A_31 = vector.load %arg3[%swap3A, %swap3A_29, %swap3A_30] : memref<1x16x4000xi32, #tpu.memory_space<vmem>>, vector<1x16x4000xi32>
    tpu.vector_store %arg3[%swap3A, %swap3A_29, %swap3A_30], %broadcast_in_dim3A_28 {strides = array<i32>} : memref<1x16x4000xi32, #tpu.memory_space<vmem>>, vector<1x16x4000xi32>,
    %reduce_max3A_32 = arith.constant dense<0xFF800000> : vector<4000xf32>
    %reduce_max3A_33 = vector.multi_reduction <maximumf>, %exp3A, %reduce_max3A_32 [0] : vector<16x4000xf32> to vector<4000xf32>
    %broadcast_in_dim3A_34 = vector.shape_cast %reduce_max3A_33 : vector<4000xf32> to vector<1x4000xf32>
    %iota3A_35 = tpu.iota {dimensions = array<i32: 0>} : vector<16x4000xi32>
    %eq3A_36 = vector.broadcast %broadcast_in_dim3A_34 : vector<1x4000xf32> to vector<16x4000xf32>
    %eq3A_37 = arith.cmpf oeq, %exp3A, %eq3A_36 : vector<16x4000xf32>
    %jit3A_38 = arith.constant 16 : i32
    %broadcast_in_dim3A_39 = vector.broadcast %jit3A_38 : i32 to vector<16x4000xi32>
    %select_n3A = arith.select %eq3A_37, %iota3A_35, %broadcast_in_dim3A_39 : vector<16x4000xi1>, vector<16x4000xi32>
    %reduce_min3A = arith.constant dense<2147483647> : vector<4000xi32>
    %reduce_min3A_40 = vector.multi_reduction <minsi>, %select_n3A, %reduce_min3A [0] : vector<16x4000xi32> to vector<4000xi32>
    %broadcast_in_dim3A_41 = vector.shape_cast %reduce_min3A_40 : vector<4000xi32> to vector<1x4000xi32>
    %eq3A_42 = vector.broadcast %broadcast_in_dim3A_41 : vector<1x4000xi32> to vector<16x4000xi32>
    %eq3A_43 = arith.cmpi eq, %iota3A_35, %eq3A_42 : vector<16x4000xi32>
    %convert_element_type3A_44 = arith.extui %eq3A_43 : vector<16x4000xi1> to vector<16x4000xi32>
    %convert_element_type3A_45 = arith.sitofp %convert_element_type3A_44 : vector<16x4000xi32> to vector<16x4000xf32>
    %eq3A_46 = vector.broadcast %get3A_10 : vector<1x4000xi32> to vector<16x4000xi32>
    %eq3A_47 = arith.cmpi eq, %eq3A_46, %iota3A_35 : vector<16x4000xi32>
    %get3A_48 = arith.constant 0 : index
    %get3A_49 = arith.constant 0 : index
    %get3A_50 = vector.load %arg7[%get3A_48, %get3A_49] : memref<16x16xf32, #tpu.memory_space<vmem>>, vector<16x16xf32>
    %convert_element_type3A_51 = arith.extui %eq3A_47 : vector<16x4000xi1> to vector<16x4000xi32>
    %convert_element_type3A_52 = arith.sitofp %convert_element_type3A_51 : vector<16x4000xi32> to vector<16x4000xf32>
    %dot_general3A = arith.constant dense<0.000000e+00> : vector<16x16xf32>
    %dot_general3A_53 = tpu.matmul %convert_element_type3A_52, %convert_element_type3A_45, %dot_general3A {dimension_numbers = #tpu.dot_dimension_numbers<[1], [1], [0], [0], [0, 0, 1, 0], [], []>, transpose_lhs_hint = false} : vector<16x4000xf32>, vector<16x4000xf32>, vector<16x16xf32> -> vector<16x16xf32>
    %add3A_54 = arith.addf %get3A_50, %dot_general3A_53 : vector<16x16xf32>
    %swap3A_55 = arith.constant 0 : index
    %swap3A_56 = arith.constant 0 : index
    %swap3A_57 = vector.load %arg7[%swap3A_55, %swap3A_56] : memref<16x16xf32, #tpu.memory_space<vmem>>, vector<16x16xf32>
    tpu.vector_store %arg7[%swap3A_55, %swap3A_56], %add3A_54 {strides = array<i32>} : memref<16x16xf32, #tpu.memory_space<vmem>>, vector<16x16xf32>,
    %jit3A_58 = arith.constant 0 : i32
    %broadcast_in_dim3A_59 = vector.broadcast %jit3A_58 : i32 to vector<16x4000xi32>
    %select_n3A_60 = arith.select %eq3A_47, %min3A_21, %broadcast_in_dim3A_59 : vector<16x4000xi1>, vector<16x4000xi32>
    %reduce_sum3A_61 = arith.constant dense<0> : vector<4000xi32>
    %reduce_sum3A_62 = vector.multi_reduction <add>, %select_n3A_60, %reduce_sum3A_61 [0] : vector<16x4000xi32> to vector<4000xi32>
    %broadcast_in_dim3A_63 = vector.shape_cast %reduce_sum3A_62 : vector<4000xi32> to vector<1x4000xi32>
    %mul3A_64 = arith.constant 201 : i32
    %mul3A_65 = vector.broadcast %mul3A_64 : i32 to vector<1x4000xi32>
    %mul3A_66 = arith.muli %get3A_10, %mul3A_65 : vector<1x4000xi32>
    %add3A_67 = arith.addi %mul3A_66, %broadcast_in_dim3A_63 : vector<1x4000xi32>
    %mul3A_68 = arith.constant 16 : i32
    %mul3A_69 = vector.broadcast %mul3A_68 : i32 to vector<1x4000xi32>
    %mul3A_70 = arith.muli %add3A_67, %mul3A_69 : vector<1x4000xi32>
    %add3A_71 = arith.constant 51456 : i32
    %add3A_72 = vector.broadcast %add3A_71 : i32 to vector<1x4000xi32>
    %add3A_73 = arith.addi %mul3A_70, %add3A_72 : vector<1x4000xi32>
    %broadcast_in_dim3A_74 = vector.shape_cast %add3A_73 : vector<1x4000xi32> to vector<1x1x4000xi32>
    %swap3A_75 = arith.constant 0 : index
    %swap3A_76 = arith.constant 0 : index
    %swap3A_77 = arith.constant 0 : index
    %swap3A_78 = vector.load %arg4[%swap3A_75, %swap3A_76, %swap3A_77] : memref<1x1x4000xi32, #tpu.memory_space<vmem>>, vector<1x1x4000xi32>
    tpu.vector_store %arg4[%swap3A_75, %swap3A_76, %swap3A_77], %broadcast_in_dim3A_74 {strides = array<i32>} : memref<1x1x4000xi32, #tpu.memory_space<vmem>>, vector<1x1x4000xi32>,
    %jit3A_79 = arith.constant 0.000000e+00 : f32
    %broadcast_in_dim3A_80 = vector.broadcast %jit3A_79 : f32 to vector<16x4000xf32>
    %select_n3A_81 = arith.select %eq3A_47, %get3A_5, %broadcast_in_dim3A_80 : vector<16x4000xi1>, vector<16x4000xf32>
    %reduce_sum3A_82 = arith.constant dense<0.000000e+00> : vector<4000xf32>
    %reduce_sum3A_83 = vector.multi_reduction <add>, %select_n3A_81, %reduce_sum3A_82 [0] : vector<16x4000xf32> to vector<4000xf32>
    %broadcast_in_dim3A_84 = vector.shape_cast %reduce_sum3A_83 : vector<4000xf32> to vector<1x4000xf32>
    %get3A_85 = arith.constant 0 : index
    %get3A_86 = arith.constant 0 : index
    %get3A_87 = memref.load %arg8[%get3A_85, %get3A_86] : memref<1x1xf32, #tpu.memory_space<smem>>
    %log3A = math.log %broadcast_in_dim3A_14 : vector<1x4000xf32>
    %add3A_88 = arith.addf %broadcast_in_dim3A, %log3A : vector<1x4000xf32>
    %sub3A_89 = arith.subf %add3A_88, %broadcast_in_dim3A_84 : vector<1x4000xf32>
    %reduce_sum3A_90 = vector.shape_cast %sub3A_89 : vector<1x4000xf32> to vector<1x1x4000xf32>
    %reduce_sum3A_91 = arith.constant dense<0.000000e+00> : vector<1xf32>
    %reduce_sum3A_92 = vector.multi_reduction <add>, %reduce_sum3A_90, %reduce_sum3A_91 [1, 2] : vector<1x1x4000xf32> to vector<1xf32>
    %reduce_sum3A_93 = vector.shape_cast %reduce_sum3A_92 : vector<1xf32> to vector<1x1x1xf32>
    %reduce_sum3A_94 = vector.extract %reduce_sum3A_93[0, 0, 0] : f32 from vector<1x1x1xf32>
    %add3A_95 = arith.addf %get3A_87, %reduce_sum3A_94 : f32
    %swap3A_96 = arith.constant 0 : index
    %swap3A_97 = arith.constant 0 : index
    %swap3A_98 = memref.load %arg8[%swap3A_96, %swap3A_97] : memref<1x1xf32, #tpu.memory_space<smem>>
    memref.store %add3A_95, %arg8[%swap3A_96, %swap3A_97] : memref<1x1xf32, #tpu.memory_space<smem>>
    %eq3A_99 = arith.constant 249 : i32
    %eq3A_100 = arith.cmpi eq, %arg0, %eq3A_99 : i32
    %convert_element_type3A_101 = arith.extui %eq3A_100 : i1 to i32
    %cond3A_102 = arith.constant 0 : i32
    %cond3A_103 = arith.cmpi ne, %convert_element_type3A_101, %cond3A_102 : i32
    scf.if %cond3A_103 {
      %get3A_104 = arith.constant 0 : index
      %get3A_105 = arith.constant 0 : index
      %get3A_106 = vector.load %arg7[%get3A_104, %get3A_105] : memref<16x16xf32, #tpu.memory_space<vmem>>, vector<16x16xf32>
      %convert_element_type3A_107 = arith.fptosi %get3A_106 : vector<16x16xf32> to vector<16x16xi32>
      %swap3A_108 = arith.constant 0 : index
      %swap3A_109 = arith.constant 0 : index
      %swap3A_110 = vector.load %arg5[%swap3A_108, %swap3A_109] : memref<16x16xi32, #tpu.memory_space<vmem>>, vector<16x16xi32>
      tpu.vector_store %arg5[%swap3A_108, %swap3A_109], %convert_element_type3A_107 {strides = array<i32>} : memref<16x16xi32, #tpu.memory_space<vmem>>, vector<16x16xi32>,
      %get3A_111 = arith.constant 0 : index
      %get3A_112 = arith.constant 0 : index
      %get3A_113 = memref.load %arg8[%get3A_111, %get3A_112] : memref<1x1xf32, #tpu.memory_space<smem>>
      %reshape3A = vector.broadcast %get3A_113 : f32 to vector<1x1xf32>
      %swap3A_114 = arith.constant 0 : index
      %swap3A_115 = arith.constant 0 : index
      %swap3A_116 = vector.load %arg6[%swap3A_114, %swap3A_115] : memref<1x1xf32, #tpu.memory_space<vmem>>, vector<1x1xf32>
      tpu.vector_store %arg6[%swap3A_114, %swap3A_115], %reshape3A {strides = array<i32>} : memref<1x1xf32, #tpu.memory_space<vmem>>, vector<1x1xf32>,
    } else {
    }
    return
  }
  func.func @transform_0(%arg0: i32) -> (i32, i32, i32) {
    %c0_i32 = arith.constant 0 : i32
    %c0_i32_0 = arith.constant 0 : i32
    %c0_i32_1 = arith.constant 0 : i32
    return %arg0, %c0_i32, %c0_i32_0 : i32, i32, i32
  }
  func.func @transform_1(%arg0: i32) -> (i32, i32, i32) {
    %c0_i32 = arith.constant 0 : i32
    %c0_i32_0 = arith.constant 0 : i32
    %c0_i32_1 = arith.constant 0 : i32
    return %arg0, %c0_i32, %c0_i32_0 : i32, i32, i32
  }
  func.func @transform_2(%arg0: i32) -> (i32, i32, i32) {
    %c0_i32 = arith.constant 0 : i32
    %c0_i32_0 = arith.constant 0 : i32
    %c0_i32_1 = arith.constant 0 : i32
    return %arg0, %c0_i32, %c0_i32_0 : i32, i32, i32
  }
  func.func @transform_3(%arg0: i32) -> (i32, i32, i32) {
    %c0_i32 = arith.constant 0 : i32
    %c0_i32_0 = arith.constant 0 : i32
    %c0_i32_1 = arith.constant 0 : i32
    return %arg0, %c0_i32, %c0_i32_0 : i32, i32, i32
  }
  func.func @transform_4(%arg0: i32) -> (i32, i32) {
    %c0_i32 = arith.constant 0 : i32
    %c0_i32_0 = arith.constant 0 : i32
    %c0_i32_1 = arith.constant 0 : i32
    return %c0_i32, %c0_i32_0 : i32, i32
  }
  func.func @transform_5(%arg0: i32) -> (i32, i32) {
    %c0_i32 = arith.constant 0 : i32
    %c0_i32_0 = arith.constant 0 : i32
    %c0_i32_1 = arith.constant 0 : i32
    return %c0_i32, %c0_i32_0 : i32, i32
  }
}

module attributes {stable_mosaic.version = 14 : i64} {
  func.func @_stage3_body(%arg0: memref<1024x201xi32, #tpu.memory_space<vmem>>, %arg1: memref<16x16xi32, #tpu.memory_space<vmem>>, %arg2: memref<1x1xf32, #tpu.memory_space<vmem>>, %arg3: memref<1x1xf32, #tpu.memory_space<vmem>>, %arg4: memref<16x201xf32, #tpu.memory_space<vmem>>, %arg5: memref<16x201xf32, #tpu.memory_space<vmem>>, %arg6: memref<1x1xf32, #tpu.memory_space<vmem>>, %arg7: memref<1x1xf32, #tpu.memory_space<vmem>>, %arg8: memref<1x1xf32, #tpu.memory_space<vmem>>, %arg9: memref<1x1xf32, #tpu.memory_space<vmem>>) attributes {dimension_semantics = [], scalar_prefetch = 0 : i64, scratch_operands = 0 : i64, tpu.core_type = #tpu.core_type<tc>} {
    %get3A = arith.constant 0 : index
    %get3A_0 = arith.constant 0 : index
    %get3A_1 = vector.load %arg1[%get3A, %get3A_0] : memref<16x16xi32, #tpu.memory_space<vmem>>, vector<16x16xi32>
    %convert_element_type3A = arith.sitofp %get3A_1 : vector<16x16xi32> to vector<16x16xf32>
    %iota3A = tpu.iota {dimensions = array<i32: 0>} : vector<16x16xi32>
    %iota3A_2 = tpu.iota {dimensions = array<i32: 1>} : vector<16x16xi32>
    %eq3A = arith.cmpi eq, %iota3A, %iota3A_2 : vector<16x16xi32>
    %jit3A = arith.constant 0.000000e+00 : f32
    %broadcast_in_dim3A = vector.broadcast %jit3A : f32 to vector<16x16xf32>
    %select_n3A = arith.select %eq3A, %convert_element_type3A, %broadcast_in_dim3A : vector<16x16xi1>, vector<16x16xf32>
    %reduce_sum3A = arith.constant dense<0.000000e+00> : vector<16xf32>
    %reduce_sum3A_3 = vector.multi_reduction <add>, %select_n3A, %reduce_sum3A [1] : vector<16x16xf32> to vector<16xf32>
    %broadcast_in_dim3A_4 = vector.shape_cast %reduce_sum3A_3 : vector<16xf32> to vector<16x1xf32>
    %reduce_sum3A_5 = arith.constant dense<0.000000e+00> : vector<16xf32>
    %reduce_sum3A_6 = vector.multi_reduction <add>, %select_n3A, %reduce_sum3A_5 [0] : vector<16x16xf32> to vector<16xf32>
    %broadcast_in_dim3A_7 = vector.shape_cast %reduce_sum3A_6 : vector<16xf32> to vector<1x16xf32>
    %reduce_sum3A_8 = arith.constant dense<0.000000e+00> : vector<16xf32>
    %reduce_sum3A_9 = vector.multi_reduction <add>, %convert_element_type3A, %reduce_sum3A_8 [1] : vector<16x16xf32> to vector<16xf32>
    %broadcast_in_dim3A_10 = vector.shape_cast %reduce_sum3A_9 : vector<16xf32> to vector<16x1xf32>
    %reduce_sum3A_11 = arith.constant dense<0.000000e+00> : vector<16xf32>
    %reduce_sum3A_12 = vector.multi_reduction <add>, %convert_element_type3A, %reduce_sum3A_11 [0] : vector<16x16xf32> to vector<16xf32>
    %broadcast_in_dim3A_13 = vector.shape_cast %reduce_sum3A_12 : vector<16xf32> to vector<1x16xf32>
    %max3A = arith.constant 1.000000e+00 : f32
    %max3A_14 = vector.broadcast %max3A : f32 to vector<16x1xf32>
    %max3A_15 = arith.maximumf %broadcast_in_dim3A_10, %max3A_14 : vector<16x1xf32>
    %div3A = arith.divf %broadcast_in_dim3A_4, %max3A_15 : vector<16x1xf32>
    %max3A_16 = arith.constant 1.000000e+00 : f32
    %max3A_17 = vector.broadcast %max3A_16 : f32 to vector<1x16xf32>
    %max3A_18 = arith.maximumf %broadcast_in_dim3A_13, %max3A_17 : vector<1x16xf32>
    %div3A_19 = arith.divf %broadcast_in_dim3A_7, %max3A_18 : vector<1x16xf32>
    %reduce_sum3A_20 = vector.shape_cast %div3A : vector<16x1xf32> to vector<1x16x1xf32>
    %reduce_sum3A_21 = arith.constant dense<0.000000e+00> : vector<1xf32>
    %reduce_sum3A_22 = vector.multi_reduction <add>, %reduce_sum3A_20, %reduce_sum3A_21 [1, 2] : vector<1x16x1xf32> to vector<1xf32>
    %reduce_sum3A_23 = vector.shape_cast %reduce_sum3A_22 : vector<1xf32> to vector<1x1x1xf32>
    %reduce_sum3A_24 = vector.extract %reduce_sum3A_23[0, 0, 0] : f32 from vector<1x1x1xf32>
    %div3A_25 = arith.constant 1.600000e+01 : f32
    %div3A_26 = arith.divf %reduce_sum3A_24, %div3A_25 : f32
    %reduce_sum3A_27 = vector.shape_cast %div3A_19 : vector<1x16xf32> to vector<1x1x16xf32>
    %reduce_sum3A_28 = arith.constant dense<0.000000e+00> : vector<1xf32>
    %reduce_sum3A_29 = vector.multi_reduction <add>, %reduce_sum3A_27, %reduce_sum3A_28 [1, 2] : vector<1x1x16xf32> to vector<1xf32>
    %reduce_sum3A_30 = vector.shape_cast %reduce_sum3A_29 : vector<1xf32> to vector<1x1x1xf32>
    %reduce_sum3A_31 = vector.extract %reduce_sum3A_30[0, 0, 0] : f32 from vector<1x1x1xf32>
    %div3A_32 = arith.constant 1.600000e+01 : f32
    %div3A_33 = arith.divf %reduce_sum3A_31, %div3A_32 : f32
    %reshape3A = vector.broadcast %div3A_26 : f32 to vector<1x1xf32>
    %swap3A = arith.constant 0 : index
    %swap3A_34 = arith.constant 0 : index
    %swap3A_35 = vector.load %arg6[%swap3A, %swap3A_34] : memref<1x1xf32, #tpu.memory_space<vmem>>, vector<1x1xf32>
    tpu.vector_store %arg6[%swap3A, %swap3A_34], %reshape3A {strides = array<i32>} : memref<1x1xf32, #tpu.memory_space<vmem>>, vector<1x1xf32>,
    %reshape3A_36 = vector.broadcast %div3A_33 : f32 to vector<1x1xf32>
    %swap3A_37 = arith.constant 0 : index
    %swap3A_38 = arith.constant 0 : index
    %swap3A_39 = vector.load %arg7[%swap3A_37, %swap3A_38] : memref<1x1xf32, #tpu.memory_space<vmem>>, vector<1x1xf32>
    tpu.vector_store %arg7[%swap3A_37, %swap3A_38], %reshape3A_36 {strides = array<i32>} : memref<1x1xf32, #tpu.memory_space<vmem>>, vector<1x1xf32>,
    %reshape3A_40 = vector.broadcast %div3A_26 : f32 to vector<1x1xf32>
    %swap3A_41 = arith.constant 0 : index
    %swap3A_42 = arith.constant 0 : index
    %swap3A_43 = vector.load %arg8[%swap3A_41, %swap3A_42] : memref<1x1xf32, #tpu.memory_space<vmem>>, vector<1x1xf32>
    tpu.vector_store %arg8[%swap3A_41, %swap3A_42], %reshape3A_40 {strides = array<i32>} : memref<1x1xf32, #tpu.memory_space<vmem>>, vector<1x1xf32>,
    %get3A_44 = arith.constant 0 : index
    %get3A_45 = arith.constant 0 : index
    %get3A_46 = vector.load %arg0[%get3A_44, %get3A_45] : memref<1024x201xi32, #tpu.memory_space<vmem>>, vector<1024x201xi32>
    %convert_element_type3A_47 = arith.sitofp %get3A_46 : vector<1024x201xi32> to vector<1024x201xf32>
    %reshape3A_48 = vector.shape_cast %convert_element_type3A_47 : vector<1024x201xf32> to vector<32x2x16x201xf32>
    %slice3A = vector.extract_strided_slice %reshape3A_48 {offsets = [0, 0, 0, 0], sizes = [32, 1, 16, 201], strides = [1, 1, 1, 1]} : vector<32x2x16x201xf32> to vector<32x1x16x201xf32>
    %squeeze3A = vector.shape_cast %slice3A : vector<32x1x16x201xf32> to vector<32x16x201xf32>
    %reduce_sum3A_49 = arith.constant dense<0.000000e+00> : vector<16x201xf32>
    %reduce_sum3A_50 = vector.multi_reduction <add>, %squeeze3A, %reduce_sum3A_49 [0] : vector<32x16x201xf32> to vector<16x201xf32>
    %slice3A_51 = vector.extract_strided_slice %reshape3A_48 {offsets = [0, 1, 0, 0], sizes = [32, 1, 16, 201], strides = [1, 1, 1, 1]} : vector<32x2x16x201xf32> to vector<32x1x16x201xf32>
    %squeeze3A_52 = vector.shape_cast %slice3A_51 : vector<32x1x16x201xf32> to vector<32x16x201xf32>
    %reduce_sum3A_53 = arith.constant dense<0.000000e+00> : vector<16x201xf32>
    %reduce_sum3A_54 = vector.multi_reduction <add>, %squeeze3A_52, %reduce_sum3A_53 [0] : vector<32x16x201xf32> to vector<16x201xf32>
    %reduce_sum3A_55 = arith.constant dense<0.000000e+00> : vector<16xf32>
    %reduce_sum3A_56 = vector.multi_reduction <add>, %reduce_sum3A_54, %reduce_sum3A_55 [1] : vector<16x201xf32> to vector<16xf32>
    %broadcast_in_dim3A_57 = vector.shape_cast %reduce_sum3A_56 : vector<16xf32> to vector<16x1xf32>
    %broadcast_in_dim3A_58 = arith.constant 0.000000e+00 : f32
    %broadcast_in_dim3A_59 = vector.broadcast %broadcast_in_dim3A_58 : f32 to vector<16x1xf32>
    %slice3A_60 = vector.extract_strided_slice %reduce_sum3A_50 {offsets = [0, 0], sizes = [16, 200], strides = [1, 1]} : vector<16x201xf32> to vector<16x200xf32>
    %concatenate3A = tpu.concatenate %broadcast_in_dim3A_59, %slice3A_60 in 1 : vector<16x1xf32>, vector<16x200xf32> -> vector<16x201xf32>
    %add3A = arith.addf %reduce_sum3A_50, %concatenate3A : vector<16x201xf32>
    %broadcast_in_dim3A_61 = arith.constant 0.000000e+00 : f32
    %broadcast_in_dim3A_62 = vector.broadcast %broadcast_in_dim3A_61 : f32 to vector<16x2xf32>
    %slice3A_63 = vector.extract_strided_slice %add3A {offsets = [0, 0], sizes = [16, 199], strides = [1, 1]} : vector<16x201xf32> to vector<16x199xf32>
    %concatenate3A_64 = tpu.concatenate %broadcast_in_dim3A_62, %slice3A_63 in 1 : vector<16x2xf32>, vector<16x199xf32> -> vector<16x201xf32>
    %add3A_65 = arith.addf %add3A, %concatenate3A_64 : vector<16x201xf32>
    %broadcast_in_dim3A_66 = arith.constant 0.000000e+00 : f32
    %broadcast_in_dim3A_67 = vector.broadcast %broadcast_in_dim3A_66 : f32 to vector<16x4xf32>
    %slice3A_68 = vector.extract_strided_slice %add3A_65 {offsets = [0, 0], sizes = [16, 197], strides = [1, 1]} : vector<16x201xf32> to vector<16x197xf32>
    %concatenate3A_69 = tpu.concatenate %broadcast_in_dim3A_67, %slice3A_68 in 1 : vector<16x4xf32>, vector<16x197xf32> -> vector<16x201xf32>
    %add3A_70 = arith.addf %add3A_65, %concatenate3A_69 : vector<16x201xf32>
    %broadcast_in_dim3A_71 = arith.constant 0.000000e+00 : f32
    %broadcast_in_dim3A_72 = vector.broadcast %broadcast_in_dim3A_71 : f32 to vector<16x8xf32>
    %slice3A_73 = vector.extract_strided_slice %add3A_70 {offsets = [0, 0], sizes = [16, 193], strides = [1, 1]} : vector<16x201xf32> to vector<16x193xf32>
    %concatenate3A_74 = tpu.concatenate %broadcast_in_dim3A_72, %slice3A_73 in 1 : vector<16x8xf32>, vector<16x193xf32> -> vector<16x201xf32>
    %add3A_75 = arith.addf %add3A_70, %concatenate3A_74 : vector<16x201xf32>
    %broadcast_in_dim3A_76 = arith.constant 0.000000e+00 : f32
    %broadcast_in_dim3A_77 = vector.broadcast %broadcast_in_dim3A_76 : f32 to vector<16x16xf32>
    %slice3A_78 = vector.extract_strided_slice %add3A_75 {offsets = [0, 0], sizes = [16, 185], strides = [1, 1]} : vector<16x201xf32> to vector<16x185xf32>
    %concatenate3A_79 = tpu.concatenate %broadcast_in_dim3A_77, %slice3A_78 in 1 : vector<16x16xf32>, vector<16x185xf32> -> vector<16x201xf32>
    %add3A_80 = arith.addf %add3A_75, %concatenate3A_79 : vector<16x201xf32>
    %broadcast_in_dim3A_81 = arith.constant 0.000000e+00 : f32
    %broadcast_in_dim3A_82 = vector.broadcast %broadcast_in_dim3A_81 : f32 to vector<16x32xf32>
    %slice3A_83 = vector.extract_strided_slice %add3A_80 {offsets = [0, 0], sizes = [16, 169], strides = [1, 1]} : vector<16x201xf32> to vector<16x169xf32>
    %concatenate3A_84 = tpu.concatenate %broadcast_in_dim3A_82, %slice3A_83 in 1 : vector<16x32xf32>, vector<16x169xf32> -> vector<16x201xf32>
    %add3A_85 = arith.addf %add3A_80, %concatenate3A_84 : vector<16x201xf32>
    %broadcast_in_dim3A_86 = arith.constant 0.000000e+00 : f32
    %broadcast_in_dim3A_87 = vector.broadcast %broadcast_in_dim3A_86 : f32 to vector<16x64xf32>
    %slice3A_88 = vector.extract_strided_slice %add3A_85 {offsets = [0, 0], sizes = [16, 137], strides = [1, 1]} : vector<16x201xf32> to vector<16x137xf32>
    %concatenate3A_89 = tpu.concatenate %broadcast_in_dim3A_87, %slice3A_88 in 1 : vector<16x64xf32>, vector<16x137xf32> -> vector<16x201xf32>
    %add3A_90 = arith.addf %add3A_85, %concatenate3A_89 : vector<16x201xf32>
    %broadcast_in_dim3A_91 = arith.constant 0.000000e+00 : f32
    %broadcast_in_dim3A_92 = vector.broadcast %broadcast_in_dim3A_91 : f32 to vector<16x128xf32>
    %slice3A_93 = vector.extract_strided_slice %add3A_90 {offsets = [0, 0], sizes = [16, 73], strides = [1, 1]} : vector<16x201xf32> to vector<16x73xf32>
    %concatenate3A_94 = tpu.concatenate %broadcast_in_dim3A_92, %slice3A_93 in 1 : vector<16x128xf32>, vector<16x73xf32> -> vector<16x201xf32>
    %add3A_95 = arith.addf %add3A_90, %concatenate3A_94 : vector<16x201xf32>
    %sub3A = arith.constant 1.000000e+06 : f32
    %sub3A_96 = vector.broadcast %sub3A : f32 to vector<16x201xf32>
    %sub3A_97 = arith.subf %sub3A_96, %add3A_95 : vector<16x201xf32>
    %add3A_98 = arith.addf %sub3A_97, %reduce_sum3A_50 : vector<16x201xf32>
    %slice3A_99 = vector.extract_strided_slice %add3A_98 {offsets = [0, 0], sizes = [16, 200], strides = [1, 1]} : vector<16x201xf32> to vector<16x200xf32>
    %broadcast_in_dim3A_100 = arith.constant 0.000000e+00 : f32
    %broadcast_in_dim3A_101 = vector.broadcast %broadcast_in_dim3A_100 : f32 to vector<16x1xf32>
    %slice3A_102 = vector.extract_strided_slice %reduce_sum3A_54 {offsets = [0, 0], sizes = [16, 200], strides = [1, 1]} : vector<16x201xf32> to vector<16x200xf32>
    %concatenate3A_103 = tpu.concatenate %broadcast_in_dim3A_101, %slice3A_102 in 1 : vector<16x1xf32>, vector<16x200xf32> -> vector<16x201xf32>
    %add3A_104 = arith.addf %reduce_sum3A_54, %concatenate3A_103 : vector<16x201xf32>
    %broadcast_in_dim3A_105 = arith.constant 0.000000e+00 : f32
    %broadcast_in_dim3A_106 = vector.broadcast %broadcast_in_dim3A_105 : f32 to vector<16x2xf32>
    %slice3A_107 = vector.extract_strided_slice %add3A_104 {offsets = [0, 0], sizes = [16, 199], strides = [1, 1]} : vector<16x201xf32> to vector<16x199xf32>
    %concatenate3A_108 = tpu.concatenate %broadcast_in_dim3A_106, %slice3A_107 in 1 : vector<16x2xf32>, vector<16x199xf32> -> vector<16x201xf32>
    %add3A_109 = arith.addf %add3A_104, %concatenate3A_108 : vector<16x201xf32>
    %broadcast_in_dim3A_110 = arith.constant 0.000000e+00 : f32
    %broadcast_in_dim3A_111 = vector.broadcast %broadcast_in_dim3A_110 : f32 to vector<16x4xf32>
    %slice3A_112 = vector.extract_strided_slice %add3A_109 {offsets = [0, 0], sizes = [16, 197], strides = [1, 1]} : vector<16x201xf32> to vector<16x197xf32>
    %concatenate3A_113 = tpu.concatenate %broadcast_in_dim3A_111, %slice3A_112 in 1 : vector<16x4xf32>, vector<16x197xf32> -> vector<16x201xf32>
    %add3A_114 = arith.addf %add3A_109, %concatenate3A_113 : vector<16x201xf32>
    %broadcast_in_dim3A_115 = arith.constant 0.000000e+00 : f32
    %broadcast_in_dim3A_116 = vector.broadcast %broadcast_in_dim3A_115 : f32 to vector<16x8xf32>
    %slice3A_117 = vector.extract_strided_slice %add3A_114 {offsets = [0, 0], sizes = [16, 193], strides = [1, 1]} : vector<16x201xf32> to vector<16x193xf32>
    %concatenate3A_118 = tpu.concatenate %broadcast_in_dim3A_116, %slice3A_117 in 1 : vector<16x8xf32>, vector<16x193xf32> -> vector<16x201xf32>
    %add3A_119 = arith.addf %add3A_114, %concatenate3A_118 : vector<16x201xf32>
    %broadcast_in_dim3A_120 = arith.constant 0.000000e+00 : f32
    %broadcast_in_dim3A_121 = vector.broadcast %broadcast_in_dim3A_120 : f32 to vector<16x16xf32>
    %slice3A_122 = vector.extract_strided_slice %add3A_119 {offsets = [0, 0], sizes = [16, 185], strides = [1, 1]} : vector<16x201xf32> to vector<16x185xf32>
    %concatenate3A_123 = tpu.concatenate %broadcast_in_dim3A_121, %slice3A_122 in 1 : vector<16x16xf32>, vector<16x185xf32> -> vector<16x201xf32>
    %add3A_124 = arith.addf %add3A_119, %concatenate3A_123 : vector<16x201xf32>
    %broadcast_in_dim3A_125 = arith.constant 0.000000e+00 : f32
    %broadcast_in_dim3A_126 = vector.broadcast %broadcast_in_dim3A_125 : f32 to vector<16x32xf32>
    %slice3A_127 = vector.extract_strided_slice %add3A_124 {offsets = [0, 0], sizes = [16, 169], strides = [1, 1]} : vector<16x201xf32> to vector<16x169xf32>
    %concatenate3A_128 = tpu.concatenate %broadcast_in_dim3A_126, %slice3A_127 in 1 : vector<16x32xf32>, vector<16x169xf32> -> vector<16x201xf32>
    %add3A_129 = arith.addf %add3A_124, %concatenate3A_128 : vector<16x201xf32>
    %broadcast_in_dim3A_130 = arith.constant 0.000000e+00 : f32
    %broadcast_in_dim3A_131 = vector.broadcast %broadcast_in_dim3A_130 : f32 to vector<16x64xf32>
    %slice3A_132 = vector.extract_strided_slice %add3A_129 {offsets = [0, 0], sizes = [16, 137], strides = [1, 1]} : vector<16x201xf32> to vector<16x137xf32>
    %concatenate3A_133 = tpu.concatenate %broadcast_in_dim3A_131, %slice3A_132 in 1 : vector<16x64xf32>, vector<16x137xf32> -> vector<16x201xf32>
    %add3A_134 = arith.addf %add3A_129, %concatenate3A_133 : vector<16x201xf32>
    %broadcast_in_dim3A_135 = arith.constant 0.000000e+00 : f32
    %broadcast_in_dim3A_136 = vector.broadcast %broadcast_in_dim3A_135 : f32 to vector<16x128xf32>
    %slice3A_137 = vector.extract_strided_slice %add3A_134 {offsets = [0, 0], sizes = [16, 73], strides = [1, 1]} : vector<16x201xf32> to vector<16x73xf32>
    %concatenate3A_138 = tpu.concatenate %broadcast_in_dim3A_136, %slice3A_137 in 1 : vector<16x128xf32>, vector<16x73xf32> -> vector<16x201xf32>
    %add3A_139 = arith.addf %add3A_134, %concatenate3A_138 : vector<16x201xf32>
    %sub3A_140 = vector.broadcast %broadcast_in_dim3A_57 : vector<16x1xf32> to vector<16x201xf32>
    %sub3A_141 = arith.subf %sub3A_140, %add3A_139 : vector<16x201xf32>
    %add3A_142 = arith.addf %sub3A_141, %reduce_sum3A_54 : vector<16x201xf32>
    %slice3A_143 = vector.extract_strided_slice %add3A_142 {offsets = [0, 0], sizes = [16, 200], strides = [1, 1]} : vector<16x201xf32> to vector<16x200xf32>
    %max3A_144 = arith.constant 1.000000e+00 : f32
    %max3A_145 = vector.broadcast %max3A_144 : f32 to vector<16x200xf32>
    %max3A_146 = arith.maximumf %slice3A_99, %max3A_145 : vector<16x200xf32>
    %div3A_147 = arith.divf %slice3A_143, %max3A_146 : vector<16x200xf32>
    %max3A_148 = arith.constant 1.000000e+00 : f32
    %max3A_149 = vector.broadcast %max3A_148 : f32 to vector<16x1xf32>
    %max3A_150 = arith.maximumf %broadcast_in_dim3A_57, %max3A_149 : vector<16x1xf32>
    %div3A_151 = vector.broadcast %max3A_150 : vector<16x1xf32> to vector<16x200xf32>
    %div3A_152 = arith.divf %slice3A_143, %div3A_151 : vector<16x200xf32>
    %broadcast_in_dim3A_153 = arith.constant 1.000000e+00 : f32
    %broadcast_in_dim3A_154 = vector.broadcast %broadcast_in_dim3A_153 : f32 to vector<16x1xf32>
    %broadcast_in_dim3A_155 = arith.constant 0.000000e+00 : f32
    %broadcast_in_dim3A_156 = vector.broadcast %broadcast_in_dim3A_155 : f32 to vector<16x1xf32>
    %concatenate3A_157 = tpu.concatenate %div3A_147, %broadcast_in_dim3A_154 in 1 : vector<16x200xf32>, vector<16x1xf32> -> vector<16x201xf32>
    %swap3A_158 = arith.constant 0 : index
    %swap3A_159 = arith.constant 0 : index
    %swap3A_160 = vector.load %arg4[%swap3A_158, %swap3A_159] : memref<16x201xf32, #tpu.memory_space<vmem>>, vector<16x201xf32>
    tpu.vector_store %arg4[%swap3A_158, %swap3A_159], %concatenate3A_157 {strides = array<i32>} : memref<16x201xf32, #tpu.memory_space<vmem>>, vector<16x201xf32>,
    %concatenate3A_161 = tpu.concatenate %div3A_152, %broadcast_in_dim3A_156 in 1 : vector<16x200xf32>, vector<16x1xf32> -> vector<16x201xf32>
    %swap3A_162 = arith.constant 0 : index
    %swap3A_163 = arith.constant 0 : index
    %swap3A_164 = vector.load %arg5[%swap3A_162, %swap3A_163] : memref<16x201xf32, #tpu.memory_space<vmem>>, vector<16x201xf32>
    tpu.vector_store %arg5[%swap3A_162, %swap3A_163], %concatenate3A_161 {strides = array<i32>} : memref<16x201xf32, #tpu.memory_space<vmem>>, vector<16x201xf32>,
    %slice3A_165 = vector.extract_strided_slice %div3A_152 {offsets = [0, 1], sizes = [16, 199], strides = [1, 1]} : vector<16x200xf32> to vector<16x199xf32>
    %concatenate3A_166 = tpu.concatenate %slice3A_165, %broadcast_in_dim3A_156 in 1 : vector<16x199xf32>, vector<16x1xf32> -> vector<16x200xf32>
    %sub3A_167 = arith.subf %div3A_152, %concatenate3A_166 : vector<16x200xf32>
    %mul3A = arith.mulf %sub3A_167, %div3A_147 : vector<16x200xf32>
    %reduce_sum3A_168 = arith.constant dense<0.000000e+00> : vector<16xf32>
    %reduce_sum3A_169 = vector.multi_reduction <add>, %mul3A, %reduce_sum3A_168 [1] : vector<16x200xf32> to vector<16xf32>
    %broadcast_in_dim3A_170 = vector.shape_cast %reduce_sum3A_169 : vector<16xf32> to vector<16x1xf32>
    %reduce_sum3A_171 = vector.shape_cast %broadcast_in_dim3A_170 : vector<16x1xf32> to vector<1x16x1xf32>
    %reduce_sum3A_172 = arith.constant dense<0.000000e+00> : vector<1xf32>
    %reduce_sum3A_173 = vector.multi_reduction <add>, %reduce_sum3A_171, %reduce_sum3A_172 [1, 2] : vector<1x16x1xf32> to vector<1xf32>
    %reduce_sum3A_174 = vector.shape_cast %reduce_sum3A_173 : vector<1xf32> to vector<1x1x1xf32>
    %reduce_sum3A_175 = vector.extract %reduce_sum3A_174[0, 0, 0] : f32 from vector<1x1x1xf32>
    %div3A_176 = arith.constant 1.600000e+01 : f32
    %div3A_177 = arith.divf %reduce_sum3A_175, %div3A_176 : f32
    %reshape3A_178 = vector.broadcast %div3A_177 : f32 to vector<1x1xf32>
    %swap3A_179 = arith.constant 0 : index
    %swap3A_180 = arith.constant 0 : index
    %swap3A_181 = vector.load %arg3[%swap3A_179, %swap3A_180] : memref<1x1xf32, #tpu.memory_space<vmem>>, vector<1x1xf32>
    tpu.vector_store %arg3[%swap3A_179, %swap3A_180], %reshape3A_178 {strides = array<i32>} : memref<1x1xf32, #tpu.memory_space<vmem>>, vector<1x1xf32>,
    %get3A_182 = arith.constant 0 : index
    %get3A_183 = arith.constant 0 : index
    %get3A_184 = vector.load %arg2[%get3A_182, %get3A_183] : memref<1x1xf32, #tpu.memory_space<vmem>>, vector<1x1xf32>
    %div3A_185 = arith.constant 1.000000e+06 : f32
    %div3A_186 = vector.broadcast %div3A_185 : f32 to vector<1x1xf32>
    %div3A_187 = arith.divf %get3A_184, %div3A_186 : vector<1x1xf32>
    %swap3A_188 = arith.constant 0 : index
    %swap3A_189 = arith.constant 0 : index
    %swap3A_190 = vector.load %arg9[%swap3A_188, %swap3A_189] : memref<1x1xf32, #tpu.memory_space<vmem>>, vector<1x1xf32>
    tpu.vector_store %arg9[%swap3A_188, %swap3A_189], %div3A_187 {strides = array<i32>} : memref<1x1xf32, #tpu.memory_space<vmem>>, vector<1x1xf32>,
    return
  }
}

</mosaic_0001>

<sc_bundles>
// kernel: kernel.5.cloned.1.call-start
scs
__scs_entry_jumppad:
0x0: {  	(pc) =	sbr.rel $0x88, $3  }
0x1: {  	(tag) =	ssettag $0x0;
	lr =	simm.s32 $0x1  }
0x2: {  	[smem:$0x3F9F] =	sst lr;
	_ =	strace $0xD0000000  }
0x3: {  	_ = 	snop  }
0x4: {  	_ = 	snop  }
0x5: {  	_ = 	snop  }
0x6: {  	_ = 	snop  }
0x7: {  	_ = 	snop  }
__scs_overlays_trampoline_lowered:
0x8: {  	[smem:$0x3FAE] =	sst s0  }
0x9: {  	[smem:$0x3FAF] =	sst s1  }
0xa: {  	[smem:$0x3FB0] =	sst s2  }
0xb: {  	[smem:$0x3FB1] =	sst s3  }
0xc: {  	[smem:$0x3FB2] =	sst s4  }
0xd: {  	[smem:$0x3FB3] =	sst s5  }
0xe: {  	[smem:$0x3FB4] =	sst s6  }
0xf: {  	[smem:$0x3FB5] =	sst s7  }
0x10: {  	[smem:$0x3FB6] =	sst s8  }
0x11: {  	[smem:$0x3FB7] =	sst s9;
	s0 =	simm.s32 @!p0 $0x0  }
0x12: {  	s1 =	sld [smem:$0x3F9D];
	s0 =	simm.s32 @p0 $0x1  }
0x13: {  	[smem:$0x3FB8] =	sst s0;
	s0 =	simm.s32 @!p1 $0x0  }
0x14: {  	s2 =	sld [smem:$0x3F9C];
	s0 =	simm.s32 @p1 $0x1  }
0x15: {  	[smem:$0x3FB9] =	sst s0;
	s0 =	simm.s32 @!p2 $0x0  }
0x16: {  	s3 =	sld [smem:$0x3FDB];
	s0 =	simm.s32 @p2 $0x1  }
0x17: {  	s4 =	simm.s32 $0x1BF5;
	[smem:$0x3FBB] =	sst s0  }
0x18: {  	s0 =	sld [smem:$0x3F9E];
	_ =	swait.ge [sflag:s4], $0x0  }
0x19: {  	s7 =	sld [smem:$0x3F9F]  }
0x1a: {  	s8 =	sadd.s32 $0xFFFFE003, lr  }
0x1b: {  	s9 =	sadd.s32 $0xFFFFFEF7, lr;
	s5 =	simm.s32 $0xFFFFFFFF;
	p2 =	slt.u32 s8, $0xFFFFF086  }
0x1c: {  	p1 =	slt.u32 s9, $0xF7A;
	s5 =	simm.s32 @!p2 $0x0  }
0x1d: {  	s5 =	simm.s32 @p1 $0x1;
	p0 =	seq.s32 s7, s2  }
0x1e: {  	s7 =	smul.u32 @!p0 $0xF7A, s2;
	p2 =	seq.s32 @!p0 s5, $0x0  }
0x1f: {  	s9 =	smul.u32 $0xF7A, s1;
	s8 =	simm.s32 @!p0 $0x1BF5;
	p2 =	por !p2, p0  }
0x20: {  	[sflag:s8] =	ssyncset.s32 @!p0 $0xFFFFF086;
	s6 =	sadd.s32 @!p0 s3, s7;
	s7 =	simm.s32 @!p0 $0x108  }
0x21: {  	s3 =	sadd.s32 s3, s9;
	s6 =	sadd.s32 @!p0 $0x88, s6;
	s7 =	simm.s32 @p2 $0x1082  }
0x22: {  	[simem:s7], [sflag:s8] =	dma.local @!p0 [hbm:s6], $0xF7A  }
0x23: {  	s9 =	sor.u32 $0xD0000000, s2;
	s6 =	simm.s32 $0x108;
	_ =	swait.ge @!p0 [sflag:s8], $0x0  }
0x24: {  	s3 =	sadd.s32 $0x88, s3;
	s6 =	simm.s32 @!p1 $0x1082;
	[sflag:s4] =	ssyncset.s32 $0xFFFFF086  }
0x25: {  	[simem:s6], [sflag:s4] =	dma.local [hbm:s3], $0xF7A  }
0x26: {  	[smem:$0x3F9F] =	sst s1;
	(tag) =	ssettag s2;
	_ =	strace s9  }
0x27: {  	s1 =	sld [smem:$0x3FAF]  }
0x28: {  	s2 =	sld [smem:$0x3FB0]  }
0x29: {  	s4 =	sld [smem:$0x3FB2]  }
0x2a: {  	p0 =	seq.s32 s5, $0x0;
	s5 =	sld [smem:$0x3FB3]  }
0x2b: {  	s6 =	sld [smem:$0x3FB4]  }
0x2c: {  	s7 =	sld [smem:$0x3FB5]  }
0x2d: {  	s3 =	simm.s32 $0x108;
	s8 =	sld [smem:$0x3FB6]  }
0x2e: {  	s3 =	simm.s32 @!p0 $0x1082;
	s9 =	sld [smem:$0x3FB7]  }
0x2f: {  	lr =	sadd.s32 s0, s3;
	s0 =	sld [smem:$0x3FAE]  }
0x30: {  	s3 =	sld [smem:$0x3FB1]  }
0x31: {  	[smem:$0x3FBA] =	sst s10  }
0x32: {  	s10 =	sld [smem:$0x3FB8];
	_ =	sdelay $0x3  }
0x33: {  	p0 =	seq.s32 s10, $0x1;
	s10 =	sld [smem:$0x3FBA];
	_ =	sdelay $0x3  }
0x34: {  	[smem:$0x3FBA] =	sst s10  }
0x35: {  	s10 =	sld [smem:$0x3FB9];
	_ =	sdelay $0x3  }
0x36: {  	p1 =	seq.s32 s10, $0x1;
	s10 =	sld [smem:$0x3FBA];
	_ =	sdelay $0x3  }
0x37: {  	[smem:$0x3FBA] =	sst s10  }
0x38: {  	s10 =	sld [smem:$0x3FBB]  }
0x39: {  	_ = 	snop;
	(pc) =	sbr.ind lr, $3  }
0x3a: {  	_ = 	snop  }
0x3b: {  	_ = 	snop  }
0x3c: {  	p2 =	seq.s32 s10, $0x1;
	s10 =	sld [smem:$0x3FBA]  }
0x3d: {  	_ =	shalt  }
0x3e: {  	_ =	shalt  }
0x3f: {  	_ =	shalt  }
0x40: {  	_ =	shalt  }
0x41: {  	_ =	shalt  }
0x42: {  	_ =	shalt  }
0x43: {  	_ =	shalt  }
0x44: {  	_ =	shalt  }
0x45: {  	_ =	shalt  }
0x46: {  	_ =	shalt  }
0x47: {  	_ =	shalt  }
0x48: {  	_ =	shalt  }
0x49: {  	_ =	shalt  }
0x4a: {  	_ =	shalt  }
0x4b: {  	_ =	shalt  }
0x4c: {  	_ =	shalt  }
0x4d: {  	_ =	shalt  }
0x4e: {  	_ =	shalt  }
0x4f: {  	_ =	shalt  }
0x50: {  	_ =	shalt  }
0x51: {  	_ =	shalt  }
0x52: {  	_ =	shalt  }
0x53: {  	_ =	shalt  }
0x54: {  	_ =	shalt  }
0x55: {  	_ =	shalt  }
0x56: {  	_ =	shalt  }
0x57: {  	_ =	shalt  }
0x58: {  	_ =	shalt  }
0x59: {  	_ =	shalt  }
0x5a: {  	_ =	shalt  }
0x5b: {  	_ =	shalt  }
0x5c: {  	_ =	shalt  }
0x5d: {  	_ =	shalt  }
0x5e: {  	_ =	shalt  }
0x5f: {  	_ =	shalt  }
0x60: {  	_ =	shalt  }
0x61: {  	_ =	shalt  }
0x62: {  	_ =	shalt  }
0x63: {  	_ =	shalt  }
0x64: {  	_ =	shalt  }
0x65: {  	_ =	shalt  }
0x66: {  	_ =	shalt  }
0x67: {  	_ =	shalt  }
0x68: {  	_ =	shalt  }
0x69: {  	_ =	shalt  }
0x6a: {  	_ =	shalt  }
0x6b: {  	_ =	shalt  }
0x6c: {  	_ =	shalt  }
0x6d: {  	_ =	shalt  }
0x6e: {  	_ =	shalt  }
0x6f: {  	_ =	shalt  }
0x70: {  	_ =	shalt  }
0x71: {  	_ =	shalt  }
0x72: {  	_ =	shalt  }
0x73: {  	_ =	shalt  }
0x74: {  	_ =	shalt  }
0x75: {  	_ =	shalt  }
0x76: {  	_ =	shalt  }
0x77: {  	_ =	shalt  }
0x78: {  	_ =	shalt  }
0x79: {  	_ =	shalt  }
0x7a: {  	_ =	shalt  }
0x7b: {  	_ =	shalt  }
0x7c: {  	_ =	shalt  }
0x7d: {  	_ =	shalt  }
0x7e: {  	_ =	shalt  }
0x7f: {  	_ =	shalt  }
0x80: {  	_ =	shalt  }
0x81: {  	_ =	shalt  }
0x82: {  	_ =	shalt  }
0x83: {  	_ =	shalt  }
0x84: {  	_ =	shalt  }
0x85: {  	_ =	shalt  }
0x86: {  	_ =	shalt  }
0x87: {  	_ =	shalt  }
.Lfunc_end0:
.L_simem_size_0:
called_computation.1_lowered:
.L_overlay_start_0:
0x88: {  	s2 =	sld [smem:$0x3FD9]  }
0x89: {  	s3 =	sld [smem:$0x3FFE];
	_ =	sdelay $0x1  }
0x8a: {  	s1 =	srdreg.scid  }
0x8b: {  	s0 =	sand.u32 $0x1, s1  }
0x8c: {  	s16 =	sshll.u32 s0, $0xA;
	s2 =	sadd.s32 s3, s2  }
0x8d: {  	s2 =	sadd.s32 s2, s16  }
0x8e: {  	[smem:$0x3FC6] =	sst s2  }
0x8f: {  	_ = 	snop  }
0x90: {  	(tm) =	ssettm $0x1  }
0x91: {  	s17 =	sld [smem:$0x3FFB];
	_ =	sdelay $0x3  }
0x92: {  	_ =	strace s17  }
0x93: {  	s2 =	sld [smem:$0x3FFC];
	_ =	sdelay $0x3  }
0x94: {  	_ =	strace s2  }
0x95: {  	s2 =	sld [smem:$0x3FFD];
	_ =	sdelay $0x3  }
0x96: {  	_ =	strace s2  }
0x97: {  	_ =	strace $0x8FFFFFFF  }
0x98: {  	s18 =	sld [smem:$0x3FDB];
	_ =	sdelay $0x1  }
0x99: {  	s19 =	simm.s32 $_scs_section_size  }
0x9a: {  	s4 =	simm.s32 $_size__tile_overlayer_lowered;
	s5 =	simm.s32 $_tile_overlayer_lowered  }
0x9b: {  	s22 =	simm.s32 $0x1BFF;
	s21 =	sshll.u32 s5, $0x1;
	s2 =	sadd.s32 s19, s18  }
0x9c: {  	s6 =	simm.s32 $0x0;
	s20 =	sshll.u32 s4, $0x1;
	s4 =	sadd.s32 s21, s2  }
0x9d: {  	[timem:s6], [sflag:s22] =	dma.local [hbm:s4], s20  }
0x9e: {  	_ =	swait.ge [sflag:s22], s20  }
0x9f: {  	s3 =	ssub.s32 $0x0, s20;
	[sflag:s22] =	ssyncset.done $0x0  }
0xa0: {  	[sflag:s22] =	ssyncadd.s32 s3;
	_ =	sdelay $0x1  }
0xa1: {  	s23 =	simm.s32 $0x1B8B  }
0xa2: {  	_ =	swait.ge [sflag:s23], $0x1  }
0xa3: {  	[sflag:s23] =	ssyncset.done $0x0  }
0xa4: {  	s25 =	simm.s32 $0x1B8E;
	s24 =	sld [smem:$0x3FFE];
	[sflag:s23] =	ssyncadd.s32 $0xFFFFFFFF  }
0xa5: {  	s26 =	simm.s32 $execute0_lowered;
	[smem:$0x3FD2] =	sst s25  }
0xa6: {  	s4 =	sshll.u32 s26, $0x1;
	_ =	strace $0x80000049;
	[dreg:$0x1] =	wrdreg $0xFFFFFFFF  }
0xa7: {  	s28 =	simm.s32 $_size_execute0_lowered;
	s2 =	sadd.s32 s2, s4;
	[dreg:$0x0] =	wrdreg $0x0  }
0xa8: {  	s4 =	sshll.u32 s28, $0x1;
	[dreg:$0x2] =	wrdreg s2  }
0xa9: {  	[dreg:$0x3] =	wrdreg s4  }
0xaa: {  	[dreg:$0x4] =	wrdreg $0xC0  }
0xab: {  	_ =	task [dreg:s6], $0x5FFFF  }
0xac: {  	[dreg:$0x1] =	wrdreg $0xFFFFFFFF  }
0xad: {  	[dreg:$0x0] =	wrdreg $0x60  }
0xae: {  	[dreg:$0x2] =	wrdreg s24  }
0xaf: {  	[dreg:$0x3] =	wrdreg $0x9  }
0xb0: {  	_ =	task.clear_ibuf [dreg:s6], $0x4FFFF;
	_ =	strace $0x90000049  }
0xb1: {  	s29 =	simm.s32 $0x9;
	_ =	strace $0x8000004B  }
0xb2: {  	_ =	swait.ge [sflag:s29], $0x1  }
0xb3: {  	[sflag:s29] =	ssyncadd.s32 $0xFFFFFFFF  }
0xb4: {  	_ =	strace $0x9000004B  }
0xb5: {  	_ =	sfence  }
0xb6: {  	s30 =	sld [smem:$0x0];
	_ =	sdelay $0x2  }
0xb7: {  	s31 =	sshll.u32 s1, $0xD;
	s1 =	sshrl.u32 s1, $0x2  }
0xb8: {  	s3 =	sand.u32 $0x4000, s31;
	s1 =	sadd.s32 s1, s30  }
0xb9: {  	s0 =	sor.u32 s3, s0;
	s1 =	sshll.u32 s1, $0x11  }
0xba: {  	s0 =	sor.u32 s1, s0  }
0xbb: {  	s0 =	sadd.s32 $0x8F2B, s0  }
0xbc: {  	[sflag:s0] =	ssyncadd.remote.s32 $0x1  }
0xbd: {  	_ =	sfence.sel $0xFFFF  }
0xbe: {  	[dreg:$0x0] =	wrdreg $0xFFFFFFFF;
	(pc) =	sbr.abs _section_cstart, $3  }
0xbf: {  	[dreg:$0x1] =	wrdreg $0xFFFFFFFF  }
0xc0: {  	_ =	task.clear_ibuf [dreg:s6], $0x2FFFF;
	_ =	strace $0x9FFFFFFF  }
0xc1: {  	(tm) =	ssettm $0x7FFFFFFF  }
tec
execute0_lowered:
.L_overlay_start_1:
0x0: {  	(tag) =	ssettag $0x1  }
0x1: {  	s0 =	srdreg.scid;
	s9 =	stileid.u32  }
0x2: {  	s0 =	sand.u32 $0x1, s0;
	s1 =	sshll.u32 s9, $0x1  }
0x3: {  	s2 =	sor.u32 s0, s1  }
0x4: {  	s1 =	smul.u32 $0x34, s2;
	_ =	sdelay $0x1  }
0x5: {  	s1 =	sshrl.u32 s1, $0x8  }
0x6: {  	s3 =	smul.u32 $0x5, s1;
	_ =	sdelay $0x1  }
0x7: {  	s3 =	ssub.s32 s2, s3  }
0x8: {  	s1 =	smul.u32 $0xFA00, s1;
	s3 =	sand.u32 $0xFF, s3  }
0x9: {  	s3 =	smul.u32 $0x320, s3  }
0xa: {  	s6 =	rddreg [dreg:$0x0]  }
0xb: {  	s4 =	simm.s32 $0x0;
	s7 =	smul.u32 $0x324, s2;
	s1 =	sadd.s32 s3, s1  }
0xc: {  	[smem:$0x7FF] =	sst s4;
	s4 =	sadd.s32 $0x1F4E00, s6;
	s1 =	sshrl.u32 s1, $0x3  }
0xd: {  	s11 =	sadd.s32 s7, s6;
	s7 =	sadd.s32 s4, s1  }
0xe: {  	s1 =	sadd.s32 $0x1F4, s7  }
0xf: {  	_ =	strace $0x8000004A;
	s12 =	sadd.s32 $0x3E8, s7;
	[dreg:$0x2] =	wrdreg s1  }
0x10: {  	s13 =	sadd.s32 $0x5DC, s7;
	[dreg:$0x3] =	wrdreg s12  }
0x11: {  	s14 =	sadd.s32 $0x7D0, s7;
	[dreg:$0x4] =	wrdreg s13  }
0x12: {  	s28 =	simm.s32 $0x6B00;
	s15 =	sadd.s32 $0x9C4, s7;
	[dreg:$0x5] =	wrdreg s14  }
0x13: {  	s29 =	simm.s32 $0x2;
	s16 =	sadd.s32 $0xBB8, s7;
	[dreg:$0x6] =	wrdreg s15  }
0x14: {  	s30 =	simm.s32 $0x3;
	s17 =	sadd.s32 $0xDAC, s7;
	[dreg:$0x7] =	wrdreg s16  }
0x15: {  	s31 =	simm.s32 $0x0;
	s18 =	sadd.s32 $0xFA0, s7;
	[dreg:$0x8] =	wrdreg s17  }
0x16: {  	s5 =	sadd.s32 $0xC00, s6;
	s19 =	sadd.s32 $0x1194, s7;
	[dreg:$0x9] =	wrdreg s18  }
0x17: {  	p0 =	seq.s32 s9, $0x0;
	s20 =	sadd.s32 $0x1388, s7;
	[dreg:$0xa] =	wrdreg s19  }
0x18: {  	s0 =	ssub.s32 $0x2, s0;
	s21 =	sadd.s32 $0x157C, s7;
	[dreg:$0xb] =	wrdreg s20  }
0x19: {  	s8 =	sshrl.u32 s0, $0x1;
	s22 =	sadd.s32 $0x1770, s7;
	[dreg:$0xc] =	wrdreg s21  }
0x1a: {  	s23 =	smul.u32 $0x64, s2;
	s24 =	sadd.s32 $0x1964, s7;
	[dreg:$0xd] =	wrdreg s22  }
0x1b: {  	s0 =	ssub.s32 s0, s8;
	s25 =	sadd.s32 $0x1B58, s7;
	[dreg:$0xe] =	wrdreg s24  }
0x1c: {  	s6 =	simm.s32 $0x28;
	s26 =	sadd.s32 $0x1D4C, s7;
	[dreg:$0xf] =	wrdreg s25  }
0x1d: {  	v0 =	vlaneseq.u32;
	s23 =	sadd.s32 s5, s23;
	s6 =	simm.s32 @!p0 $0x27;
	[dreg:$0x10] =	wrdreg s26  }
0x1e: {  	v1 =	vimm.s32 $0x0;
	v2 =	vimm.s32 $0x1;
	v3 =	vmul.u32 $0x10, v0;
	s24 =	sadd.s32 $0x1F600, s11;
	s25 =	smax.u32 s0, $0x1;
	s26 =	simm.s32 $0x1  }
.LBB2_1:
0x1f: {  	s0 =	simm.s32 $0x6B80  }
0x20: {  	[tilespmem:s0+$0xFFFFFF80] =	vst v1  }
0x21: {  	[tilespmem:s0+$0x70] =	vst v1  }
0x22: {  	[tilespmem:s0+$0x60] =	vst v1  }
0x23: {  	[tilespmem:s0+$0x50] =	vst v1  }
0x24: {  	[tilespmem:s0+$0x40] =	vst v1  }
0x25: {  	[tilespmem:s0+$0x30] =	vst v1  }
0x26: {  	[tilespmem:s0+$0x20] =	vst v1  }
0x27: {  	[tilespmem:s0+$0x10] =	vst v1  }
0x28: {  	[tilespmem:s0+$0x0] =	vst v1  }
0x29: {  	[tilespmem:s0+$0xFFFFFFF0] =	vst v1  }
0x2a: {  	[tilespmem:s0+$0xFFFFFFE0] =	vst v1  }
0x2b: {  	[tilespmem:s0+$0xFFFFFFD0] =	vst v1  }
0x2c: {  	[tilespmem:s0+$0xFFFFFFC0] =	vst v1  }
0x2d: {  	[tilespmem:s0+$0xFFFFFFB0] =	vst v1  }
0x2e: {  	s1 =	simm.s32 $0x0;
	[tilespmem:s0+$0xFFFFFFA0] =	vst v1  }
.LBB2_2:
0x2f: {  	s1 =	sadd.s32 $0x10, s1;
	[tilespmem:s0+$0xFFFFFF90] =	vst v1;
	s0 =	sadd.s32 $0x100, s0  }
0x30: {  	[tilespmem:s0+$0xFFFFFF80] =	vst v1;
	p0 =	slt.u32 s1, $0x1910  }
0x31: {  	[tilespmem:s0+$0x70] =	vst v1  }
0x32: {  	[tilespmem:s0+$0x60] =	vst v1  }
0x33: {  	[tilespmem:s0+$0x50] =	vst v1  }
0x34: {  	[tilespmem:s0+$0x40] =	vst v1  }
0x35: {  	[tilespmem:s0+$0x30] =	vst v1  }
0x36: {  	[tilespmem:s0+$0x20] =	vst v1  }
0x37: {  	[tilespmem:s0+$0x10] =	vst v1  }
0x38: {  	[tilespmem:s0+$0x0] =	vst v1  }
0x39: {  	[tilespmem:s0+$0xFFFFFFF0] =	vst v1  }
.Ltmp0:
0x3a: {  	[tilespmem:s0+$0xFFFFFFE0] =	vst v1;
	(pc) =	sbr.rel @p0 .LBB2_2-.Ltmp0, $4  }
0x3b: {  	[tilespmem:s0+$0xFFFFFFD0] =	vst v1  }
0x3c: {  	[tilespmem:s0+$0xFFFFFFC0] =	vst v1  }
0x3d: {  	[tilespmem:s0+$0xFFFFFFB0] =	vst v1  }
0x3e: {  	[tilespmem:s0+$0xFFFFFFA0] =	vst v1  }
0x3f: {  	[tilespmem:s0+$0xFFFFFF90] =	vst v1;
	s1 =	simm.s32 $0x0  }
0x40: {  	[tilespmem:s1], [sflag:$0x1] =	stream.linear.gather [hbm4b:s7+s1], $0x320, $0x38;
	[tilespmem:$0x1FD00] =	vst v63  }
0x41: {  	s8 =	rddreg [dreg:$0x2];
	s3 =	simm.s32 $0x320  }
0x42: {  	[tilespmem:s3], [sflag:$0x1] =	stream.linear.gather [hbm4b:s8+s1], $0x320, $0x38;
	[tilespmem:$0x1FD00] =	vst v63  }
0x43: {  	s9 =	rddreg [dreg:$0x3];
	s10 =	simm.s32 $0x640  }
0x44: {  	[tilespmem:s10], [sflag:$0x1] =	stream.linear.gather [hbm4b:s9+s1], $0x320, $0x38;
	[tilespmem:$0x1FD00] =	vst v63  }
0x45: {  	s11 =	rddreg [dreg:$0x4];
	s12 =	simm.s32 $0x960  }
0x46: {  	[tilespmem:s12], [sflag:$0x1] =	stream.linear.gather [hbm4b:s11+s1], $0x320, $0x38;
	[tilespmem:$0x1FD00] =	vst v63  }
0x47: {  	s13 =	rddreg [dreg:$0x5];
	s14 =	simm.s32 $0xC80  }
0x48: {  	[tilespmem:s14], [sflag:$0x1] =	stream.linear.gather [hbm4b:s13+s1], $0x320, $0x38;
	[tilespmem:$0x1FD00] =	vst v63  }
0x49: {  	s15 =	rddreg [dreg:$0x6];
	s16 =	simm.s32 $0xFA0  }
0x4a: {  	[tilespmem:s16], [sflag:$0x1] =	stream.linear.gather [hbm4b:s15+s1], $0x320, $0x38;
	[tilespmem:$0x1FD00] =	vst v63  }
0x4b: {  	s17 =	rddreg [dreg:$0x7];
	s18 =	simm.s32 $0x12C0  }
0x4c: {  	[tilespmem:s18], [sflag:$0x1] =	stream.linear.gather [hbm4b:s17+s1], $0x320, $0x38;
	[tilespmem:$0x1FD00] =	vst v63  }
0x4d: {  	s19 =	rddreg [dreg:$0x8];
	s20 =	simm.s32 $0x15E0  }
0x4e: {  	[tilespmem:s20], [sflag:$0x1] =	stream.linear.gather [hbm4b:s19+s1], $0x320, $0x38;
	[tilespmem:$0x1FD00] =	vst v63  }
0x4f: {  	s21 =	rddreg [dreg:$0x9];
	s22 =	simm.s32 $0x1900  }
0x50: {  	[tilespmem:s22], [sflag:$0x1] =	stream.linear.gather [hbm4b:s21+s1], $0x320, $0x38;
	[tilespmem:$0x1FD00] =	vst v63  }
0x51: {  	s8 =	rddreg [dreg:$0xa];
	s9 =	simm.s32 $0x1C20  }
0x52: {  	[tilespmem:s9], [sflag:$0x1] =	stream.linear.gather [hbm4b:s8+s1], $0x320, $0x38;
	[tilespmem:$0x1FD00] =	vst v63  }
0x53: {  	s10 =	rddreg [dreg:$0xb];
	s11 =	simm.s32 $0x1F40  }
0x54: {  	[tilespmem:s11], [sflag:$0x1] =	stream.linear.gather [hbm4b:s10+s1], $0x320, $0x38;
	[tilespmem:$0x1FD00] =	vst v63  }
0x55: {  	s12 =	rddreg [dreg:$0xc];
	s13 =	simm.s32 $0x2260  }
0x56: {  	[tilespmem:s13], [sflag:$0x1] =	stream.linear.gather [hbm4b:s12+s1], $0x320, $0x38;
	[tilespmem:$0x1FD00] =	vst v63  }
0x57: {  	s14 =	rddreg [dreg:$0xd];
	s15 =	simm.s32 $0x2580  }
0x58: {  	[tilespmem:s15], [sflag:$0x1] =	stream.linear.gather [hbm4b:s14+s1], $0x320, $0x38;
	[tilespmem:$0x1FD00] =	vst v63  }
0x59: {  	s16 =	rddreg [dreg:$0xe];
	s17 =	simm.s32 $0x28A0  }
0x5a: {  	[tilespmem:s17], [sflag:$0x1] =	stream.linear.gather [hbm4b:s16+s1], $0x320, $0x38;
	[tilespmem:$0x1FD00] =	vst v63  }
0x5b: {  	s18 =	rddreg [dreg:$0xf];
	s19 =	simm.s32 $0x2BC0  }
0x5c: {  	[tilespmem:s19], [sflag:$0x1] =	stream.linear.gather [hbm4b:s18+s1], $0x320, $0x38;
	[tilespmem:$0x1FD00] =	vst v63  }
.Ltmp1:
0x5d: {  	_ = 	snop;
	(pc) =	sbr.rel .LBB2_4-.Ltmp1, $4  }
0x5e: {  	s20 =	rddreg [dreg:$0x10];
	s21 =	simm.s32 $0x2EE0  }
0x5f: {  	[tilespmem:s21], [sflag:$0x1] =	stream.linear.gather [hbm4b:s20+s1], $0x320, $0x38;
	[tilespmem:$0x1FD00] =	vst v63  }
0x60: {  	s22 =	simm.s32 $0x6400  }
0x61: {  	[tilespmem:s22], [sflag:$0x1] =	stream.linear.gather [hbm4b:s23+s1], $0x320, $0x38;
	[tilespmem:$0x1FD00] =	vst v63  }
.LBB2_10:
0x62: {  	s1 =	sadd.s32 $0x1, s1  }
0x63: {  	p0 =	sne.s32 s1, $0x14  }
.Ltmp2:
0x64: {  	_ = 	snop;
	(pc) =	sbr.rel @!p0 .LBB2_11-.Ltmp2, $1  }
0x65: {  	_ =	sdelay $0x3  }
.LBB2_4:
0x66: {  	s0 =	sshllo.u32 s1, $0x1  }
0x67: {  	p0 =	sge.u32 s0, s6  }
0x68: {  	s0 =	sshll.u32 @!p0 s0, $0x5  }
0x69: {  	s0 =	sor.u32 @!p0 s2, s0  }
0x6a: {  	s3 =	smulhi.u32 @!p0 $0x66666667, s0;
	_ =	sdelay $0x1  }
0x6b: {  	s3 =	sshrl.u32 @!p0 s3, $0x1  }
0x6c: {  	s8 =	smul.u32 @!p0 $0x5, s3;
	_ =	sdelay $0x1  }
0x6d: {  	s3 =	smul.u32 @!p0 $0xFA00, s3;
	s8 =	ssub.s32 @!p0 s0, s8  }
0x6e: {  	s8 =	smul.u32 @!p0 $0x320, s8;
	_ =	sdelay $0x1  }
0x6f: {  	s3 =	sadd.s32 @!p0 s8, s3  }
0x70: {  	s3 =	sshrl.u32 @!p0 s3, $0x3  }
0x71: {  	s9 =	simm.s32 @!p0 $0x3200;
	s8 =	simm.s32 @!p0 $0x0;
	s3 =	sadd.s32 @!p0 s4, s3  }
0x72: {  	[tilespmem:s9], [sflag:$0x2] =	stream.linear.gather @!p0 [hbm4b:s3+s8], $0x320, $0x38;
	[tilespmem:$0x1FD00] =	vst v63  }
0x73: {  	s10 =	simm.s32 @!p0 $0x3520;
	s9 =	sadd.s32 @!p0 $0x1F4, s3  }
0x74: {  	[tilespmem:s10], [sflag:$0x2] =	stream.linear.gather @!p0 [hbm4b:s9+s8], $0x320, $0x38;
	[tilespmem:$0x1FD00] =	vst v63  }
0x75: {  	s9 =	sadd.s32 @!p0 $0x3E8, s3;
	s10 =	simm.s32 @!p0 $0x3840  }
0x76: {  	[tilespmem:s10], [sflag:$0x2] =	stream.linear.gather @!p0 [hbm4b:s9+s8], $0x320, $0x38;
	[tilespmem:$0x1FD00] =	vst v63  }
0x77: {  	s9 =	sadd.s32 @!p0 $0x5DC, s3;
	s10 =	simm.s32 @!p0 $0x3B60  }
0x78: {  	[tilespmem:s10], [sflag:$0x2] =	stream.linear.gather @!p0 [hbm4b:s9+s8], $0x320, $0x38;
	[tilespmem:$0x1FD00] =	vst v63  }
0x79: {  	s9 =	sadd.s32 @!p0 $0x7D0, s3;
	s10 =	simm.s32 @!p0 $0x3E80  }
0x7a: {  	[tilespmem:s10], [sflag:$0x2] =	stream.linear.gather @!p0 [hbm4b:s9+s8], $0x320, $0x38;
	[tilespmem:$0x1FD00] =	vst v63  }
0x7b: {  	s9 =	sadd.s32 @!p0 $0x9C4, s3;
	s10 =	simm.s32 @!p0 $0x41A0  }
0x7c: {  	[tilespmem:s10], [sflag:$0x2] =	stream.linear.gather @!p0 [hbm4b:s9+s8], $0x320, $0x38;
	[tilespmem:$0x1FD00] =	vst v63  }
0x7d: {  	s9 =	sadd.s32 @!p0 $0xBB8, s3;
	s10 =	simm.s32 @!p0 $0x44C0  }
0x7e: {  	[tilespmem:s10], [sflag:$0x2] =	stream.linear.gather @!p0 [hbm4b:s9+s8], $0x320, $0x38;
	[tilespmem:$0x1FD00] =	vst v63  }
0x7f: {  	s9 =	sadd.s32 @!p0 $0xDAC, s3;
	s10 =	simm.s32 @!p0 $0x47E0  }
0x80: {  	[tilespmem:s10], [sflag:$0x2] =	stream.linear.gather @!p0 [hbm4b:s9+s8], $0x320, $0x38;
	[tilespmem:$0x1FD00] =	vst v63  }
0x81: {  	s9 =	sadd.s32 @!p0 $0xFA0, s3;
	s10 =	simm.s32 @!p0 $0x4B00  }
0x82: {  	[tilespmem:s10], [sflag:$0x2] =	stream.linear.gather @!p0 [hbm4b:s9+s8], $0x320, $0x38;
	[tilespmem:$0x1FD00] =	vst v63  }
0x83: {  	s9 =	sadd.s32 @!p0 $0x1194, s3;
	s10 =	simm.s32 @!p0 $0x4E20  }
0x84: {  	[tilespmem:s10], [sflag:$0x2] =	stream.linear.gather @!p0 [hbm4b:s9+s8], $0x320, $0x38;
	[tilespmem:$0x1FD00] =	vst v63  }
0x85: {  	s9 =	sadd.s32 @!p0 $0x1388, s3;
	s10 =	simm.s32 @!p0 $0x5140  }
0x86: {  	[tilespmem:s10], [sflag:$0x2] =	stream.linear.gather @!p0 [hbm4b:s9+s8], $0x320, $0x38;
	[tilespmem:$0x1FD00] =	vst v63  }
0x87: {  	s9 =	sadd.s32 @!p0 $0x157C, s3;
	s10 =	simm.s32 @!p0 $0x5460  }
0x88: {  	[tilespmem:s10], [sflag:$0x2] =	stream.linear.gather @!p0 [hbm4b:s9+s8], $0x320, $0x38;
	[tilespmem:$0x1FD00] =	vst v63  }
0x89: {  	s9 =	sadd.s32 @!p0 $0x1770, s3;
	s10 =	simm.s32 @!p0 $0x5780  }
0x8a: {  	[tilespmem:s10], [sflag:$0x2] =	stream.linear.gather @!p0 [hbm4b:s9+s8], $0x320, $0x38;
	[tilespmem:$0x1FD00] =	vst v63  }
0x8b: {  	s9 =	sadd.s32 @!p0 $0x1964, s3;
	s10 =	simm.s32 @!p0 $0x5AA0  }
0x8c: {  	[tilespmem:s10], [sflag:$0x2] =	stream.linear.gather @!p0 [hbm4b:s9+s8], $0x320, $0x38;
	[tilespmem:$0x1FD00] =	vst v63  }
0x8d: {  	s9 =	sadd.s32 @!p0 $0x1B58, s3;
	s10 =	simm.s32 @!p0 $0x5DC0  }
0x8e: {  	[tilespmem:s10], [sflag:$0x2] =	stream.linear.gather @!p0 [hbm4b:s9+s8], $0x320, $0x38;
	[tilespmem:$0x1FD00] =	vst v63  }
0x8f: {  	s0 =	smul.u32 @!p0 $0x64, s0;
	s3 =	sadd.s32 @!p0 $0x1D4C, s3;
	s9 =	simm.s32 @!p0 $0x60E0  }
0x90: {  	[tilespmem:s9], [sflag:$0x2] =	stream.linear.gather @!p0 [hbm4b:s3+s8], $0x320, $0x38;
	[tilespmem:$0x1FD00] =	vst v63  }
0x91: {  	s0 =	sadd.s32 @!p0 s5, s0;
	s3 =	simm.s32 @!p0 $0x6780  }
0x92: {  	[tilespmem:s3], [sflag:$0x2] =	stream.linear.gather @!p0 [hbm4b:s0+s8], $0x320, $0x38;
	[tilespmem:$0x1FD00] =	vst v63  }
0x93: {  	_ =	swait.ge [sflag:s26], $0x320  }
0x94: {  	[sflag:s26] =	ssyncset.done $0x0  }
0x95: {  	[sflag:s26] =	ssyncadd.s32 $0xFFFFFCE0  }
0x96: {  	_ =	swait.ge [sflag:s26], $0x320  }
0x97: {  	[sflag:s26] =	ssyncset.done $0x0  }
0x98: {  	[sflag:s26] =	ssyncadd.s32 $0xFFFFFCE0  }
0x99: {  	_ =	swait.ge [sflag:s26], $0x320  }
0x9a: {  	[sflag:s26] =	ssyncset.done $0x0  }
0x9b: {  	[sflag:s26] =	ssyncadd.s32 $0xFFFFFCE0  }
0x9c: {  	_ =	swait.ge [sflag:s26], $0x320  }
0x9d: {  	[sflag:s26] =	ssyncset.done $0x0  }
0x9e: {  	[sflag:s26] =	ssyncadd.s32 $0xFFFFFCE0  }
0x9f: {  	_ =	swait.ge [sflag:s26], $0x320  }
0xa0: {  	[sflag:s26] =	ssyncset.done $0x0  }
0xa1: {  	[sflag:s26] =	ssyncadd.s32 $0xFFFFFCE0  }
0xa2: {  	_ =	swait.ge [sflag:s26], $0x320  }
0xa3: {  	[sflag:s26] =	ssyncset.done $0x0  }
0xa4: {  	[sflag:s26] =	ssyncadd.s32 $0xFFFFFCE0  }
0xa5: {  	_ =	swait.ge [sflag:s26], $0x320  }
0xa6: {  	[sflag:s26] =	ssyncset.done $0x0  }
0xa7: {  	[sflag:s26] =	ssyncadd.s32 $0xFFFFFCE0  }
0xa8: {  	_ =	swait.ge [sflag:s26], $0x320  }
0xa9: {  	[sflag:s26] =	ssyncset.done $0x0  }
0xaa: {  	[sflag:s26] =	ssyncadd.s32 $0xFFFFFCE0  }
0xab: {  	_ =	swait.ge [sflag:s26], $0x320  }
0xac: {  	[sflag:s26] =	ssyncset.done $0x0  }
0xad: {  	[sflag:s26] =	ssyncadd.s32 $0xFFFFFCE0  }
0xae: {  	_ =	swait.ge [sflag:s26], $0x320  }
0xaf: {  	[sflag:s26] =	ssyncset.done $0x0  }
0xb0: {  	[sflag:s26] =	ssyncadd.s32 $0xFFFFFCE0  }
0xb1: {  	_ =	swait.ge [sflag:s26], $0x320  }
0xb2: {  	[sflag:s26] =	ssyncset.done $0x0  }
0xb3: {  	[sflag:s26] =	ssyncadd.s32 $0xFFFFFCE0  }
0xb4: {  	_ =	swait.ge [sflag:s26], $0x320  }
0xb5: {  	[sflag:s26] =	ssyncset.done $0x0  }
0xb6: {  	[sflag:s26] =	ssyncadd.s32 $0xFFFFFCE0  }
0xb7: {  	_ =	swait.ge [sflag:s26], $0x320  }
0xb8: {  	[sflag:s26] =	ssyncset.done $0x0  }
0xb9: {  	[sflag:s26] =	ssyncadd.s32 $0xFFFFFCE0  }
0xba: {  	_ =	swait.ge [sflag:s26], $0x320  }
0xbb: {  	[sflag:s26] =	ssyncset.done $0x0  }
0xbc: {  	[sflag:s26] =	ssyncadd.s32 $0xFFFFFCE0  }
0xbd: {  	_ =	swait.ge [sflag:s26], $0x320  }
0xbe: {  	[sflag:s26] =	ssyncset.done $0x0  }
0xbf: {  	[sflag:s26] =	ssyncadd.s32 $0xFFFFFCE0  }
0xc0: {  	_ =	swait.ge [sflag:s26], $0x320  }
0xc1: {  	[sflag:s26] =	ssyncset.done $0x0  }
0xc2: {  	[sflag:s26] =	ssyncadd.s32 $0xFFFFFCE0  }
0xc3: {  	_ =	swait.ge [sflag:s26], $0x320  }
0xc4: {  	s0 =	sshll.u32 s1, $0x1;
	[sflag:s26] =	ssyncset.done $0x0  }
0xc5: {  	s3 =	simm.s32 $0xFFFFFFF0;
	s8 =	simm.s32 $0x80;
	[sflag:s26] =	ssyncadd.s32 $0xFFFFFCE0  }
.LBB2_5:
0xc6: {  	v4 =	vld [tilespmem:s8+$0xFFFFFF80];
	_ =	sdelay $0x4  }
0xc7: {  	v4 =	vadd.s32 v0, v4;
	_ =	sdelay $0x4  }
0xc8: {  	[tilespmem:v4+s28+$0x0] =	vst.idx.add.s32.msk $0xffff, v2  }
0xc9: {  	v4 =	vld [tilespmem:s8+$0xFFFFFF90];
	_ =	sdelay $0x4  }
0xca: {  	v4 =	vadd.s32 v0, v4;
	_ =	sdelay $0x4  }
0xcb: {  	[tilespmem:v4+s28+$0x0] =	vst.idx.add.s32.msk $0xffff, v2  }
0xcc: {  	v4 =	vld [tilespmem:s8+$0xFFFFFFA0];
	_ =	sdelay $0x4  }
0xcd: {  	v4 =	vadd.s32 v0, v4;
	_ =	sdelay $0x4  }
0xce: {  	[tilespmem:v4+s28+$0x0] =	vst.idx.add.s32.msk $0xffff, v2  }
0xcf: {  	v4 =	vld [tilespmem:s8+$0xFFFFFFB0];
	_ =	sdelay $0x4  }
0xd0: {  	v4 =	vadd.s32 v0, v4;
	_ =	sdelay $0x4  }
0xd1: {  	[tilespmem:v4+s28+$0x0] =	vst.idx.add.s32.msk $0xffff, v2  }
0xd2: {  	v4 =	vld [tilespmem:s8+$0xFFFFFFC0];
	_ =	sdelay $0x4  }
0xd3: {  	v4 =	vadd.s32 v0, v4;
	_ =	sdelay $0x4  }
0xd4: {  	[tilespmem:v4+s28+$0x0] =	vst.idx.add.s32.msk $0xffff, v2  }
0xd5: {  	v4 =	vld [tilespmem:s8+$0xFFFFFFD0];
	_ =	sdelay $0x4  }
0xd6: {  	v4 =	vadd.s32 v0, v4;
	_ =	sdelay $0x4  }
0xd7: {  	[tilespmem:v4+s28+$0x0] =	vst.idx.add.s32.msk $0xffff, v2  }
0xd8: {  	v4 =	vld [tilespmem:s8+$0xFFFFFFE0];
	_ =	sdelay $0x4  }
0xd9: {  	v4 =	vadd.s32 v0, v4;
	_ =	sdelay $0x4  }
0xda: {  	[tilespmem:v4+s28+$0x0] =	vst.idx.add.s32.msk $0xffff, v2  }
0xdb: {  	v4 =	vld [tilespmem:s8+$0xFFFFFFF0];
	_ =	sdelay $0x4  }
0xdc: {  	v4 =	vadd.s32 v0, v4;
	_ =	sdelay $0x4  }
0xdd: {  	[tilespmem:v4+s28+$0x0] =	vst.idx.add.s32.msk $0xffff, v2  }
0xde: {  	v4 =	vld [tilespmem:s8+$0x0];
	_ =	sdelay $0x4  }
0xdf: {  	v4 =	vadd.s32 v0, v4;
	_ =	sdelay $0x4  }
0xe0: {  	[tilespmem:v4+s28+$0x0] =	vst.idx.add.s32.msk $0xffff, v2  }
0xe1: {  	v4 =	vld [tilespmem:s8+$0x10];
	_ =	sdelay $0x4  }
0xe2: {  	v4 =	vadd.s32 v0, v4;
	_ =	sdelay $0x4  }
0xe3: {  	[tilespmem:v4+s28+$0x0] =	vst.idx.add.s32.msk $0xffff, v2  }
0xe4: {  	v4 =	vld [tilespmem:s8+$0x20];
	_ =	sdelay $0x4  }
0xe5: {  	v4 =	vadd.s32 v0, v4;
	_ =	sdelay $0x4  }
0xe6: {  	[tilespmem:v4+s28+$0x0] =	vst.idx.add.s32.msk $0xffff, v2  }
0xe7: {  	v4 =	vld [tilespmem:s8+$0x30];
	_ =	sdelay $0x4  }
0xe8: {  	v4 =	vadd.s32 v0, v4;
	_ =	sdelay $0x4  }
0xe9: {  	[tilespmem:v4+s28+$0x0] =	vst.idx.add.s32.msk $0xffff, v2  }
0xea: {  	v4 =	vld [tilespmem:s8+$0x40];
	_ =	sdelay $0x4  }
0xeb: {  	v4 =	vadd.s32 v0, v4;
	_ =	sdelay $0x4  }
0xec: {  	[tilespmem:v4+s28+$0x0] =	vst.idx.add.s32.msk $0xffff, v2  }
0xed: {  	v4 =	vld [tilespmem:s8+$0x50];
	_ =	sdelay $0x4  }
0xee: {  	v4 =	vadd.s32 v0, v4;
	_ =	sdelay $0x4  }
0xef: {  	[tilespmem:v4+s28+$0x0] =	vst.idx.add.s32.msk $0xffff, v2  }
0xf0: {  	v4 =	vld [tilespmem:s8+$0x60];
	_ =	sdelay $0x4  }
0xf1: {  	v4 =	vadd.s32 v0, v4;
	_ =	sdelay $0x4  }
0xf2: {  	[tilespmem:v4+s28+$0x0] =	vst.idx.add.s32.msk $0xffff, v2  }
0xf3: {  	v4 =	vld [tilespmem:s8+$0x70];
	_ =	sdelay $0x3  }
0xf4: {  	s3 =	sadd.s32 $0x10, s3  }
0xf5: {  	p1 =	slt.u32 s3, $0x310;
	v4 =	vadd.s32 v0, v4  }
.Ltmp3:
0xf6: {  	_ = 	snop;
	(pc) =	sbr.rel @p1 .LBB2_5-.Ltmp3, $2  }
0xf7: {  	_ =	sdelay $0x2  }
0xf8: {  	s8 =	sadd.s32 $0x100, s8;
	[tilespmem:v4+s28+$0x0] =	vst.idx.add.s32.msk $0xffff, v2  }
0xf9: {  	v4 =	vld [tilespmem:$0x6400];
	_ =	sdelay $0x4  }
0xfa: {  	v4 =	vadd.s32 v0, v4;
	_ =	sdelay $0x4  }
0xfb: {  	[tilespmem:v4+s28+$0x0] =	vst.idx.add.s32.msk $0xffff, v2  }
0xfc: {  	v4 =	vld [tilespmem:$0x6410];
	_ =	sdelay $0x4  }
0xfd: {  	v4 =	vadd.s32 v0, v4;
	_ =	sdelay $0x4  }
0xfe: {  	[tilespmem:v4+s28+$0x0] =	vst.idx.add.s32.msk $0xffff, v2  }
0xff: {  	v4 =	vld [tilespmem:$0x6420];
	_ =	sdelay $0x4  }
0x100: {  	v4 =	vadd.s32 v0, v4;
	_ =	sdelay $0x4  }
0x101: {  	[tilespmem:v4+s28+$0x0] =	vst.idx.add.s32.msk $0xffff, v2  }
0x102: {  	v4 =	vld [tilespmem:$0x6430];
	_ =	sdelay $0x4  }
0x103: {  	v4 =	vadd.s32 v0, v4;
	_ =	sdelay $0x4  }
0x104: {  	[tilespmem:v4+s28+$0x0] =	vst.idx.add.s32.msk $0xffff, v2  }
0x105: {  	v4 =	vld [tilespmem:$0x6440];
	_ =	sdelay $0x4  }
0x106: {  	v4 =	vadd.s32 v0, v4;
	_ =	sdelay $0x4  }
0x107: {  	[tilespmem:v4+s28+$0x0] =	vst.idx.add.s32.msk $0xffff, v2  }
0x108: {  	v4 =	vld [tilespmem:$0x6450];
	_ =	sdelay $0x4  }
0x109: {  	v4 =	vadd.s32 v0, v4;
	_ =	sdelay $0x4  }
0x10a: {  	[tilespmem:v4+s28+$0x0] =	vst.idx.add.s32.msk $0xffff, v2  }
0x10b: {  	v4 =	vld [tilespmem:$0x6460];
	_ =	sdelay $0x4  }
0x10c: {  	v4 =	vadd.s32 v0, v4;
	_ =	sdelay $0x4  }
0x10d: {  	[tilespmem:v4+s28+$0x0] =	vst.idx.add.s32.msk $0xffff, v2  }
0x10e: {  	v4 =	vld [tilespmem:$0x6470];
	_ =	sdelay $0x4  }
0x10f: {  	v4 =	vadd.s32 v0, v4;
	_ =	sdelay $0x4  }
0x110: {  	[tilespmem:v4+s28+$0x0] =	vst.idx.add.s32.msk $0xffff, v2  }
0x111: {  	v4 =	vld [tilespmem:$0x6480];
	_ =	sdelay $0x4  }
0x112: {  	v4 =	vadd.s32 v0, v4;
	_ =	sdelay $0x4  }
0x113: {  	[tilespmem:v4+s28+$0x0] =	vst.idx.add.s32.msk $0xffff, v2  }
0x114: {  	v4 =	vld [tilespmem:$0x6490];
	_ =	sdelay $0x4  }
0x115: {  	v4 =	vadd.s32 v0, v4;
	_ =	sdelay $0x4  }
0x116: {  	[tilespmem:v4+s28+$0x0] =	vst.idx.add.s32.msk $0xffff, v2  }
0x117: {  	v4 =	vld [tilespmem:$0x64A0];
	_ =	sdelay $0x4  }
0x118: {  	v4 =	vadd.s32 v0, v4;
	_ =	sdelay $0x4  }
0x119: {  	[tilespmem:v4+s28+$0x0] =	vst.idx.add.s32.msk $0xffff, v2  }
0x11a: {  	v4 =	vld [tilespmem:$0x64B0];
	_ =	sdelay $0x4  }
0x11b: {  	v4 =	vadd.s32 v0, v4;
	_ =	sdelay $0x4  }
0x11c: {  	[tilespmem:v4+s28+$0x0] =	vst.idx.add.s32.msk $0xffff, v2  }
0x11d: {  	v4 =	vld [tilespmem:$0x64C0];
	_ =	sdelay $0x4  }
0x11e: {  	v4 =	vadd.s32 v0, v4;
	_ =	sdelay $0x4  }
0x11f: {  	[tilespmem:v4+s28+$0x0] =	vst.idx.add.s32.msk $0xffff, v2  }
0x120: {  	v4 =	vld [tilespmem:$0x64D0];
	_ =	sdelay $0x4  }
0x121: {  	v4 =	vadd.s32 v0, v4;
	_ =	sdelay $0x4  }
0x122: {  	[tilespmem:v4+s28+$0x0] =	vst.idx.add.s32.msk $0xffff, v2  }
0x123: {  	v4 =	vld [tilespmem:$0x64E0];
	_ =	sdelay $0x4  }
0x124: {  	v4 =	vadd.s32 v0, v4;
	_ =	sdelay $0x4  }
0x125: {  	[tilespmem:v4+s28+$0x0] =	vst.idx.add.s32.msk $0xffff, v2  }
0x126: {  	v4 =	vld [tilespmem:$0x64F0];
	_ =	sdelay $0x4  }
0x127: {  	v4 =	vadd.s32 v0, v4;
	_ =	sdelay $0x4  }
0x128: {  	[tilespmem:v4+s28+$0x0] =	vst.idx.add.s32.msk $0xffff, v2  }
0x129: {  	v4 =	vld [tilespmem:$0x6500];
	_ =	sdelay $0x4  }
0x12a: {  	v4 =	vadd.s32 v0, v4;
	_ =	sdelay $0x4  }
0x12b: {  	[tilespmem:v4+s28+$0x0] =	vst.idx.add.s32.msk $0xffff, v2  }
0x12c: {  	v4 =	vld [tilespmem:$0x6510];
	_ =	sdelay $0x4  }
0x12d: {  	v4 =	vadd.s32 v0, v4;
	_ =	sdelay $0x4  }
0x12e: {  	[tilespmem:v4+s28+$0x0] =	vst.idx.add.s32.msk $0xffff, v2  }
0x12f: {  	v4 =	vld [tilespmem:$0x6520];
	_ =	sdelay $0x4  }
0x130: {  	v4 =	vadd.s32 v0, v4;
	_ =	sdelay $0x4  }
0x131: {  	[tilespmem:v4+s28+$0x0] =	vst.idx.add.s32.msk $0xffff, v2  }
0x132: {  	v4 =	vld [tilespmem:$0x6530];
	_ =	sdelay $0x4  }
0x133: {  	v4 =	vadd.s32 v0, v4;
	_ =	sdelay $0x4  }
0x134: {  	[tilespmem:v4+s28+$0x0] =	vst.idx.add.s32.msk $0xffff, v2  }
0x135: {  	v4 =	vld [tilespmem:$0x6540];
	_ =	sdelay $0x4  }
0x136: {  	v4 =	vadd.s32 v0, v4;
	_ =	sdelay $0x4  }
0x137: {  	[tilespmem:v4+s28+$0x0] =	vst.idx.add.s32.msk $0xffff, v2  }
0x138: {  	v4 =	vld [tilespmem:$0x6550];
	_ =	sdelay $0x4  }
0x139: {  	v4 =	vadd.s32 v0, v4;
	_ =	sdelay $0x4  }
0x13a: {  	[tilespmem:v4+s28+$0x0] =	vst.idx.add.s32.msk $0xffff, v2  }
0x13b: {  	v4 =	vld [tilespmem:$0x6560];
	_ =	sdelay $0x4  }
0x13c: {  	v4 =	vadd.s32 v0, v4;
	_ =	sdelay $0x4  }
0x13d: {  	[tilespmem:v4+s28+$0x0] =	vst.idx.add.s32.msk $0xffff, v2  }
0x13e: {  	v4 =	vld [tilespmem:$0x6570];
	_ =	sdelay $0x4  }
0x13f: {  	v4 =	vadd.s32 v0, v4;
	_ =	sdelay $0x4  }
0x140: {  	[tilespmem:v4+s28+$0x0] =	vst.idx.add.s32.msk $0xffff, v2  }
0x141: {  	v4 =	vld [tilespmem:$0x6580];
	_ =	sdelay $0x4  }
0x142: {  	v4 =	vadd.s32 v0, v4;
	_ =	sdelay $0x4  }
0x143: {  	[tilespmem:v4+s28+$0x0] =	vst.idx.add.s32.msk $0xffff, v2  }
0x144: {  	v4 =	vld [tilespmem:$0x6590];
	_ =	sdelay $0x4  }
0x145: {  	v4 =	vadd.s32 v0, v4;
	_ =	sdelay $0x4  }
0x146: {  	[tilespmem:v4+s28+$0x0] =	vst.idx.add.s32.msk $0xffff, v2  }
0x147: {  	v4 =	vld [tilespmem:$0x65A0];
	_ =	sdelay $0x4  }
0x148: {  	v4 =	vadd.s32 v0, v4;
	_ =	sdelay $0x4  }
0x149: {  	[tilespmem:v4+s28+$0x0] =	vst.idx.add.s32.msk $0xffff, v2  }
0x14a: {  	v4 =	vld [tilespmem:$0x65B0];
	_ =	sdelay $0x4  }
0x14b: {  	v4 =	vadd.s32 v0, v4;
	_ =	sdelay $0x4  }
0x14c: {  	[tilespmem:v4+s28+$0x0] =	vst.idx.add.s32.msk $0xffff, v2  }
0x14d: {  	v4 =	vld [tilespmem:$0x65C0];
	_ =	sdelay $0x4  }
0x14e: {  	v4 =	vadd.s32 v0, v4;
	_ =	sdelay $0x4  }
0x14f: {  	[tilespmem:v4+s28+$0x0] =	vst.idx.add.s32.msk $0xffff, v2  }
0x150: {  	v4 =	vld [tilespmem:$0x65D0];
	_ =	sdelay $0x4  }
0x151: {  	v4 =	vadd.s32 v0, v4;
	_ =	sdelay $0x4  }
0x152: {  	[tilespmem:v4+s28+$0x0] =	vst.idx.add.s32.msk $0xffff, v2  }
0x153: {  	v4 =	vld [tilespmem:$0x65E0];
	_ =	sdelay $0x4  }
0x154: {  	v4 =	vadd.s32 v0, v4;
	_ =	sdelay $0x4  }
0x155: {  	[tilespmem:v4+s28+$0x0] =	vst.idx.add.s32.msk $0xffff, v2  }
0x156: {  	v4 =	vld [tilespmem:$0x65F0];
	_ =	sdelay $0x4  }
0x157: {  	v4 =	vadd.s32 v0, v4;
	_ =	sdelay $0x4  }
0x158: {  	[tilespmem:v4+s28+$0x0] =	vst.idx.add.s32.msk $0xffff, v2  }
0x159: {  	v4 =	vld [tilespmem:$0x6600];
	_ =	sdelay $0x4  }
0x15a: {  	v4 =	vadd.s32 v0, v4;
	_ =	sdelay $0x4  }
0x15b: {  	[tilespmem:v4+s28+$0x0] =	vst.idx.add.s32.msk $0xffff, v2  }
0x15c: {  	v4 =	vld [tilespmem:$0x6610];
	_ =	sdelay $0x4  }
0x15d: {  	v4 =	vadd.s32 v0, v4;
	_ =	sdelay $0x4  }
0x15e: {  	[tilespmem:v4+s28+$0x0] =	vst.idx.add.s32.msk $0xffff, v2  }
0x15f: {  	v4 =	vld [tilespmem:$0x6620];
	_ =	sdelay $0x4  }
0x160: {  	v4 =	vadd.s32 v0, v4;
	_ =	sdelay $0x4  }
0x161: {  	[tilespmem:v4+s28+$0x0] =	vst.idx.add.s32.msk $0xffff, v2  }
0x162: {  	v4 =	vld [tilespmem:$0x6630];
	_ =	sdelay $0x4  }
0x163: {  	v4 =	vadd.s32 v0, v4;
	_ =	sdelay $0x4  }
0x164: {  	[tilespmem:v4+s28+$0x0] =	vst.idx.add.s32.msk $0xffff, v2  }
0x165: {  	v4 =	vld [tilespmem:$0x6640];
	_ =	sdelay $0x4  }
0x166: {  	v4 =	vadd.s32 v0, v4;
	_ =	sdelay $0x4  }
0x167: {  	[tilespmem:v4+s28+$0x0] =	vst.idx.add.s32.msk $0xffff, v2  }
0x168: {  	v4 =	vld [tilespmem:$0x6650];
	_ =	sdelay $0x4  }
0x169: {  	v4 =	vadd.s32 v0, v4;
	_ =	sdelay $0x4  }
0x16a: {  	[tilespmem:v4+s28+$0x0] =	vst.idx.add.s32.msk $0xffff, v2  }
0x16b: {  	v4 =	vld [tilespmem:$0x6660];
	_ =	sdelay $0x4  }
0x16c: {  	v4 =	vadd.s32 v0, v4;
	_ =	sdelay $0x4  }
0x16d: {  	[tilespmem:v4+s28+$0x0] =	vst.idx.add.s32.msk $0xffff, v2  }
0x16e: {  	v4 =	vld [tilespmem:$0x6670];
	_ =	sdelay $0x4  }
0x16f: {  	v4 =	vadd.s32 v0, v4;
	_ =	sdelay $0x4  }
0x170: {  	[tilespmem:v4+s28+$0x0] =	vst.idx.add.s32.msk $0xffff, v2  }
0x171: {  	v4 =	vld [tilespmem:$0x6680];
	_ =	sdelay $0x4  }
0x172: {  	v4 =	vadd.s32 v0, v4;
	_ =	sdelay $0x4  }
0x173: {  	[tilespmem:v4+s28+$0x0] =	vst.idx.add.s32.msk $0xffff, v2  }
0x174: {  	v4 =	vld [tilespmem:$0x6690];
	_ =	sdelay $0x4  }
0x175: {  	v4 =	vadd.s32 v0, v4;
	_ =	sdelay $0x4  }
0x176: {  	[tilespmem:v4+s28+$0x0] =	vst.idx.add.s32.msk $0xffff, v2  }
0x177: {  	v4 =	vld [tilespmem:$0x66A0];
	_ =	sdelay $0x4  }
0x178: {  	v4 =	vadd.s32 v0, v4;
	_ =	sdelay $0x4  }
0x179: {  	[tilespmem:v4+s28+$0x0] =	vst.idx.add.s32.msk $0xffff, v2  }
0x17a: {  	v4 =	vld [tilespmem:$0x66B0];
	_ =	sdelay $0x4  }
0x17b: {  	v4 =	vadd.s32 v0, v4;
	_ =	sdelay $0x4  }
0x17c: {  	[tilespmem:v4+s28+$0x0] =	vst.idx.add.s32.msk $0xffff, v2  }
0x17d: {  	v4 =	vld [tilespmem:$0x66C0];
	_ =	sdelay $0x4  }
0x17e: {  	v4 =	vadd.s32 v0, v4;
	_ =	sdelay $0x4  }
0x17f: {  	[tilespmem:v4+s28+$0x0] =	vst.idx.add.s32.msk $0xffff, v2  }
0x180: {  	v4 =	vld [tilespmem:$0x66D0];
	_ =	sdelay $0x4  }
0x181: {  	v4 =	vadd.s32 v0, v4;
	_ =	sdelay $0x4  }
0x182: {  	[tilespmem:v4+s28+$0x0] =	vst.idx.add.s32.msk $0xffff, v2  }
0x183: {  	v4 =	vld [tilespmem:$0x66E0];
	_ =	sdelay $0x4  }
0x184: {  	v4 =	vadd.s32 v0, v4;
	_ =	sdelay $0x4  }
0x185: {  	[tilespmem:v4+s28+$0x0] =	vst.idx.add.s32.msk $0xffff, v2  }
0x186: {  	v4 =	vld [tilespmem:$0x66F0];
	_ =	sdelay $0x4  }
0x187: {  	v4 =	vadd.s32 v0, v4;
	_ =	sdelay $0x4  }
0x188: {  	[tilespmem:v4+s28+$0x0] =	vst.idx.add.s32.msk $0xffff, v2  }
0x189: {  	v4 =	vld [tilespmem:$0x6700];
	_ =	sdelay $0x4  }
0x18a: {  	v4 =	vadd.s32 v0, v4;
	_ =	sdelay $0x1  }
0x18b: {  	s0 =	sadd.s32 $0x2, s0  }
0x18c: {  	p1 =	sge.u32 s0, s6  }
0x18d: {  	s0 =	sshll.u32 @!p1 s0, $0x5  }
0x18e: {  	s0 =	sor.u32 @!p1 s2, s0;
	[tilespmem:v4+s28+$0x0] =	vst.idx.add.s32.msk $0xffff, v2  }
0x18f: {  	s3 =	smulhi.u32 @!p1 $0x66666667, s0;
	v4 =	vld [tilespmem:$0x6710];
	_ =	sdelay $0x1  }
0x190: {  	s3 =	sshrl.u32 @!p1 s3, $0x1  }
0x191: {  	s8 =	smul.u32 @!p1 $0x5, s3;
	_ =	sdelay $0x1  }
0x192: {  	s3 =	smul.u32 @!p1 $0xFA00, s3;
	s8 =	ssub.s32 @!p1 s0, s8;
	v4 =	vadd.s32 v0, v4  }
0x193: {  	s8 =	smul.u32 @!p1 $0x320, s8;
	_ =	sdelay $0x1  }
0x194: {  	s3 =	sadd.s32 @!p1 s8, s3  }
0x195: {  	s3 =	sshrl.u32 @!p1 s3, $0x3  }
0x196: {  	s8 =	simm.s32 @!p1 $0x0;
	s3 =	sadd.s32 @!p1 s4, s3;
	[tilespmem:v4+s28+$0x0] =	vst.idx.add.s32.msk $0xffff, v2  }
0x197: {  	[tilespmem:s8], [sflag:$0x1] =	stream.linear.gather @!p1 [hbm4b:s3+s8], $0x320, $0x38;
	[tilespmem:$0x1FD00] =	vst v63  }
0x198: {  	s10 =	simm.s32 @!p1 $0x320;
	s9 =	sadd.s32 @!p1 $0x1F4, s3  }
0x199: {  	[tilespmem:s10], [sflag:$0x1] =	stream.linear.gather @!p1 [hbm4b:s9+s8], $0x320, $0x38;
	[tilespmem:$0x1FD00] =	vst v63  }
0x19a: {  	s9 =	sadd.s32 @!p1 $0x3E8, s3;
	s10 =	simm.s32 @!p1 $0x640  }
0x19b: {  	[tilespmem:s10], [sflag:$0x1] =	stream.linear.gather @!p1 [hbm4b:s9+s8], $0x320, $0x38;
	[tilespmem:$0x1FD00] =	vst v63  }
0x19c: {  	s9 =	sadd.s32 @!p1 $0x5DC, s3;
	s10 =	simm.s32 @!p1 $0x960  }
0x19d: {  	[tilespmem:s10], [sflag:$0x1] =	stream.linear.gather @!p1 [hbm4b:s9+s8], $0x320, $0x38;
	[tilespmem:$0x1FD00] =	vst v63  }
0x19e: {  	s9 =	sadd.s32 @!p1 $0x7D0, s3;
	s10 =	simm.s32 @!p1 $0xC80  }
0x19f: {  	[tilespmem:s10], [sflag:$0x1] =	stream.linear.gather @!p1 [hbm4b:s9+s8], $0x320, $0x38;
	[tilespmem:$0x1FD00] =	vst v63  }
0x1a0: {  	s9 =	sadd.s32 @!p1 $0x9C4, s3;
	s10 =	simm.s32 @!p1 $0xFA0  }
0x1a1: {  	[tilespmem:s10], [sflag:$0x1] =	stream.linear.gather @!p1 [hbm4b:s9+s8], $0x320, $0x38;
	[tilespmem:$0x1FD00] =	vst v63  }
0x1a2: {  	s9 =	sadd.s32 @!p1 $0xBB8, s3;
	s10 =	simm.s32 @!p1 $0x12C0  }
0x1a3: {  	[tilespmem:s10], [sflag:$0x1] =	stream.linear.gather @!p1 [hbm4b:s9+s8], $0x320, $0x38;
	[tilespmem:$0x1FD00] =	vst v63  }
0x1a4: {  	s9 =	sadd.s32 @!p1 $0xDAC, s3;
	s10 =	simm.s32 @!p1 $0x15E0  }
0x1a5: {  	[tilespmem:s10], [sflag:$0x1] =	stream.linear.gather @!p1 [hbm4b:s9+s8], $0x320, $0x38;
	[tilespmem:$0x1FD00] =	vst v63  }
0x1a6: {  	s9 =	sadd.s32 @!p1 $0xFA0, s3;
	s10 =	simm.s32 @!p1 $0x1900  }
0x1a7: {  	[tilespmem:s10], [sflag:$0x1] =	stream.linear.gather @!p1 [hbm4b:s9+s8], $0x320, $0x38;
	[tilespmem:$0x1FD00] =	vst v63  }
0x1a8: {  	s9 =	sadd.s32 @!p1 $0x1194, s3;
	s10 =	simm.s32 @!p1 $0x1C20  }
0x1a9: {  	[tilespmem:s10], [sflag:$0x1] =	stream.linear.gather @!p1 [hbm4b:s9+s8], $0x320, $0x38;
	[tilespmem:$0x1FD00] =	vst v63  }
0x1aa: {  	s9 =	sadd.s32 @!p1 $0x1388, s3;
	s10 =	simm.s32 @!p1 $0x1F40  }
0x1ab: {  	[tilespmem:s10], [sflag:$0x1] =	stream.linear.gather @!p1 [hbm4b:s9+s8], $0x320, $0x38;
	[tilespmem:$0x1FD00] =	vst v63  }
0x1ac: {  	s9 =	sadd.s32 @!p1 $0x157C, s3;
	s10 =	simm.s32 @!p1 $0x2260  }
0x1ad: {  	[tilespmem:s10], [sflag:$0x1] =	stream.linear.gather @!p1 [hbm4b:s9+s8], $0x320, $0x38;
	[tilespmem:$0x1FD00] =	vst v63  }
0x1ae: {  	s9 =	sadd.s32 @!p1 $0x1770, s3;
	s10 =	simm.s32 @!p1 $0x2580  }
0x1af: {  	[tilespmem:s10], [sflag:$0x1] =	stream.linear.gather @!p1 [hbm4b:s9+s8], $0x320, $0x38;
	[tilespmem:$0x1FD00] =	vst v63  }
0x1b0: {  	s9 =	sadd.s32 @!p1 $0x1964, s3;
	s10 =	simm.s32 @!p1 $0x28A0  }
0x1b1: {  	[tilespmem:s10], [sflag:$0x1] =	stream.linear.gather @!p1 [hbm4b:s9+s8], $0x320, $0x38;
	[tilespmem:$0x1FD00] =	vst v63  }
0x1b2: {  	s9 =	sadd.s32 @!p1 $0x1B58, s3;
	s10 =	simm.s32 @!p1 $0x2BC0  }
0x1b3: {  	[tilespmem:s10], [sflag:$0x1] =	stream.linear.gather @!p1 [hbm4b:s9+s8], $0x320, $0x38;
	[tilespmem:$0x1FD00] =	vst v63  }
.Ltmp4:
0x1b4: {  	_ = 	snop;
	(pc) =	sbr.rel @p0 .LBB2_10-.Ltmp4, $4  }
0x1b5: {  	s0 =	smul.u32 @!p1 $0x64, s0;
	s3 =	sadd.s32 @!p1 $0x1D4C, s3;
	s9 =	simm.s32 @!p1 $0x2EE0  }
0x1b6: {  	[tilespmem:s9], [sflag:$0x1] =	stream.linear.gather @!p1 [hbm4b:s3+s8], $0x320, $0x38;
	[tilespmem:$0x1FD00] =	vst v63  }
0x1b7: {  	s0 =	sadd.s32 @!p1 s5, s0;
	s3 =	simm.s32 @!p1 $0x6400  }
0x1b8: {  	[tilespmem:s3], [sflag:$0x1] =	stream.linear.gather @!p1 [hbm4b:s0+s8], $0x320, $0x38;
	[tilespmem:$0x1FD00] =	vst v63  }
0x1b9: {  	_ =	swait.ge [sflag:s29], $0x320  }
0x1ba: {  	[sflag:s29] =	ssyncset.done $0x0  }
0x1bb: {  	[sflag:s29] =	ssyncadd.s32 $0xFFFFFCE0  }
0x1bc: {  	_ =	swait.ge [sflag:s29], $0x320  }
0x1bd: {  	[sflag:s29] =	ssyncset.done $0x0  }
0x1be: {  	[sflag:s29] =	ssyncadd.s32 $0xFFFFFCE0  }
0x1bf: {  	_ =	swait.ge [sflag:s29], $0x320  }
0x1c0: {  	[sflag:s29] =	ssyncset.done $0x0  }
0x1c1: {  	[sflag:s29] =	ssyncadd.s32 $0xFFFFFCE0  }
0x1c2: {  	_ =	swait.ge [sflag:s29], $0x320  }
0x1c3: {  	[sflag:s29] =	ssyncset.done $0x0  }
0x1c4: {  	[sflag:s29] =	ssyncadd.s32 $0xFFFFFCE0  }
0x1c5: {  	_ =	swait.ge [sflag:s29], $0x320  }
0x1c6: {  	[sflag:s29] =	ssyncset.done $0x0  }
0x1c7: {  	[sflag:s29] =	ssyncadd.s32 $0xFFFFFCE0  }
0x1c8: {  	_ =	swait.ge [sflag:s29], $0x320  }
0x1c9: {  	[sflag:s29] =	ssyncset.done $0x0  }
0x1ca: {  	[sflag:s29] =	ssyncadd.s32 $0xFFFFFCE0  }
0x1cb: {  	_ =	swait.ge [sflag:s29], $0x320  }
0x1cc: {  	[sflag:s29] =	ssyncset.done $0x0  }
0x1cd: {  	[sflag:s29] =	ssyncadd.s32 $0xFFFFFCE0  }
0x1ce: {  	_ =	swait.ge [sflag:s29], $0x320  }
0x1cf: {  	[sflag:s29] =	ssyncset.done $0x0  }
0x1d0: {  	[sflag:s29] =	ssyncadd.s32 $0xFFFFFCE0  }
0x1d1: {  	_ =	swait.ge [sflag:s29], $0x320  }
0x1d2: {  	[sflag:s29] =	ssyncset.done $0x0  }
0x1d3: {  	[sflag:s29] =	ssyncadd.s32 $0xFFFFFCE0  }
0x1d4: {  	_ =	swait.ge [sflag:s29], $0x320  }
0x1d5: {  	[sflag:s29] =	ssyncset.done $0x0  }
0x1d6: {  	[sflag:s29] =	ssyncadd.s32 $0xFFFFFCE0  }
0x1d7: {  	_ =	swait.ge [sflag:s29], $0x320  }
0x1d8: {  	[sflag:s29] =	ssyncset.done $0x0  }
0x1d9: {  	[sflag:s29] =	ssyncadd.s32 $0xFFFFFCE0  }
0x1da: {  	_ =	swait.ge [sflag:s29], $0x320  }
0x1db: {  	[sflag:s29] =	ssyncset.done $0x0  }
0x1dc: {  	[sflag:s29] =	ssyncadd.s32 $0xFFFFFCE0  }
0x1dd: {  	_ =	swait.ge [sflag:s29], $0x320  }
0x1de: {  	[sflag:s29] =	ssyncset.done $0x0  }
0x1df: {  	[sflag:s29] =	ssyncadd.s32 $0xFFFFFCE0  }
0x1e0: {  	_ =	swait.ge [sflag:s29], $0x320  }
0x1e1: {  	[sflag:s29] =	ssyncset.done $0x0  }
0x1e2: {  	[sflag:s29] =	ssyncadd.s32 $0xFFFFFCE0  }
0x1e3: {  	_ =	swait.ge [sflag:s29], $0x320  }
0x1e4: {  	[sflag:s29] =	ssyncset.done $0x0  }
0x1e5: {  	[sflag:s29] =	ssyncadd.s32 $0xFFFFFCE0  }
0x1e6: {  	_ =	swait.ge [sflag:s29], $0x320  }
0x1e7: {  	[sflag:s29] =	ssyncset.done $0x0  }
0x1e8: {  	[sflag:s29] =	ssyncadd.s32 $0xFFFFFCE0  }
0x1e9: {  	_ =	swait.ge [sflag:s29], $0x320  }
0x1ea: {  	[sflag:s29] =	ssyncset.done $0x0  }
0x1eb: {  	s0 =	simm.s32 $0xFFFFFFF0;
	s3 =	simm.s32 $0x3280;
	[sflag:s29] =	ssyncadd.s32 $0xFFFFFCE0  }
.LBB2_8:
0x1ec: {  	v4 =	vld [tilespmem:s3+$0xFFFFFF80];
	_ =	sdelay $0x4  }
0x1ed: {  	v4 =	vadd.s32 v0, v4;
	_ =	sdelay $0x4  }
0x1ee: {  	[tilespmem:v4+s28+$0x0] =	vst.idx.add.s32.msk $0xffff, v2  }
0x1ef: {  	v4 =	vld [tilespmem:s3+$0xFFFFFF90];
	_ =	sdelay $0x4  }
0x1f0: {  	v4 =	vadd.s32 v0, v4;
	_ =	sdelay $0x4  }
0x1f1: {  	[tilespmem:v4+s28+$0x0] =	vst.idx.add.s32.msk $0xffff, v2  }
0x1f2: {  	v4 =	vld [tilespmem:s3+$0xFFFFFFA0];
	_ =	sdelay $0x4  }
0x1f3: {  	v4 =	vadd.s32 v0, v4;
	_ =	sdelay $0x4  }
0x1f4: {  	[tilespmem:v4+s28+$0x0] =	vst.idx.add.s32.msk $0xffff, v2  }
0x1f5: {  	v4 =	vld [tilespmem:s3+$0xFFFFFFB0];
	_ =	sdelay $0x4  }
0x1f6: {  	v4 =	vadd.s32 v0, v4;
	_ =	sdelay $0x4  }
0x1f7: {  	[tilespmem:v4+s28+$0x0] =	vst.idx.add.s32.msk $0xffff, v2  }
0x1f8: {  	v4 =	vld [tilespmem:s3+$0xFFFFFFC0];
	_ =	sdelay $0x4  }
0x1f9: {  	v4 =	vadd.s32 v0, v4;
	_ =	sdelay $0x4  }
0x1fa: {  	[tilespmem:v4+s28+$0x0] =	vst.idx.add.s32.msk $0xffff, v2  }
0x1fb: {  	v4 =	vld [tilespmem:s3+$0xFFFFFFD0];
	_ =	sdelay $0x4  }
0x1fc: {  	v4 =	vadd.s32 v0, v4;
	_ =	sdelay $0x4  }
0x1fd: {  	[tilespmem:v4+s28+$0x0] =	vst.idx.add.s32.msk $0xffff, v2  }
0x1fe: {  	v4 =	vld [tilespmem:s3+$0xFFFFFFE0];
	_ =	sdelay $0x4  }
0x1ff: {  	v4 =	vadd.s32 v0, v4;
	_ =	sdelay $0x4  }
0x200: {  	[tilespmem:v4+s28+$0x0] =	vst.idx.add.s32.msk $0xffff, v2  }
0x201: {  	v4 =	vld [tilespmem:s3+$0xFFFFFFF0];
	_ =	sdelay $0x4  }
0x202: {  	v4 =	vadd.s32 v0, v4;
	_ =	sdelay $0x4  }
0x203: {  	[tilespmem:v4+s28+$0x0] =	vst.idx.add.s32.msk $0xffff, v2  }
0x204: {  	v4 =	vld [tilespmem:s3+$0x0];
	_ =	sdelay $0x4  }
0x205: {  	v4 =	vadd.s32 v0, v4;
	_ =	sdelay $0x4  }
0x206: {  	[tilespmem:v4+s28+$0x0] =	vst.idx.add.s32.msk $0xffff, v2  }
0x207: {  	v4 =	vld [tilespmem:s3+$0x10];
	_ =	sdelay $0x4  }
0x208: {  	v4 =	vadd.s32 v0, v4;
	_ =	sdelay $0x4  }
0x209: {  	[tilespmem:v4+s28+$0x0] =	vst.idx.add.s32.msk $0xffff, v2  }
0x20a: {  	v4 =	vld [tilespmem:s3+$0x20];
	_ =	sdelay $0x4  }
0x20b: {  	v4 =	vadd.s32 v0, v4;
	_ =	sdelay $0x4  }
0x20c: {  	[tilespmem:v4+s28+$0x0] =	vst.idx.add.s32.msk $0xffff, v2  }
0x20d: {  	v4 =	vld [tilespmem:s3+$0x30];
	_ =	sdelay $0x4  }
0x20e: {  	v4 =	vadd.s32 v0, v4;
	_ =	sdelay $0x4  }
0x20f: {  	[tilespmem:v4+s28+$0x0] =	vst.idx.add.s32.msk $0xffff, v2  }
0x210: {  	v4 =	vld [tilespmem:s3+$0x40];
	_ =	sdelay $0x4  }
0x211: {  	v4 =	vadd.s32 v0, v4;
	_ =	sdelay $0x4  }
0x212: {  	[tilespmem:v4+s28+$0x0] =	vst.idx.add.s32.msk $0xffff, v2  }
0x213: {  	v4 =	vld [tilespmem:s3+$0x50];
	_ =	sdelay $0x4  }
0x214: {  	v4 =	vadd.s32 v0, v4;
	_ =	sdelay $0x4  }
0x215: {  	[tilespmem:v4+s28+$0x0] =	vst.idx.add.s32.msk $0xffff, v2  }
0x216: {  	v4 =	vld [tilespmem:s3+$0x60];
	_ =	sdelay $0x4  }
0x217: {  	v4 =	vadd.s32 v0, v4;
	_ =	sdelay $0x4  }
0x218: {  	[tilespmem:v4+s28+$0x0] =	vst.idx.add.s32.msk $0xffff, v2  }
0x219: {  	v4 =	vld [tilespmem:s3+$0x70];
	_ =	sdelay $0x3  }
0x21a: {  	s0 =	sadd.s32 $0x10, s0  }
0x21b: {  	p0 =	slt.u32 s0, $0x310;
	v4 =	vadd.s32 v0, v4  }
.Ltmp5:
0x21c: {  	_ = 	snop;
	(pc) =	sbr.rel @p0 .LBB2_8-.Ltmp5, $2  }
0x21d: {  	_ =	sdelay $0x2  }
0x21e: {  	s3 =	sadd.s32 $0x100, s3;
	[tilespmem:v4+s28+$0x0] =	vst.idx.add.s32.msk $0xffff, v2  }
0x21f: {  	v4 =	vld [tilespmem:$0x6780];
	_ =	sdelay $0x4  }
0x220: {  	v4 =	vadd.s32 v0, v4;
	_ =	sdelay $0x4  }
0x221: {  	[tilespmem:v4+s28+$0x0] =	vst.idx.add.s32.msk $0xffff, v2  }
0x222: {  	v4 =	vld [tilespmem:$0x6790];
	_ =	sdelay $0x4  }
0x223: {  	v4 =	vadd.s32 v0, v4;
	_ =	sdelay $0x4  }
0x224: {  	[tilespmem:v4+s28+$0x0] =	vst.idx.add.s32.msk $0xffff, v2  }
0x225: {  	v4 =	vld [tilespmem:$0x67A0];
	_ =	sdelay $0x4  }
0x226: {  	v4 =	vadd.s32 v0, v4;
	_ =	sdelay $0x4  }
0x227: {  	[tilespmem:v4+s28+$0x0] =	vst.idx.add.s32.msk $0xffff, v2  }
0x228: {  	v4 =	vld [tilespmem:$0x67B0];
	_ =	sdelay $0x4  }
0x229: {  	v4 =	vadd.s32 v0, v4;
	_ =	sdelay $0x4  }
0x22a: {  	[tilespmem:v4+s28+$0x0] =	vst.idx.add.s32.msk $0xffff, v2  }
0x22b: {  	v4 =	vld [tilespmem:$0x67C0];
	_ =	sdelay $0x4  }
0x22c: {  	v4 =	vadd.s32 v0, v4;
	_ =	sdelay $0x4  }
0x22d: {  	[tilespmem:v4+s28+$0x0] =	vst.idx.add.s32.msk $0xffff, v2  }
0x22e: {  	v4 =	vld [tilespmem:$0x67D0];
	_ =	sdelay $0x4  }
0x22f: {  	v4 =	vadd.s32 v0, v4;
	_ =	sdelay $0x4  }
0x230: {  	[tilespmem:v4+s28+$0x0] =	vst.idx.add.s32.msk $0xffff, v2  }
0x231: {  	v4 =	vld [tilespmem:$0x67E0];
	_ =	sdelay $0x4  }
0x232: {  	v4 =	vadd.s32 v0, v4;
	_ =	sdelay $0x4  }
0x233: {  	[tilespmem:v4+s28+$0x0] =	vst.idx.add.s32.msk $0xffff, v2  }
0x234: {  	v4 =	vld [tilespmem:$0x67F0];
	_ =	sdelay $0x4  }
0x235: {  	v4 =	vadd.s32 v0, v4;
	_ =	sdelay $0x4  }
0x236: {  	[tilespmem:v4+s28+$0x0] =	vst.idx.add.s32.msk $0xffff, v2  }
0x237: {  	v4 =	vld [tilespmem:$0x6800];
	_ =	sdelay $0x4  }
0x238: {  	v4 =	vadd.s32 v0, v4;
	_ =	sdelay $0x4  }
0x239: {  	[tilespmem:v4+s28+$0x0] =	vst.idx.add.s32.msk $0xffff, v2  }
0x23a: {  	v4 =	vld [tilespmem:$0x6810];
	_ =	sdelay $0x4  }
0x23b: {  	v4 =	vadd.s32 v0, v4;
	_ =	sdelay $0x4  }
0x23c: {  	[tilespmem:v4+s28+$0x0] =	vst.idx.add.s32.msk $0xffff, v2  }
0x23d: {  	v4 =	vld [tilespmem:$0x6820];
	_ =	sdelay $0x4  }
0x23e: {  	v4 =	vadd.s32 v0, v4;
	_ =	sdelay $0x4  }
0x23f: {  	[tilespmem:v4+s28+$0x0] =	vst.idx.add.s32.msk $0xffff, v2  }
0x240: {  	v4 =	vld [tilespmem:$0x6830];
	_ =	sdelay $0x4  }
0x241: {  	v4 =	vadd.s32 v0, v4;
	_ =	sdelay $0x4  }
0x242: {  	[tilespmem:v4+s28+$0x0] =	vst.idx.add.s32.msk $0xffff, v2  }
0x243: {  	v4 =	vld [tilespmem:$0x6840];
	_ =	sdelay $0x4  }
0x244: {  	v4 =	vadd.s32 v0, v4;
	_ =	sdelay $0x4  }
0x245: {  	[tilespmem:v4+s28+$0x0] =	vst.idx.add.s32.msk $0xffff, v2  }
0x246: {  	v4 =	vld [tilespmem:$0x6850];
	_ =	sdelay $0x4  }
0x247: {  	v4 =	vadd.s32 v0, v4;
	_ =	sdelay $0x4  }
0x248: {  	[tilespmem:v4+s28+$0x0] =	vst.idx.add.s32.msk $0xffff, v2  }
0x249: {  	v4 =	vld [tilespmem:$0x6860];
	_ =	sdelay $0x4  }
0x24a: {  	v4 =	vadd.s32 v0, v4;
	_ =	sdelay $0x4  }
0x24b: {  	[tilespmem:v4+s28+$0x0] =	vst.idx.add.s32.msk $0xffff, v2  }
0x24c: {  	v4 =	vld [tilespmem:$0x6870];
	_ =	sdelay $0x4  }
0x24d: {  	v4 =	vadd.s32 v0, v4;
	_ =	sdelay $0x4  }
0x24e: {  	[tilespmem:v4+s28+$0x0] =	vst.idx.add.s32.msk $0xffff, v2  }
0x24f: {  	v4 =	vld [tilespmem:$0x6880];
	_ =	sdelay $0x4  }
0x250: {  	v4 =	vadd.s32 v0, v4;
	_ =	sdelay $0x4  }
0x251: {  	[tilespmem:v4+s28+$0x0] =	vst.idx.add.s32.msk $0xffff, v2  }
0x252: {  	v4 =	vld [tilespmem:$0x6890];
	_ =	sdelay $0x4  }
0x253: {  	v4 =	vadd.s32 v0, v4;
	_ =	sdelay $0x4  }
0x254: {  	[tilespmem:v4+s28+$0x0] =	vst.idx.add.s32.msk $0xffff, v2  }
0x255: {  	v4 =	vld [tilespmem:$0x68A0];
	_ =	sdelay $0x4  }
0x256: {  	v4 =	vadd.s32 v0, v4;
	_ =	sdelay $0x4  }
0x257: {  	[tilespmem:v4+s28+$0x0] =	vst.idx.add.s32.msk $0xffff, v2  }
0x258: {  	v4 =	vld [tilespmem:$0x68B0];
	_ =	sdelay $0x4  }
0x259: {  	v4 =	vadd.s32 v0, v4;
	_ =	sdelay $0x4  }
0x25a: {  	[tilespmem:v4+s28+$0x0] =	vst.idx.add.s32.msk $0xffff, v2  }
0x25b: {  	v4 =	vld [tilespmem:$0x68C0];
	_ =	sdelay $0x4  }
0x25c: {  	v4 =	vadd.s32 v0, v4;
	_ =	sdelay $0x4  }
0x25d: {  	[tilespmem:v4+s28+$0x0] =	vst.idx.add.s32.msk $0xffff, v2  }
0x25e: {  	v4 =	vld [tilespmem:$0x68D0];
	_ =	sdelay $0x4  }
0x25f: {  	v4 =	vadd.s32 v0, v4;
	_ =	sdelay $0x4  }
0x260: {  	[tilespmem:v4+s28+$0x0] =	vst.idx.add.s32.msk $0xffff, v2  }
0x261: {  	v4 =	vld [tilespmem:$0x68E0];
	_ =	sdelay $0x4  }
0x262: {  	v4 =	vadd.s32 v0, v4;
	_ =	sdelay $0x4  }
0x263: {  	[tilespmem:v4+s28+$0x0] =	vst.idx.add.s32.msk $0xffff, v2  }
0x264: {  	v4 =	vld [tilespmem:$0x68F0];
	_ =	sdelay $0x4  }
0x265: {  	v4 =	vadd.s32 v0, v4;
	_ =	sdelay $0x4  }
0x266: {  	[tilespmem:v4+s28+$0x0] =	vst.idx.add.s32.msk $0xffff, v2  }
0x267: {  	v4 =	vld [tilespmem:$0x6900];
	_ =	sdelay $0x4  }
0x268: {  	v4 =	vadd.s32 v0, v4;
	_ =	sdelay $0x4  }
0x269: {  	[tilespmem:v4+s28+$0x0] =	vst.idx.add.s32.msk $0xffff, v2  }
0x26a: {  	v4 =	vld [tilespmem:$0x6910];
	_ =	sdelay $0x4  }
0x26b: {  	v4 =	vadd.s32 v0, v4;
	_ =	sdelay $0x4  }
0x26c: {  	[tilespmem:v4+s28+$0x0] =	vst.idx.add.s32.msk $0xffff, v2  }
0x26d: {  	v4 =	vld [tilespmem:$0x6920];
	_ =	sdelay $0x4  }
0x26e: {  	v4 =	vadd.s32 v0, v4;
	_ =	sdelay $0x4  }
0x26f: {  	[tilespmem:v4+s28+$0x0] =	vst.idx.add.s32.msk $0xffff, v2  }
0x270: {  	v4 =	vld [tilespmem:$0x6930];
	_ =	sdelay $0x4  }
0x271: {  	v4 =	vadd.s32 v0, v4;
	_ =	sdelay $0x4  }
0x272: {  	[tilespmem:v4+s28+$0x0] =	vst.idx.add.s32.msk $0xffff, v2  }
0x273: {  	v4 =	vld [tilespmem:$0x6940];
	_ =	sdelay $0x4  }
0x274: {  	v4 =	vadd.s32 v0, v4;
	_ =	sdelay $0x4  }
0x275: {  	[tilespmem:v4+s28+$0x0] =	vst.idx.add.s32.msk $0xffff, v2  }
0x276: {  	v4 =	vld [tilespmem:$0x6950];
	_ =	sdelay $0x4  }
0x277: {  	v4 =	vadd.s32 v0, v4;
	_ =	sdelay $0x4  }
0x278: {  	[tilespmem:v4+s28+$0x0] =	vst.idx.add.s32.msk $0xffff, v2  }
0x279: {  	v4 =	vld [tilespmem:$0x6960];
	_ =	sdelay $0x4  }
0x27a: {  	v4 =	vadd.s32 v0, v4;
	_ =	sdelay $0x4  }
0x27b: {  	[tilespmem:v4+s28+$0x0] =	vst.idx.add.s32.msk $0xffff, v2  }
0x27c: {  	v4 =	vld [tilespmem:$0x6970];
	_ =	sdelay $0x4  }
0x27d: {  	v4 =	vadd.s32 v0, v4;
	_ =	sdelay $0x4  }
0x27e: {  	[tilespmem:v4+s28+$0x0] =	vst.idx.add.s32.msk $0xffff, v2  }
0x27f: {  	v4 =	vld [tilespmem:$0x6980];
	_ =	sdelay $0x4  }
0x280: {  	v4 =	vadd.s32 v0, v4;
	_ =	sdelay $0x4  }
0x281: {  	[tilespmem:v4+s28+$0x0] =	vst.idx.add.s32.msk $0xffff, v2  }
0x282: {  	v4 =	vld [tilespmem:$0x6990];
	_ =	sdelay $0x4  }
0x283: {  	v4 =	vadd.s32 v0, v4;
	_ =	sdelay $0x4  }
0x284: {  	[tilespmem:v4+s28+$0x0] =	vst.idx.add.s32.msk $0xffff, v2  }
0x285: {  	v4 =	vld [tilespmem:$0x69A0];
	_ =	sdelay $0x4  }
0x286: {  	v4 =	vadd.s32 v0, v4;
	_ =	sdelay $0x4  }
0x287: {  	[tilespmem:v4+s28+$0x0] =	vst.idx.add.s32.msk $0xffff, v2  }
0x288: {  	v4 =	vld [tilespmem:$0x69B0];
	_ =	sdelay $0x4  }
0x289: {  	v4 =	vadd.s32 v0, v4;
	_ =	sdelay $0x4  }
0x28a: {  	[tilespmem:v4+s28+$0x0] =	vst.idx.add.s32.msk $0xffff, v2  }
0x28b: {  	v4 =	vld [tilespmem:$0x69C0];
	_ =	sdelay $0x4  }
0x28c: {  	v4 =	vadd.s32 v0, v4;
	_ =	sdelay $0x4  }
0x28d: {  	[tilespmem:v4+s28+$0x0] =	vst.idx.add.s32.msk $0xffff, v2  }
0x28e: {  	v4 =	vld [tilespmem:$0x69D0];
	_ =	sdelay $0x4  }
0x28f: {  	v4 =	vadd.s32 v0, v4;
	_ =	sdelay $0x4  }
0x290: {  	[tilespmem:v4+s28+$0x0] =	vst.idx.add.s32.msk $0xffff, v2  }
0x291: {  	v4 =	vld [tilespmem:$0x69E0];
	_ =	sdelay $0x4  }
0x292: {  	v4 =	vadd.s32 v0, v4;
	_ =	sdelay $0x4  }
0x293: {  	[tilespmem:v4+s28+$0x0] =	vst.idx.add.s32.msk $0xffff, v2  }
0x294: {  	v4 =	vld [tilespmem:$0x69F0];
	_ =	sdelay $0x4  }
0x295: {  	v4 =	vadd.s32 v0, v4;
	_ =	sdelay $0x4  }
0x296: {  	[tilespmem:v4+s28+$0x0] =	vst.idx.add.s32.msk $0xffff, v2  }
0x297: {  	v4 =	vld [tilespmem:$0x6A00];
	_ =	sdelay $0x4  }
0x298: {  	v4 =	vadd.s32 v0, v4;
	_ =	sdelay $0x4  }
0x299: {  	[tilespmem:v4+s28+$0x0] =	vst.idx.add.s32.msk $0xffff, v2  }
0x29a: {  	v4 =	vld [tilespmem:$0x6A10];
	_ =	sdelay $0x4  }
0x29b: {  	v4 =	vadd.s32 v0, v4;
	_ =	sdelay $0x4  }
0x29c: {  	[tilespmem:v4+s28+$0x0] =	vst.idx.add.s32.msk $0xffff, v2  }
0x29d: {  	v4 =	vld [tilespmem:$0x6A20];
	_ =	sdelay $0x4  }
0x29e: {  	v4 =	vadd.s32 v0, v4;
	_ =	sdelay $0x4  }
0x29f: {  	[tilespmem:v4+s28+$0x0] =	vst.idx.add.s32.msk $0xffff, v2  }
0x2a0: {  	v4 =	vld [tilespmem:$0x6A30];
	_ =	sdelay $0x4  }
0x2a1: {  	v4 =	vadd.s32 v0, v4;
	_ =	sdelay $0x4  }
0x2a2: {  	[tilespmem:v4+s28+$0x0] =	vst.idx.add.s32.msk $0xffff, v2  }
0x2a3: {  	v4 =	vld [tilespmem:$0x6A40];
	_ =	sdelay $0x4  }
0x2a4: {  	v4 =	vadd.s32 v0, v4;
	_ =	sdelay $0x4  }
0x2a5: {  	[tilespmem:v4+s28+$0x0] =	vst.idx.add.s32.msk $0xffff, v2  }
0x2a6: {  	v4 =	vld [tilespmem:$0x6A50];
	_ =	sdelay $0x4  }
0x2a7: {  	v4 =	vadd.s32 v0, v4;
	_ =	sdelay $0x4  }
0x2a8: {  	[tilespmem:v4+s28+$0x0] =	vst.idx.add.s32.msk $0xffff, v2  }
0x2a9: {  	v4 =	vld [tilespmem:$0x6A60];
	_ =	sdelay $0x4  }
0x2aa: {  	v4 =	vadd.s32 v0, v4;
	_ =	sdelay $0x4  }
0x2ab: {  	[tilespmem:v4+s28+$0x0] =	vst.idx.add.s32.msk $0xffff, v2  }
0x2ac: {  	v4 =	vld [tilespmem:$0x6A70];
	_ =	sdelay $0x4  }
0x2ad: {  	v4 =	vadd.s32 v0, v4;
	_ =	sdelay $0x4  }
0x2ae: {  	[tilespmem:v4+s28+$0x0] =	vst.idx.add.s32.msk $0xffff, v2  }
0x2af: {  	v4 =	vld [tilespmem:$0x6A80];
	_ =	sdelay $0x4  }
0x2b0: {  	v4 =	vadd.s32 v0, v4;
	_ =	sdelay $0x4  }
0x2b1: {  	[tilespmem:v4+s28+$0x0] =	vst.idx.add.s32.msk $0xffff, v2  }
0x2b2: {  	v4 =	vld [tilespmem:$0x6A90];
	_ =	sdelay $0x4  }
0x2b3: {  	v4 =	vadd.s32 v0, v4  }
.Ltmp6:
0x2b4: {  	_ = 	snop;
	(pc) =	sbr.rel .LBB2_10-.Ltmp6, $2  }
0x2b5: {  	_ =	sdelay $0x2  }
0x2b6: {  	[tilespmem:v4+s28+$0x0] =	vst.idx.add.s32.msk $0xffff, v2  }
.LBB2_11:
0x2b7: {  	s0 =	simm.s32 $0x1  }
0x2b8: {  	s1 =	simm.s32 $0x0;
	v4 =	vor.u32 s0, v3  }
0x2b9: {  	s18 =	simm.s32 $0x2;
	v5 =	vor.u32 s1, v3  }
0x2ba: {  	s19 =	simm.s32 $0x3;
	v6 =	vor.u32 s18, v3  }
0x2bb: {  	s20 =	simm.s32 $0x4;
	v7 =	vor.u32 s19, v3  }
0x2bc: {  	s21 =	simm.s32 $0x5;
	v8 =	vor.u32 s20, v3  }
0x2bd: {  	s22 =	simm.s32 $0x6;
	v9 =	vor.u32 s21, v3;
	v4 =	vld.idx.msk [tilespmem:v4+s28+$0x0], $0xffff  }
0x2be: {  	v10 =	vor.u32 s22, v3;
	s1 =	simm.s32 $0x7;
	v5 =	vld.idx.msk [tilespmem:v5+s28+$0x0], $0xffff  }
0x2bf: {  	s3 =	simm.s32 $0x8;
	v11 =	vor.u32 s1, v3;
	v6 =	vld.idx.msk [tilespmem:v6+s28+$0x0], $0xffff  }
0x2c0: {  	s8 =	simm.s32 $0x9;
	v12 =	vor.u32 s3, v3;
	v7 =	vld.idx.msk [tilespmem:v7+s28+$0x0], $0xffff  }
0x2c1: {  	s9 =	simm.s32 $0xA;
	v13 =	vor.u32 s8, v3;
	v8 =	vld.idx.msk [tilespmem:v8+s28+$0x0], $0xffff  }
0x2c2: {  	s10 =	simm.s32 $0xB;
	v14 =	vor.u32 s9, v3;
	v9 =	vld.idx.msk [tilespmem:v9+s28+$0x0], $0xffff  }
0x2c3: {  	s11 =	simm.s32 $0xC;
	v15 =	vor.u32 s10, v3;
	v10 =	vld.idx.msk [tilespmem:v10+s28+$0x0], $0xffff;
	v4 =	vadd.s32 v5, v4  }
0x2c4: {  	s12 =	simm.s32 $0xD;
	v5 =	vld.idx.msk [tilespmem:v11+s28+$0x0], $0xffff;
	v11 =	vor.u32 s11, v3;
	v4 =	vadd.s32 v6, v4  }
0x2c5: {  	s13 =	simm.s32 $0xE;
	v6 =	vld.idx.msk [tilespmem:v12+s28+$0x0], $0xffff;
	v12 =	vor.u32 s12, v3;
	v4 =	vadd.s32 v7, v4  }
0x2c6: {  	s14 =	simm.s32 $0xF;
	v7 =	vld.idx.msk [tilespmem:v13+s28+$0x0], $0xffff;
	v13 =	vor.u32 s13, v3;
	v4 =	vadd.s32 v8, v4  }
0x2c7: {  	v8 =	vld.idx.msk [tilespmem:v14+s28+$0x0], $0xffff;
	v14 =	vor.u32 s14, v3;
	v4 =	vadd.s32 v9, v4  }
0x2c8: {  	v9 =	vld.idx.msk [tilespmem:v15+s28+$0x0], $0xffff;
	v4 =	vadd.s32 v10, v4  }
0x2c9: {  	v10 =	vld.idx.msk [tilespmem:v11+s28+$0x0], $0xffff;
	v4 =	vadd.s32 v5, v4  }
0x2ca: {  	v5 =	vld.idx.msk [tilespmem:v12+s28+$0x0], $0xffff;
	v4 =	vadd.s32 v6, v4  }
0x2cb: {  	v6 =	vld.idx.msk [tilespmem:v13+s28+$0x0], $0xffff;
	v4 =	vadd.s32 v7, v4  }
0x2cc: {  	v7 =	vld.idx.msk [tilespmem:v14+s28+$0x0], $0xffff;
	v4 =	vadd.s32 v8, v4  }
0x2cd: {  	s15 =	simm.s32 $0x100;
	v4 =	vadd.s32 v9, v4  }
0x2ce: {  	s19 =	simm.s32 $0x104;
	v8 =	vor.u32 s15, v3;
	v4 =	vadd.s32 v10, v4  }
0x2cf: {  	s16 =	simm.s32 $0x101;
	v12 =	vor.u32 s19, v3;
	v4 =	vadd.s32 v5, v4  }
0x2d0: {  	s17 =	simm.s32 $0x102;
	v5 =	vor.u32 s16, v3;
	v4 =	vadd.s32 v6, v4  }
0x2d1: {  	s18 =	simm.s32 $0x103;
	s0 =	simm.s32 $0x10;
	v6 =	vor.u32 s17, v3;
	v4 =	vadd.s32 v7, v4  }
0x2d2: {  	s20 =	simm.s32 $0x105;
	s21 =	simm.s32 $0x106;
	v7 =	vor.u32 s18, v3;
	[tilespmem:s0+$0xFFFFFFF0] =	vst v4  }
0x2d3: {  	s3 =	simm.s32 $0x10C;
	s8 =	simm.s32 $0x107;
	s9 =	simm.s32 $0x200;
	v13 =	vor.u32 s20, v3;
	v8 =	vld.idx.msk [tilespmem:v8+s28+$0x0], $0xffff  }
0x2d4: {  	s10 =	simm.s32 $0x308;
	s22 =	simm.s32 $0x201;
	s1 =	simm.s32 $0x30F;
	v15 =	vor.u32 s21, v3;
	v12 =	vld.idx.msk [tilespmem:v12+s28+$0x0], $0xffff  }
0x2d5: {  	s11 =	simm.s32 $0x10F;
	s12 =	simm.s32 $0x10E;
	s14 =	simm.s32 $0x108;
	v14 =	vor.u32 s8, v3;
	v9 =	vld.idx.msk [tilespmem:v5+s28+$0x0], $0xffff  }
0x2d6: {  	s13 =	simm.s32 $0x10D;
	v17 =	vor.u32 s14, v3;
	s14 =	simm.s32 $0x10;
	s16 =	simm.s32 $0x109;
	v10 =	vld.idx.msk [tilespmem:v6+s28+$0x0], $0xffff  }
0x2d7: {  	s19 =	simm.s32 $0x10B;
	s8 =	simm.s32 $0x309;
	v16 =	vor.u32 s16, v3;
	s18 =	simm.s32 $0x10A;
	v11 =	vld.idx.msk [tilespmem:v7+s28+$0x0], $0xffff  }
0x2d8: {  	v19 =	vor.u32 s19, v3;
	s15 =	simm.s32 $0x2;
	s17 =	simm.s32 $0x30C;
	s16 =	simm.s32 $0x30E;
	v4 =	vor.u32 s3, v3;
	v18 =	vor.u32 s18, v3;
	v13 =	vld.idx.msk [tilespmem:v13+s28+$0x0], $0xffff  }
0x2d9: {  	s3 =	simm.s32 $0x30B;
	v15 =	vld.idx.msk [tilespmem:v15+s28+$0x0], $0xffff;
	v5 =	vor.u32 s17, v3;
	s17 =	simm.s32 $0x30D;
	v6 =	vor.u32 s9, v3;
	s9 =	simm.s32 $0x30A;
	v7 =	vor.u32 s22, v3  }
.LBB2_12:
0x2da: {  	s15 =	sadd.s32 $0x2, s15;
	v8 =	vadd.s32 v8, v9;
	v9 =	vld.idx.msk [tilespmem:v14+s28+$0x0], $0xffff;
	s0 =	sadd.s32 $0x20, s0  }
0x2db: {  	v14 =	vor.u32 s13, v3;
	s13 =	smov.u32 s17;
	p0 =	slt.u32 s15, $0x190;
	v8 =	vadd.s32 v10, v8;
	v10 =	vld.idx.msk [tilespmem:v17+s28+$0x0], $0xffff  }
0x2dc: {  	v8 =	vadd.s32 v11, v8;
	v11 =	vld.idx.msk [tilespmem:v16+s28+$0x0], $0xffff;
	v16 =	vor.u32 s12, v3;
	s12 =	smov.u32 s16  }
0x2dd: {  	v17 =	vor.u32 s11, v3;
	s11 =	smov.u32 s1;
	v8 =	vadd.s32 v12, v8;
	v12 =	vld.idx.msk [tilespmem:v18+s28+$0x0], $0xffff  }
0x2de: {  	v8 =	vadd.s32 v13, v8;
	v13 =	vld.idx.msk [tilespmem:v19+s28+$0x0], $0xffff  }
0x2df: {  	v8 =	vadd.s32 v15, v8;
	v15 =	vld.idx.msk [tilespmem:v4+s28+$0x0], $0xffff;
	v4 =	vmov v5  }
0x2e0: {  	v5 =	vadd.s32 v9, v8;
	v8 =	vld.idx.msk [tilespmem:v14+s28+$0x0], $0xffff  }
0x2e1: {  	v5 =	vadd.s32 v10, v5;
	v9 =	vld.idx.msk [tilespmem:v16+s28+$0x0], $0xffff  }
0x2e2: {  	v5 =	vadd.s32 v11, v5;
	v10 =	vld.idx.msk [tilespmem:v17+s28+$0x0], $0xffff  }
0x2e3: {  	v5 =	vadd.s32 v12, v5  }
0x2e4: {  	s16 =	sadd.s32 $0xFFFFFEF3, s1;
	v5 =	vadd.s32 v13, v5  }
0x2e5: {  	v11 =	vor.u32 s16, v3;
	v5 =	vadd.s32 v15, v5  }
0x2e6: {  	v5 =	vadd.s32 v8, v5  }
0x2e7: {  	v5 =	vadd.s32 v9, v5  }
0x2e8: {  	s16 =	sadd.s32 $0xFFFFFEF4, s1;
	v5 =	vadd.s32 v10, v5  }
0x2e9: {  	v8 =	vor.u32 s16, v3;
	s16 =	sadd.s32 $0xFFFFFEF5, s1;
	[tilespmem:s14+$0x0] =	vst v5;
	s14 =	smov.u32 s0  }
0x2ea: {  	v9 =	vor.u32 s16, v3;
	s16 =	sadd.s32 $0xFFFFFEF6, s1;
	v5 =	vld.idx.msk [tilespmem:v11+s28+$0x0], $0xffff  }
0x2eb: {  	v10 =	vor.u32 s16, v3;
	s16 =	sadd.s32 $0xFFFFFEF7, s1;
	v7 =	vld.idx.msk [tilespmem:v7+s28+$0x0], $0xffff  }
0x2ec: {  	v11 =	vor.u32 s16, v3;
	s16 =	sadd.s32 $0xFFFFFEF8, s1;
	v6 =	vld.idx.msk [tilespmem:v6+s28+$0x0], $0xffff  }
0x2ed: {  	v12 =	vor.u32 s16, v3;
	s16 =	sadd.s32 $0xFFFFFEF9, s1  }
0x2ee: {  	v13 =	vor.u32 s16, v3;
	s16 =	sadd.s32 $0xFFFFFEFA, s1;
	v8 =	vld.idx.msk [tilespmem:v8+s28+$0x0], $0xffff  }
0x2ef: {  	v14 =	vor.u32 s16, v3;
	s16 =	sadd.s32 $0xFFFFFEFB, s1;
	v9 =	vld.idx.msk [tilespmem:v9+s28+$0x0], $0xffff  }
0x2f0: {  	v15 =	vor.u32 s16, v3;
	s16 =	sadd.s32 $0xFFFFFEFC, s1;
	v10 =	vld.idx.msk [tilespmem:v10+s28+$0x0], $0xffff  }
0x2f1: {  	v16 =	vor.u32 s16, v3;
	s16 =	sadd.s32 $0xFFFFFEFD, s1;
	v11 =	vld.idx.msk [tilespmem:v11+s28+$0x0], $0xffff  }
0x2f2: {  	v6 =	vadd.s32 v6, v7;
	v7 =	vld.idx.msk [tilespmem:v12+s28+$0x0], $0xffff;
	v12 =	vor.u32 s16, v3;
	s16 =	sadd.s32 $0xFFFFFEFE, s1  }
0x2f3: {  	v5 =	vadd.s32 v5, v6;
	v6 =	vld.idx.msk [tilespmem:v13+s28+$0x0], $0xffff;
	v13 =	vor.u32 s16, v3;
	s16 =	sadd.s32 $0xFFFFFEFF, s1  }
0x2f4: {  	v5 =	vadd.s32 v8, v5;
	v8 =	vld.idx.msk [tilespmem:v14+s28+$0x0], $0xffff;
	v14 =	vor.u32 s16, v3;
	s16 =	sadd.s32 $0xFFFFFF00, s1  }
0x2f5: {  	v5 =	vadd.s32 v9, v5;
	v9 =	vld.idx.msk [tilespmem:v15+s28+$0x0], $0xffff;
	v15 =	vor.u32 s16, v3  }
0x2f6: {  	v5 =	vadd.s32 v10, v5;
	v10 =	vld.idx.msk [tilespmem:v16+s28+$0x0], $0xffff  }
0x2f7: {  	v5 =	vadd.s32 v11, v5;
	v11 =	vld.idx.msk [tilespmem:v12+s28+$0x0], $0xffff  }
0x2f8: {  	v5 =	vadd.s32 v7, v5;
	v7 =	vld.idx.msk [tilespmem:v13+s28+$0x0], $0xffff  }
0x2f9: {  	v5 =	vadd.s32 v6, v5;
	v6 =	vld.idx.msk [tilespmem:v14+s28+$0x0], $0xffff  }
0x2fa: {  	v5 =	vadd.s32 v8, v5;
	v8 =	vld.idx.msk [tilespmem:v15+s28+$0x0], $0xffff  }
0x2fb: {  	v5 =	vadd.s32 v9, v5  }
0x2fc: {  	s16 =	sadd.s32 $0xFFFFFFF1, s1;
	v5 =	vadd.s32 v10, v5  }
0x2fd: {  	v9 =	vor.u32 s16, v3;
	s16 =	sadd.s32 $0xFFFFFFF2, s1;
	v5 =	vadd.s32 v11, v5  }
0x2fe: {  	v5 =	vadd.s32 v7, v5;
	v7 =	vor.u32 s16, v3;
	s16 =	sadd.s32 $0xFFFFFFF3, s1  }
0x2ff: {  	v5 =	vadd.s32 v6, v5;
	v6 =	vor.u32 s16, v3;
	s16 =	sadd.s32 $0xFFFFFFF4, s1  }
0x300: {  	v5 =	vadd.s32 v8, v5;
	v11 =	vor.u32 s16, v3;
	s16 =	sadd.s32 $0xFFFFFFF5, s1  }
0x301: {  	[tilespmem:s0+$0xFFFFFFF0] =	vst v5;
	v5 =	vor.u32 s16, v3;
	s16 =	sadd.s32 $0xFFFFFFF6, s1  }
0x302: {  	v8 =	vld.idx.msk [tilespmem:v9+s28+$0x0], $0xffff;
	v13 =	vor.u32 s16, v3;
	s16 =	sadd.s32 $0xFFFFFFF7, s1  }
0x303: {  	s1 =	sadd.s32 $0x200, s1;
	v9 =	vld.idx.msk [tilespmem:v7+s28+$0x0], $0xffff;
	v15 =	vor.u32 s16, v3;
	s16 =	sadd.s32 $0xFFFFFFF8, s11  }
.Ltmp7:
0x304: {  	s17 =	sadd.s32 $0xFFFFFEF1, s1;
	s18 =	sadd.s32 $0xFFFFFFF9, s1;
	v10 =	vld.idx.msk [tilespmem:v6+s28+$0x0], $0xffff;
	v14 =	vor.u32 s16, v3;
	(pc) =	sbr.rel @p0 .LBB2_12-.Ltmp7, $4  }
0x305: {  	v17 =	vor.u32 s10, v3;
	s19 =	sadd.s32 $0xFFFFFFFA, s1;
	s20 =	sadd.s32 $0xFFFFFFFB, s1;
	s21 =	sadd.s32 $0xFFFFFFFC, s1;
	v6 =	vor.u32 s17, v3;
	v11 =	vld.idx.msk [tilespmem:v11+s28+$0x0], $0xffff  }
0x306: {  	v16 =	vor.u32 s8, v3;
	s10 =	sadd.s32 $0xFFFFFFFD, s1;
	s17 =	sadd.s32 $0xFFFFFFFE, s1;
	s16 =	sadd.s32 $0xFFFFFFFF, s1;
	v12 =	vld.idx.msk [tilespmem:v5+s28+$0x0], $0xffff  }
0x307: {  	v18 =	vor.u32 s9, v3;
	s22 =	sadd.s32 $0xFFFFFEF2, s1;
	s8 =	smov.u32 s19;
	v5 =	vor.u32 s10, v3;
	s10 =	smov.u32 s18;
	v13 =	vld.idx.msk [tilespmem:v13+s28+$0x0], $0xffff  }
0x308: {  	v19 =	vor.u32 s3, v3;
	v7 =	vor.u32 s22, v3;
	s9 =	smov.u32 s20;
	s3 =	smov.u32 s21;
	v15 =	vld.idx.msk [tilespmem:v15+s28+$0x0], $0xffff  }
0x309: {  	_ =	sdelay $0x2  }
0x30a: {  	v8 =	vadd.s32 v8, v9  }
0x30b: {  	v56 =	vld.idx.msk [tilespmem:v14+s28+$0x0], $0xffff;
	v8 =	vadd.s32 v10, v8  }
0x30c: {  	v57 =	vld.idx.msk [tilespmem:v17+s28+$0x0], $0xffff;
	v58 =	vor.u32 s13, v3;
	v8 =	vadd.s32 v11, v8  }
0x30d: {  	v59 =	vld.idx.msk [tilespmem:v16+s28+$0x0], $0xffff;
	v60 =	vor.u32 s12, v3;
	v8 =	vadd.s32 v12, v8  }
0x30e: {  	v61 =	vld.idx.msk [tilespmem:v18+s28+$0x0], $0xffff;
	v62 =	vor.u32 s11, v3;
	v8 =	vadd.s32 v13, v8  }
0x30f: {  	v63 =	vld.idx.msk [tilespmem:v19+s28+$0x0], $0xffff;
	v8 =	vadd.s32 v15, v8  }
0x310: {  	v4 =	vld.idx.msk [tilespmem:v4+s28+$0x0], $0xffff;
	v8 =	vadd.s32 v56, v8  }
0x311: {  	v15 =	vld.idx.msk [tilespmem:v58+s28+$0x0], $0xffff;
	v8 =	vadd.s32 v57, v8  }
0x312: {  	v18 =	vld.idx.msk [tilespmem:v60+s28+$0x0], $0xffff;
	v8 =	vadd.s32 v59, v8  }
0x313: {  	v19 =	vld.idx.msk [tilespmem:v62+s28+$0x0], $0xffff;
	v8 =	vadd.s32 v61, v8  }
0x314: {  	v8 =	vadd.s32 v63, v8  }
0x315: {  	v4 =	vadd.s32 v4, v8  }
0x316: {  	s18 =	sadd.s32 $0xFFFFFEF3, s1;
	v4 =	vadd.s32 v15, v4  }
0x317: {  	s19 =	sadd.s32 $0xFFFFFEF4, s1;
	v20 =	vor.u32 s18, v3;
	v4 =	vadd.s32 v18, v4  }
0x318: {  	s20 =	sadd.s32 $0xFFFFFEF5, s1;
	v21 =	vor.u32 s19, v3;
	v4 =	vadd.s32 v19, v4  }
0x319: {  	s21 =	sadd.s32 $0xFFFFFEF6, s1;
	[tilespmem:s14+$0x0] =	vst v4;
	v4 =	vor.u32 s20, v3  }
0x31a: {  	s22 =	sadd.s32 $0xFFFFFEF7, s1;
	v22 =	vor.u32 s21, v3;
	v7 =	vld.idx.msk [tilespmem:v7+s28+$0x0], $0xffff  }
0x31b: {  	s12 =	sadd.s32 $0xFFFFFEF8, s1;
	v23 =	vor.u32 s22, v3;
	v6 =	vld.idx.msk [tilespmem:v6+s28+$0x0], $0xffff  }
0x31c: {  	s13 =	sadd.s32 $0xFFFFFEF9, s1;
	v24 =	vor.u32 s12, v3;
	v8 =	vld.idx.msk [tilespmem:v20+s28+$0x0], $0xffff  }
0x31d: {  	v25 =	vor.u32 s13, v3;
	s14 =	sadd.s32 $0xFFFFFEFA, s1;
	v9 =	vld.idx.msk [tilespmem:v21+s28+$0x0], $0xffff  }
0x31e: {  	s15 =	sadd.s32 $0xFFFFFEFB, s1;
	v26 =	vor.u32 s14, v3;
	v4 =	vld.idx.msk [tilespmem:v4+s28+$0x0], $0xffff  }
0x31f: {  	v27 =	vor.u32 s15, v3;
	s18 =	sadd.s32 $0xFFFFFEFC, s1;
	v10 =	vld.idx.msk [tilespmem:v22+s28+$0x0], $0xffff  }
0x320: {  	s19 =	sadd.s32 $0xFFFFFEFD, s1;
	v28 =	vor.u32 s18, v3;
	v11 =	vld.idx.msk [tilespmem:v23+s28+$0x0], $0xffff;
	v6 =	vadd.s32 v6, v7  }
0x321: {  	v30 =	vor.u32 s19, v3;
	s20 =	sadd.s32 $0xFFFFFEFE, s1;
	v29 =	vld.idx.msk [tilespmem:v24+s28+$0x0], $0xffff;
	v6 =	vadd.s32 v8, v6  }
0x322: {  	s21 =	sadd.s32 $0xFFFFFEFF, s1;
	v31 =	vld.idx.msk [tilespmem:v25+s28+$0x0], $0xffff;
	v32 =	vor.u32 s20, v3;
	v6 =	vadd.s32 v9, v6  }
0x323: {  	s22 =	sadd.s32 $0xFFFFFF00, s1;
	v34 =	vor.u32 s21, v3;
	v33 =	vld.idx.msk [tilespmem:v26+s28+$0x0], $0xffff;
	v4 =	vadd.s32 v4, v6  }
0x324: {  	v36 =	vor.u32 s22, v3;
	v35 =	vld.idx.msk [tilespmem:v27+s28+$0x0], $0xffff;
	v4 =	vadd.s32 v10, v4  }
0x325: {  	v37 =	vld.idx.msk [tilespmem:v28+s28+$0x0], $0xffff;
	v4 =	vadd.s32 v11, v4  }
0x326: {  	v38 =	vld.idx.msk [tilespmem:v30+s28+$0x0], $0xffff;
	v4 =	vadd.s32 v29, v4  }
0x327: {  	v39 =	vld.idx.msk [tilespmem:v32+s28+$0x0], $0xffff;
	v4 =	vadd.s32 v31, v4  }
0x328: {  	v40 =	vld.idx.msk [tilespmem:v34+s28+$0x0], $0xffff;
	v4 =	vadd.s32 v33, v4  }
0x329: {  	v41 =	vld.idx.msk [tilespmem:v36+s28+$0x0], $0xffff;
	v4 =	vadd.s32 v35, v4  }
0x32a: {  	s12 =	sadd.s32 $0xFFFFFFF1, s1;
	v4 =	vadd.s32 v37, v4  }
0x32b: {  	s13 =	sadd.s32 $0xFFFFFFF2, s1;
	v42 =	vor.u32 s12, v3;
	v4 =	vadd.s32 v38, v4  }
0x32c: {  	v43 =	vor.u32 s13, v3;
	s14 =	sadd.s32 $0xFFFFFFF3, s1;
	v4 =	vadd.s32 v39, v4  }
0x32d: {  	s15 =	sadd.s32 $0xFFFFFFF4, s1;
	v44 =	vor.u32 s14, v3;
	v4 =	vadd.s32 v40, v4  }
0x32e: {  	s0 =	sadd.s32 $0x20, s0;
	v45 =	vor.u32 s15, v3;
	s18 =	sadd.s32 $0xFFFFFFF5, s1;
	v4 =	vadd.s32 v41, v4  }
0x32f: {  	s19 =	sadd.s32 $0xFFFFFFF6, s1;
	[tilespmem:s0+$0xFFFFFFF0] =	vst v4;
	v4 =	vor.u32 s18, v3  }
0x330: {  	v46 =	vor.u32 s19, v3;
	s20 =	sadd.s32 $0xFFFFFFF7, s1;
	v6 =	vld.idx.msk [tilespmem:v42+s28+$0x0], $0xffff  }
0x331: {  	s21 =	sadd.s32 $0xFFFFFFF8, s1;
	v47 =	vor.u32 s20, v3;
	v7 =	vld.idx.msk [tilespmem:v43+s28+$0x0], $0xffff  }
0x332: {  	v48 =	vor.u32 s21, v3;
	v8 =	vld.idx.msk [tilespmem:v44+s28+$0x0], $0xffff  }
0x333: {  	v49 =	vor.u32 s10, v3;
	v9 =	vld.idx.msk [tilespmem:v45+s28+$0x0], $0xffff  }
0x334: {  	v50 =	vor.u32 s8, v3;
	v4 =	vld.idx.msk [tilespmem:v4+s28+$0x0], $0xffff  }
0x335: {  	v51 =	vor.u32 s9, v3;
	v10 =	vld.idx.msk [tilespmem:v46+s28+$0x0], $0xffff  }
0x336: {  	v52 =	vor.u32 s3, v3;
	v11 =	vld.idx.msk [tilespmem:v47+s28+$0x0], $0xffff;
	v6 =	vadd.s32 v6, v7  }
0x337: {  	v53 =	vld.idx.msk [tilespmem:v48+s28+$0x0], $0xffff;
	v6 =	vadd.s32 v8, v6  }
0x338: {  	v55 =	vor.u32 s17, v3;
	v54 =	vld.idx.msk [tilespmem:v49+s28+$0x0], $0xffff;
	v6 =	vadd.s32 v9, v6  }
0x339: {  	v57 =	vor.u32 s16, v3;
	v56 =	vld.idx.msk [tilespmem:v50+s28+$0x0], $0xffff;
	v4 =	vadd.s32 v4, v6  }
0x33a: {  	v59 =	vor.u32 s1, v3;
	v58 =	vld.idx.msk [tilespmem:v51+s28+$0x0], $0xffff;
	v4 =	vadd.s32 v10, v4  }
0x33b: {  	v60 =	vld.idx.msk [tilespmem:v52+s28+$0x0], $0xffff;
	v4 =	vadd.s32 v11, v4  }
0x33c: {  	v5 =	vld.idx.msk [tilespmem:v5+s28+$0x0], $0xffff;
	v4 =	vadd.s32 v53, v4  }
0x33d: {  	v61 =	vld.idx.msk [tilespmem:v55+s28+$0x0], $0xffff;
	v4 =	vadd.s32 v54, v4  }
0x33e: {  	v62 =	vld.idx.msk [tilespmem:v57+s28+$0x0], $0xffff;
	v4 =	vadd.s32 v56, v4  }
0x33f: {  	v63 =	vld.idx.msk [tilespmem:v59+s28+$0x0], $0xffff;
	v4 =	vadd.s32 v58, v4  }
0x340: {  	v4 =	vadd.s32 v60, v4  }
0x341: {  	v4 =	vadd.s32 v5, v4  }
0x342: {  	v4 =	vadd.s32 v61, v4  }
0x343: {  	s31 =	sadd.s32 $0x1, s31;
	v4 =	vadd.s32 v62, v4  }
0x344: {  	p0 =	sne.s32 s31, s25;
	v4 =	vadd.s32 v63, v4  }
.Ltmp8:
0x345: {  	s22 =	simm.s32 $0x0;
	[tilespmem:s0+$0x0] =	vst v4;
	(pc) =	sbr.rel @p0 .LBB2_1-.Ltmp8, $4  }
0x346: {  	[hbm4b:s24+s22] =	stream.linear.scatter [tilespmem:s22], [sflag:$0x3], $0x1920, $0x38;
	[tilespmem:$0x1FD00] =	vst v63  }
0x347: {  	_ =	swait.ge [sflag:s30], $0x1920  }
0x348: {  	[sflag:s30] =	ssyncset.done $0x0  }
0x349: {  	[sflag:s30] =	ssyncadd.s32 $0xFFFFE6E0  }
0x34a: {  	_ =	sfence.sel $0x180000  }
0x34b: {  	[bflag:$0x0] =	sbarrier.arrive $0xFFFF  }
0x34c: {  	_ =	strace $0x9000004A  }
0x34d: {  	s0 =	stileid.u32;
	[bflag:$0x2] =	sbarrier.arrive $0xFFFF  }
0x34e: {  	p0 =	sne.s32 s0, $0x0;
	s0 =	rddreg [dreg:$0x1]  }
0x34f: {  	s0 =	sadd.s32 @!p0 $0x100000, s0  }
0x350: {  	[sflag:s0] =	ssyncadd.tile.s32 @!p0 $0x1;
	_ =	shalt  }
.Lfunc_end2:
_tile_overlayer_lowered:
.L_overlay_start_2:
0x351: {  	(tag) =	ssettag $0x2  }
0x352: {  	s0 =	rddreg [dreg:$0x0];
	s2 =	stileid.u32  }
0x353: {  	s1 =	rddreg [dreg:$0x1];
	p0 =	sne.s32 s2, $0x0  }
0x354: {  	s3 =	rddreg [dreg:$0x2];
	[bflag:$0x3] =	sbarrier.arrive $0xFFFF;
	s2 =	simm.s32 @!p0 $0x1C03  }
0x355: {  	[timem:s3], [sflag:s2] =	dma.local @!p0 [hbm:s0], s1  }
0x356: {  	s0 =	simm.s32 @!p0 $0x3  }
0x357: {  	_ =	swait.ge @!p0 [sflag:s0], s1  }
0x358: {  	s1 =	ssub.s32 @!p0 $0x0, s1;
	[sflag:s0] =	ssyncset.done @!p0 $0x0  }
0x359: {  	[sflag:s0] =	ssyncadd.s32 @!p0 s1  }
0x35a: {  	[bflag:$0x3] =	sbarrier.arrive $0xFFFF  }
0x35b: {  	_ =	shalt  }

// kernel: sparse-core-data-format-call.cloned.1.call-start
scs
called_computation_lowered:
.L_overlay_start_0:
0x0: {  	s1 =	sld [smem:$0x3FD9]  }
0x1: {  	s2 =	sld [smem:$0x3FFE];
	_ =	sdelay $0x1  }
0x2: {  	s3 =	srdreg.scid  }
0x3: {  	s0 =	sand.u32 $0x1, s3  }
0x4: {  	s17 =	sshll.u32 s0, $0xA;
	s1 =	sadd.s32 s2, s1  }
0x5: {  	s1 =	sadd.s32 s1, s17  }
0x6: {  	[smem:$0x3FC6] =	sst s1  }
0x7: {  	_ = 	snop  }
0x8: {  	(tm) =	ssettm $0x1  }
0x9: {  	s18 =	sld [smem:$0x3FFB];
	_ =	sdelay $0x3  }
0xa: {  	_ =	strace s18  }
0xb: {  	s1 =	sld [smem:$0x3FFC];
	_ =	sdelay $0x3  }
0xc: {  	_ =	strace s1  }
0xd: {  	s1 =	sld [smem:$0x3FFD];
	_ =	sdelay $0x3  }
0xe: {  	_ =	strace s1  }
0xf: {  	_ =	strace $0x8FFFFFFF  }
0x10: {  	s19 =	sld [smem:$0x3FDB];
	_ =	sdelay $0x1  }
0x11: {  	s20 =	simm.s32 $_scs_section_size  }
0x12: {  	s4 =	simm.s32 $_size__tile_overlayer_lowered;
	s5 =	simm.s32 $_tile_overlayer_lowered  }
0x13: {  	s23 =	simm.s32 $0x1BFF;
	s22 =	sshll.u32 s5, $0x1;
	s1 =	sadd.s32 s20, s19  }
0x14: {  	s6 =	simm.s32 $0x0;
	s21 =	sshll.u32 s4, $0x1;
	s4 =	sadd.s32 s22, s1  }
0x15: {  	[timem:s6], [sflag:s23] =	dma.local [hbm:s4], s21  }
0x16: {  	_ =	swait.ge [sflag:s23], s21  }
0x17: {  	s2 =	ssub.s32 $0x0, s21;
	[sflag:s23] =	ssyncset.done $0x0  }
0x18: {  	[sflag:s23] =	ssyncadd.s32 s2;
	_ =	sdelay $0x1  }
0x19: {  	s24 =	simm.s32 $0x1B8B  }
0x1a: {  	_ =	swait.ge [sflag:s24], $0x1  }
0x1b: {  	[sflag:s24] =	ssyncset.done $0x0  }
0x1c: {  	s26 =	simm.s32 $0x1B8E;
	s25 =	sld [smem:$0x3FFE];
	[sflag:s24] =	ssyncadd.s32 $0xFFFFFFFF  }
0x1d: {  	s27 =	simm.s32 $execute0_lowered;
	[smem:$0x3FD2] =	sst s26  }
0x1e: {  	s4 =	sshll.u32 s27, $0x1;
	_ =	strace $0x80000046;
	[dreg:$0x1] =	wrdreg $0xFFFFFFFF  }
0x1f: {  	s28 =	simm.s32 $_size_execute0_lowered;
	s1 =	sadd.s32 s1, s4;
	[dreg:$0x0] =	wrdreg $0x0  }
0x20: {  	s4 =	sshll.u32 s28, $0x1;
	[dreg:$0x2] =	wrdreg s1  }
0x21: {  	[dreg:$0x3] =	wrdreg s4  }
0x22: {  	[dreg:$0x4] =	wrdreg $0xC0  }
0x23: {  	_ =	task [dreg:s6], $0x5FFFF  }
0x24: {  	[dreg:$0x1] =	wrdreg $0xFFFFFFFF  }
0x25: {  	[dreg:$0x0] =	wrdreg $0x60  }
0x26: {  	[dreg:$0x2] =	wrdreg s25  }
0x27: {  	[dreg:$0x3] =	wrdreg $0x9  }
0x28: {  	_ =	task.clear_ibuf [dreg:s6], $0x4FFFF;
	_ =	strace $0x90000046  }
0x29: {  	s29 =	simm.s32 $0x9;
	_ =	strace $0x80000048  }
0x2a: {  	_ =	swait.ge [sflag:s29], $0x1  }
0x2b: {  	[sflag:s29] =	ssyncadd.s32 $0xFFFFFFFF  }
0x2c: {  	_ =	strace $0x90000048  }
0x2d: {  	_ =	sfence  }
0x2e: {  	s30 =	sld [smem:$0x0];
	_ =	sdelay $0x2  }
0x2f: {  	s31 =	sshll.u32 s3, $0xD;
	s3 =	sshrl.u32 s3, $0x2  }
0x30: {  	s2 =	sand.u32 $0x4000, s31;
	s1 =	sadd.s32 s3, s30  }
0x31: {  	s0 =	sor.u32 s2, s0;
	s1 =	sshll.u32 s1, $0x11  }
0x32: {  	s0 =	sor.u32 s1, s0  }
0x33: {  	s0 =	sadd.s32 $0x8F2B, s0  }
0x34: {  	[sflag:s0] =	ssyncadd.remote.s32 $0x1  }
0x35: {  	_ =	sfence.sel $0xFFFF  }
0x36: {  	[dreg:$0x0] =	wrdreg $0xFFFFFFFF;
	(pc) =	sbr.abs _section_cstart, $3  }
0x37: {  	[dreg:$0x1] =	wrdreg $0xFFFFFFFF  }
0x38: {  	_ =	task.clear_ibuf [dreg:s6], $0x2FFFF;
	_ =	strace $0x9FFFFFFF  }
0x39: {  	(tm) =	ssettm $0x7FFFFFFF  }
tec
execute0_lowered:
.L_overlay_start_1:
0x0: {  	(tag) =	ssettag $0x1  }
0x1: {  	s1 =	rddreg [dreg:$0x0]  }
0x2: {  	s0 =	rddreg [dreg:$0x1]  }
0x3: {  	_ =	strace $0x80000047;
	s4 =	srdreg.scid;
	s6 =	simm.s32 $0x2  }
0x4: {  	s14 =	simm.s32 $0x0;
	p0 =	por $0x0, $0x0;
	s16 =	simm.s32 $0x0  }
0x5: {  	s15 =	simm.s32 $0x0;
	s7 =	simm.s32 $0x0;
	s9 =	simm.s32 $0x0  }
.Ltmp0:
0x6: {  	s10 =	simm.s32 $0x0;
	s11 =	simm.s32 $0x0;
	(pc) =	sbr.rel .LBB1_1-.Ltmp0, $4  }
0x7: {  	s13 =	stileid.u32;
	s8 =	simm.s32 $0x0;
	s2 =	sadd.s32 $0xC00, s1  }
0x8: {  	s3 =	sadd.s32 $0x200C00, s1;
	s5 =	sshll.u32 s4, $0x7;
	s4 =	simm.s32 $0x1  }
0x9: {  	s1 =	stileid.u32;
	s5 =	sand.u32 $0x80, s5;
	[sflag:s4] =	ssyncpa.u1 $0x0  }
0xa: {  	[sflag:s6] =	ssyncpa.u1 $0x0;
	s6 =	simm.s32 $0x10000;
	s12 =	smov.u32 s5  }
.LBB1_5:
0xb: {  	p1 =	slt.u32 s8, $0x2  }
0xc: {  	s17 =	smov.u32 s16;
	p2 =	sgt.s32 @!p1 s16, $0x7A  }
0xd: {  	s18 =	sshra.s32 @!p1 s16, $0x1F;
	s19 =	sshra.s32 @!p1 s15, $0x1F;
	p2 =	por !p2, p1  }
0xe: {  	s16 =	sand.u32 @!p1 s18, s16;
	s17 =	simm.s32 @p2 $0x7A;
	p2 =	sgt.s32 @!p1 s15, $0xF  }
0xf: {  	s18 =	smov.u32 s15;
	p2 =	por !p2, p1;
	s16 =	ssub.s32 @!p1 s17, s16  }
0x10: {  	s15 =	sand.u32 @!p1 s19, s15;
	s18 =	simm.s32 @p2 $0xF;
	s17 =	sadd.s32 @!p1 $0xFFFFFF86, s16  }
0x11: {  	p2 =	sgt.s32 @!p1 s14, $0xF80;
	s15 =	ssub.s32 @!p1 s18, s15;
	p3 =	sgt.s32 @!p1 s17, $0x7F  }
0x12: {  	p2 =	por !p2, p1;
	s18 =	smov.u32 s14;
	s17 =	sadd.s32 @!p1 $0xFFFFFFF1, s15  }
0x13: {  	s18 =	simm.s32 @p2 $0xF80;
	p2 =	sgt.s32 @!p1 s17, $0x0;
	s17 =	sshra.s32 @!p1 s14, $0x1F  }
0x14: {  	s16 =	ssub.s32 @!p1 $0xFA, s16;
	p3 =	por !p3, p1;
	s14 =	sand.u32 @!p1 s17, s14  }
0x15: {  	s15 =	ssub.s32 @!p1 $0x10, s15;
	p2 =	por !p2, p1;
	s14 =	ssub.s32 @!p1 s18, s14  }
0x16: {  	s16 =	simm.s32 @!p3 $0x0;
	s15 =	simm.s32 @!p2 $0x0;
	s17 =	sadd.s32 @!p1 $0xFFFFF080, s14  }
0x17: {  	s18 =	smov.u32 s12;
	s15 =	smul.u32 @!p1 s15, s16;
	p2 =	sgt.s32 @!p1 s17, $0x7F  }
0x18: {  	s14 =	ssub.s32 @!p1 $0x1000, s14;
	s17 =	sadd.s32 $0x80, s11;
	p2 =	por !p2, p1  }
0x19: {  	s16 =	sadd.s32 $0x100, s12;
	s14 =	simm.s32 @!p2 $0x0;
	p2 =	sgt.s32 s17, $0xF9F  }
0x1a: {  	s19 =	smov.u32 s13;
	s18 =	smov.u32 @p2 s16  }
0x1b: {  	s14 =	smul.u32 @!p1 s14, s15;
	s15 =	sadd.s32 $0x10, s13;
	p3 =	sgt.s32 s18, $0xF9  }
0x1c: {  	s8 =	sadd.s32 $0x1, s8;
	p0 =	por !p0, !p0;
	s19 =	smov.u32 @p3 s15  }
0x1d: {  	s20 =	simm.s32 @!p1 $0x2;
	s17 =	simm.s32 @p2 $0x0;
	p2 =	sgt.s32 s19, $0xF  }
0x1e: {  	s16 =	smov.u32 s9;
	s19 =	smov.u32 @p2 s1;
	p2 =	sne.s32 s8, $0x22  }
.Ltmp1:
0x1f: {  	s9 =	smov.u32 s12;
	s14 =	sand.u32 @!p1 $0x3FFFFFFF, s14;
	(pc) =	sbr.rel @!p2 .LBB1_6-.Ltmp1, $4  }
0x20: {  	s18 =	smov.u32 @p3 s5;
	s15 =	smov.u32 s10;
	s10 =	smov.u32 s13  }
0x21: {  	_ =	swait.ge @!p1 [sflag:s20], s14;
	s21 =	ssub.s32 @!p1 $0x0, s14;
	s14 =	smov.u32 s7  }
0x22: {  	s7 =	smov.u32 s11;
	s11 =	smov.u32 s17;
	[sflag:s20] =	ssyncset.done @!p1 $0x0  }
0x23: {  	s12 =	smov.u32 s18;
	[sflag:s20] =	ssyncadd.s32 @!p1 s21;
	s13 =	smov.u32 s19  }
.LBB1_1:
0x24: {  	p1 =	sgt.u32 s8, $0x1F  }
0x25: {  	s17 =	sxor.u32 @!p1 $0xFFFFFFFF, s8;
	s18 =	sand.u32 @!p1 $0x78, s11;
	s19 =	sshll.u32 @!p1 s12, $0xC  }
0x26: {  	s20 =	sshll.u32 @!p1 s12, $0x7;
	s21 =	sshll.u32 @!p1 s11, $0x3;
	s17 =	sshll.u32 @!p1 s17, $0xE  }
0x27: {  	s19 =	sand.u32 @!p1 $0xF8000, s19;
	s20 =	sand.u32 @!p1 $0x380, s20;
	s17 =	sand.u32 @!p1 $0x4000, s17  }
0x28: {  	s19 =	sadd.s32 @!p1 s19, s21;
	s21 =	sand.u32 @!p1 $0xC00, s21;
	s18 =	sor.u32 @!p1 s20, s18  }
0x29: {  	s20 =	sshll.u32 @!p1 s13, $0x11;
	s18 =	sor.u32 @!p1 s21, s18;
	s19 =	sshrl.u32 @!p1 s19, $0x3  }
0x2a: {  	s20 =	sadd.s32 @!p1 s2, s20;
	s21 =	sand.u32 @!p1 $0x7, s11;
	s19 =	sand.u32 @!p1 $0x1FE00, s19  }
0x2b: {  	s18 =	sshrl.u32 @!p1 s18, $0x3;
	s19 =	sadd.s32 @!p1 s19, s20;
	s20 =	sshll.u32 @!p1 s21, $0x12  }
0x2c: {  	s18 =	sadd.s32 @!p1 s18, s19;
	s19 =	sor.u32 @!p1 $0x400, s20;
	s20 =	simm.s32 @!p1 $0x8000  }
0x2d: {  	[tilespmem:s17], [sflag:$0x1] =	stream.strided.gather @!p1 [hbm4b:s18+s19], $0x4000, s20, s19, $0x38;
	[tilespmem:$0x10000] =	vst v63  }
0x2e: {  	p1 =	seq.s32 s8, $0x0  }
0x2f: {  	p2 =	seq.s32 @!p1 s8, $0x21  }
0x30: {  	p1 =	por p1, p2  }
.Ltmp2:
0x31: {  	_ = 	snop;
	(pc) =	sbr.rel @p1 .LBB1_5-.Ltmp2, $1  }
0x32: {  	_ =	sdelay $0x3  }
0x33: {  	s17 =	simm.s32 $0x1  }
0x34: {  	s17 =	simm.s32 @!p0 $0x0  }
0x35: {  	s17 =	sshll.u32 s17, $0xE  }
0x36: {  	s18 =	sor.u32 $0x40, s17  }
0x37: {  	v1 =	vmov s18;
	_ =	sdelay $0x1  }
0x38: {  	_ =	swait.ge [sflag:s4], $0x4000  }
0x39: {  	[sflag:s4] =	ssyncset.done $0x0  }
0x3a: {  	s19 =	simm.s32 $0x0;
	[sflag:s4] =	ssyncadd.s32 $0xFFFFC000  }
0x3b: {  	s17 =	sor.u32 $0x8070, s17;
	v4 =	vld.idx.msk [tilespmem:v1+s19+$0x30 ss:$0x1], $0xffff  }
0x3c: {  	v0 =	vmov s17;
	v8 =	vld.idx.msk [tilespmem:v1+s19+$0xFFFFFFC0 ss:$0x1], $0xffff  }
0x3d: {  	v7 =	vld.idx.msk [tilespmem:v1+s19+$0xFFFFFFD0 ss:$0x1], $0xffff  }
0x3e: {  	v6 =	vld.idx.msk [tilespmem:v1+s19+$0xFFFFFFE0 ss:$0x1], $0xffff  }
0x3f: {  	v5 =	vld.idx.msk [tilespmem:v1+s19+$0xFFFFFFF0 ss:$0x1], $0xffff  }
0x40: {  	s31 =	sshll.u32 s8, $0xE;
	v3 =	vld.idx.msk [tilespmem:v1+s19+$0x0 ss:$0x1], $0xffff  }
0x41: {  	s17 =	sand.u32 $0x4000, s31;
	v2 =	vld.idx.msk [tilespmem:v1+s19+$0x10 ss:$0x1], $0xffff;
	[tilespmem:v0+s19+$0x0 ss:$0x1] =	vst.idx.msk $0xffff, v4  }
0x42: {  	s20 =	simm.s32 $0x400;
	s18 =	simm.s32 $0x80;
	s17 =	sor.u32 $0x8000, s17;
	[tilespmem:v0+s19+$0xFFFFFF90 ss:$0x1] =	vst.idx.msk $0xffff, v8;
	v4 =	vld.idx.msk [tilespmem:v1+s19+$0x20 ss:$0x1], $0xffff  }
.LBB1_3:
0x43: {  	p1 =	sne.s32 s20, $0xFE00;
	v8 =	vld.idx.msk [tilespmem:v1+s18+$0x30 ss:$0x1], $0xffff;
	[tilespmem:v0+s19+$0xFFFFFFA0 ss:$0x1] =	vst.idx.msk $0xffff, v7  }
0x44: {  	v9 =	vld.idx.msk [tilespmem:v1+s18+$0xFFFFFFC0 ss:$0x1], $0xffff;
	[tilespmem:v0+s19+$0xFFFFFFB0 ss:$0x1] =	vst.idx.msk $0xffff, v6  }
0x45: {  	v7 =	vld.idx.msk [tilespmem:v1+s18+$0xFFFFFFD0 ss:$0x1], $0xffff;
	[tilespmem:v0+s19+$0xFFFFFFC0 ss:$0x1] =	vst.idx.msk $0xffff, v5  }
.Ltmp3:
0x46: {  	v6 =	vld.idx.msk [tilespmem:v1+s18+$0xFFFFFFE0 ss:$0x1], $0xffff;
	[tilespmem:v0+s19+$0xFFFFFFD0 ss:$0x1] =	vst.idx.msk $0xffff, v3;
	(pc) =	sbr.rel @p1 .LBB1_3-.Ltmp3, $4  }
0x47: {  	v5 =	vld.idx.msk [tilespmem:v1+s18+$0xFFFFFFF0 ss:$0x1], $0xffff;
	[tilespmem:v0+s19+$0xFFFFFFE0 ss:$0x1] =	vst.idx.msk $0xffff, v2  }
0x48: {  	v3 =	vld.idx.msk [tilespmem:v1+s18+$0x0 ss:$0x1], $0xffff;
	[tilespmem:v0+s19+$0xFFFFFFF0 ss:$0x1] =	vst.idx.msk $0xffff, v4;
	s19 =	smov.u32 s18  }
0x49: {  	v2 =	vld.idx.msk [tilespmem:v1+s19+$0x10 ss:$0x1], $0xffff;
	[tilespmem:v0+s19+$0x0 ss:$0x1] =	vst.idx.msk $0xffff, v8  }
0x4a: {  	s18 =	sshra.s32 s20, $0x2;
	s20 =	sadd.s32 $0x200, s20;
	[tilespmem:v0+s19+$0xFFFFFF90 ss:$0x1] =	vst.idx.msk $0xffff, v9;
	v4 =	vld.idx.msk [tilespmem:v1+s19+$0x20 ss:$0x1], $0xffff  }
0x4b: {  	s20 =	sand.u32 $0x78, s7;
	s21 =	sshll.u32 s10, $0x7;
	p1 =	sgt.s32 s9, $0x7A  }
0x4c: {  	s22 =	smov.u32 s9;
	s23 =	sshra.s32 s9, $0x1F;
	s28 =	sshra.s32 s10, $0x1F  }
0x4d: {  	s29 =	sshra.s32 s7, $0x1F;
	s30 =	sshll.u32 s10, $0xC;
	s31 =	sshll.u32 s7, $0x3  }
0x4e: {  	s21 =	sand.u32 $0x380, s21;
	s22 =	simm.s32 @!p1 $0x7A;
	s27 =	sand.u32 s23, s9  }
0x4f: {  	[tilespmem:v0+s19+$0xFFFFFFA0 ss:$0x1] =	vst.idx.msk $0xffff, v7;
	p1 =	sgt.s32 s10, $0xF;
	s23 =	sand.u32 s28, s10;
	s26 =	sand.u32 $0xC00, s31  }
0x50: {  	v56 =	vld.idx.msk [tilespmem:v1+s18+$0x30 ss:$0x1], $0xffff;
	[tilespmem:v0+s19+$0xFFFFFFB0 ss:$0x1] =	vst.idx.msk $0xffff, v6;
	s28 =	sand.u32 $0x7, s7;
	s20 =	sor.u32 s21, s20;
	s21 =	ssub.s32 s22, s27  }
0x51: {  	v57 =	vld.idx.msk [tilespmem:v1+s18+$0xFFFFFFC0 ss:$0x1], $0xffff;
	[tilespmem:v0+s19+$0xFFFFFFC0 ss:$0x1] =	vst.idx.msk $0xffff, v5;
	s22 =	smov.u32 s10;
	s27 =	sshll.u32 s9, $0xD;
	s24 =	sadd.s32 $0xFFFFFF86, s21  }
0x52: {  	v58 =	vld.idx.msk [tilespmem:v1+s18+$0xFFFFFFD0 ss:$0x1], $0xffff;
	[tilespmem:v0+s19+$0xFFFFFFD0 ss:$0x1] =	vst.idx.msk $0xffff, v3;
	s22 =	simm.s32 @!p1 $0xF;
	s21 =	ssub.s32 $0xFA, s21;
	s20 =	sor.u32 s26, s20  }
0x53: {  	v59 =	vld.idx.msk [tilespmem:v1+s18+$0xFFFFFFE0 ss:$0x1], $0xffff;
	[tilespmem:v0+s19+$0xFFFFFFE0 ss:$0x1] =	vst.idx.msk $0xffff, v2;
	p1 =	sgt.s32 s24, $0x7F;
	s22 =	ssub.s32 s22, s23;
	s24 =	smov.u32 s7  }
0x54: {  	v60 =	vld.idx.msk [tilespmem:v1+s18+$0xFFFFFFF0 ss:$0x1], $0xffff;
	[tilespmem:v0+s19+$0xFFFFFFF0 ss:$0x1] =	vst.idx.msk $0xffff, v4;
	s21 =	simm.s32 @p1 $0x0;
	s23 =	sadd.s32 $0xFFFFFFF1, s22;
	p1 =	sgt.s32 s7, $0xF80  }
0x55: {  	v61 =	vld.idx.msk [tilespmem:v1+s18+$0x0 ss:$0x1], $0xffff;
	[tilespmem:v0+s18+$0x0 ss:$0x1] =	vst.idx.msk $0xffff, v56;
	s24 =	simm.s32 @!p1 $0xF80;
	p1 =	sgt.s32 s23, $0x0;
	s23 =	sand.u32 s29, s7  }
0x56: {  	v62 =	vld.idx.msk [tilespmem:v1+s18+$0x10 ss:$0x1], $0xffff;
	s19 =	sand.u32 $0x8000, s30;
	s22 =	ssub.s32 $0x10, s22;
	[tilespmem:v0+s18+$0xFFFFFF90 ss:$0x1] =	vst.idx.msk $0xffff, v57;
	s23 =	ssub.s32 s24, s23  }
0x57: {  	v63 =	vld.idx.msk [tilespmem:v1+s18+$0x20 ss:$0x1], $0xffff;
	[tilespmem:v0+s18+$0xFFFFFFA0 ss:$0x1] =	vst.idx.msk $0xffff, v58;
	s19 =	sadd.s32 s19, s31;
	s22 =	simm.s32 @p1 $0x0;
	s25 =	sadd.s32 $0xFFFFF080, s23  }
0x58: {  	[tilespmem:v0+s18+$0xFFFFFFB0 ss:$0x1] =	vst.idx.msk $0xffff, v59;
	s21 =	smul.u32 s22, s21;
	s23 =	ssub.s32 $0x1000, s23;
	p1 =	sgt.s32 s25, $0x7F  }
.Ltmp4:
0x59: {  	[tilespmem:v0+s18+$0xFFFFFFC0 ss:$0x1] =	vst.idx.msk $0xffff, v60;
	s19 =	sshrl.u32 s19, $0x3;
	s23 =	simm.s32 @p1 $0x0;
	(pc) =	sbr.rel .LBB1_5-.Ltmp4, $4  }
0x5a: {  	[tilespmem:v0+s18+$0xFFFFFFD0 ss:$0x1] =	vst.idx.msk $0xffff, v61;
	s19 =	sand.u32 $0x1E00, s19;
	s22 =	sadd.s32 s3, s27;
	s21 =	smul.u32 s23, s21  }
0x5b: {  	s20 =	sshrl.u32 s20, $0x3;
	[tilespmem:v0+s18+$0xFFFFFFE0 ss:$0x1] =	vst.idx.msk $0xffff, v62;
	s29 =	sshll.u32 s28, $0x12;
	s19 =	sadd.s32 s19, s22  }
0x5c: {  	[tilespmem:v0+s18+$0xFFFFFFF0 ss:$0x1] =	vst.idx.msk $0xffff, v63;
	s31 =	sor.u32 $0x80, s29;
	s19 =	sadd.s32 s20, s19;
	s30 =	sand.u32 $0x3FFFFFFF, s21  }
0x5d: {  	[hbm4b:s19+s31] =	stream.strided.scatter [tilespmem:s17], [sflag:$0x2], s30, s6, s31, $0x38;
	[tilespmem:$0x10000] =	vst v63  }
.LBB1_6:
0x5e: {  	_ =	sfence.sel $0x180000  }
0x5f: {  	s2 =	simm.s32 $0x1;
	[bflag:$0x0] =	sbarrier.arrive $0xFFFF  }
0x60: {  	s31 =	simm.s32 $0x2;
	[sflag:s2] =	ssyncpa.u1 $0x1  }
0x61: {  	[sflag:s31] =	ssyncpa.u1 $0x1  }
0x62: {  	p0 =	sne.s32 s1, $0x0;
	_ =	strace $0x90000047  }
0x63: {  	s0 =	sadd.s32 @!p0 $0x100000, s0;
	[bflag:$0x2] =	sbarrier.arrive $0xFFFF  }
0x64: {  	[sflag:s0] =	ssyncadd.tile.s32 @!p0 $0x1;
	_ =	shalt  }
.Lfunc_end1:
_tile_overlayer_lowered:
.L_overlay_start_2:
0x65: {  	(tag) =	ssettag $0x2  }
0x66: {  	s0 =	rddreg [dreg:$0x0];
	s2 =	stileid.u32  }
0x67: {  	s1 =	rddreg [dreg:$0x1];
	p0 =	sne.s32 s2, $0x0  }
0x68: {  	s3 =	rddreg [dreg:$0x2];
	[bflag:$0x3] =	sbarrier.arrive $0xFFFF;
	s2 =	simm.s32 @!p0 $0x1C01  }
0x69: {  	[timem:s3], [sflag:s2] =	dma.local @!p0 [hbm:s0], s1  }
0x6a: {  	s0 =	simm.s32 @!p0 $0x1  }
0x6b: {  	_ =	swait.ge @!p0 [sflag:s0], s1  }
0x6c: {  	s1 =	ssub.s32 @!p0 $0x0, s1;
	[sflag:s0] =	ssyncset.done @!p0 $0x0  }
0x6d: {  	[sflag:s0] =	ssyncadd.s32 @!p0 s1  }
0x6e: {  	[bflag:$0x3] =	sbarrier.arrive $0xFFFF  }
0x6f: {  	_ =	shalt  }

</sc_bundles>
